<compile_context>
chip_gen: v7x
topology: tpu7x:2x2x1
jax: 0.10.2.dev20260603
libtpu: 0.0.44.dev20260713+nightly
codegen_flags: <defaults>
</compile_context>

<pallas_src>
import dataclasses
import functools

import jax
import jax.numpy as jnp
from jax import lax
from jax.experimental import pallas as pl
from jax.experimental.pallas import tpu as pltpu
from jax.experimental.pallas import tpu_sc as plsc

TEMP = 0.07
NUM_ROWS = 22
NJ = NUM_ROWS - 1
NC, NS = 2, 16
NW = NC * NS
CB = 128
LANES = 16
DCHUNKS = 128 // LANES
RING = 3


def _sc_scores(embeddings, idx_r, batch, dim, n_chunks):
    mesh = plsc.VectorSubcoreMesh(
        core_axis_name="c", subcore_axis_name="s", num_cores=NC, num_subcores=NS
    )
    cp = pltpu.CompilerParams()
    if "needs_layout_passes" in pltpu.CompilerParams.__dataclass_fields__:
        cp = dataclasses.replace(cp, needs_layout_passes=False)

    @functools.partial(
        pl.kernel,
        compiler_params=cp,
        out_type=jax.ShapeDtypeStruct((batch, NJ * LANES), jnp.float32),
        mesh=mesh,
        scratch_types=[
            pltpu.VMEM((NUM_ROWS, CB), jnp.int32),
            pltpu.VMEM((CB, dim), jnp.float32),
            pltpu.VMEM((CB, dim), jnp.float32),
            pltpu.VMEM((CB, dim), jnp.float32),
            pltpu.VMEM((CB, dim), jnp.float32),
            pltpu.VMEM((CB, NJ * LANES), jnp.float32),
            pltpu.SemaphoreType.DMA,
            pltpu.SemaphoreType.DMA,
            pltpu.SemaphoreType.DMA,
            pltpu.SemaphoreType.DMA,
        ],
    )
    def k(emb_hbm, idx_hbm, out_hbm, idx_v, tbuf, nb0, nb1, nb2,
          scores, semt, sem0, sem1, sem2):
        wid = lax.axis_index("s") * NC + lax.axis_index("c")
        nbuf = (nb0, nb1, nb2)
        sem = (sem0, sem1, sem2)

        @pl.loop(0, n_chunks)
        def _(c):
            base = wid * (n_chunks * CB) + c * CB
            pltpu.sync_copy(idx_hbm.at[wid, c], idx_v)
            pltpu.async_copy(emb_hbm.at[idx_v.at[0]], tbuf, semt)
            for j in range(1, 1 + RING):
                s = (j - 1) % RING
                pltpu.async_copy(emb_hbm.at[idx_v.at[j]], nbuf[s], sem[s])
            pltpu.make_async_copy(emb_hbm.at[idx_v.at[0]], tbuf, semt).wait()
            for j in range(1, NUM_ROWS):
                s = (j - 1) % RING
                nb = nbuf[s]
                pltpu.make_async_copy(emb_hbm.at[idx_v.at[j]], nb,
                                      sem[s]).wait()

                @plsc.parallel_loop(0, CB, unroll=2)
                def _(i):
                    acc = (tbuf[i, pl.ds(0, LANES)]
                           * nb[i, pl.ds(0, LANES)])
                    for kk in range(1, DCHUNKS):
                        acc = acc + (tbuf[i, pl.ds(kk * LANES, LANES)]
                                     * nb[i, pl.ds(kk * LANES, LANES)])
                    scores[i, pl.ds((j - 1) * LANES, LANES)] = acc

                if j + RING < NUM_ROWS:
                    pltpu.async_copy(emb_hbm.at[idx_v.at[j + RING]],
                                     nbuf[s], sem[s])

            pltpu.sync_copy(scores, out_hbm.at[pl.ds(base, CB), :])

    return k(embeddings, idx_r)


def _tc_loss(scores, batch):
    bt = 4096
    nblk = batch // bt

    def body(s_ref, out_ref):
        i = pl.program_id(0)
        p = s_ref[...]
        r = lax.broadcasted_iota(jnp.int32, (NJ * LANES, NJ), 0)
        c = lax.broadcasted_iota(jnp.int32, (NJ * LANES, NJ), 1)
        w = (r // LANES == c).astype(jnp.float32)
        s = jnp.dot(p, w, preferred_element_type=jnp.float32) * (1.0 / TEMP)
        m = jnp.max(s, axis=1)
        lse = jnp.log(jnp.sum(jnp.exp(s - m[:, None]), axis=1)) + m
        part = jnp.sum(lse - s[:, 0])

        @pl.when(i == 0)
        def _():
            out_ref[0, 0] = 0.0

        acc = out_ref[0, 0] + part
        out_ref[0, 0] = jnp.where(i == nblk - 1, acc / batch, acc)

    out = pl.pallas_call(
        body,
        grid=(nblk,),
        in_specs=[pl.BlockSpec((bt, NJ * LANES), lambda i: (i, 0))],
        out_specs=pl.BlockSpec(
            (1, 1), lambda i: (0, 0), memory_space=pltpu.SMEM
        ),
        out_shape=jax.ShapeDtypeStruct((1, 1), jnp.float32),
    )(scores)
    return out[0, 0]


def kernel(embeddings, targets, contexts, negatives):
    batch, num_neg = negatives.shape
    dim = embeddings.shape[1]
    n_chunks = batch // (NW * CB)
    idx_all = jnp.concatenate(
        [targets[None, :], contexts[None, :], negatives.T], axis=0
    ).astype(jnp.int32)
    idx_r = (
        idx_all.reshape(NUM_ROWS, NW, n_chunks, CB).transpose(1, 2, 0, 3)
    )
    scores = _sc_scores(embeddings, idx_r, batch, dim, n_chunks)
    return _tc_loss(scores, batch)

# --- scband reference (transcript-rebuilt; emitter-appended) ---
"""Pipeline reference for scband-info-nceloss-61735859912993 (READ-ONLY COPY).

The authoritative reference and input builder live on the scoring server;
editing this copy changes nothing except your own understanding.
"""

import jax, jax.numpy as jnp
import numpy as np

TEMPERATURE = 0.07
NUM_NODES = 100000
DIM = 128
BATCH = 16384
NUM_NEG = 20


def setup_inputs(seed: int = 0) -> dict:
    key = jax.random.key(seed)
    k1, k2, k3, k4 = jax.random.split(key, 4)
    embeddings = jax.random.normal(k1, (NUM_NODES, DIM), dtype=jnp.float32)
    targets = jax.random.randint(k2, (BATCH,), 0, NUM_NODES, dtype=jnp.int64 if jax.config.jax_enable_x64 else jnp.int32)
    contexts = jax.random.randint(k3, (BATCH,), 0, NUM_NODES, dtype=jnp.int64 if jax.config.jax_enable_x64 else jnp.int32)
    negatives = jax.random.randint(k4, (BATCH, NUM_NEG), 0, NUM_NODES, dtype=jnp.int64 if jax.config.jax_enable_x64 else jnp.int32)
    return {"embeddings": embeddings, "targets": targets, "contexts": contexts, "negatives": negatives}


def reference(embeddings, targets, contexts, negatives):
    # Gather embeddings (memory-bound gathers from large table)
    target_emb = jnp.take(embeddings, targets, axis=0)          # [B, D]
    context_emb = jnp.take(embeddings, contexts, axis=0)        # [B, D]
    negative_emb = jnp.take(embeddings, negatives, axis=0)      # [B, N, D]

    pos_scores = jnp.sum(target_emb * context_emb, axis=1, keepdims=True) / TEMPERATURE  # [B, 1]
    neg_scores = jnp.einsum('bnd,bd->bn', negative_emb, target_emb) / TEMPERATURE        # [B, N]

    logits = jnp.concatenate([pos_scores, neg_scores], axis=1)  # [B, 1+N]
    # Cross entropy with labels == 0 (positive in slot 0)
    logz = jax.scipy.special.logsumexp(logits, axis=1)
    loss = jnp.mean(logz - logits[:, 0])
    return loss

if __name__ == "__main__":
    import jax
    _d = setup_inputs()
    print(jax.jit(kernel)(*tuple(_d.values())))

</pallas_src>

<mosaic_0001>
#map = affine_map<(d0, d1) -> (0, 0)>
#map1 = affine_map<(d0, d1) -> (0, 0, 0, 0)>
module attributes {stable_mosaic.version = 14 : i64} {
  func.func @k(%arg0: i32, %arg1: i32, %arg2: memref<100000x128xf32, #tpu.memory_space<hbm>>, %arg3: memref<32x4x22x128xi32, #tpu.memory_space<hbm>>, %arg4: memref<16384x336xf32, #tpu.memory_space<hbm>>, %arg5: memref<22x128xi32, #tpu.memory_space<vmem>>, %arg6: memref<128x128xf32, #tpu.memory_space<vmem>>, %arg7: memref<128x128xf32, #tpu.memory_space<vmem>>, %arg8: memref<128x128xf32, #tpu.memory_space<vmem>>, %arg9: memref<128x128xf32, #tpu.memory_space<vmem>>, %arg10: memref<128x336xf32, #tpu.memory_space<vmem>>, %arg11: memref<!tpu.dma_semaphore, #tpu.memory_space<semaphore_mem>>, %arg12: memref<!tpu.dma_semaphore, #tpu.memory_space<semaphore_mem>>, %arg13: memref<!tpu.dma_semaphore, #tpu.memory_space<semaphore_mem>>, %arg14: memref<!tpu.dma_semaphore, #tpu.memory_space<semaphore_mem>>) attributes {dimension_semantics = [#tpu.dimension_semantics<core_parallel>, #tpu.dimension_semantics<subcore_parallel>], iteration_bounds = array<i64: 2, 16>, scalar_prefetch = 0 : i64, scratch_operands = 10 : i64, tpu.core_type = #tpu.core_type<sc_vector_subcore>, window_params = [{transform_indices = #map}, {transform_indices = #map1}, {transform_indices = #map}]} {
    %mul3A = arith.constant 2 : i32
    %mul3A_0 = arith.muli %arg1, %mul3A : i32
    %add3A = arith.addi %mul3A_0, %arg0 : i32
    %scan3A = arith.constant 0 : i32
    %scan3A_1 = arith.constant 4 : i32
    %scan3A_2 = arith.addi %scan3A, %scan3A_1 : i32
    %scan3A_3 = arith.constant 1 : i32
    scf.for %scan3A_5 = %scan3A to %scan3A_2 step %scan3A_3  : i32 {
      %mul3A_6 = arith.constant 1 : i32
      %mul3A_7 = arith.muli %scan3A_5, %mul3A_6 : i32
      %add3A_8 = arith.constant 0 : i32
      %add3A_9 = arith.addi %add3A_8, %mul3A_7 : i32
      %mul3A_10 = arith.constant 512 : i32
      %mul3A_11 = arith.muli %add3A, %mul3A_10 : i32
      %mul3A_12 = arith.constant 128 : i32
      %mul3A_13 = arith.muli %add3A_9, %mul3A_12 : i32
      %add3A_14 = arith.addi %mul3A_11, %mul3A_13 : i32
      "tpu.region"() ({
        %run_scoped3A = tpu.sem_alloc : memref<!tpu.dma_semaphore, #tpu.memory_space<semaphore_mem>>
        %dma_start3A_383 = arith.constant 0 : i32
        %dma_start3A_384 = arith.constant 0 : i32
        %dma_start3A_385 = tpu.memref_slice %arg3[%add3A, %add3A_9, %dma_start3A_383, %dma_start3A_384] : memref<32x4x22x128xi32, #tpu.memory_space<hbm>> -> memref<1x1x22x128xi32, #tpu.memory_space<hbm>>
        %dma_start3A_386 = tpu.memref_squeeze %dma_start3A_385 : memref<1x1x22x128xi32, #tpu.memory_space<hbm>> -> memref<22x128xi32, #tpu.memory_space<hbm>>
        %dma_start3A_387 = arith.constant 0 : i32
        %dma_start3A_388 = arith.constant 0 : i32
        %dma_start3A_389 = tpu.memref_slice %arg3[%add3A, %add3A_9, %dma_start3A_387, %dma_start3A_388] : memref<32x4x22x128xi32, #tpu.memory_space<hbm>> -> memref<1x1x22x128xi32, #tpu.memory_space<hbm>>
        %dma_start3A_390 = tpu.memref_squeeze %dma_start3A_389 : memref<1x1x22x128xi32, #tpu.memory_space<hbm>> -> memref<22x128xi32, #tpu.memory_space<hbm>>
        tpu.enqueue_dma source(%dma_start3A_390 : memref<22x128xi32, #tpu.memory_space<hbm>>) target(%arg5 : memref<22x128xi32, #tpu.memory_space<vmem>>) target_semaphore(%run_scoped3A : memref<!tpu.dma_semaphore, #tpu.memory_space<semaphore_mem>>)
        %dma_wait3A_391 = arith.constant 0 : i32
        %dma_wait3A_392 = arith.constant 0 : i32
        %dma_wait3A_393 = tpu.memref_slice %arg3[%add3A, %add3A_9, %dma_wait3A_391, %dma_wait3A_392] : memref<32x4x22x128xi32, #tpu.memory_space<hbm>> -> memref<1x1x22x128xi32, #tpu.memory_space<hbm>>
        %dma_wait3A_394 = tpu.memref_squeeze %dma_wait3A_393 : memref<1x1x22x128xi32, #tpu.memory_space<hbm>> -> memref<22x128xi32, #tpu.memory_space<hbm>>
        %dma_wait3A_395 = arith.constant 0 : i32
        %dma_wait3A_396 = arith.constant 0 : i32
        %dma_wait3A_397 = tpu.memref_slice %arg3[%add3A, %add3A_9, %dma_wait3A_395, %dma_wait3A_396] : memref<32x4x22x128xi32, #tpu.memory_space<hbm>> -> memref<1x1x22x128xi32, #tpu.memory_space<hbm>>
        %dma_wait3A_398 = tpu.memref_squeeze %dma_wait3A_397 : memref<1x1x22x128xi32, #tpu.memory_space<hbm>> -> memref<22x128xi32, #tpu.memory_space<hbm>>
        tpu.wait_dma2 semaphore(%run_scoped3A : memref<!tpu.dma_semaphore, #tpu.memory_space<semaphore_mem>>) src(%dma_wait3A_398 : memref<22x128xi32, #tpu.memory_space<hbm>>) dst(%arg5 : memref<22x128xi32, #tpu.memory_space<vmem>>)
        tpu.yield
      }) : () -> ()
      %dma_start3A = arith.constant 0 : i32
      %dma_start3A_15 = arith.constant 0 : i32
      %dma_start3A_16 = tpu.memref_slice %arg5[%dma_start3A, %dma_start3A_15] : memref<22x128xi32, #tpu.memory_space<vmem>> -> memref<1x128xi32, #tpu.memory_space<vmem>>
      %dma_start3A_17 = tpu.memref_squeeze %dma_start3A_16 : memref<1x128xi32, #tpu.memory_space<vmem>> -> memref<128xi32, #tpu.memory_space<vmem>>
      %dma_start3A_18 = arith.constant 0 : i32
      %dma_start3A_19 = arith.constant 0 : i32
      %dma_start3A_20 = tpu.memref_slice %arg2[%dma_start3A_18, %dma_start3A_19] : memref<100000x128xf32, #tpu.memory_space<hbm>> -> memref<100000x128xf32, #tpu.memory_space<hbm>>
      tpu.enqueue_indirect_dma source(%dma_start3A_20 : memref<100000x128xf32, #tpu.memory_space<hbm>>) target(%arg6 : memref<128x128xf32, #tpu.memory_space<vmem>>) offsets(%dma_start3A_17 : memref<128xi32, #tpu.memory_space<vmem>>) semaphore(%arg11 : memref<!tpu.dma_semaphore, #tpu.memory_space<semaphore_mem>>)
      %dma_start3A_21 = arith.constant 1 : i32
      %dma_start3A_22 = arith.constant 0 : i32
      %dma_start3A_23 = tpu.memref_slice %arg5[%dma_start3A_21, %dma_start3A_22] : memref<22x128xi32, #tpu.memory_space<vmem>> -> memref<1x128xi32, #tpu.memory_space<vmem>>
      %dma_start3A_24 = tpu.memref_squeeze %dma_start3A_23 : memref<1x128xi32, #tpu.memory_space<vmem>> -> memref<128xi32, #tpu.memory_space<vmem>>
      %dma_start3A_25 = arith.constant 0 : i32
      %dma_start3A_26 = arith.constant 0 : i32
      %dma_start3A_27 = tpu.memref_slice %arg2[%dma_start3A_25, %dma_start3A_26] : memref<100000x128xf32, #tpu.memory_space<hbm>> -> memref<100000x128xf32, #tpu.memory_space<hbm>>
      tpu.enqueue_indirect_dma source(%dma_start3A_27 : memref<100000x128xf32, #tpu.memory_space<hbm>>) target(%arg7 : memref<128x128xf32, #tpu.memory_space<vmem>>) offsets(%dma_start3A_24 : memref<128xi32, #tpu.memory_space<vmem>>) semaphore(%arg12 : memref<!tpu.dma_semaphore, #tpu.memory_space<semaphore_mem>>)
      %dma_start3A_28 = arith.constant 2 : i32
      %dma_start3A_29 = arith.constant 0 : i32
      %dma_start3A_30 = tpu.memref_slice %arg5[%dma_start3A_28, %dma_start3A_29] : memref<22x128xi32, #tpu.memory_space<vmem>> -> memref<1x128xi32, #tpu.memory_space<vmem>>
      %dma_start3A_31 = tpu.memref_squeeze %dma_start3A_30 : memref<1x128xi32, #tpu.memory_space<vmem>> -> memref<128xi32, #tpu.memory_space<vmem>>
      %dma_start3A_32 = arith.constant 0 : i32
      %dma_start3A_33 = arith.constant 0 : i32
      %dma_start3A_34 = tpu.memref_slice %arg2[%dma_start3A_32, %dma_start3A_33] : memref<100000x128xf32, #tpu.memory_space<hbm>> -> memref<100000x128xf32, #tpu.memory_space<hbm>>
      tpu.enqueue_indirect_dma source(%dma_start3A_34 : memref<100000x128xf32, #tpu.memory_space<hbm>>) target(%arg8 : memref<128x128xf32, #tpu.memory_space<vmem>>) offsets(%dma_start3A_31 : memref<128xi32, #tpu.memory_space<vmem>>) semaphore(%arg13 : memref<!tpu.dma_semaphore, #tpu.memory_space<semaphore_mem>>)
      %dma_start3A_35 = arith.constant 3 : i32
      %dma_start3A_36 = arith.constant 0 : i32
      %dma_start3A_37 = tpu.memref_slice %arg5[%dma_start3A_35, %dma_start3A_36] : memref<22x128xi32, #tpu.memory_space<vmem>> -> memref<1x128xi32, #tpu.memory_space<vmem>>
      %dma_start3A_38 = tpu.memref_squeeze %dma_start3A_37 : memref<1x128xi32, #tpu.memory_space<vmem>> -> memref<128xi32, #tpu.memory_space<vmem>>
      %dma_start3A_39 = arith.constant 0 : i32
      %dma_start3A_40 = arith.constant 0 : i32
      %dma_start3A_41 = tpu.memref_slice %arg2[%dma_start3A_39, %dma_start3A_40] : memref<100000x128xf32, #tpu.memory_space<hbm>> -> memref<100000x128xf32, #tpu.memory_space<hbm>>
      tpu.enqueue_indirect_dma source(%dma_start3A_41 : memref<100000x128xf32, #tpu.memory_space<hbm>>) target(%arg9 : memref<128x128xf32, #tpu.memory_space<vmem>>) offsets(%dma_start3A_38 : memref<128xi32, #tpu.memory_space<vmem>>) semaphore(%arg14 : memref<!tpu.dma_semaphore, #tpu.memory_space<semaphore_mem>>)
      %dma_wait3A = arith.constant 0 : i32
      %dma_wait3A_42 = arith.constant 0 : i32
      %dma_wait3A_43 = tpu.memref_slice %arg5[%dma_wait3A, %dma_wait3A_42] : memref<22x128xi32, #tpu.memory_space<vmem>> -> memref<1x128xi32, #tpu.memory_space<vmem>>
      %dma_wait3A_44 = tpu.memref_squeeze %dma_wait3A_43 : memref<1x128xi32, #tpu.memory_space<vmem>> -> memref<128xi32, #tpu.memory_space<vmem>>
      %dma_wait3A_45 = arith.constant 0 : i32
      %dma_wait3A_46 = arith.constant 0 : i32
      %dma_wait3A_47 = tpu.memref_slice %arg2[%dma_wait3A_45, %dma_wait3A_46] : memref<100000x128xf32, #tpu.memory_space<hbm>> -> memref<100000x128xf32, #tpu.memory_space<hbm>>
      tpu.wait_indirect_dma semaphore(%arg11 : memref<!tpu.dma_semaphore, #tpu.memory_space<semaphore_mem>>) src(%dma_wait3A_47 : memref<100000x128xf32, #tpu.memory_space<hbm>>) dst(%arg6 : memref<128x128xf32, #tpu.memory_space<vmem>>)
      %dma_wait3A_48 = arith.constant 1 : i32
      %dma_wait3A_49 = arith.constant 0 : i32
      %dma_wait3A_50 = tpu.memref_slice %arg5[%dma_wait3A_48, %dma_wait3A_49] : memref<22x128xi32, #tpu.memory_space<vmem>> -> memref<1x128xi32, #tpu.memory_space<vmem>>
      %dma_wait3A_51 = tpu.memref_squeeze %dma_wait3A_50 : memref<1x128xi32, #tpu.memory_space<vmem>> -> memref<128xi32, #tpu.memory_space<vmem>>
      %dma_wait3A_52 = arith.constant 0 : i32
      %dma_wait3A_53 = arith.constant 0 : i32
      %dma_wait3A_54 = tpu.memref_slice %arg2[%dma_wait3A_52, %dma_wait3A_53] : memref<100000x128xf32, #tpu.memory_space<hbm>> -> memref<100000x128xf32, #tpu.memory_space<hbm>>
      tpu.wait_indirect_dma semaphore(%arg12 : memref<!tpu.dma_semaphore, #tpu.memory_space<semaphore_mem>>) src(%dma_wait3A_54 : memref<100000x128xf32, #tpu.memory_space<hbm>>) dst(%arg7 : memref<128x128xf32, #tpu.memory_space<vmem>>)
      %parallel_loop3A = arith.constant 0 : i32
      %parallel_loop3A_55 = arith.constant 128 : i32
      %parallel_loop3A_56 = arith.constant 1 : i32
      scf.for %parallel_loop3A_383 = %parallel_loop3A to %parallel_loop3A_55 step %parallel_loop3A_56  : i32 {
        %parallel_loop3A_384 = arith.index_cast %parallel_loop3A_383 : i32 to index
        %parallel_loop3A_385 = arith.constant 0 : index
        %parallel_loop3A_386 = tpu.vector_load %arg6[%parallel_loop3A_384, %parallel_loop3A_385] {strides = array<i32>} : memref<128x128xf32, #tpu.memory_space<vmem>>, vector<16xf32>,
        %parallel_loop3A_387 = arith.index_cast %parallel_loop3A_383 : i32 to index
        %parallel_loop3A_388 = arith.constant 0 : index
        %parallel_loop3A_389 = tpu.vector_load %arg7[%parallel_loop3A_387, %parallel_loop3A_388] {strides = array<i32>} : memref<128x128xf32, #tpu.memory_space<vmem>>, vector<16xf32>,
        %parallel_loop3A_390 = arith.mulf %parallel_loop3A_386, %parallel_loop3A_389 : vector<16xf32>
        %parallel_loop3A_391 = arith.index_cast %parallel_loop3A_383 : i32 to index
        %parallel_loop3A_392 = arith.constant 16 : index
        %parallel_loop3A_393 = tpu.vector_load %arg6[%parallel_loop3A_391, %parallel_loop3A_392] {strides = array<i32>} : memref<128x128xf32, #tpu.memory_space<vmem>>, vector<16xf32>,
        %parallel_loop3A_394 = arith.index_cast %parallel_loop3A_383 : i32 to index
        %parallel_loop3A_395 = arith.constant 16 : index
        %parallel_loop3A_396 = tpu.vector_load %arg7[%parallel_loop3A_394, %parallel_loop3A_395] {strides = array<i32>} : memref<128x128xf32, #tpu.memory_space<vmem>>, vector<16xf32>,
        %parallel_loop3A_397 = arith.mulf %parallel_loop3A_393, %parallel_loop3A_396 : vector<16xf32>
        %parallel_loop3A_398 = arith.addf %parallel_loop3A_390, %parallel_loop3A_397 : vector<16xf32>
        %parallel_loop3A_399 = arith.index_cast %parallel_loop3A_383 : i32 to index
        %parallel_loop3A_400 = arith.constant 32 : index
        %parallel_loop3A_401 = tpu.vector_load %arg6[%parallel_loop3A_399, %parallel_loop3A_400] {strides = array<i32>} : memref<128x128xf32, #tpu.memory_space<vmem>>, vector<16xf32>,
        %parallel_loop3A_402 = arith.index_cast %parallel_loop3A_383 : i32 to index
        %parallel_loop3A_403 = arith.constant 32 : index
        %parallel_loop3A_404 = tpu.vector_load %arg7[%parallel_loop3A_402, %parallel_loop3A_403] {strides = array<i32>} : memref<128x128xf32, #tpu.memory_space<vmem>>, vector<16xf32>,
        %parallel_loop3A_405 = arith.mulf %parallel_loop3A_401, %parallel_loop3A_404 : vector<16xf32>
        %parallel_loop3A_406 = arith.addf %parallel_loop3A_398, %parallel_loop3A_405 : vector<16xf32>
        %parallel_loop3A_407 = arith.index_cast %parallel_loop3A_383 : i32 to index
        %parallel_loop3A_408 = arith.constant 48 : index
        %parallel_loop3A_409 = tpu.vector_load %arg6[%parallel_loop3A_407, %parallel_loop3A_408] {strides = array<i32>} : memref<128x128xf32, #tpu.memory_space<vmem>>, vector<16xf32>,
        %parallel_loop3A_410 = arith.index_cast %parallel_loop3A_383 : i32 to index
        %parallel_loop3A_411 = arith.constant 48 : index
        %parallel_loop3A_412 = tpu.vector_load %arg7[%parallel_loop3A_410, %parallel_loop3A_411] {strides = array<i32>} : memref<128x128xf32, #tpu.memory_space<vmem>>, vector<16xf32>,
        %parallel_loop3A_413 = arith.mulf %parallel_loop3A_409, %parallel_loop3A_412 : vector<16xf32>
        %parallel_loop3A_414 = arith.addf %parallel_loop3A_406, %parallel_loop3A_413 : vector<16xf32>
        %parallel_loop3A_415 = arith.index_cast %parallel_loop3A_383 : i32 to index
        %parallel_loop3A_416 = arith.constant 64 : index
        %parallel_loop3A_417 = tpu.vector_load %arg6[%parallel_loop3A_415, %parallel_loop3A_416] {strides = array<i32>} : memref<128x128xf32, #tpu.memory_space<vmem>>, vector<16xf32>,
        %parallel_loop3A_418 = arith.index_cast %parallel_loop3A_383 : i32 to index
        %parallel_loop3A_419 = arith.constant 64 : index
        %parallel_loop3A_420 = tpu.vector_load %arg7[%parallel_loop3A_418, %parallel_loop3A_419] {strides = array<i32>} : memref<128x128xf32, #tpu.memory_space<vmem>>, vector<16xf32>,
        %parallel_loop3A_421 = arith.mulf %parallel_loop3A_417, %parallel_loop3A_420 : vector<16xf32>
        %parallel_loop3A_422 = arith.addf %parallel_loop3A_414, %parallel_loop3A_421 : vector<16xf32>
        %parallel_loop3A_423 = arith.index_cast %parallel_loop3A_383 : i32 to index
        %parallel_loop3A_424 = arith.constant 80 : index
        %parallel_loop3A_425 = tpu.vector_load %arg6[%parallel_loop3A_423, %parallel_loop3A_424] {strides = array<i32>} : memref<128x128xf32, #tpu.memory_space<vmem>>, vector<16xf32>,
        %parallel_loop3A_426 = arith.index_cast %parallel_loop3A_383 : i32 to index
        %parallel_loop3A_427 = arith.constant 80 : index
        %parallel_loop3A_428 = tpu.vector_load %arg7[%parallel_loop3A_426, %parallel_loop3A_427] {strides = array<i32>} : memref<128x128xf32, #tpu.memory_space<vmem>>, vector<16xf32>,
        %parallel_loop3A_429 = arith.mulf %parallel_loop3A_425, %parallel_loop3A_428 : vector<16xf32>
        %parallel_loop3A_430 = arith.addf %parallel_loop3A_422, %parallel_loop3A_429 : vector<16xf32>
        %parallel_loop3A_431 = arith.index_cast %parallel_loop3A_383 : i32 to index
        %parallel_loop3A_432 = arith.constant 96 : index
        %parallel_loop3A_433 = tpu.vector_load %arg6[%parallel_loop3A_431, %parallel_loop3A_432] {strides = array<i32>} : memref<128x128xf32, #tpu.memory_space<vmem>>, vector<16xf32>,
        %parallel_loop3A_434 = arith.index_cast %parallel_loop3A_383 : i32 to index
        %parallel_loop3A_435 = arith.constant 96 : index
        %parallel_loop3A_436 = tpu.vector_load %arg7[%parallel_loop3A_434, %parallel_loop3A_435] {strides = array<i32>} : memref<128x128xf32, #tpu.memory_space<vmem>>, vector<16xf32>,
        %parallel_loop3A_437 = arith.mulf %parallel_loop3A_433, %parallel_loop3A_436 : vector<16xf32>
        %parallel_loop3A_438 = arith.addf %parallel_loop3A_430, %parallel_loop3A_437 : vector<16xf32>
        %parallel_loop3A_439 = arith.index_cast %parallel_loop3A_383 : i32 to index
        %parallel_loop3A_440 = arith.constant 112 : index
        %parallel_loop3A_441 = tpu.vector_load %arg6[%parallel_loop3A_439, %parallel_loop3A_440] {strides = array<i32>} : memref<128x128xf32, #tpu.memory_space<vmem>>, vector<16xf32>,
        %parallel_loop3A_442 = arith.index_cast %parallel_loop3A_383 : i32 to index
        %parallel_loop3A_443 = arith.constant 112 : index
        %parallel_loop3A_444 = tpu.vector_load %arg7[%parallel_loop3A_442, %parallel_loop3A_443] {strides = array<i32>} : memref<128x128xf32, #tpu.memory_space<vmem>>, vector<16xf32>,
        %parallel_loop3A_445 = arith.mulf %parallel_loop3A_441, %parallel_loop3A_444 : vector<16xf32>
        %parallel_loop3A_446 = arith.addf %parallel_loop3A_438, %parallel_loop3A_445 : vector<16xf32>
        %parallel_loop3A_447 = arith.index_cast %parallel_loop3A_383 : i32 to index
        %parallel_loop3A_448 = arith.constant 0 : index
        %parallel_loop3A_449 = tpu.vector_load %arg10[%parallel_loop3A_447, %parallel_loop3A_448] {strides = array<i32>} : memref<128x336xf32, #tpu.memory_space<vmem>>, vector<16xf32>,
        tpu.vector_store %arg10[%parallel_loop3A_447, %parallel_loop3A_448], %parallel_loop3A_446 {strides = array<i32>} : memref<128x336xf32, #tpu.memory_space<vmem>>, vector<16xf32>,
      } {sc.loop_unroll_factor = 2 : i64, sc.parallel_access}
      %dma_start3A_57 = arith.constant 4 : i32
      %dma_start3A_58 = arith.constant 0 : i32
      %dma_start3A_59 = tpu.memref_slice %arg5[%dma_start3A_57, %dma_start3A_58] : memref<22x128xi32, #tpu.memory_space<vmem>> -> memref<1x128xi32, #tpu.memory_space<vmem>>
      %dma_start3A_60 = tpu.memref_squeeze %dma_start3A_59 : memref<1x128xi32, #tpu.memory_space<vmem>> -> memref<128xi32, #tpu.memory_space<vmem>>
      %dma_start3A_61 = arith.constant 0 : i32
      %dma_start3A_62 = arith.constant 0 : i32
      %dma_start3A_63 = tpu.memref_slice %arg2[%dma_start3A_61, %dma_start3A_62] : memref<100000x128xf32, #tpu.memory_space<hbm>> -> memref<100000x128xf32, #tpu.memory_space<hbm>>
      tpu.enqueue_indirect_dma source(%dma_start3A_63 : memref<100000x128xf32, #tpu.memory_space<hbm>>) target(%arg7 : memref<128x128xf32, #tpu.memory_space<vmem>>) offsets(%dma_start3A_60 : memref<128xi32, #tpu.memory_space<vmem>>) semaphore(%arg12 : memref<!tpu.dma_semaphore, #tpu.memory_space<semaphore_mem>>)
      %dma_wait3A_64 = arith.constant 2 : i32
      %dma_wait3A_65 = arith.constant 0 : i32
      %dma_wait3A_66 = tpu.memref_slice %arg5[%dma_wait3A_64, %dma_wait3A_65] : memref<22x128xi32, #tpu.memory_space<vmem>> -> memref<1x128xi32, #tpu.memory_space<vmem>>
      %dma_wait3A_67 = tpu.memref_squeeze %dma_wait3A_66 : memref<1x128xi32, #tpu.memory_space<vmem>> -> memref<128xi32, #tpu.memory_space<vmem>>
      %dma_wait3A_68 = arith.constant 0 : i32
      %dma_wait3A_69 = arith.constant 0 : i32
      %dma_wait3A_70 = tpu.memref_slice %arg2[%dma_wait3A_68, %dma_wait3A_69] : memref<100000x128xf32, #tpu.memory_space<hbm>> -> memref<100000x128xf32, #tpu.memory_space<hbm>>
      tpu.wait_indirect_dma semaphore(%arg13 : memref<!tpu.dma_semaphore, #tpu.memory_space<semaphore_mem>>) src(%dma_wait3A_70 : memref<100000x128xf32, #tpu.memory_space<hbm>>) dst(%arg8 : memref<128x128xf32, #tpu.memory_space<vmem>>)
      %parallel_loop3A_71 = arith.constant 0 : i32
      %parallel_loop3A_72 = arith.constant 128 : i32
      %parallel_loop3A_73 = arith.constant 1 : i32
      scf.for %parallel_loop3A_383 = %parallel_loop3A_71 to %parallel_loop3A_72 step %parallel_loop3A_73  : i32 {
        %parallel_loop3A_384 = arith.index_cast %parallel_loop3A_383 : i32 to index
        %parallel_loop3A_385 = arith.constant 0 : index
        %parallel_loop3A_386 = tpu.vector_load %arg6[%parallel_loop3A_384, %parallel_loop3A_385] {strides = array<i32>} : memref<128x128xf32, #tpu.memory_space<vmem>>, vector<16xf32>,
        %parallel_loop3A_387 = arith.index_cast %parallel_loop3A_383 : i32 to index
        %parallel_loop3A_388 = arith.constant 0 : index
        %parallel_loop3A_389 = tpu.vector_load %arg8[%parallel_loop3A_387, %parallel_loop3A_388] {strides = array<i32>} : memref<128x128xf32, #tpu.memory_space<vmem>>, vector<16xf32>,
        %parallel_loop3A_390 = arith.mulf %parallel_loop3A_386, %parallel_loop3A_389 : vector<16xf32>
        %parallel_loop3A_391 = arith.index_cast %parallel_loop3A_383 : i32 to index
        %parallel_loop3A_392 = arith.constant 16 : index
        %parallel_loop3A_393 = tpu.vector_load %arg6[%parallel_loop3A_391, %parallel_loop3A_392] {strides = array<i32>} : memref<128x128xf32, #tpu.memory_space<vmem>>, vector<16xf32>,
        %parallel_loop3A_394 = arith.index_cast %parallel_loop3A_383 : i32 to index
        %parallel_loop3A_395 = arith.constant 16 : index
        %parallel_loop3A_396 = tpu.vector_load %arg8[%parallel_loop3A_394, %parallel_loop3A_395] {strides = array<i32>} : memref<128x128xf32, #tpu.memory_space<vmem>>, vector<16xf32>,
        %parallel_loop3A_397 = arith.mulf %parallel_loop3A_393, %parallel_loop3A_396 : vector<16xf32>
        %parallel_loop3A_398 = arith.addf %parallel_loop3A_390, %parallel_loop3A_397 : vector<16xf32>
        %parallel_loop3A_399 = arith.index_cast %parallel_loop3A_383 : i32 to index
        %parallel_loop3A_400 = arith.constant 32 : index
        %parallel_loop3A_401 = tpu.vector_load %arg6[%parallel_loop3A_399, %parallel_loop3A_400] {strides = array<i32>} : memref<128x128xf32, #tpu.memory_space<vmem>>, vector<16xf32>,
        %parallel_loop3A_402 = arith.index_cast %parallel_loop3A_383 : i32 to index
        %parallel_loop3A_403 = arith.constant 32 : index
        %parallel_loop3A_404 = tpu.vector_load %arg8[%parallel_loop3A_402, %parallel_loop3A_403] {strides = array<i32>} : memref<128x128xf32, #tpu.memory_space<vmem>>, vector<16xf32>,
        %parallel_loop3A_405 = arith.mulf %parallel_loop3A_401, %parallel_loop3A_404 : vector<16xf32>
        %parallel_loop3A_406 = arith.addf %parallel_loop3A_398, %parallel_loop3A_405 : vector<16xf32>
        %parallel_loop3A_407 = arith.index_cast %parallel_loop3A_383 : i32 to index
        %parallel_loop3A_408 = arith.constant 48 : index
        %parallel_loop3A_409 = tpu.vector_load %arg6[%parallel_loop3A_407, %parallel_loop3A_408] {strides = array<i32>} : memref<128x128xf32, #tpu.memory_space<vmem>>, vector<16xf32>,
        %parallel_loop3A_410 = arith.index_cast %parallel_loop3A_383 : i32 to index
        %parallel_loop3A_411 = arith.constant 48 : index
        %parallel_loop3A_412 = tpu.vector_load %arg8[%parallel_loop3A_410, %parallel_loop3A_411] {strides = array<i32>} : memref<128x128xf32, #tpu.memory_space<vmem>>, vector<16xf32>,
        %parallel_loop3A_413 = arith.mulf %parallel_loop3A_409, %parallel_loop3A_412 : vector<16xf32>
        %parallel_loop3A_414 = arith.addf %parallel_loop3A_406, %parallel_loop3A_413 : vector<16xf32>
        %parallel_loop3A_415 = arith.index_cast %parallel_loop3A_383 : i32 to index
        %parallel_loop3A_416 = arith.constant 64 : index
        %parallel_loop3A_417 = tpu.vector_load %arg6[%parallel_loop3A_415, %parallel_loop3A_416] {strides = array<i32>} : memref<128x128xf32, #tpu.memory_space<vmem>>, vector<16xf32>,
        %parallel_loop3A_418 = arith.index_cast %parallel_loop3A_383 : i32 to index
        %parallel_loop3A_419 = arith.constant 64 : index
        %parallel_loop3A_420 = tpu.vector_load %arg8[%parallel_loop3A_418, %parallel_loop3A_419] {strides = array<i32>} : memref<128x128xf32, #tpu.memory_space<vmem>>, vector<16xf32>,
        %parallel_loop3A_421 = arith.mulf %parallel_loop3A_417, %parallel_loop3A_420 : vector<16xf32>
        %parallel_loop3A_422 = arith.addf %parallel_loop3A_414, %parallel_loop3A_421 : vector<16xf32>
        %parallel_loop3A_423 = arith.index_cast %parallel_loop3A_383 : i32 to index
        %parallel_loop3A_424 = arith.constant 80 : index
        %parallel_loop3A_425 = tpu.vector_load %arg6[%parallel_loop3A_423, %parallel_loop3A_424] {strides = array<i32>} : memref<128x128xf32, #tpu.memory_space<vmem>>, vector<16xf32>,
        %parallel_loop3A_426 = arith.index_cast %parallel_loop3A_383 : i32 to index
        %parallel_loop3A_427 = arith.constant 80 : index
        %parallel_loop3A_428 = tpu.vector_load %arg8[%parallel_loop3A_426, %parallel_loop3A_427] {strides = array<i32>} : memref<128x128xf32, #tpu.memory_space<vmem>>, vector<16xf32>,
        %parallel_loop3A_429 = arith.mulf %parallel_loop3A_425, %parallel_loop3A_428 : vector<16xf32>
        %parallel_loop3A_430 = arith.addf %parallel_loop3A_422, %parallel_loop3A_429 : vector<16xf32>
        %parallel_loop3A_431 = arith.index_cast %parallel_loop3A_383 : i32 to index
        %parallel_loop3A_432 = arith.constant 96 : index
        %parallel_loop3A_433 = tpu.vector_load %arg6[%parallel_loop3A_431, %parallel_loop3A_432] {strides = array<i32>} : memref<128x128xf32, #tpu.memory_space<vmem>>, vector<16xf32>,
        %parallel_loop3A_434 = arith.index_cast %parallel_loop3A_383 : i32 to index
        %parallel_loop3A_435 = arith.constant 96 : index
        %parallel_loop3A_436 = tpu.vector_load %arg8[%parallel_loop3A_434, %parallel_loop3A_435] {strides = array<i32>} : memref<128x128xf32, #tpu.memory_space<vmem>>, vector<16xf32>,
        %parallel_loop3A_437 = arith.mulf %parallel_loop3A_433, %parallel_loop3A_436 : vector<16xf32>
        %parallel_loop3A_438 = arith.addf %parallel_loop3A_430, %parallel_loop3A_437 : vector<16xf32>
        %parallel_loop3A_439 = arith.index_cast %parallel_loop3A_383 : i32 to index
        %parallel_loop3A_440 = arith.constant 112 : index
        %parallel_loop3A_441 = tpu.vector_load %arg6[%parallel_loop3A_439, %parallel_loop3A_440] {strides = array<i32>} : memref<128x128xf32, #tpu.memory_space<vmem>>, vector<16xf32>,
        %parallel_loop3A_442 = arith.index_cast %parallel_loop3A_383 : i32 to index
        %parallel_loop3A_443 = arith.constant 112 : index
        %parallel_loop3A_444 = tpu.vector_load %arg8[%parallel_loop3A_442, %parallel_loop3A_443] {strides = array<i32>} : memref<128x128xf32, #tpu.memory_space<vmem>>, vector<16xf32>,
        %parallel_loop3A_445 = arith.mulf %parallel_loop3A_441, %parallel_loop3A_444 : vector<16xf32>
        %parallel_loop3A_446 = arith.addf %parallel_loop3A_438, %parallel_loop3A_445 : vector<16xf32>
        %parallel_loop3A_447 = arith.index_cast %parallel_loop3A_383 : i32 to index
        %parallel_loop3A_448 = arith.constant 16 : index
        %parallel_loop3A_449 = tpu.vector_load %arg10[%parallel_loop3A_447, %parallel_loop3A_448] {strides = array<i32>} : memref<128x336xf32, #tpu.memory_space<vmem>>, vector<16xf32>,
        tpu.vector_store %arg10[%parallel_loop3A_447, %parallel_loop3A_448], %parallel_loop3A_446 {strides = array<i32>} : memref<128x336xf32, #tpu.memory_space<vmem>>, vector<16xf32>,
      } {sc.loop_unroll_factor = 2 : i64, sc.parallel_access}
      %dma_start3A_74 = arith.constant 5 : i32
      %dma_start3A_75 = arith.constant 0 : i32
      %dma_start3A_76 = tpu.memref_slice %arg5[%dma_start3A_74, %dma_start3A_75] : memref<22x128xi32, #tpu.memory_space<vmem>> -> memref<1x128xi32, #tpu.memory_space<vmem>>
      %dma_start3A_77 = tpu.memref_squeeze %dma_start3A_76 : memref<1x128xi32, #tpu.memory_space<vmem>> -> memref<128xi32, #tpu.memory_space<vmem>>
      %dma_start3A_78 = arith.constant 0 : i32
      %dma_start3A_79 = arith.constant 0 : i32
      %dma_start3A_80 = tpu.memref_slice %arg2[%dma_start3A_78, %dma_start3A_79] : memref<100000x128xf32, #tpu.memory_space<hbm>> -> memref<100000x128xf32, #tpu.memory_space<hbm>>
      tpu.enqueue_indirect_dma source(%dma_start3A_80 : memref<100000x128xf32, #tpu.memory_space<hbm>>) target(%arg8 : memref<128x128xf32, #tpu.memory_space<vmem>>) offsets(%dma_start3A_77 : memref<128xi32, #tpu.memory_space<vmem>>) semaphore(%arg13 : memref<!tpu.dma_semaphore, #tpu.memory_space<semaphore_mem>>)
      %dma_wait3A_81 = arith.constant 3 : i32
      %dma_wait3A_82 = arith.constant 0 : i32
      %dma_wait3A_83 = tpu.memref_slice %arg5[%dma_wait3A_81, %dma_wait3A_82] : memref<22x128xi32, #tpu.memory_space<vmem>> -> memref<1x128xi32, #tpu.memory_space<vmem>>
      %dma_wait3A_84 = tpu.memref_squeeze %dma_wait3A_83 : memref<1x128xi32, #tpu.memory_space<vmem>> -> memref<128xi32, #tpu.memory_space<vmem>>
      %dma_wait3A_85 = arith.constant 0 : i32
      %dma_wait3A_86 = arith.constant 0 : i32
      %dma_wait3A_87 = tpu.memref_slice %arg2[%dma_wait3A_85, %dma_wait3A_86] : memref<100000x128xf32, #tpu.memory_space<hbm>> -> memref<100000x128xf32, #tpu.memory_space<hbm>>
      tpu.wait_indirect_dma semaphore(%arg14 : memref<!tpu.dma_semaphore, #tpu.memory_space<semaphore_mem>>) src(%dma_wait3A_87 : memref<100000x128xf32, #tpu.memory_space<hbm>>) dst(%arg9 : memref<128x128xf32, #tpu.memory_space<vmem>>)
      %parallel_loop3A_88 = arith.constant 0 : i32
      %parallel_loop3A_89 = arith.constant 128 : i32
      %parallel_loop3A_90 = arith.constant 1 : i32
      scf.for %parallel_loop3A_383 = %parallel_loop3A_88 to %parallel_loop3A_89 step %parallel_loop3A_90  : i32 {
        %parallel_loop3A_384 = arith.index_cast %parallel_loop3A_383 : i32 to index
        %parallel_loop3A_385 = arith.constant 0 : index
        %parallel_loop3A_386 = tpu.vector_load %arg6[%parallel_loop3A_384, %parallel_loop3A_385] {strides = array<i32>} : memref<128x128xf32, #tpu.memory_space<vmem>>, vector<16xf32>,
        %parallel_loop3A_387 = arith.index_cast %parallel_loop3A_383 : i32 to index
        %parallel_loop3A_388 = arith.constant 0 : index
        %parallel_loop3A_389 = tpu.vector_load %arg9[%parallel_loop3A_387, %parallel_loop3A_388] {strides = array<i32>} : memref<128x128xf32, #tpu.memory_space<vmem>>, vector<16xf32>,
        %parallel_loop3A_390 = arith.mulf %parallel_loop3A_386, %parallel_loop3A_389 : vector<16xf32>
        %parallel_loop3A_391 = arith.index_cast %parallel_loop3A_383 : i32 to index
        %parallel_loop3A_392 = arith.constant 16 : index
        %parallel_loop3A_393 = tpu.vector_load %arg6[%parallel_loop3A_391, %parallel_loop3A_392] {strides = array<i32>} : memref<128x128xf32, #tpu.memory_space<vmem>>, vector<16xf32>,
        %parallel_loop3A_394 = arith.index_cast %parallel_loop3A_383 : i32 to index
        %parallel_loop3A_395 = arith.constant 16 : index
        %parallel_loop3A_396 = tpu.vector_load %arg9[%parallel_loop3A_394, %parallel_loop3A_395] {strides = array<i32>} : memref<128x128xf32, #tpu.memory_space<vmem>>, vector<16xf32>,
        %parallel_loop3A_397 = arith.mulf %parallel_loop3A_393, %parallel_loop3A_396 : vector<16xf32>
        %parallel_loop3A_398 = arith.addf %parallel_loop3A_390, %parallel_loop3A_397 : vector<16xf32>
        %parallel_loop3A_399 = arith.index_cast %parallel_loop3A_383 : i32 to index
        %parallel_loop3A_400 = arith.constant 32 : index
        %parallel_loop3A_401 = tpu.vector_load %arg6[%parallel_loop3A_399, %parallel_loop3A_400] {strides = array<i32>} : memref<128x128xf32, #tpu.memory_space<vmem>>, vector<16xf32>,
        %parallel_loop3A_402 = arith.index_cast %parallel_loop3A_383 : i32 to index
        %parallel_loop3A_403 = arith.constant 32 : index
        %parallel_loop3A_404 = tpu.vector_load %arg9[%parallel_loop3A_402, %parallel_loop3A_403] {strides = array<i32>} : memref<128x128xf32, #tpu.memory_space<vmem>>, vector<16xf32>,
        %parallel_loop3A_405 = arith.mulf %parallel_loop3A_401, %parallel_loop3A_404 : vector<16xf32>
        %parallel_loop3A_406 = arith.addf %parallel_loop3A_398, %parallel_loop3A_405 : vector<16xf32>
        %parallel_loop3A_407 = arith.index_cast %parallel_loop3A_383 : i32 to index
        %parallel_loop3A_408 = arith.constant 48 : index
        %parallel_loop3A_409 = tpu.vector_load %arg6[%parallel_loop3A_407, %parallel_loop3A_408] {strides = array<i32>} : memref<128x128xf32, #tpu.memory_space<vmem>>, vector<16xf32>,
        %parallel_loop3A_410 = arith.index_cast %parallel_loop3A_383 : i32 to index
        %parallel_loop3A_411 = arith.constant 48 : index
        %parallel_loop3A_412 = tpu.vector_load %arg9[%parallel_loop3A_410, %parallel_loop3A_411] {strides = array<i32>} : memref<128x128xf32, #tpu.memory_space<vmem>>, vector<16xf32>,
        %parallel_loop3A_413 = arith.mulf %parallel_loop3A_409, %parallel_loop3A_412 : vector<16xf32>
        %parallel_loop3A_414 = arith.addf %parallel_loop3A_406, %parallel_loop3A_413 : vector<16xf32>
        %parallel_loop3A_415 = arith.index_cast %parallel_loop3A_383 : i32 to index
        %parallel_loop3A_416 = arith.constant 64 : index
        %parallel_loop3A_417 = tpu.vector_load %arg6[%parallel_loop3A_415, %parallel_loop3A_416] {strides = array<i32>} : memref<128x128xf32, #tpu.memory_space<vmem>>, vector<16xf32>,
        %parallel_loop3A_418 = arith.index_cast %parallel_loop3A_383 : i32 to index
        %parallel_loop3A_419 = arith.constant 64 : index
        %parallel_loop3A_420 = tpu.vector_load %arg9[%parallel_loop3A_418, %parallel_loop3A_419] {strides = array<i32>} : memref<128x128xf32, #tpu.memory_space<vmem>>, vector<16xf32>,
        %parallel_loop3A_421 = arith.mulf %parallel_loop3A_417, %parallel_loop3A_420 : vector<16xf32>
        %parallel_loop3A_422 = arith.addf %parallel_loop3A_414, %parallel_loop3A_421 : vector<16xf32>
        %parallel_loop3A_423 = arith.index_cast %parallel_loop3A_383 : i32 to index
        %parallel_loop3A_424 = arith.constant 80 : index
        %parallel_loop3A_425 = tpu.vector_load %arg6[%parallel_loop3A_423, %parallel_loop3A_424] {strides = array<i32>} : memref<128x128xf32, #tpu.memory_space<vmem>>, vector<16xf32>,
        %parallel_loop3A_426 = arith.index_cast %parallel_loop3A_383 : i32 to index
        %parallel_loop3A_427 = arith.constant 80 : index
        %parallel_loop3A_428 = tpu.vector_load %arg9[%parallel_loop3A_426, %parallel_loop3A_427] {strides = array<i32>} : memref<128x128xf32, #tpu.memory_space<vmem>>, vector<16xf32>,
        %parallel_loop3A_429 = arith.mulf %parallel_loop3A_425, %parallel_loop3A_428 : vector<16xf32>
        %parallel_loop3A_430 = arith.addf %parallel_loop3A_422, %parallel_loop3A_429 : vector<16xf32>
        %parallel_loop3A_431 = arith.index_cast %parallel_loop3A_383 : i32 to index
        %parallel_loop3A_432 = arith.constant 96 : index
        %parallel_loop3A_433 = tpu.vector_load %arg6[%parallel_loop3A_431, %parallel_loop3A_432] {strides = array<i32>} : memref<128x128xf32, #tpu.memory_space<vmem>>, vector<16xf32>,
        %parallel_loop3A_434 = arith.index_cast %parallel_loop3A_383 : i32 to index
        %parallel_loop3A_435 = arith.constant 96 : index
        %parallel_loop3A_436 = tpu.vector_load %arg9[%parallel_loop3A_434, %parallel_loop3A_435] {strides = array<i32>} : memref<128x128xf32, #tpu.memory_space<vmem>>, vector<16xf32>,
        %parallel_loop3A_437 = arith.mulf %parallel_loop3A_433, %parallel_loop3A_436 : vector<16xf32>
        %parallel_loop3A_438 = arith.addf %parallel_loop3A_430, %parallel_loop3A_437 : vector<16xf32>
        %parallel_loop3A_439 = arith.index_cast %parallel_loop3A_383 : i32 to index
        %parallel_loop3A_440 = arith.constant 112 : index
        %parallel_loop3A_441 = tpu.vector_load %arg6[%parallel_loop3A_439, %parallel_loop3A_440] {strides = array<i32>} : memref<128x128xf32, #tpu.memory_space<vmem>>, vector<16xf32>,
        %parallel_loop3A_442 = arith.index_cast %parallel_loop3A_383 : i32 to index
        %parallel_loop3A_443 = arith.constant 112 : index
        %parallel_loop3A_444 = tpu.vector_load %arg9[%parallel_loop3A_442, %parallel_loop3A_443] {strides = array<i32>} : memref<128x128xf32, #tpu.memory_space<vmem>>, vector<16xf32>,
        %parallel_loop3A_445 = arith.mulf %parallel_loop3A_441, %parallel_loop3A_444 : vector<16xf32>
        %parallel_loop3A_446 = arith.addf %parallel_loop3A_438, %parallel_loop3A_445 : vector<16xf32>
        %parallel_loop3A_447 = arith.index_cast %parallel_loop3A_383 : i32 to index
        %parallel_loop3A_448 = arith.constant 32 : index
        %parallel_loop3A_449 = tpu.vector_load %arg10[%parallel_loop3A_447, %parallel_loop3A_448] {strides = array<i32>} : memref<128x336xf32, #tpu.memory_space<vmem>>, vector<16xf32>,
        tpu.vector_store %arg10[%parallel_loop3A_447, %parallel_loop3A_448], %parallel_loop3A_446 {strides = array<i32>} : memref<128x336xf32, #tpu.memory_space<vmem>>, vector<16xf32>,
      } {sc.loop_unroll_factor = 2 : i64, sc.parallel_access}
      %dma_start3A_91 = arith.constant 6 : i32
      %dma_start3A_92 = arith.constant 0 : i32
      %dma_start3A_93 = tpu.memref_slice %arg5[%dma_start3A_91, %dma_start3A_92] : memref<22x128xi32, #tpu.memory_space<vmem>> -> memref<1x128xi32, #tpu.memory_space<vmem>>
      %dma_start3A_94 = tpu.memref_squeeze %dma_start3A_93 : memref<1x128xi32, #tpu.memory_space<vmem>> -> memref<128xi32, #tpu.memory_space<vmem>>
      %dma_start3A_95 = arith.constant 0 : i32
      %dma_start3A_96 = arith.constant 0 : i32
      %dma_start3A_97 = tpu.memref_slice %arg2[%dma_start3A_95, %dma_start3A_96] : memref<100000x128xf32, #tpu.memory_space<hbm>> -> memref<100000x128xf32, #tpu.memory_space<hbm>>
      tpu.enqueue_indirect_dma source(%dma_start3A_97 : memref<100000x128xf32, #tpu.memory_space<hbm>>) target(%arg9 : memref<128x128xf32, #tpu.memory_space<vmem>>) offsets(%dma_start3A_94 : memref<128xi32, #tpu.memory_space<vmem>>) semaphore(%arg14 : memref<!tpu.dma_semaphore, #tpu.memory_space<semaphore_mem>>)
      %dma_wait3A_98 = arith.constant 4 : i32
      %dma_wait3A_99 = arith.constant 0 : i32
      %dma_wait3A_100 = tpu.memref_slice %arg5[%dma_wait3A_98, %dma_wait3A_99] : memref<22x128xi32, #tpu.memory_space<vmem>> -> memref<1x128xi32, #tpu.memory_space<vmem>>
      %dma_wait3A_101 = tpu.memref_squeeze %dma_wait3A_100 : memref<1x128xi32, #tpu.memory_space<vmem>> -> memref<128xi32, #tpu.memory_space<vmem>>
      %dma_wait3A_102 = arith.constant 0 : i32
      %dma_wait3A_103 = arith.constant 0 : i32
      %dma_wait3A_104 = tpu.memref_slice %arg2[%dma_wait3A_102, %dma_wait3A_103] : memref<100000x128xf32, #tpu.memory_space<hbm>> -> memref<100000x128xf32, #tpu.memory_space<hbm>>
      tpu.wait_indirect_dma semaphore(%arg12 : memref<!tpu.dma_semaphore, #tpu.memory_space<semaphore_mem>>) src(%dma_wait3A_104 : memref<100000x128xf32, #tpu.memory_space<hbm>>) dst(%arg7 : memref<128x128xf32, #tpu.memory_space<vmem>>)
      %parallel_loop3A_105 = arith.constant 0 : i32
      %parallel_loop3A_106 = arith.constant 128 : i32
      %parallel_loop3A_107 = arith.constant 1 : i32
      scf.for %parallel_loop3A_383 = %parallel_loop3A_105 to %parallel_loop3A_106 step %parallel_loop3A_107  : i32 {
        %parallel_loop3A_384 = arith.index_cast %parallel_loop3A_383 : i32 to index
        %parallel_loop3A_385 = arith.constant 0 : index
        %parallel_loop3A_386 = tpu.vector_load %arg6[%parallel_loop3A_384, %parallel_loop3A_385] {strides = array<i32>} : memref<128x128xf32, #tpu.memory_space<vmem>>, vector<16xf32>,
        %parallel_loop3A_387 = arith.index_cast %parallel_loop3A_383 : i32 to index
        %parallel_loop3A_388 = arith.constant 0 : index
        %parallel_loop3A_389 = tpu.vector_load %arg7[%parallel_loop3A_387, %parallel_loop3A_388] {strides = array<i32>} : memref<128x128xf32, #tpu.memory_space<vmem>>, vector<16xf32>,
        %parallel_loop3A_390 = arith.mulf %parallel_loop3A_386, %parallel_loop3A_389 : vector<16xf32>
        %parallel_loop3A_391 = arith.index_cast %parallel_loop3A_383 : i32 to index
        %parallel_loop3A_392 = arith.constant 16 : index
        %parallel_loop3A_393 = tpu.vector_load %arg6[%parallel_loop3A_391, %parallel_loop3A_392] {strides = array<i32>} : memref<128x128xf32, #tpu.memory_space<vmem>>, vector<16xf32>,
        %parallel_loop3A_394 = arith.index_cast %parallel_loop3A_383 : i32 to index
        %parallel_loop3A_395 = arith.constant 16 : index
        %parallel_loop3A_396 = tpu.vector_load %arg7[%parallel_loop3A_394, %parallel_loop3A_395] {strides = array<i32>} : memref<128x128xf32, #tpu.memory_space<vmem>>, vector<16xf32>,
        %parallel_loop3A_397 = arith.mulf %parallel_loop3A_393, %parallel_loop3A_396 : vector<16xf32>
        %parallel_loop3A_398 = arith.addf %parallel_loop3A_390, %parallel_loop3A_397 : vector<16xf32>
        %parallel_loop3A_399 = arith.index_cast %parallel_loop3A_383 : i32 to index
        %parallel_loop3A_400 = arith.constant 32 : index
        %parallel_loop3A_401 = tpu.vector_load %arg6[%parallel_loop3A_399, %parallel_loop3A_400] {strides = array<i32>} : memref<128x128xf32, #tpu.memory_space<vmem>>, vector<16xf32>,
        %parallel_loop3A_402 = arith.index_cast %parallel_loop3A_383 : i32 to index
        %parallel_loop3A_403 = arith.constant 32 : index
        %parallel_loop3A_404 = tpu.vector_load %arg7[%parallel_loop3A_402, %parallel_loop3A_403] {strides = array<i32>} : memref<128x128xf32, #tpu.memory_space<vmem>>, vector<16xf32>,
        %parallel_loop3A_405 = arith.mulf %parallel_loop3A_401, %parallel_loop3A_404 : vector<16xf32>
        %parallel_loop3A_406 = arith.addf %parallel_loop3A_398, %parallel_loop3A_405 : vector<16xf32>
        %parallel_loop3A_407 = arith.index_cast %parallel_loop3A_383 : i32 to index
        %parallel_loop3A_408 = arith.constant 48 : index
        %parallel_loop3A_409 = tpu.vector_load %arg6[%parallel_loop3A_407, %parallel_loop3A_408] {strides = array<i32>} : memref<128x128xf32, #tpu.memory_space<vmem>>, vector<16xf32>,
        %parallel_loop3A_410 = arith.index_cast %parallel_loop3A_383 : i32 to index
        %parallel_loop3A_411 = arith.constant 48 : index
        %parallel_loop3A_412 = tpu.vector_load %arg7[%parallel_loop3A_410, %parallel_loop3A_411] {strides = array<i32>} : memref<128x128xf32, #tpu.memory_space<vmem>>, vector<16xf32>,
        %parallel_loop3A_413 = arith.mulf %parallel_loop3A_409, %parallel_loop3A_412 : vector<16xf32>
        %parallel_loop3A_414 = arith.addf %parallel_loop3A_406, %parallel_loop3A_413 : vector<16xf32>
        %parallel_loop3A_415 = arith.index_cast %parallel_loop3A_383 : i32 to index
        %parallel_loop3A_416 = arith.constant 64 : index
        %parallel_loop3A_417 = tpu.vector_load %arg6[%parallel_loop3A_415, %parallel_loop3A_416] {strides = array<i32>} : memref<128x128xf32, #tpu.memory_space<vmem>>, vector<16xf32>,
        %parallel_loop3A_418 = arith.index_cast %parallel_loop3A_383 : i32 to index
        %parallel_loop3A_419 = arith.constant 64 : index
        %parallel_loop3A_420 = tpu.vector_load %arg7[%parallel_loop3A_418, %parallel_loop3A_419] {strides = array<i32>} : memref<128x128xf32, #tpu.memory_space<vmem>>, vector<16xf32>,
        %parallel_loop3A_421 = arith.mulf %parallel_loop3A_417, %parallel_loop3A_420 : vector<16xf32>
        %parallel_loop3A_422 = arith.addf %parallel_loop3A_414, %parallel_loop3A_421 : vector<16xf32>
        %parallel_loop3A_423 = arith.index_cast %parallel_loop3A_383 : i32 to index
        %parallel_loop3A_424 = arith.constant 80 : index
        %parallel_loop3A_425 = tpu.vector_load %arg6[%parallel_loop3A_423, %parallel_loop3A_424] {strides = array<i32>} : memref<128x128xf32, #tpu.memory_space<vmem>>, vector<16xf32>,
        %parallel_loop3A_426 = arith.index_cast %parallel_loop3A_383 : i32 to index
        %parallel_loop3A_427 = arith.constant 80 : index
        %parallel_loop3A_428 = tpu.vector_load %arg7[%parallel_loop3A_426, %parallel_loop3A_427] {strides = array<i32>} : memref<128x128xf32, #tpu.memory_space<vmem>>, vector<16xf32>,
        %parallel_loop3A_429 = arith.mulf %parallel_loop3A_425, %parallel_loop3A_428 : vector<16xf32>
        %parallel_loop3A_430 = arith.addf %parallel_loop3A_422, %parallel_loop3A_429 : vector<16xf32>
        %parallel_loop3A_431 = arith.index_cast %parallel_loop3A_383 : i32 to index
        %parallel_loop3A_432 = arith.constant 96 : index
        %parallel_loop3A_433 = tpu.vector_load %arg6[%parallel_loop3A_431, %parallel_loop3A_432] {strides = array<i32>} : memref<128x128xf32, #tpu.memory_space<vmem>>, vector<16xf32>,
        %parallel_loop3A_434 = arith.index_cast %parallel_loop3A_383 : i32 to index
        %parallel_loop3A_435 = arith.constant 96 : index
        %parallel_loop3A_436 = tpu.vector_load %arg7[%parallel_loop3A_434, %parallel_loop3A_435] {strides = array<i32>} : memref<128x128xf32, #tpu.memory_space<vmem>>, vector<16xf32>,
        %parallel_loop3A_437 = arith.mulf %parallel_loop3A_433, %parallel_loop3A_436 : vector<16xf32>
        %parallel_loop3A_438 = arith.addf %parallel_loop3A_430, %parallel_loop3A_437 : vector<16xf32>
        %parallel_loop3A_439 = arith.index_cast %parallel_loop3A_383 : i32 to index
        %parallel_loop3A_440 = arith.constant 112 : index
        %parallel_loop3A_441 = tpu.vector_load %arg6[%parallel_loop3A_439, %parallel_loop3A_440] {strides = array<i32>} : memref<128x128xf32, #tpu.memory_space<vmem>>, vector<16xf32>,
        %parallel_loop3A_442 = arith.index_cast %parallel_loop3A_383 : i32 to index
        %parallel_loop3A_443 = arith.constant 112 : index
        %parallel_loop3A_444 = tpu.vector_load %arg7[%parallel_loop3A_442, %parallel_loop3A_443] {strides = array<i32>} : memref<128x128xf32, #tpu.memory_space<vmem>>, vector<16xf32>,
        %parallel_loop3A_445 = arith.mulf %parallel_loop3A_441, %parallel_loop3A_444 : vector<16xf32>
        %parallel_loop3A_446 = arith.addf %parallel_loop3A_438, %parallel_loop3A_445 : vector<16xf32>
        %parallel_loop3A_447 = arith.index_cast %parallel_loop3A_383 : i32 to index
        %parallel_loop3A_448 = arith.constant 48 : index
        %parallel_loop3A_449 = tpu.vector_load %arg10[%parallel_loop3A_447, %parallel_loop3A_448] {strides = array<i32>} : memref<128x336xf32, #tpu.memory_space<vmem>>, vector<16xf32>,
        tpu.vector_store %arg10[%parallel_loop3A_447, %parallel_loop3A_448], %parallel_loop3A_446 {strides = array<i32>} : memref<128x336xf32, #tpu.memory_space<vmem>>, vector<16xf32>,
      } {sc.loop_unroll_factor = 2 : i64, sc.parallel_access}
      %dma_start3A_108 = arith.constant 7 : i32
      %dma_start3A_109 = arith.constant 0 : i32
      %dma_start3A_110 = tpu.memref_slice %arg5[%dma_start3A_108, %dma_start3A_109] : memref<22x128xi32, #tpu.memory_space<vmem>> -> memref<1x128xi32, #tpu.memory_space<vmem>>
      %dma_start3A_111 = tpu.memref_squeeze %dma_start3A_110 : memref<1x128xi32, #tpu.memory_space<vmem>> -> memref<128xi32, #tpu.memory_space<vmem>>
      %dma_start3A_112 = arith.constant 0 : i32
      %dma_start3A_113 = arith.constant 0 : i32
      %dma_start3A_114 = tpu.memref_slice %arg2[%dma_start3A_112, %dma_start3A_113] : memref<100000x128xf32, #tpu.memory_space<hbm>> -> memref<100000x128xf32, #tpu.memory_space<hbm>>
      tpu.enqueue_indirect_dma source(%dma_start3A_114 : memref<100000x128xf32, #tpu.memory_space<hbm>>) target(%arg7 : memref<128x128xf32, #tpu.memory_space<vmem>>) offsets(%dma_start3A_111 : memref<128xi32, #tpu.memory_space<vmem>>) semaphore(%arg12 : memref<!tpu.dma_semaphore, #tpu.memory_space<semaphore_mem>>)
      %dma_wait3A_115 = arith.constant 5 : i32
      %dma_wait3A_116 = arith.constant 0 : i32
      %dma_wait3A_117 = tpu.memref_slice %arg5[%dma_wait3A_115, %dma_wait3A_116] : memref<22x128xi32, #tpu.memory_space<vmem>> -> memref<1x128xi32, #tpu.memory_space<vmem>>
      %dma_wait3A_118 = tpu.memref_squeeze %dma_wait3A_117 : memref<1x128xi32, #tpu.memory_space<vmem>> -> memref<128xi32, #tpu.memory_space<vmem>>
      %dma_wait3A_119 = arith.constant 0 : i32
      %dma_wait3A_120 = arith.constant 0 : i32
      %dma_wait3A_121 = tpu.memref_slice %arg2[%dma_wait3A_119, %dma_wait3A_120] : memref<100000x128xf32, #tpu.memory_space<hbm>> -> memref<100000x128xf32, #tpu.memory_space<hbm>>
      tpu.wait_indirect_dma semaphore(%arg13 : memref<!tpu.dma_semaphore, #tpu.memory_space<semaphore_mem>>) src(%dma_wait3A_121 : memref<100000x128xf32, #tpu.memory_space<hbm>>) dst(%arg8 : memref<128x128xf32, #tpu.memory_space<vmem>>)
      %parallel_loop3A_122 = arith.constant 0 : i32
      %parallel_loop3A_123 = arith.constant 128 : i32
      %parallel_loop3A_124 = arith.constant 1 : i32
      scf.for %parallel_loop3A_383 = %parallel_loop3A_122 to %parallel_loop3A_123 step %parallel_loop3A_124  : i32 {
        %parallel_loop3A_384 = arith.index_cast %parallel_loop3A_383 : i32 to index
        %parallel_loop3A_385 = arith.constant 0 : index
        %parallel_loop3A_386 = tpu.vector_load %arg6[%parallel_loop3A_384, %parallel_loop3A_385] {strides = array<i32>} : memref<128x128xf32, #tpu.memory_space<vmem>>, vector<16xf32>,
        %parallel_loop3A_387 = arith.index_cast %parallel_loop3A_383 : i32 to index
        %parallel_loop3A_388 = arith.constant 0 : index
        %parallel_loop3A_389 = tpu.vector_load %arg8[%parallel_loop3A_387, %parallel_loop3A_388] {strides = array<i32>} : memref<128x128xf32, #tpu.memory_space<vmem>>, vector<16xf32>,
        %parallel_loop3A_390 = arith.mulf %parallel_loop3A_386, %parallel_loop3A_389 : vector<16xf32>
        %parallel_loop3A_391 = arith.index_cast %parallel_loop3A_383 : i32 to index
        %parallel_loop3A_392 = arith.constant 16 : index
        %parallel_loop3A_393 = tpu.vector_load %arg6[%parallel_loop3A_391, %parallel_loop3A_392] {strides = array<i32>} : memref<128x128xf32, #tpu.memory_space<vmem>>, vector<16xf32>,
        %parallel_loop3A_394 = arith.index_cast %parallel_loop3A_383 : i32 to index
        %parallel_loop3A_395 = arith.constant 16 : index
        %parallel_loop3A_396 = tpu.vector_load %arg8[%parallel_loop3A_394, %parallel_loop3A_395] {strides = array<i32>} : memref<128x128xf32, #tpu.memory_space<vmem>>, vector<16xf32>,
        %parallel_loop3A_397 = arith.mulf %parallel_loop3A_393, %parallel_loop3A_396 : vector<16xf32>
        %parallel_loop3A_398 = arith.addf %parallel_loop3A_390, %parallel_loop3A_397 : vector<16xf32>
        %parallel_loop3A_399 = arith.index_cast %parallel_loop3A_383 : i32 to index
        %parallel_loop3A_400 = arith.constant 32 : index
        %parallel_loop3A_401 = tpu.vector_load %arg6[%parallel_loop3A_399, %parallel_loop3A_400] {strides = array<i32>} : memref<128x128xf32, #tpu.memory_space<vmem>>, vector<16xf32>,
        %parallel_loop3A_402 = arith.index_cast %parallel_loop3A_383 : i32 to index
        %parallel_loop3A_403 = arith.constant 32 : index
        %parallel_loop3A_404 = tpu.vector_load %arg8[%parallel_loop3A_402, %parallel_loop3A_403] {strides = array<i32>} : memref<128x128xf32, #tpu.memory_space<vmem>>, vector<16xf32>,
        %parallel_loop3A_405 = arith.mulf %parallel_loop3A_401, %parallel_loop3A_404 : vector<16xf32>
        %parallel_loop3A_406 = arith.addf %parallel_loop3A_398, %parallel_loop3A_405 : vector<16xf32>
        %parallel_loop3A_407 = arith.index_cast %parallel_loop3A_383 : i32 to index
        %parallel_loop3A_408 = arith.constant 48 : index
        %parallel_loop3A_409 = tpu.vector_load %arg6[%parallel_loop3A_407, %parallel_loop3A_408] {strides = array<i32>} : memref<128x128xf32, #tpu.memory_space<vmem>>, vector<16xf32>,
        %parallel_loop3A_410 = arith.index_cast %parallel_loop3A_383 : i32 to index
        %parallel_loop3A_411 = arith.constant 48 : index
        %parallel_loop3A_412 = tpu.vector_load %arg8[%parallel_loop3A_410, %parallel_loop3A_411] {strides = array<i32>} : memref<128x128xf32, #tpu.memory_space<vmem>>, vector<16xf32>,
        %parallel_loop3A_413 = arith.mulf %parallel_loop3A_409, %parallel_loop3A_412 : vector<16xf32>
        %parallel_loop3A_414 = arith.addf %parallel_loop3A_406, %parallel_loop3A_413 : vector<16xf32>
        %parallel_loop3A_415 = arith.index_cast %parallel_loop3A_383 : i32 to index
        %parallel_loop3A_416 = arith.constant 64 : index
        %parallel_loop3A_417 = tpu.vector_load %arg6[%parallel_loop3A_415, %parallel_loop3A_416] {strides = array<i32>} : memref<128x128xf32, #tpu.memory_space<vmem>>, vector<16xf32>,
        %parallel_loop3A_418 = arith.index_cast %parallel_loop3A_383 : i32 to index
        %parallel_loop3A_419 = arith.constant 64 : index
        %parallel_loop3A_420 = tpu.vector_load %arg8[%parallel_loop3A_418, %parallel_loop3A_419] {strides = array<i32>} : memref<128x128xf32, #tpu.memory_space<vmem>>, vector<16xf32>,
        %parallel_loop3A_421 = arith.mulf %parallel_loop3A_417, %parallel_loop3A_420 : vector<16xf32>
        %parallel_loop3A_422 = arith.addf %parallel_loop3A_414, %parallel_loop3A_421 : vector<16xf32>
        %parallel_loop3A_423 = arith.index_cast %parallel_loop3A_383 : i32 to index
        %parallel_loop3A_424 = arith.constant 80 : index
        %parallel_loop3A_425 = tpu.vector_load %arg6[%parallel_loop3A_423, %parallel_loop3A_424] {strides = array<i32>} : memref<128x128xf32, #tpu.memory_space<vmem>>, vector<16xf32>,
        %parallel_loop3A_426 = arith.index_cast %parallel_loop3A_383 : i32 to index
        %parallel_loop3A_427 = arith.constant 80 : index
        %parallel_loop3A_428 = tpu.vector_load %arg8[%parallel_loop3A_426, %parallel_loop3A_427] {strides = array<i32>} : memref<128x128xf32, #tpu.memory_space<vmem>>, vector<16xf32>,
        %parallel_loop3A_429 = arith.mulf %parallel_loop3A_425, %parallel_loop3A_428 : vector<16xf32>
        %parallel_loop3A_430 = arith.addf %parallel_loop3A_422, %parallel_loop3A_429 : vector<16xf32>
        %parallel_loop3A_431 = arith.index_cast %parallel_loop3A_383 : i32 to index
        %parallel_loop3A_432 = arith.constant 96 : index
        %parallel_loop3A_433 = tpu.vector_load %arg6[%parallel_loop3A_431, %parallel_loop3A_432] {strides = array<i32>} : memref<128x128xf32, #tpu.memory_space<vmem>>, vector<16xf32>,
        %parallel_loop3A_434 = arith.index_cast %parallel_loop3A_383 : i32 to index
        %parallel_loop3A_435 = arith.constant 96 : index
        %parallel_loop3A_436 = tpu.vector_load %arg8[%parallel_loop3A_434, %parallel_loop3A_435] {strides = array<i32>} : memref<128x128xf32, #tpu.memory_space<vmem>>, vector<16xf32>,
        %parallel_loop3A_437 = arith.mulf %parallel_loop3A_433, %parallel_loop3A_436 : vector<16xf32>
        %parallel_loop3A_438 = arith.addf %parallel_loop3A_430, %parallel_loop3A_437 : vector<16xf32>
        %parallel_loop3A_439 = arith.index_cast %parallel_loop3A_383 : i32 to index
        %parallel_loop3A_440 = arith.constant 112 : index
        %parallel_loop3A_441 = tpu.vector_load %arg6[%parallel_loop3A_439, %parallel_loop3A_440] {strides = array<i32>} : memref<128x128xf32, #tpu.memory_space<vmem>>, vector<16xf32>,
        %parallel_loop3A_442 = arith.index_cast %parallel_loop3A_383 : i32 to index
        %parallel_loop3A_443 = arith.constant 112 : index
        %parallel_loop3A_444 = tpu.vector_load %arg8[%parallel_loop3A_442, %parallel_loop3A_443] {strides = array<i32>} : memref<128x128xf32, #tpu.memory_space<vmem>>, vector<16xf32>,
        %parallel_loop3A_445 = arith.mulf %parallel_loop3A_441, %parallel_loop3A_444 : vector<16xf32>
        %parallel_loop3A_446 = arith.addf %parallel_loop3A_438, %parallel_loop3A_445 : vector<16xf32>
        %parallel_loop3A_447 = arith.index_cast %parallel_loop3A_383 : i32 to index
        %parallel_loop3A_448 = arith.constant 64 : index
        %parallel_loop3A_449 = tpu.vector_load %arg10[%parallel_loop3A_447, %parallel_loop3A_448] {strides = array<i32>} : memref<128x336xf32, #tpu.memory_space<vmem>>, vector<16xf32>,
        tpu.vector_store %arg10[%parallel_loop3A_447, %parallel_loop3A_448], %parallel_loop3A_446 {strides = array<i32>} : memref<128x336xf32, #tpu.memory_space<vmem>>, vector<16xf32>,
      } {sc.loop_unroll_factor = 2 : i64, sc.parallel_access}
      %dma_start3A_125 = arith.constant 8 : i32
      %dma_start3A_126 = arith.constant 0 : i32
      %dma_start3A_127 = tpu.memref_slice %arg5[%dma_start3A_125, %dma_start3A_126] : memref<22x128xi32, #tpu.memory_space<vmem>> -> memref<1x128xi32, #tpu.memory_space<vmem>>
      %dma_start3A_128 = tpu.memref_squeeze %dma_start3A_127 : memref<1x128xi32, #tpu.memory_space<vmem>> -> memref<128xi32, #tpu.memory_space<vmem>>
      %dma_start3A_129 = arith.constant 0 : i32
      %dma_start3A_130 = arith.constant 0 : i32
      %dma_start3A_131 = tpu.memref_slice %arg2[%dma_start3A_129, %dma_start3A_130] : memref<100000x128xf32, #tpu.memory_space<hbm>> -> memref<100000x128xf32, #tpu.memory_space<hbm>>
      tpu.enqueue_indirect_dma source(%dma_start3A_131 : memref<100000x128xf32, #tpu.memory_space<hbm>>) target(%arg8 : memref<128x128xf32, #tpu.memory_space<vmem>>) offsets(%dma_start3A_128 : memref<128xi32, #tpu.memory_space<vmem>>) semaphore(%arg13 : memref<!tpu.dma_semaphore, #tpu.memory_space<semaphore_mem>>)
      %dma_wait3A_132 = arith.constant 6 : i32
      %dma_wait3A_133 = arith.constant 0 : i32
      %dma_wait3A_134 = tpu.memref_slice %arg5[%dma_wait3A_132, %dma_wait3A_133] : memref<22x128xi32, #tpu.memory_space<vmem>> -> memref<1x128xi32, #tpu.memory_space<vmem>>
      %dma_wait3A_135 = tpu.memref_squeeze %dma_wait3A_134 : memref<1x128xi32, #tpu.memory_space<vmem>> -> memref<128xi32, #tpu.memory_space<vmem>>
      %dma_wait3A_136 = arith.constant 0 : i32
      %dma_wait3A_137 = arith.constant 0 : i32
      %dma_wait3A_138 = tpu.memref_slice %arg2[%dma_wait3A_136, %dma_wait3A_137] : memref<100000x128xf32, #tpu.memory_space<hbm>> -> memref<100000x128xf32, #tpu.memory_space<hbm>>
      tpu.wait_indirect_dma semaphore(%arg14 : memref<!tpu.dma_semaphore, #tpu.memory_space<semaphore_mem>>) src(%dma_wait3A_138 : memref<100000x128xf32, #tpu.memory_space<hbm>>) dst(%arg9 : memref<128x128xf32, #tpu.memory_space<vmem>>)
      %parallel_loop3A_139 = arith.constant 0 : i32
      %parallel_loop3A_140 = arith.constant 128 : i32
      %parallel_loop3A_141 = arith.constant 1 : i32
      scf.for %parallel_loop3A_383 = %parallel_loop3A_139 to %parallel_loop3A_140 step %parallel_loop3A_141  : i32 {
        %parallel_loop3A_384 = arith.index_cast %parallel_loop3A_383 : i32 to index
        %parallel_loop3A_385 = arith.constant 0 : index
        %parallel_loop3A_386 = tpu.vector_load %arg6[%parallel_loop3A_384, %parallel_loop3A_385] {strides = array<i32>} : memref<128x128xf32, #tpu.memory_space<vmem>>, vector<16xf32>,
        %parallel_loop3A_387 = arith.index_cast %parallel_loop3A_383 : i32 to index
        %parallel_loop3A_388 = arith.constant 0 : index
        %parallel_loop3A_389 = tpu.vector_load %arg9[%parallel_loop3A_387, %parallel_loop3A_388] {strides = array<i32>} : memref<128x128xf32, #tpu.memory_space<vmem>>, vector<16xf32>,
        %parallel_loop3A_390 = arith.mulf %parallel_loop3A_386, %parallel_loop3A_389 : vector<16xf32>
        %parallel_loop3A_391 = arith.index_cast %parallel_loop3A_383 : i32 to index
        %parallel_loop3A_392 = arith.constant 16 : index
        %parallel_loop3A_393 = tpu.vector_load %arg6[%parallel_loop3A_391, %parallel_loop3A_392] {strides = array<i32>} : memref<128x128xf32, #tpu.memory_space<vmem>>, vector<16xf32>,
        %parallel_loop3A_394 = arith.index_cast %parallel_loop3A_383 : i32 to index
        %parallel_loop3A_395 = arith.constant 16 : index
        %parallel_loop3A_396 = tpu.vector_load %arg9[%parallel_loop3A_394, %parallel_loop3A_395] {strides = array<i32>} : memref<128x128xf32, #tpu.memory_space<vmem>>, vector<16xf32>,
        %parallel_loop3A_397 = arith.mulf %parallel_loop3A_393, %parallel_loop3A_396 : vector<16xf32>
        %parallel_loop3A_398 = arith.addf %parallel_loop3A_390, %parallel_loop3A_397 : vector<16xf32>
        %parallel_loop3A_399 = arith.index_cast %parallel_loop3A_383 : i32 to index
        %parallel_loop3A_400 = arith.constant 32 : index
        %parallel_loop3A_401 = tpu.vector_load %arg6[%parallel_loop3A_399, %parallel_loop3A_400] {strides = array<i32>} : memref<128x128xf32, #tpu.memory_space<vmem>>, vector<16xf32>,
        %parallel_loop3A_402 = arith.index_cast %parallel_loop3A_383 : i32 to index
        %parallel_loop3A_403 = arith.constant 32 : index
        %parallel_loop3A_404 = tpu.vector_load %arg9[%parallel_loop3A_402, %parallel_loop3A_403] {strides = array<i32>} : memref<128x128xf32, #tpu.memory_space<vmem>>, vector<16xf32>,
        %parallel_loop3A_405 = arith.mulf %parallel_loop3A_401, %parallel_loop3A_404 : vector<16xf32>
        %parallel_loop3A_406 = arith.addf %parallel_loop3A_398, %parallel_loop3A_405 : vector<16xf32>
        %parallel_loop3A_407 = arith.index_cast %parallel_loop3A_383 : i32 to index
        %parallel_loop3A_408 = arith.constant 48 : index
        %parallel_loop3A_409 = tpu.vector_load %arg6[%parallel_loop3A_407, %parallel_loop3A_408] {strides = array<i32>} : memref<128x128xf32, #tpu.memory_space<vmem>>, vector<16xf32>,
        %parallel_loop3A_410 = arith.index_cast %parallel_loop3A_383 : i32 to index
        %parallel_loop3A_411 = arith.constant 48 : index
        %parallel_loop3A_412 = tpu.vector_load %arg9[%parallel_loop3A_410, %parallel_loop3A_411] {strides = array<i32>} : memref<128x128xf32, #tpu.memory_space<vmem>>, vector<16xf32>,
        %parallel_loop3A_413 = arith.mulf %parallel_loop3A_409, %parallel_loop3A_412 : vector<16xf32>
        %parallel_loop3A_414 = arith.addf %parallel_loop3A_406, %parallel_loop3A_413 : vector<16xf32>
        %parallel_loop3A_415 = arith.index_cast %parallel_loop3A_383 : i32 to index
        %parallel_loop3A_416 = arith.constant 64 : index
        %parallel_loop3A_417 = tpu.vector_load %arg6[%parallel_loop3A_415, %parallel_loop3A_416] {strides = array<i32>} : memref<128x128xf32, #tpu.memory_space<vmem>>, vector<16xf32>,
        %parallel_loop3A_418 = arith.index_cast %parallel_loop3A_383 : i32 to index
        %parallel_loop3A_419 = arith.constant 64 : index
        %parallel_loop3A_420 = tpu.vector_load %arg9[%parallel_loop3A_418, %parallel_loop3A_419] {strides = array<i32>} : memref<128x128xf32, #tpu.memory_space<vmem>>, vector<16xf32>,
        %parallel_loop3A_421 = arith.mulf %parallel_loop3A_417, %parallel_loop3A_420 : vector<16xf32>
        %parallel_loop3A_422 = arith.addf %parallel_loop3A_414, %parallel_loop3A_421 : vector<16xf32>
        %parallel_loop3A_423 = arith.index_cast %parallel_loop3A_383 : i32 to index
        %parallel_loop3A_424 = arith.constant 80 : index
        %parallel_loop3A_425 = tpu.vector_load %arg6[%parallel_loop3A_423, %parallel_loop3A_424] {strides = array<i32>} : memref<128x128xf32, #tpu.memory_space<vmem>>, vector<16xf32>,
        %parallel_loop3A_426 = arith.index_cast %parallel_loop3A_383 : i32 to index
        %parallel_loop3A_427 = arith.constant 80 : index
        %parallel_loop3A_428 = tpu.vector_load %arg9[%parallel_loop3A_426, %parallel_loop3A_427] {strides = array<i32>} : memref<128x128xf32, #tpu.memory_space<vmem>>, vector<16xf32>,
        %parallel_loop3A_429 = arith.mulf %parallel_loop3A_425, %parallel_loop3A_428 : vector<16xf32>
        %parallel_loop3A_430 = arith.addf %parallel_loop3A_422, %parallel_loop3A_429 : vector<16xf32>
        %parallel_loop3A_431 = arith.index_cast %parallel_loop3A_383 : i32 to index
        %parallel_loop3A_432 = arith.constant 96 : index
        %parallel_loop3A_433 = tpu.vector_load %arg6[%parallel_loop3A_431, %parallel_loop3A_432] {strides = array<i32>} : memref<128x128xf32, #tpu.memory_space<vmem>>, vector<16xf32>,
        %parallel_loop3A_434 = arith.index_cast %parallel_loop3A_383 : i32 to index
        %parallel_loop3A_435 = arith.constant 96 : index
        %parallel_loop3A_436 = tpu.vector_load %arg9[%parallel_loop3A_434, %parallel_loop3A_435] {strides = array<i32>} : memref<128x128xf32, #tpu.memory_space<vmem>>, vector<16xf32>,
        %parallel_loop3A_437 = arith.mulf %parallel_loop3A_433, %parallel_loop3A_436 : vector<16xf32>
        %parallel_loop3A_438 = arith.addf %parallel_loop3A_430, %parallel_loop3A_437 : vector<16xf32>
        %parallel_loop3A_439 = arith.index_cast %parallel_loop3A_383 : i32 to index
        %parallel_loop3A_440 = arith.constant 112 : index
        %parallel_loop3A_441 = tpu.vector_load %arg6[%parallel_loop3A_439, %parallel_loop3A_440] {strides = array<i32>} : memref<128x128xf32, #tpu.memory_space<vmem>>, vector<16xf32>,
        %parallel_loop3A_442 = arith.index_cast %parallel_loop3A_383 : i32 to index
        %parallel_loop3A_443 = arith.constant 112 : index
        %parallel_loop3A_444 = tpu.vector_load %arg9[%parallel_loop3A_442, %parallel_loop3A_443] {strides = array<i32>} : memref<128x128xf32, #tpu.memory_space<vmem>>, vector<16xf32>,
        %parallel_loop3A_445 = arith.mulf %parallel_loop3A_441, %parallel_loop3A_444 : vector<16xf32>
        %parallel_loop3A_446 = arith.addf %parallel_loop3A_438, %parallel_loop3A_445 : vector<16xf32>
        %parallel_loop3A_447 = arith.index_cast %parallel_loop3A_383 : i32 to index
        %parallel_loop3A_448 = arith.constant 80 : index
        %parallel_loop3A_449 = tpu.vector_load %arg10[%parallel_loop3A_447, %parallel_loop3A_448] {strides = array<i32>} : memref<128x336xf32, #tpu.memory_space<vmem>>, vector<16xf32>,
        tpu.vector_store %arg10[%parallel_loop3A_447, %parallel_loop3A_448], %parallel_loop3A_446 {strides = array<i32>} : memref<128x336xf32, #tpu.memory_space<vmem>>, vector<16xf32>,
      } {sc.loop_unroll_factor = 2 : i64, sc.parallel_access}
      %dma_start3A_142 = arith.constant 9 : i32
      %dma_start3A_143 = arith.constant 0 : i32
      %dma_start3A_144 = tpu.memref_slice %arg5[%dma_start3A_142, %dma_start3A_143] : memref<22x128xi32, #tpu.memory_space<vmem>> -> memref<1x128xi32, #tpu.memory_space<vmem>>
      %dma_start3A_145 = tpu.memref_squeeze %dma_start3A_144 : memref<1x128xi32, #tpu.memory_space<vmem>> -> memref<128xi32, #tpu.memory_space<vmem>>
      %dma_start3A_146 = arith.constant 0 : i32
      %dma_start3A_147 = arith.constant 0 : i32
      %dma_start3A_148 = tpu.memref_slice %arg2[%dma_start3A_146, %dma_start3A_147] : memref<100000x128xf32, #tpu.memory_space<hbm>> -> memref<100000x128xf32, #tpu.memory_space<hbm>>
      tpu.enqueue_indirect_dma source(%dma_start3A_148 : memref<100000x128xf32, #tpu.memory_space<hbm>>) target(%arg9 : memref<128x128xf32, #tpu.memory_space<vmem>>) offsets(%dma_start3A_145 : memref<128xi32, #tpu.memory_space<vmem>>) semaphore(%arg14 : memref<!tpu.dma_semaphore, #tpu.memory_space<semaphore_mem>>)
      %dma_wait3A_149 = arith.constant 7 : i32
      %dma_wait3A_150 = arith.constant 0 : i32
      %dma_wait3A_151 = tpu.memref_slice %arg5[%dma_wait3A_149, %dma_wait3A_150] : memref<22x128xi32, #tpu.memory_space<vmem>> -> memref<1x128xi32, #tpu.memory_space<vmem>>
      %dma_wait3A_152 = tpu.memref_squeeze %dma_wait3A_151 : memref<1x128xi32, #tpu.memory_space<vmem>> -> memref<128xi32, #tpu.memory_space<vmem>>
      %dma_wait3A_153 = arith.constant 0 : i32
      %dma_wait3A_154 = arith.constant 0 : i32
      %dma_wait3A_155 = tpu.memref_slice %arg2[%dma_wait3A_153, %dma_wait3A_154] : memref<100000x128xf32, #tpu.memory_space<hbm>> -> memref<100000x128xf32, #tpu.memory_space<hbm>>
      tpu.wait_indirect_dma semaphore(%arg12 : memref<!tpu.dma_semaphore, #tpu.memory_space<semaphore_mem>>) src(%dma_wait3A_155 : memref<100000x128xf32, #tpu.memory_space<hbm>>) dst(%arg7 : memref<128x128xf32, #tpu.memory_space<vmem>>)
      %parallel_loop3A_156 = arith.constant 0 : i32
      %parallel_loop3A_157 = arith.constant 128 : i32
      %parallel_loop3A_158 = arith.constant 1 : i32
      scf.for %parallel_loop3A_383 = %parallel_loop3A_156 to %parallel_loop3A_157 step %parallel_loop3A_158  : i32 {
        %parallel_loop3A_384 = arith.index_cast %parallel_loop3A_383 : i32 to index
        %parallel_loop3A_385 = arith.constant 0 : index
        %parallel_loop3A_386 = tpu.vector_load %arg6[%parallel_loop3A_384, %parallel_loop3A_385] {strides = array<i32>} : memref<128x128xf32, #tpu.memory_space<vmem>>, vector<16xf32>,
        %parallel_loop3A_387 = arith.index_cast %parallel_loop3A_383 : i32 to index
        %parallel_loop3A_388 = arith.constant 0 : index
        %parallel_loop3A_389 = tpu.vector_load %arg7[%parallel_loop3A_387, %parallel_loop3A_388] {strides = array<i32>} : memref<128x128xf32, #tpu.memory_space<vmem>>, vector<16xf32>,
        %parallel_loop3A_390 = arith.mulf %parallel_loop3A_386, %parallel_loop3A_389 : vector<16xf32>
        %parallel_loop3A_391 = arith.index_cast %parallel_loop3A_383 : i32 to index
        %parallel_loop3A_392 = arith.constant 16 : index
        %parallel_loop3A_393 = tpu.vector_load %arg6[%parallel_loop3A_391, %parallel_loop3A_392] {strides = array<i32>} : memref<128x128xf32, #tpu.memory_space<vmem>>, vector<16xf32>,
        %parallel_loop3A_394 = arith.index_cast %parallel_loop3A_383 : i32 to index
        %parallel_loop3A_395 = arith.constant 16 : index
        %parallel_loop3A_396 = tpu.vector_load %arg7[%parallel_loop3A_394, %parallel_loop3A_395] {strides = array<i32>} : memref<128x128xf32, #tpu.memory_space<vmem>>, vector<16xf32>,
        %parallel_loop3A_397 = arith.mulf %parallel_loop3A_393, %parallel_loop3A_396 : vector<16xf32>
        %parallel_loop3A_398 = arith.addf %parallel_loop3A_390, %parallel_loop3A_397 : vector<16xf32>
        %parallel_loop3A_399 = arith.index_cast %parallel_loop3A_383 : i32 to index
        %parallel_loop3A_400 = arith.constant 32 : index
        %parallel_loop3A_401 = tpu.vector_load %arg6[%parallel_loop3A_399, %parallel_loop3A_400] {strides = array<i32>} : memref<128x128xf32, #tpu.memory_space<vmem>>, vector<16xf32>,
        %parallel_loop3A_402 = arith.index_cast %parallel_loop3A_383 : i32 to index
        %parallel_loop3A_403 = arith.constant 32 : index
        %parallel_loop3A_404 = tpu.vector_load %arg7[%parallel_loop3A_402, %parallel_loop3A_403] {strides = array<i32>} : memref<128x128xf32, #tpu.memory_space<vmem>>, vector<16xf32>,
        %parallel_loop3A_405 = arith.mulf %parallel_loop3A_401, %parallel_loop3A_404 : vector<16xf32>
        %parallel_loop3A_406 = arith.addf %parallel_loop3A_398, %parallel_loop3A_405 : vector<16xf32>
        %parallel_loop3A_407 = arith.index_cast %parallel_loop3A_383 : i32 to index
        %parallel_loop3A_408 = arith.constant 48 : index
        %parallel_loop3A_409 = tpu.vector_load %arg6[%parallel_loop3A_407, %parallel_loop3A_408] {strides = array<i32>} : memref<128x128xf32, #tpu.memory_space<vmem>>, vector<16xf32>,
        %parallel_loop3A_410 = arith.index_cast %parallel_loop3A_383 : i32 to index
        %parallel_loop3A_411 = arith.constant 48 : index
        %parallel_loop3A_412 = tpu.vector_load %arg7[%parallel_loop3A_410, %parallel_loop3A_411] {strides = array<i32>} : memref<128x128xf32, #tpu.memory_space<vmem>>, vector<16xf32>,
        %parallel_loop3A_413 = arith.mulf %parallel_loop3A_409, %parallel_loop3A_412 : vector<16xf32>
        %parallel_loop3A_414 = arith.addf %parallel_loop3A_406, %parallel_loop3A_413 : vector<16xf32>
        %parallel_loop3A_415 = arith.index_cast %parallel_loop3A_383 : i32 to index
        %parallel_loop3A_416 = arith.constant 64 : index
        %parallel_loop3A_417 = tpu.vector_load %arg6[%parallel_loop3A_415, %parallel_loop3A_416] {strides = array<i32>} : memref<128x128xf32, #tpu.memory_space<vmem>>, vector<16xf32>,
        %parallel_loop3A_418 = arith.index_cast %parallel_loop3A_383 : i32 to index
        %parallel_loop3A_419 = arith.constant 64 : index
        %parallel_loop3A_420 = tpu.vector_load %arg7[%parallel_loop3A_418, %parallel_loop3A_419] {strides = array<i32>} : memref<128x128xf32, #tpu.memory_space<vmem>>, vector<16xf32>,
        %parallel_loop3A_421 = arith.mulf %parallel_loop3A_417, %parallel_loop3A_420 : vector<16xf32>
        %parallel_loop3A_422 = arith.addf %parallel_loop3A_414, %parallel_loop3A_421 : vector<16xf32>
        %parallel_loop3A_423 = arith.index_cast %parallel_loop3A_383 : i32 to index
        %parallel_loop3A_424 = arith.constant 80 : index
        %parallel_loop3A_425 = tpu.vector_load %arg6[%parallel_loop3A_423, %parallel_loop3A_424] {strides = array<i32>} : memref<128x128xf32, #tpu.memory_space<vmem>>, vector<16xf32>,
        %parallel_loop3A_426 = arith.index_cast %parallel_loop3A_383 : i32 to index
        %parallel_loop3A_427 = arith.constant 80 : index
        %parallel_loop3A_428 = tpu.vector_load %arg7[%parallel_loop3A_426, %parallel_loop3A_427] {strides = array<i32>} : memref<128x128xf32, #tpu.memory_space<vmem>>, vector<16xf32>,
        %parallel_loop3A_429 = arith.mulf %parallel_loop3A_425, %parallel_loop3A_428 : vector<16xf32>
        %parallel_loop3A_430 = arith.addf %parallel_loop3A_422, %parallel_loop3A_429 : vector<16xf32>
        %parallel_loop3A_431 = arith.index_cast %parallel_loop3A_383 : i32 to index
        %parallel_loop3A_432 = arith.constant 96 : index
        %parallel_loop3A_433 = tpu.vector_load %arg6[%parallel_loop3A_431, %parallel_loop3A_432] {strides = array<i32>} : memref<128x128xf32, #tpu.memory_space<vmem>>, vector<16xf32>,
        %parallel_loop3A_434 = arith.index_cast %parallel_loop3A_383 : i32 to index
        %parallel_loop3A_435 = arith.constant 96 : index
        %parallel_loop3A_436 = tpu.vector_load %arg7[%parallel_loop3A_434, %parallel_loop3A_435] {strides = array<i32>} : memref<128x128xf32, #tpu.memory_space<vmem>>, vector<16xf32>,
        %parallel_loop3A_437 = arith.mulf %parallel_loop3A_433, %parallel_loop3A_436 : vector<16xf32>
        %parallel_loop3A_438 = arith.addf %parallel_loop3A_430, %parallel_loop3A_437 : vector<16xf32>
        %parallel_loop3A_439 = arith.index_cast %parallel_loop3A_383 : i32 to index
        %parallel_loop3A_440 = arith.constant 112 : index
        %parallel_loop3A_441 = tpu.vector_load %arg6[%parallel_loop3A_439, %parallel_loop3A_440] {strides = array<i32>} : memref<128x128xf32, #tpu.memory_space<vmem>>, vector<16xf32>,
        %parallel_loop3A_442 = arith.index_cast %parallel_loop3A_383 : i32 to index
        %parallel_loop3A_443 = arith.constant 112 : index
        %parallel_loop3A_444 = tpu.vector_load %arg7[%parallel_loop3A_442, %parallel_loop3A_443] {strides = array<i32>} : memref<128x128xf32, #tpu.memory_space<vmem>>, vector<16xf32>,
        %parallel_loop3A_445 = arith.mulf %parallel_loop3A_441, %parallel_loop3A_444 : vector<16xf32>
        %parallel_loop3A_446 = arith.addf %parallel_loop3A_438, %parallel_loop3A_445 : vector<16xf32>
        %parallel_loop3A_447 = arith.index_cast %parallel_loop3A_383 : i32 to index
        %parallel_loop3A_448 = arith.constant 96 : index
        %parallel_loop3A_449 = tpu.vector_load %arg10[%parallel_loop3A_447, %parallel_loop3A_448] {strides = array<i32>} : memref<128x336xf32, #tpu.memory_space<vmem>>, vector<16xf32>,
        tpu.vector_store %arg10[%parallel_loop3A_447, %parallel_loop3A_448], %parallel_loop3A_446 {strides = array<i32>} : memref<128x336xf32, #tpu.memory_space<vmem>>, vector<16xf32>,
      } {sc.loop_unroll_factor = 2 : i64, sc.parallel_access}
      %dma_start3A_159 = arith.constant 10 : i32
      %dma_start3A_160 = arith.constant 0 : i32
      %dma_start3A_161 = tpu.memref_slice %arg5[%dma_start3A_159, %dma_start3A_160] : memref<22x128xi32, #tpu.memory_space<vmem>> -> memref<1x128xi32, #tpu.memory_space<vmem>>
      %dma_start3A_162 = tpu.memref_squeeze %dma_start3A_161 : memref<1x128xi32, #tpu.memory_space<vmem>> -> memref<128xi32, #tpu.memory_space<vmem>>
      %dma_start3A_163 = arith.constant 0 : i32
      %dma_start3A_164 = arith.constant 0 : i32
      %dma_start3A_165 = tpu.memref_slice %arg2[%dma_start3A_163, %dma_start3A_164] : memref<100000x128xf32, #tpu.memory_space<hbm>> -> memref<100000x128xf32, #tpu.memory_space<hbm>>
      tpu.enqueue_indirect_dma source(%dma_start3A_165 : memref<100000x128xf32, #tpu.memory_space<hbm>>) target(%arg7 : memref<128x128xf32, #tpu.memory_space<vmem>>) offsets(%dma_start3A_162 : memref<128xi32, #tpu.memory_space<vmem>>) semaphore(%arg12 : memref<!tpu.dma_semaphore, #tpu.memory_space<semaphore_mem>>)
      %dma_wait3A_166 = arith.constant 8 : i32
      %dma_wait3A_167 = arith.constant 0 : i32
      %dma_wait3A_168 = tpu.memref_slice %arg5[%dma_wait3A_166, %dma_wait3A_167] : memref<22x128xi32, #tpu.memory_space<vmem>> -> memref<1x128xi32, #tpu.memory_space<vmem>>
      %dma_wait3A_169 = tpu.memref_squeeze %dma_wait3A_168 : memref<1x128xi32, #tpu.memory_space<vmem>> -> memref<128xi32, #tpu.memory_space<vmem>>
      %dma_wait3A_170 = arith.constant 0 : i32
      %dma_wait3A_171 = arith.constant 0 : i32
      %dma_wait3A_172 = tpu.memref_slice %arg2[%dma_wait3A_170, %dma_wait3A_171] : memref<100000x128xf32, #tpu.memory_space<hbm>> -> memref<100000x128xf32, #tpu.memory_space<hbm>>
      tpu.wait_indirect_dma semaphore(%arg13 : memref<!tpu.dma_semaphore, #tpu.memory_space<semaphore_mem>>) src(%dma_wait3A_172 : memref<100000x128xf32, #tpu.memory_space<hbm>>) dst(%arg8 : memref<128x128xf32, #tpu.memory_space<vmem>>)
      %parallel_loop3A_173 = arith.constant 0 : i32
      %parallel_loop3A_174 = arith.constant 128 : i32
      %parallel_loop3A_175 = arith.constant 1 : i32
      scf.for %parallel_loop3A_383 = %parallel_loop3A_173 to %parallel_loop3A_174 step %parallel_loop3A_175  : i32 {
        %parallel_loop3A_384 = arith.index_cast %parallel_loop3A_383 : i32 to index
        %parallel_loop3A_385 = arith.constant 0 : index
        %parallel_loop3A_386 = tpu.vector_load %arg6[%parallel_loop3A_384, %parallel_loop3A_385] {strides = array<i32>} : memref<128x128xf32, #tpu.memory_space<vmem>>, vector<16xf32>,
        %parallel_loop3A_387 = arith.index_cast %parallel_loop3A_383 : i32 to index
        %parallel_loop3A_388 = arith.constant 0 : index
        %parallel_loop3A_389 = tpu.vector_load %arg8[%parallel_loop3A_387, %parallel_loop3A_388] {strides = array<i32>} : memref<128x128xf32, #tpu.memory_space<vmem>>, vector<16xf32>,
        %parallel_loop3A_390 = arith.mulf %parallel_loop3A_386, %parallel_loop3A_389 : vector<16xf32>
        %parallel_loop3A_391 = arith.index_cast %parallel_loop3A_383 : i32 to index
        %parallel_loop3A_392 = arith.constant 16 : index
        %parallel_loop3A_393 = tpu.vector_load %arg6[%parallel_loop3A_391, %parallel_loop3A_392] {strides = array<i32>} : memref<128x128xf32, #tpu.memory_space<vmem>>, vector<16xf32>,
        %parallel_loop3A_394 = arith.index_cast %parallel_loop3A_383 : i32 to index
        %parallel_loop3A_395 = arith.constant 16 : index
        %parallel_loop3A_396 = tpu.vector_load %arg8[%parallel_loop3A_394, %parallel_loop3A_395] {strides = array<i32>} : memref<128x128xf32, #tpu.memory_space<vmem>>, vector<16xf32>,
        %parallel_loop3A_397 = arith.mulf %parallel_loop3A_393, %parallel_loop3A_396 : vector<16xf32>
        %parallel_loop3A_398 = arith.addf %parallel_loop3A_390, %parallel_loop3A_397 : vector<16xf32>
        %parallel_loop3A_399 = arith.index_cast %parallel_loop3A_383 : i32 to index
        %parallel_loop3A_400 = arith.constant 32 : index
        %parallel_loop3A_401 = tpu.vector_load %arg6[%parallel_loop3A_399, %parallel_loop3A_400] {strides = array<i32>} : memref<128x128xf32, #tpu.memory_space<vmem>>, vector<16xf32>,
        %parallel_loop3A_402 = arith.index_cast %parallel_loop3A_383 : i32 to index
        %parallel_loop3A_403 = arith.constant 32 : index
        %parallel_loop3A_404 = tpu.vector_load %arg8[%parallel_loop3A_402, %parallel_loop3A_403] {strides = array<i32>} : memref<128x128xf32, #tpu.memory_space<vmem>>, vector<16xf32>,
        %parallel_loop3A_405 = arith.mulf %parallel_loop3A_401, %parallel_loop3A_404 : vector<16xf32>
        %parallel_loop3A_406 = arith.addf %parallel_loop3A_398, %parallel_loop3A_405 : vector<16xf32>
        %parallel_loop3A_407 = arith.index_cast %parallel_loop3A_383 : i32 to index
        %parallel_loop3A_408 = arith.constant 48 : index
        %parallel_loop3A_409 = tpu.vector_load %arg6[%parallel_loop3A_407, %parallel_loop3A_408] {strides = array<i32>} : memref<128x128xf32, #tpu.memory_space<vmem>>, vector<16xf32>,
        %parallel_loop3A_410 = arith.index_cast %parallel_loop3A_383 : i32 to index
        %parallel_loop3A_411 = arith.constant 48 : index
        %parallel_loop3A_412 = tpu.vector_load %arg8[%parallel_loop3A_410, %parallel_loop3A_411] {strides = array<i32>} : memref<128x128xf32, #tpu.memory_space<vmem>>, vector<16xf32>,
        %parallel_loop3A_413 = arith.mulf %parallel_loop3A_409, %parallel_loop3A_412 : vector<16xf32>
        %parallel_loop3A_414 = arith.addf %parallel_loop3A_406, %parallel_loop3A_413 : vector<16xf32>
        %parallel_loop3A_415 = arith.index_cast %parallel_loop3A_383 : i32 to index
        %parallel_loop3A_416 = arith.constant 64 : index
        %parallel_loop3A_417 = tpu.vector_load %arg6[%parallel_loop3A_415, %parallel_loop3A_416] {strides = array<i32>} : memref<128x128xf32, #tpu.memory_space<vmem>>, vector<16xf32>,
        %parallel_loop3A_418 = arith.index_cast %parallel_loop3A_383 : i32 to index
        %parallel_loop3A_419 = arith.constant 64 : index
        %parallel_loop3A_420 = tpu.vector_load %arg8[%parallel_loop3A_418, %parallel_loop3A_419] {strides = array<i32>} : memref<128x128xf32, #tpu.memory_space<vmem>>, vector<16xf32>,
        %parallel_loop3A_421 = arith.mulf %parallel_loop3A_417, %parallel_loop3A_420 : vector<16xf32>
        %parallel_loop3A_422 = arith.addf %parallel_loop3A_414, %parallel_loop3A_421 : vector<16xf32>
        %parallel_loop3A_423 = arith.index_cast %parallel_loop3A_383 : i32 to index
        %parallel_loop3A_424 = arith.constant 80 : index
        %parallel_loop3A_425 = tpu.vector_load %arg6[%parallel_loop3A_423, %parallel_loop3A_424] {strides = array<i32>} : memref<128x128xf32, #tpu.memory_space<vmem>>, vector<16xf32>,
        %parallel_loop3A_426 = arith.index_cast %parallel_loop3A_383 : i32 to index
        %parallel_loop3A_427 = arith.constant 80 : index
        %parallel_loop3A_428 = tpu.vector_load %arg8[%parallel_loop3A_426, %parallel_loop3A_427] {strides = array<i32>} : memref<128x128xf32, #tpu.memory_space<vmem>>, vector<16xf32>,
        %parallel_loop3A_429 = arith.mulf %parallel_loop3A_425, %parallel_loop3A_428 : vector<16xf32>
        %parallel_loop3A_430 = arith.addf %parallel_loop3A_422, %parallel_loop3A_429 : vector<16xf32>
        %parallel_loop3A_431 = arith.index_cast %parallel_loop3A_383 : i32 to index
        %parallel_loop3A_432 = arith.constant 96 : index
        %parallel_loop3A_433 = tpu.vector_load %arg6[%parallel_loop3A_431, %parallel_loop3A_432] {strides = array<i32>} : memref<128x128xf32, #tpu.memory_space<vmem>>, vector<16xf32>,
        %parallel_loop3A_434 = arith.index_cast %parallel_loop3A_383 : i32 to index
        %parallel_loop3A_435 = arith.constant 96 : index
        %parallel_loop3A_436 = tpu.vector_load %arg8[%parallel_loop3A_434, %parallel_loop3A_435] {strides = array<i32>} : memref<128x128xf32, #tpu.memory_space<vmem>>, vector<16xf32>,
        %parallel_loop3A_437 = arith.mulf %parallel_loop3A_433, %parallel_loop3A_436 : vector<16xf32>
        %parallel_loop3A_438 = arith.addf %parallel_loop3A_430, %parallel_loop3A_437 : vector<16xf32>
        %parallel_loop3A_439 = arith.index_cast %parallel_loop3A_383 : i32 to index
        %parallel_loop3A_440 = arith.constant 112 : index
        %parallel_loop3A_441 = tpu.vector_load %arg6[%parallel_loop3A_439, %parallel_loop3A_440] {strides = array<i32>} : memref<128x128xf32, #tpu.memory_space<vmem>>, vector<16xf32>,
        %parallel_loop3A_442 = arith.index_cast %parallel_loop3A_383 : i32 to index
        %parallel_loop3A_443 = arith.constant 112 : index
        %parallel_loop3A_444 = tpu.vector_load %arg8[%parallel_loop3A_442, %parallel_loop3A_443] {strides = array<i32>} : memref<128x128xf32, #tpu.memory_space<vmem>>, vector<16xf32>,
        %parallel_loop3A_445 = arith.mulf %parallel_loop3A_441, %parallel_loop3A_444 : vector<16xf32>
        %parallel_loop3A_446 = arith.addf %parallel_loop3A_438, %parallel_loop3A_445 : vector<16xf32>
        %parallel_loop3A_447 = arith.index_cast %parallel_loop3A_383 : i32 to index
        %parallel_loop3A_448 = arith.constant 112 : index
        %parallel_loop3A_449 = tpu.vector_load %arg10[%parallel_loop3A_447, %parallel_loop3A_448] {strides = array<i32>} : memref<128x336xf32, #tpu.memory_space<vmem>>, vector<16xf32>,
        tpu.vector_store %arg10[%parallel_loop3A_447, %parallel_loop3A_448], %parallel_loop3A_446 {strides = array<i32>} : memref<128x336xf32, #tpu.memory_space<vmem>>, vector<16xf32>,
      } {sc.loop_unroll_factor = 2 : i64, sc.parallel_access}
      %dma_start3A_176 = arith.constant 11 : i32
      %dma_start3A_177 = arith.constant 0 : i32
      %dma_start3A_178 = tpu.memref_slice %arg5[%dma_start3A_176, %dma_start3A_177] : memref<22x128xi32, #tpu.memory_space<vmem>> -> memref<1x128xi32, #tpu.memory_space<vmem>>
      %dma_start3A_179 = tpu.memref_squeeze %dma_start3A_178 : memref<1x128xi32, #tpu.memory_space<vmem>> -> memref<128xi32, #tpu.memory_space<vmem>>
      %dma_start3A_180 = arith.constant 0 : i32
      %dma_start3A_181 = arith.constant 0 : i32
      %dma_start3A_182 = tpu.memref_slice %arg2[%dma_start3A_180, %dma_start3A_181] : memref<100000x128xf32, #tpu.memory_space<hbm>> -> memref<100000x128xf32, #tpu.memory_space<hbm>>
      tpu.enqueue_indirect_dma source(%dma_start3A_182 : memref<100000x128xf32, #tpu.memory_space<hbm>>) target(%arg8 : memref<128x128xf32, #tpu.memory_space<vmem>>) offsets(%dma_start3A_179 : memref<128xi32, #tpu.memory_space<vmem>>) semaphore(%arg13 : memref<!tpu.dma_semaphore, #tpu.memory_space<semaphore_mem>>)
      %dma_wait3A_183 = arith.constant 9 : i32
      %dma_wait3A_184 = arith.constant 0 : i32
      %dma_wait3A_185 = tpu.memref_slice %arg5[%dma_wait3A_183, %dma_wait3A_184] : memref<22x128xi32, #tpu.memory_space<vmem>> -> memref<1x128xi32, #tpu.memory_space<vmem>>
      %dma_wait3A_186 = tpu.memref_squeeze %dma_wait3A_185 : memref<1x128xi32, #tpu.memory_space<vmem>> -> memref<128xi32, #tpu.memory_space<vmem>>
      %dma_wait3A_187 = arith.constant 0 : i32
      %dma_wait3A_188 = arith.constant 0 : i32
      %dma_wait3A_189 = tpu.memref_slice %arg2[%dma_wait3A_187, %dma_wait3A_188] : memref<100000x128xf32, #tpu.memory_space<hbm>> -> memref<100000x128xf32, #tpu.memory_space<hbm>>
      tpu.wait_indirect_dma semaphore(%arg14 : memref<!tpu.dma_semaphore, #tpu.memory_space<semaphore_mem>>) src(%dma_wait3A_189 : memref<100000x128xf32, #tpu.memory_space<hbm>>) dst(%arg9 : memref<128x128xf32, #tpu.memory_space<vmem>>)
      %parallel_loop3A_190 = arith.constant 0 : i32
      %parallel_loop3A_191 = arith.constant 128 : i32
      %parallel_loop3A_192 = arith.constant 1 : i32
      scf.for %parallel_loop3A_383 = %parallel_loop3A_190 to %parallel_loop3A_191 step %parallel_loop3A_192  : i32 {
        %parallel_loop3A_384 = arith.index_cast %parallel_loop3A_383 : i32 to index
        %parallel_loop3A_385 = arith.constant 0 : index
        %parallel_loop3A_386 = tpu.vector_load %arg6[%parallel_loop3A_384, %parallel_loop3A_385] {strides = array<i32>} : memref<128x128xf32, #tpu.memory_space<vmem>>, vector<16xf32>,
        %parallel_loop3A_387 = arith.index_cast %parallel_loop3A_383 : i32 to index
        %parallel_loop3A_388 = arith.constant 0 : index
        %parallel_loop3A_389 = tpu.vector_load %arg9[%parallel_loop3A_387, %parallel_loop3A_388] {strides = array<i32>} : memref<128x128xf32, #tpu.memory_space<vmem>>, vector<16xf32>,
        %parallel_loop3A_390 = arith.mulf %parallel_loop3A_386, %parallel_loop3A_389 : vector<16xf32>
        %parallel_loop3A_391 = arith.index_cast %parallel_loop3A_383 : i32 to index
        %parallel_loop3A_392 = arith.constant 16 : index
        %parallel_loop3A_393 = tpu.vector_load %arg6[%parallel_loop3A_391, %parallel_loop3A_392] {strides = array<i32>} : memref<128x128xf32, #tpu.memory_space<vmem>>, vector<16xf32>,
        %parallel_loop3A_394 = arith.index_cast %parallel_loop3A_383 : i32 to index
        %parallel_loop3A_395 = arith.constant 16 : index
        %parallel_loop3A_396 = tpu.vector_load %arg9[%parallel_loop3A_394, %parallel_loop3A_395] {strides = array<i32>} : memref<128x128xf32, #tpu.memory_space<vmem>>, vector<16xf32>,
        %parallel_loop3A_397 = arith.mulf %parallel_loop3A_393, %parallel_loop3A_396 : vector<16xf32>
        %parallel_loop3A_398 = arith.addf %parallel_loop3A_390, %parallel_loop3A_397 : vector<16xf32>
        %parallel_loop3A_399 = arith.index_cast %parallel_loop3A_383 : i32 to index
        %parallel_loop3A_400 = arith.constant 32 : index
        %parallel_loop3A_401 = tpu.vector_load %arg6[%parallel_loop3A_399, %parallel_loop3A_400] {strides = array<i32>} : memref<128x128xf32, #tpu.memory_space<vmem>>, vector<16xf32>,
        %parallel_loop3A_402 = arith.index_cast %parallel_loop3A_383 : i32 to index
        %parallel_loop3A_403 = arith.constant 32 : index
        %parallel_loop3A_404 = tpu.vector_load %arg9[%parallel_loop3A_402, %parallel_loop3A_403] {strides = array<i32>} : memref<128x128xf32, #tpu.memory_space<vmem>>, vector<16xf32>,
        %parallel_loop3A_405 = arith.mulf %parallel_loop3A_401, %parallel_loop3A_404 : vector<16xf32>
        %parallel_loop3A_406 = arith.addf %parallel_loop3A_398, %parallel_loop3A_405 : vector<16xf32>
        %parallel_loop3A_407 = arith.index_cast %parallel_loop3A_383 : i32 to index
        %parallel_loop3A_408 = arith.constant 48 : index
        %parallel_loop3A_409 = tpu.vector_load %arg6[%parallel_loop3A_407, %parallel_loop3A_408] {strides = array<i32>} : memref<128x128xf32, #tpu.memory_space<vmem>>, vector<16xf32>,
        %parallel_loop3A_410 = arith.index_cast %parallel_loop3A_383 : i32 to index
        %parallel_loop3A_411 = arith.constant 48 : index
        %parallel_loop3A_412 = tpu.vector_load %arg9[%parallel_loop3A_410, %parallel_loop3A_411] {strides = array<i32>} : memref<128x128xf32, #tpu.memory_space<vmem>>, vector<16xf32>,
        %parallel_loop3A_413 = arith.mulf %parallel_loop3A_409, %parallel_loop3A_412 : vector<16xf32>
        %parallel_loop3A_414 = arith.addf %parallel_loop3A_406, %parallel_loop3A_413 : vector<16xf32>
        %parallel_loop3A_415 = arith.index_cast %parallel_loop3A_383 : i32 to index
        %parallel_loop3A_416 = arith.constant 64 : index
        %parallel_loop3A_417 = tpu.vector_load %arg6[%parallel_loop3A_415, %parallel_loop3A_416] {strides = array<i32>} : memref<128x128xf32, #tpu.memory_space<vmem>>, vector<16xf32>,
        %parallel_loop3A_418 = arith.index_cast %parallel_loop3A_383 : i32 to index
        %parallel_loop3A_419 = arith.constant 64 : index
        %parallel_loop3A_420 = tpu.vector_load %arg9[%parallel_loop3A_418, %parallel_loop3A_419] {strides = array<i32>} : memref<128x128xf32, #tpu.memory_space<vmem>>, vector<16xf32>,
        %parallel_loop3A_421 = arith.mulf %parallel_loop3A_417, %parallel_loop3A_420 : vector<16xf32>
        %parallel_loop3A_422 = arith.addf %parallel_loop3A_414, %parallel_loop3A_421 : vector<16xf32>
        %parallel_loop3A_423 = arith.index_cast %parallel_loop3A_383 : i32 to index
        %parallel_loop3A_424 = arith.constant 80 : index
        %parallel_loop3A_425 = tpu.vector_load %arg6[%parallel_loop3A_423, %parallel_loop3A_424] {strides = array<i32>} : memref<128x128xf32, #tpu.memory_space<vmem>>, vector<16xf32>,
        %parallel_loop3A_426 = arith.index_cast %parallel_loop3A_383 : i32 to index
        %parallel_loop3A_427 = arith.constant 80 : index
        %parallel_loop3A_428 = tpu.vector_load %arg9[%parallel_loop3A_426, %parallel_loop3A_427] {strides = array<i32>} : memref<128x128xf32, #tpu.memory_space<vmem>>, vector<16xf32>,
        %parallel_loop3A_429 = arith.mulf %parallel_loop3A_425, %parallel_loop3A_428 : vector<16xf32>
        %parallel_loop3A_430 = arith.addf %parallel_loop3A_422, %parallel_loop3A_429 : vector<16xf32>
        %parallel_loop3A_431 = arith.index_cast %parallel_loop3A_383 : i32 to index
        %parallel_loop3A_432 = arith.constant 96 : index
        %parallel_loop3A_433 = tpu.vector_load %arg6[%parallel_loop3A_431, %parallel_loop3A_432] {strides = array<i32>} : memref<128x128xf32, #tpu.memory_space<vmem>>, vector<16xf32>,
        %parallel_loop3A_434 = arith.index_cast %parallel_loop3A_383 : i32 to index
        %parallel_loop3A_435 = arith.constant 96 : index
        %parallel_loop3A_436 = tpu.vector_load %arg9[%parallel_loop3A_434, %parallel_loop3A_435] {strides = array<i32>} : memref<128x128xf32, #tpu.memory_space<vmem>>, vector<16xf32>,
        %parallel_loop3A_437 = arith.mulf %parallel_loop3A_433, %parallel_loop3A_436 : vector<16xf32>
        %parallel_loop3A_438 = arith.addf %parallel_loop3A_430, %parallel_loop3A_437 : vector<16xf32>
        %parallel_loop3A_439 = arith.index_cast %parallel_loop3A_383 : i32 to index
        %parallel_loop3A_440 = arith.constant 112 : index
        %parallel_loop3A_441 = tpu.vector_load %arg6[%parallel_loop3A_439, %parallel_loop3A_440] {strides = array<i32>} : memref<128x128xf32, #tpu.memory_space<vmem>>, vector<16xf32>,
        %parallel_loop3A_442 = arith.index_cast %parallel_loop3A_383 : i32 to index
        %parallel_loop3A_443 = arith.constant 112 : index
        %parallel_loop3A_444 = tpu.vector_load %arg9[%parallel_loop3A_442, %parallel_loop3A_443] {strides = array<i32>} : memref<128x128xf32, #tpu.memory_space<vmem>>, vector<16xf32>,
        %parallel_loop3A_445 = arith.mulf %parallel_loop3A_441, %parallel_loop3A_444 : vector<16xf32>
        %parallel_loop3A_446 = arith.addf %parallel_loop3A_438, %parallel_loop3A_445 : vector<16xf32>
        %parallel_loop3A_447 = arith.index_cast %parallel_loop3A_383 : i32 to index
        %parallel_loop3A_448 = arith.constant 128 : index
        %parallel_loop3A_449 = tpu.vector_load %arg10[%parallel_loop3A_447, %parallel_loop3A_448] {strides = array<i32>} : memref<128x336xf32, #tpu.memory_space<vmem>>, vector<16xf32>,
        tpu.vector_store %arg10[%parallel_loop3A_447, %parallel_loop3A_448], %parallel_loop3A_446 {strides = array<i32>} : memref<128x336xf32, #tpu.memory_space<vmem>>, vector<16xf32>,
      } {sc.loop_unroll_factor = 2 : i64, sc.parallel_access}
      %dma_start3A_193 = arith.constant 12 : i32
      %dma_start3A_194 = arith.constant 0 : i32
      %dma_start3A_195 = tpu.memref_slice %arg5[%dma_start3A_193, %dma_start3A_194] : memref<22x128xi32, #tpu.memory_space<vmem>> -> memref<1x128xi32, #tpu.memory_space<vmem>>
      %dma_start3A_196 = tpu.memref_squeeze %dma_start3A_195 : memref<1x128xi32, #tpu.memory_space<vmem>> -> memref<128xi32, #tpu.memory_space<vmem>>
      %dma_start3A_197 = arith.constant 0 : i32
      %dma_start3A_198 = arith.constant 0 : i32
      %dma_start3A_199 = tpu.memref_slice %arg2[%dma_start3A_197, %dma_start3A_198] : memref<100000x128xf32, #tpu.memory_space<hbm>> -> memref<100000x128xf32, #tpu.memory_space<hbm>>
      tpu.enqueue_indirect_dma source(%dma_start3A_199 : memref<100000x128xf32, #tpu.memory_space<hbm>>) target(%arg9 : memref<128x128xf32, #tpu.memory_space<vmem>>) offsets(%dma_start3A_196 : memref<128xi32, #tpu.memory_space<vmem>>) semaphore(%arg14 : memref<!tpu.dma_semaphore, #tpu.memory_space<semaphore_mem>>)
      %dma_wait3A_200 = arith.constant 10 : i32
      %dma_wait3A_201 = arith.constant 0 : i32
      %dma_wait3A_202 = tpu.memref_slice %arg5[%dma_wait3A_200, %dma_wait3A_201] : memref<22x128xi32, #tpu.memory_space<vmem>> -> memref<1x128xi32, #tpu.memory_space<vmem>>
      %dma_wait3A_203 = tpu.memref_squeeze %dma_wait3A_202 : memref<1x128xi32, #tpu.memory_space<vmem>> -> memref<128xi32, #tpu.memory_space<vmem>>
      %dma_wait3A_204 = arith.constant 0 : i32
      %dma_wait3A_205 = arith.constant 0 : i32
      %dma_wait3A_206 = tpu.memref_slice %arg2[%dma_wait3A_204, %dma_wait3A_205] : memref<100000x128xf32, #tpu.memory_space<hbm>> -> memref<100000x128xf32, #tpu.memory_space<hbm>>
      tpu.wait_indirect_dma semaphore(%arg12 : memref<!tpu.dma_semaphore, #tpu.memory_space<semaphore_mem>>) src(%dma_wait3A_206 : memref<100000x128xf32, #tpu.memory_space<hbm>>) dst(%arg7 : memref<128x128xf32, #tpu.memory_space<vmem>>)
      %parallel_loop3A_207 = arith.constant 0 : i32
      %parallel_loop3A_208 = arith.constant 128 : i32
      %parallel_loop3A_209 = arith.constant 1 : i32
      scf.for %parallel_loop3A_383 = %parallel_loop3A_207 to %parallel_loop3A_208 step %parallel_loop3A_209  : i32 {
        %parallel_loop3A_384 = arith.index_cast %parallel_loop3A_383 : i32 to index
        %parallel_loop3A_385 = arith.constant 0 : index
        %parallel_loop3A_386 = tpu.vector_load %arg6[%parallel_loop3A_384, %parallel_loop3A_385] {strides = array<i32>} : memref<128x128xf32, #tpu.memory_space<vmem>>, vector<16xf32>,
        %parallel_loop3A_387 = arith.index_cast %parallel_loop3A_383 : i32 to index
        %parallel_loop3A_388 = arith.constant 0 : index
        %parallel_loop3A_389 = tpu.vector_load %arg7[%parallel_loop3A_387, %parallel_loop3A_388] {strides = array<i32>} : memref<128x128xf32, #tpu.memory_space<vmem>>, vector<16xf32>,
        %parallel_loop3A_390 = arith.mulf %parallel_loop3A_386, %parallel_loop3A_389 : vector<16xf32>
        %parallel_loop3A_391 = arith.index_cast %parallel_loop3A_383 : i32 to index
        %parallel_loop3A_392 = arith.constant 16 : index
        %parallel_loop3A_393 = tpu.vector_load %arg6[%parallel_loop3A_391, %parallel_loop3A_392] {strides = array<i32>} : memref<128x128xf32, #tpu.memory_space<vmem>>, vector<16xf32>,
        %parallel_loop3A_394 = arith.index_cast %parallel_loop3A_383 : i32 to index
        %parallel_loop3A_395 = arith.constant 16 : index
        %parallel_loop3A_396 = tpu.vector_load %arg7[%parallel_loop3A_394, %parallel_loop3A_395] {strides = array<i32>} : memref<128x128xf32, #tpu.memory_space<vmem>>, vector<16xf32>,
        %parallel_loop3A_397 = arith.mulf %parallel_loop3A_393, %parallel_loop3A_396 : vector<16xf32>
        %parallel_loop3A_398 = arith.addf %parallel_loop3A_390, %parallel_loop3A_397 : vector<16xf32>
        %parallel_loop3A_399 = arith.index_cast %parallel_loop3A_383 : i32 to index
        %parallel_loop3A_400 = arith.constant 32 : index
        %parallel_loop3A_401 = tpu.vector_load %arg6[%parallel_loop3A_399, %parallel_loop3A_400] {strides = array<i32>} : memref<128x128xf32, #tpu.memory_space<vmem>>, vector<16xf32>,
        %parallel_loop3A_402 = arith.index_cast %parallel_loop3A_383 : i32 to index
        %parallel_loop3A_403 = arith.constant 32 : index
        %parallel_loop3A_404 = tpu.vector_load %arg7[%parallel_loop3A_402, %parallel_loop3A_403] {strides = array<i32>} : memref<128x128xf32, #tpu.memory_space<vmem>>, vector<16xf32>,
        %parallel_loop3A_405 = arith.mulf %parallel_loop3A_401, %parallel_loop3A_404 : vector<16xf32>
        %parallel_loop3A_406 = arith.addf %parallel_loop3A_398, %parallel_loop3A_405 : vector<16xf32>
        %parallel_loop3A_407 = arith.index_cast %parallel_loop3A_383 : i32 to index
        %parallel_loop3A_408 = arith.constant 48 : index
        %parallel_loop3A_409 = tpu.vector_load %arg6[%parallel_loop3A_407, %parallel_loop3A_408] {strides = array<i32>} : memref<128x128xf32, #tpu.memory_space<vmem>>, vector<16xf32>,
        %parallel_loop3A_410 = arith.index_cast %parallel_loop3A_383 : i32 to index
        %parallel_loop3A_411 = arith.constant 48 : index
        %parallel_loop3A_412 = tpu.vector_load %arg7[%parallel_loop3A_410, %parallel_loop3A_411] {strides = array<i32>} : memref<128x128xf32, #tpu.memory_space<vmem>>, vector<16xf32>,
        %parallel_loop3A_413 = arith.mulf %parallel_loop3A_409, %parallel_loop3A_412 : vector<16xf32>
        %parallel_loop3A_414 = arith.addf %parallel_loop3A_406, %parallel_loop3A_413 : vector<16xf32>
        %parallel_loop3A_415 = arith.index_cast %parallel_loop3A_383 : i32 to index
        %parallel_loop3A_416 = arith.constant 64 : index
        %parallel_loop3A_417 = tpu.vector_load %arg6[%parallel_loop3A_415, %parallel_loop3A_416] {strides = array<i32>} : memref<128x128xf32, #tpu.memory_space<vmem>>, vector<16xf32>,
        %parallel_loop3A_418 = arith.index_cast %parallel_loop3A_383 : i32 to index
        %parallel_loop3A_419 = arith.constant 64 : index
        %parallel_loop3A_420 = tpu.vector_load %arg7[%parallel_loop3A_418, %parallel_loop3A_419] {strides = array<i32>} : memref<128x128xf32, #tpu.memory_space<vmem>>, vector<16xf32>,
        %parallel_loop3A_421 = arith.mulf %parallel_loop3A_417, %parallel_loop3A_420 : vector<16xf32>
        %parallel_loop3A_422 = arith.addf %parallel_loop3A_414, %parallel_loop3A_421 : vector<16xf32>
        %parallel_loop3A_423 = arith.index_cast %parallel_loop3A_383 : i32 to index
        %parallel_loop3A_424 = arith.constant 80 : index
        %parallel_loop3A_425 = tpu.vector_load %arg6[%parallel_loop3A_423, %parallel_loop3A_424] {strides = array<i32>} : memref<128x128xf32, #tpu.memory_space<vmem>>, vector<16xf32>,
        %parallel_loop3A_426 = arith.index_cast %parallel_loop3A_383 : i32 to index
        %parallel_loop3A_427 = arith.constant 80 : index
        %parallel_loop3A_428 = tpu.vector_load %arg7[%parallel_loop3A_426, %parallel_loop3A_427] {strides = array<i32>} : memref<128x128xf32, #tpu.memory_space<vmem>>, vector<16xf32>,
        %parallel_loop3A_429 = arith.mulf %parallel_loop3A_425, %parallel_loop3A_428 : vector<16xf32>
        %parallel_loop3A_430 = arith.addf %parallel_loop3A_422, %parallel_loop3A_429 : vector<16xf32>
        %parallel_loop3A_431 = arith.index_cast %parallel_loop3A_383 : i32 to index
        %parallel_loop3A_432 = arith.constant 96 : index
        %parallel_loop3A_433 = tpu.vector_load %arg6[%parallel_loop3A_431, %parallel_loop3A_432] {strides = array<i32>} : memref<128x128xf32, #tpu.memory_space<vmem>>, vector<16xf32>,
        %parallel_loop3A_434 = arith.index_cast %parallel_loop3A_383 : i32 to index
        %parallel_loop3A_435 = arith.constant 96 : index
        %parallel_loop3A_436 = tpu.vector_load %arg7[%parallel_loop3A_434, %parallel_loop3A_435] {strides = array<i32>} : memref<128x128xf32, #tpu.memory_space<vmem>>, vector<16xf32>,
        %parallel_loop3A_437 = arith.mulf %parallel_loop3A_433, %parallel_loop3A_436 : vector<16xf32>
        %parallel_loop3A_438 = arith.addf %parallel_loop3A_430, %parallel_loop3A_437 : vector<16xf32>
        %parallel_loop3A_439 = arith.index_cast %parallel_loop3A_383 : i32 to index
        %parallel_loop3A_440 = arith.constant 112 : index
        %parallel_loop3A_441 = tpu.vector_load %arg6[%parallel_loop3A_439, %parallel_loop3A_440] {strides = array<i32>} : memref<128x128xf32, #tpu.memory_space<vmem>>, vector<16xf32>,
        %parallel_loop3A_442 = arith.index_cast %parallel_loop3A_383 : i32 to index
        %parallel_loop3A_443 = arith.constant 112 : index
        %parallel_loop3A_444 = tpu.vector_load %arg7[%parallel_loop3A_442, %parallel_loop3A_443] {strides = array<i32>} : memref<128x128xf32, #tpu.memory_space<vmem>>, vector<16xf32>,
        %parallel_loop3A_445 = arith.mulf %parallel_loop3A_441, %parallel_loop3A_444 : vector<16xf32>
        %parallel_loop3A_446 = arith.addf %parallel_loop3A_438, %parallel_loop3A_445 : vector<16xf32>
        %parallel_loop3A_447 = arith.index_cast %parallel_loop3A_383 : i32 to index
        %parallel_loop3A_448 = arith.constant 144 : index
        %parallel_loop3A_449 = tpu.vector_load %arg10[%parallel_loop3A_447, %parallel_loop3A_448] {strides = array<i32>} : memref<128x336xf32, #tpu.memory_space<vmem>>, vector<16xf32>,
        tpu.vector_store %arg10[%parallel_loop3A_447, %parallel_loop3A_448], %parallel_loop3A_446 {strides = array<i32>} : memref<128x336xf32, #tpu.memory_space<vmem>>, vector<16xf32>,
      } {sc.loop_unroll_factor = 2 : i64, sc.parallel_access}
      %dma_start3A_210 = arith.constant 13 : i32
      %dma_start3A_211 = arith.constant 0 : i32
      %dma_start3A_212 = tpu.memref_slice %arg5[%dma_start3A_210, %dma_start3A_211] : memref<22x128xi32, #tpu.memory_space<vmem>> -> memref<1x128xi32, #tpu.memory_space<vmem>>
      %dma_start3A_213 = tpu.memref_squeeze %dma_start3A_212 : memref<1x128xi32, #tpu.memory_space<vmem>> -> memref<128xi32, #tpu.memory_space<vmem>>
      %dma_start3A_214 = arith.constant 0 : i32
      %dma_start3A_215 = arith.constant 0 : i32
      %dma_start3A_216 = tpu.memref_slice %arg2[%dma_start3A_214, %dma_start3A_215] : memref<100000x128xf32, #tpu.memory_space<hbm>> -> memref<100000x128xf32, #tpu.memory_space<hbm>>
      tpu.enqueue_indirect_dma source(%dma_start3A_216 : memref<100000x128xf32, #tpu.memory_space<hbm>>) target(%arg7 : memref<128x128xf32, #tpu.memory_space<vmem>>) offsets(%dma_start3A_213 : memref<128xi32, #tpu.memory_space<vmem>>) semaphore(%arg12 : memref<!tpu.dma_semaphore, #tpu.memory_space<semaphore_mem>>)
      %dma_wait3A_217 = arith.constant 11 : i32
      %dma_wait3A_218 = arith.constant 0 : i32
      %dma_wait3A_219 = tpu.memref_slice %arg5[%dma_wait3A_217, %dma_wait3A_218] : memref<22x128xi32, #tpu.memory_space<vmem>> -> memref<1x128xi32, #tpu.memory_space<vmem>>
      %dma_wait3A_220 = tpu.memref_squeeze %dma_wait3A_219 : memref<1x128xi32, #tpu.memory_space<vmem>> -> memref<128xi32, #tpu.memory_space<vmem>>
      %dma_wait3A_221 = arith.constant 0 : i32
      %dma_wait3A_222 = arith.constant 0 : i32
      %dma_wait3A_223 = tpu.memref_slice %arg2[%dma_wait3A_221, %dma_wait3A_222] : memref<100000x128xf32, #tpu.memory_space<hbm>> -> memref<100000x128xf32, #tpu.memory_space<hbm>>
      tpu.wait_indirect_dma semaphore(%arg13 : memref<!tpu.dma_semaphore, #tpu.memory_space<semaphore_mem>>) src(%dma_wait3A_223 : memref<100000x128xf32, #tpu.memory_space<hbm>>) dst(%arg8 : memref<128x128xf32, #tpu.memory_space<vmem>>)
      %parallel_loop3A_224 = arith.constant 0 : i32
      %parallel_loop3A_225 = arith.constant 128 : i32
      %parallel_loop3A_226 = arith.constant 1 : i32
      scf.for %parallel_loop3A_383 = %parallel_loop3A_224 to %parallel_loop3A_225 step %parallel_loop3A_226  : i32 {
        %parallel_loop3A_384 = arith.index_cast %parallel_loop3A_383 : i32 to index
        %parallel_loop3A_385 = arith.constant 0 : index
        %parallel_loop3A_386 = tpu.vector_load %arg6[%parallel_loop3A_384, %parallel_loop3A_385] {strides = array<i32>} : memref<128x128xf32, #tpu.memory_space<vmem>>, vector<16xf32>,
        %parallel_loop3A_387 = arith.index_cast %parallel_loop3A_383 : i32 to index
        %parallel_loop3A_388 = arith.constant 0 : index
        %parallel_loop3A_389 = tpu.vector_load %arg8[%parallel_loop3A_387, %parallel_loop3A_388] {strides = array<i32>} : memref<128x128xf32, #tpu.memory_space<vmem>>, vector<16xf32>,
        %parallel_loop3A_390 = arith.mulf %parallel_loop3A_386, %parallel_loop3A_389 : vector<16xf32>
        %parallel_loop3A_391 = arith.index_cast %parallel_loop3A_383 : i32 to index
        %parallel_loop3A_392 = arith.constant 16 : index
        %parallel_loop3A_393 = tpu.vector_load %arg6[%parallel_loop3A_391, %parallel_loop3A_392] {strides = array<i32>} : memref<128x128xf32, #tpu.memory_space<vmem>>, vector<16xf32>,
        %parallel_loop3A_394 = arith.index_cast %parallel_loop3A_383 : i32 to index
        %parallel_loop3A_395 = arith.constant 16 : index
        %parallel_loop3A_396 = tpu.vector_load %arg8[%parallel_loop3A_394, %parallel_loop3A_395] {strides = array<i32>} : memref<128x128xf32, #tpu.memory_space<vmem>>, vector<16xf32>,
        %parallel_loop3A_397 = arith.mulf %parallel_loop3A_393, %parallel_loop3A_396 : vector<16xf32>
        %parallel_loop3A_398 = arith.addf %parallel_loop3A_390, %parallel_loop3A_397 : vector<16xf32>
        %parallel_loop3A_399 = arith.index_cast %parallel_loop3A_383 : i32 to index
        %parallel_loop3A_400 = arith.constant 32 : index
        %parallel_loop3A_401 = tpu.vector_load %arg6[%parallel_loop3A_399, %parallel_loop3A_400] {strides = array<i32>} : memref<128x128xf32, #tpu.memory_space<vmem>>, vector<16xf32>,
        %parallel_loop3A_402 = arith.index_cast %parallel_loop3A_383 : i32 to index
        %parallel_loop3A_403 = arith.constant 32 : index
        %parallel_loop3A_404 = tpu.vector_load %arg8[%parallel_loop3A_402, %parallel_loop3A_403] {strides = array<i32>} : memref<128x128xf32, #tpu.memory_space<vmem>>, vector<16xf32>,
        %parallel_loop3A_405 = arith.mulf %parallel_loop3A_401, %parallel_loop3A_404 : vector<16xf32>
        %parallel_loop3A_406 = arith.addf %parallel_loop3A_398, %parallel_loop3A_405 : vector<16xf32>
        %parallel_loop3A_407 = arith.index_cast %parallel_loop3A_383 : i32 to index
        %parallel_loop3A_408 = arith.constant 48 : index
        %parallel_loop3A_409 = tpu.vector_load %arg6[%parallel_loop3A_407, %parallel_loop3A_408] {strides = array<i32>} : memref<128x128xf32, #tpu.memory_space<vmem>>, vector<16xf32>,
        %parallel_loop3A_410 = arith.index_cast %parallel_loop3A_383 : i32 to index
        %parallel_loop3A_411 = arith.constant 48 : index
        %parallel_loop3A_412 = tpu.vector_load %arg8[%parallel_loop3A_410, %parallel_loop3A_411] {strides = array<i32>} : memref<128x128xf32, #tpu.memory_space<vmem>>, vector<16xf32>,
        %parallel_loop3A_413 = arith.mulf %parallel_loop3A_409, %parallel_loop3A_412 : vector<16xf32>
        %parallel_loop3A_414 = arith.addf %parallel_loop3A_406, %parallel_loop3A_413 : vector<16xf32>
        %parallel_loop3A_415 = arith.index_cast %parallel_loop3A_383 : i32 to index
        %parallel_loop3A_416 = arith.constant 64 : index
        %parallel_loop3A_417 = tpu.vector_load %arg6[%parallel_loop3A_415, %parallel_loop3A_416] {strides = array<i32>} : memref<128x128xf32, #tpu.memory_space<vmem>>, vector<16xf32>,
        %parallel_loop3A_418 = arith.index_cast %parallel_loop3A_383 : i32 to index
        %parallel_loop3A_419 = arith.constant 64 : index
        %parallel_loop3A_420 = tpu.vector_load %arg8[%parallel_loop3A_418, %parallel_loop3A_419] {strides = array<i32>} : memref<128x128xf32, #tpu.memory_space<vmem>>, vector<16xf32>,
        %parallel_loop3A_421 = arith.mulf %parallel_loop3A_417, %parallel_loop3A_420 : vector<16xf32>
        %parallel_loop3A_422 = arith.addf %parallel_loop3A_414, %parallel_loop3A_421 : vector<16xf32>
        %parallel_loop3A_423 = arith.index_cast %parallel_loop3A_383 : i32 to index
        %parallel_loop3A_424 = arith.constant 80 : index
        %parallel_loop3A_425 = tpu.vector_load %arg6[%parallel_loop3A_423, %parallel_loop3A_424] {strides = array<i32>} : memref<128x128xf32, #tpu.memory_space<vmem>>, vector<16xf32>,
        %parallel_loop3A_426 = arith.index_cast %parallel_loop3A_383 : i32 to index
        %parallel_loop3A_427 = arith.constant 80 : index
        %parallel_loop3A_428 = tpu.vector_load %arg8[%parallel_loop3A_426, %parallel_loop3A_427] {strides = array<i32>} : memref<128x128xf32, #tpu.memory_space<vmem>>, vector<16xf32>,
        %parallel_loop3A_429 = arith.mulf %parallel_loop3A_425, %parallel_loop3A_428 : vector<16xf32>
        %parallel_loop3A_430 = arith.addf %parallel_loop3A_422, %parallel_loop3A_429 : vector<16xf32>
        %parallel_loop3A_431 = arith.index_cast %parallel_loop3A_383 : i32 to index
        %parallel_loop3A_432 = arith.constant 96 : index
        %parallel_loop3A_433 = tpu.vector_load %arg6[%parallel_loop3A_431, %parallel_loop3A_432] {strides = array<i32>} : memref<128x128xf32, #tpu.memory_space<vmem>>, vector<16xf32>,
        %parallel_loop3A_434 = arith.index_cast %parallel_loop3A_383 : i32 to index
        %parallel_loop3A_435 = arith.constant 96 : index
        %parallel_loop3A_436 = tpu.vector_load %arg8[%parallel_loop3A_434, %parallel_loop3A_435] {strides = array<i32>} : memref<128x128xf32, #tpu.memory_space<vmem>>, vector<16xf32>,
        %parallel_loop3A_437 = arith.mulf %parallel_loop3A_433, %parallel_loop3A_436 : vector<16xf32>
        %parallel_loop3A_438 = arith.addf %parallel_loop3A_430, %parallel_loop3A_437 : vector<16xf32>
        %parallel_loop3A_439 = arith.index_cast %parallel_loop3A_383 : i32 to index
        %parallel_loop3A_440 = arith.constant 112 : index
        %parallel_loop3A_441 = tpu.vector_load %arg6[%parallel_loop3A_439, %parallel_loop3A_440] {strides = array<i32>} : memref<128x128xf32, #tpu.memory_space<vmem>>, vector<16xf32>,
        %parallel_loop3A_442 = arith.index_cast %parallel_loop3A_383 : i32 to index
        %parallel_loop3A_443 = arith.constant 112 : index
        %parallel_loop3A_444 = tpu.vector_load %arg8[%parallel_loop3A_442, %parallel_loop3A_443] {strides = array<i32>} : memref<128x128xf32, #tpu.memory_space<vmem>>, vector<16xf32>,
        %parallel_loop3A_445 = arith.mulf %parallel_loop3A_441, %parallel_loop3A_444 : vector<16xf32>
        %parallel_loop3A_446 = arith.addf %parallel_loop3A_438, %parallel_loop3A_445 : vector<16xf32>
        %parallel_loop3A_447 = arith.index_cast %parallel_loop3A_383 : i32 to index
        %parallel_loop3A_448 = arith.constant 160 : index
        %parallel_loop3A_449 = tpu.vector_load %arg10[%parallel_loop3A_447, %parallel_loop3A_448] {strides = array<i32>} : memref<128x336xf32, #tpu.memory_space<vmem>>, vector<16xf32>,
        tpu.vector_store %arg10[%parallel_loop3A_447, %parallel_loop3A_448], %parallel_loop3A_446 {strides = array<i32>} : memref<128x336xf32, #tpu.memory_space<vmem>>, vector<16xf32>,
      } {sc.loop_unroll_factor = 2 : i64, sc.parallel_access}
      %dma_start3A_227 = arith.constant 14 : i32
      %dma_start3A_228 = arith.constant 0 : i32
      %dma_start3A_229 = tpu.memref_slice %arg5[%dma_start3A_227, %dma_start3A_228] : memref<22x128xi32, #tpu.memory_space<vmem>> -> memref<1x128xi32, #tpu.memory_space<vmem>>
      %dma_start3A_230 = tpu.memref_squeeze %dma_start3A_229 : memref<1x128xi32, #tpu.memory_space<vmem>> -> memref<128xi32, #tpu.memory_space<vmem>>
      %dma_start3A_231 = arith.constant 0 : i32
      %dma_start3A_232 = arith.constant 0 : i32
      %dma_start3A_233 = tpu.memref_slice %arg2[%dma_start3A_231, %dma_start3A_232] : memref<100000x128xf32, #tpu.memory_space<hbm>> -> memref<100000x128xf32, #tpu.memory_space<hbm>>
      tpu.enqueue_indirect_dma source(%dma_start3A_233 : memref<100000x128xf32, #tpu.memory_space<hbm>>) target(%arg8 : memref<128x128xf32, #tpu.memory_space<vmem>>) offsets(%dma_start3A_230 : memref<128xi32, #tpu.memory_space<vmem>>) semaphore(%arg13 : memref<!tpu.dma_semaphore, #tpu.memory_space<semaphore_mem>>)
      %dma_wait3A_234 = arith.constant 12 : i32
      %dma_wait3A_235 = arith.constant 0 : i32
      %dma_wait3A_236 = tpu.memref_slice %arg5[%dma_wait3A_234, %dma_wait3A_235] : memref<22x128xi32, #tpu.memory_space<vmem>> -> memref<1x128xi32, #tpu.memory_space<vmem>>
      %dma_wait3A_237 = tpu.memref_squeeze %dma_wait3A_236 : memref<1x128xi32, #tpu.memory_space<vmem>> -> memref<128xi32, #tpu.memory_space<vmem>>
      %dma_wait3A_238 = arith.constant 0 : i32
      %dma_wait3A_239 = arith.constant 0 : i32
      %dma_wait3A_240 = tpu.memref_slice %arg2[%dma_wait3A_238, %dma_wait3A_239] : memref<100000x128xf32, #tpu.memory_space<hbm>> -> memref<100000x128xf32, #tpu.memory_space<hbm>>
      tpu.wait_indirect_dma semaphore(%arg14 : memref<!tpu.dma_semaphore, #tpu.memory_space<semaphore_mem>>) src(%dma_wait3A_240 : memref<100000x128xf32, #tpu.memory_space<hbm>>) dst(%arg9 : memref<128x128xf32, #tpu.memory_space<vmem>>)
      %parallel_loop3A_241 = arith.constant 0 : i32
      %parallel_loop3A_242 = arith.constant 128 : i32
      %parallel_loop3A_243 = arith.constant 1 : i32
      scf.for %parallel_loop3A_383 = %parallel_loop3A_241 to %parallel_loop3A_242 step %parallel_loop3A_243  : i32 {
        %parallel_loop3A_384 = arith.index_cast %parallel_loop3A_383 : i32 to index
        %parallel_loop3A_385 = arith.constant 0 : index
        %parallel_loop3A_386 = tpu.vector_load %arg6[%parallel_loop3A_384, %parallel_loop3A_385] {strides = array<i32>} : memref<128x128xf32, #tpu.memory_space<vmem>>, vector<16xf32>,
        %parallel_loop3A_387 = arith.index_cast %parallel_loop3A_383 : i32 to index
        %parallel_loop3A_388 = arith.constant 0 : index
        %parallel_loop3A_389 = tpu.vector_load %arg9[%parallel_loop3A_387, %parallel_loop3A_388] {strides = array<i32>} : memref<128x128xf32, #tpu.memory_space<vmem>>, vector<16xf32>,
        %parallel_loop3A_390 = arith.mulf %parallel_loop3A_386, %parallel_loop3A_389 : vector<16xf32>
        %parallel_loop3A_391 = arith.index_cast %parallel_loop3A_383 : i32 to index
        %parallel_loop3A_392 = arith.constant 16 : index
        %parallel_loop3A_393 = tpu.vector_load %arg6[%parallel_loop3A_391, %parallel_loop3A_392] {strides = array<i32>} : memref<128x128xf32, #tpu.memory_space<vmem>>, vector<16xf32>,
        %parallel_loop3A_394 = arith.index_cast %parallel_loop3A_383 : i32 to index
        %parallel_loop3A_395 = arith.constant 16 : index
        %parallel_loop3A_396 = tpu.vector_load %arg9[%parallel_loop3A_394, %parallel_loop3A_395] {strides = array<i32>} : memref<128x128xf32, #tpu.memory_space<vmem>>, vector<16xf32>,
        %parallel_loop3A_397 = arith.mulf %parallel_loop3A_393, %parallel_loop3A_396 : vector<16xf32>
        %parallel_loop3A_398 = arith.addf %parallel_loop3A_390, %parallel_loop3A_397 : vector<16xf32>
        %parallel_loop3A_399 = arith.index_cast %parallel_loop3A_383 : i32 to index
        %parallel_loop3A_400 = arith.constant 32 : index
        %parallel_loop3A_401 = tpu.vector_load %arg6[%parallel_loop3A_399, %parallel_loop3A_400] {strides = array<i32>} : memref<128x128xf32, #tpu.memory_space<vmem>>, vector<16xf32>,
        %parallel_loop3A_402 = arith.index_cast %parallel_loop3A_383 : i32 to index
        %parallel_loop3A_403 = arith.constant 32 : index
        %parallel_loop3A_404 = tpu.vector_load %arg9[%parallel_loop3A_402, %parallel_loop3A_403] {strides = array<i32>} : memref<128x128xf32, #tpu.memory_space<vmem>>, vector<16xf32>,
        %parallel_loop3A_405 = arith.mulf %parallel_loop3A_401, %parallel_loop3A_404 : vector<16xf32>
        %parallel_loop3A_406 = arith.addf %parallel_loop3A_398, %parallel_loop3A_405 : vector<16xf32>
        %parallel_loop3A_407 = arith.index_cast %parallel_loop3A_383 : i32 to index
        %parallel_loop3A_408 = arith.constant 48 : index
        %parallel_loop3A_409 = tpu.vector_load %arg6[%parallel_loop3A_407, %parallel_loop3A_408] {strides = array<i32>} : memref<128x128xf32, #tpu.memory_space<vmem>>, vector<16xf32>,
        %parallel_loop3A_410 = arith.index_cast %parallel_loop3A_383 : i32 to index
        %parallel_loop3A_411 = arith.constant 48 : index
        %parallel_loop3A_412 = tpu.vector_load %arg9[%parallel_loop3A_410, %parallel_loop3A_411] {strides = array<i32>} : memref<128x128xf32, #tpu.memory_space<vmem>>, vector<16xf32>,
        %parallel_loop3A_413 = arith.mulf %parallel_loop3A_409, %parallel_loop3A_412 : vector<16xf32>
        %parallel_loop3A_414 = arith.addf %parallel_loop3A_406, %parallel_loop3A_413 : vector<16xf32>
        %parallel_loop3A_415 = arith.index_cast %parallel_loop3A_383 : i32 to index
        %parallel_loop3A_416 = arith.constant 64 : index
        %parallel_loop3A_417 = tpu.vector_load %arg6[%parallel_loop3A_415, %parallel_loop3A_416] {strides = array<i32>} : memref<128x128xf32, #tpu.memory_space<vmem>>, vector<16xf32>,
        %parallel_loop3A_418 = arith.index_cast %parallel_loop3A_383 : i32 to index
        %parallel_loop3A_419 = arith.constant 64 : index
        %parallel_loop3A_420 = tpu.vector_load %arg9[%parallel_loop3A_418, %parallel_loop3A_419] {strides = array<i32>} : memref<128x128xf32, #tpu.memory_space<vmem>>, vector<16xf32>,
        %parallel_loop3A_421 = arith.mulf %parallel_loop3A_417, %parallel_loop3A_420 : vector<16xf32>
        %parallel_loop3A_422 = arith.addf %parallel_loop3A_414, %parallel_loop3A_421 : vector<16xf32>
        %parallel_loop3A_423 = arith.index_cast %parallel_loop3A_383 : i32 to index
        %parallel_loop3A_424 = arith.constant 80 : index
        %parallel_loop3A_425 = tpu.vector_load %arg6[%parallel_loop3A_423, %parallel_loop3A_424] {strides = array<i32>} : memref<128x128xf32, #tpu.memory_space<vmem>>, vector<16xf32>,
        %parallel_loop3A_426 = arith.index_cast %parallel_loop3A_383 : i32 to index
        %parallel_loop3A_427 = arith.constant 80 : index
        %parallel_loop3A_428 = tpu.vector_load %arg9[%parallel_loop3A_426, %parallel_loop3A_427] {strides = array<i32>} : memref<128x128xf32, #tpu.memory_space<vmem>>, vector<16xf32>,
        %parallel_loop3A_429 = arith.mulf %parallel_loop3A_425, %parallel_loop3A_428 : vector<16xf32>
        %parallel_loop3A_430 = arith.addf %parallel_loop3A_422, %parallel_loop3A_429 : vector<16xf32>
        %parallel_loop3A_431 = arith.index_cast %parallel_loop3A_383 : i32 to index
        %parallel_loop3A_432 = arith.constant 96 : index
        %parallel_loop3A_433 = tpu.vector_load %arg6[%parallel_loop3A_431, %parallel_loop3A_432] {strides = array<i32>} : memref<128x128xf32, #tpu.memory_space<vmem>>, vector<16xf32>,
        %parallel_loop3A_434 = arith.index_cast %parallel_loop3A_383 : i32 to index
        %parallel_loop3A_435 = arith.constant 96 : index
        %parallel_loop3A_436 = tpu.vector_load %arg9[%parallel_loop3A_434, %parallel_loop3A_435] {strides = array<i32>} : memref<128x128xf32, #tpu.memory_space<vmem>>, vector<16xf32>,
        %parallel_loop3A_437 = arith.mulf %parallel_loop3A_433, %parallel_loop3A_436 : vector<16xf32>
        %parallel_loop3A_438 = arith.addf %parallel_loop3A_430, %parallel_loop3A_437 : vector<16xf32>
        %parallel_loop3A_439 = arith.index_cast %parallel_loop3A_383 : i32 to index
        %parallel_loop3A_440 = arith.constant 112 : index
        %parallel_loop3A_441 = tpu.vector_load %arg6[%parallel_loop3A_439, %parallel_loop3A_440] {strides = array<i32>} : memref<128x128xf32, #tpu.memory_space<vmem>>, vector<16xf32>,
        %parallel_loop3A_442 = arith.index_cast %parallel_loop3A_383 : i32 to index
        %parallel_loop3A_443 = arith.constant 112 : index
        %parallel_loop3A_444 = tpu.vector_load %arg9[%parallel_loop3A_442, %parallel_loop3A_443] {strides = array<i32>} : memref<128x128xf32, #tpu.memory_space<vmem>>, vector<16xf32>,
        %parallel_loop3A_445 = arith.mulf %parallel_loop3A_441, %parallel_loop3A_444 : vector<16xf32>
        %parallel_loop3A_446 = arith.addf %parallel_loop3A_438, %parallel_loop3A_445 : vector<16xf32>
        %parallel_loop3A_447 = arith.index_cast %parallel_loop3A_383 : i32 to index
        %parallel_loop3A_448 = arith.constant 176 : index
        %parallel_loop3A_449 = tpu.vector_load %arg10[%parallel_loop3A_447, %parallel_loop3A_448] {strides = array<i32>} : memref<128x336xf32, #tpu.memory_space<vmem>>, vector<16xf32>,
        tpu.vector_store %arg10[%parallel_loop3A_447, %parallel_loop3A_448], %parallel_loop3A_446 {strides = array<i32>} : memref<128x336xf32, #tpu.memory_space<vmem>>, vector<16xf32>,
      } {sc.loop_unroll_factor = 2 : i64, sc.parallel_access}
      %dma_start3A_244 = arith.constant 15 : i32
      %dma_start3A_245 = arith.constant 0 : i32
      %dma_start3A_246 = tpu.memref_slice %arg5[%dma_start3A_244, %dma_start3A_245] : memref<22x128xi32, #tpu.memory_space<vmem>> -> memref<1x128xi32, #tpu.memory_space<vmem>>
      %dma_start3A_247 = tpu.memref_squeeze %dma_start3A_246 : memref<1x128xi32, #tpu.memory_space<vmem>> -> memref<128xi32, #tpu.memory_space<vmem>>
      %dma_start3A_248 = arith.constant 0 : i32
      %dma_start3A_249 = arith.constant 0 : i32
      %dma_start3A_250 = tpu.memref_slice %arg2[%dma_start3A_248, %dma_start3A_249] : memref<100000x128xf32, #tpu.memory_space<hbm>> -> memref<100000x128xf32, #tpu.memory_space<hbm>>
      tpu.enqueue_indirect_dma source(%dma_start3A_250 : memref<100000x128xf32, #tpu.memory_space<hbm>>) target(%arg9 : memref<128x128xf32, #tpu.memory_space<vmem>>) offsets(%dma_start3A_247 : memref<128xi32, #tpu.memory_space<vmem>>) semaphore(%arg14 : memref<!tpu.dma_semaphore, #tpu.memory_space<semaphore_mem>>)
      %dma_wait3A_251 = arith.constant 13 : i32
      %dma_wait3A_252 = arith.constant 0 : i32
      %dma_wait3A_253 = tpu.memref_slice %arg5[%dma_wait3A_251, %dma_wait3A_252] : memref<22x128xi32, #tpu.memory_space<vmem>> -> memref<1x128xi32, #tpu.memory_space<vmem>>
      %dma_wait3A_254 = tpu.memref_squeeze %dma_wait3A_253 : memref<1x128xi32, #tpu.memory_space<vmem>> -> memref<128xi32, #tpu.memory_space<vmem>>
      %dma_wait3A_255 = arith.constant 0 : i32
      %dma_wait3A_256 = arith.constant 0 : i32
      %dma_wait3A_257 = tpu.memref_slice %arg2[%dma_wait3A_255, %dma_wait3A_256] : memref<100000x128xf32, #tpu.memory_space<hbm>> -> memref<100000x128xf32, #tpu.memory_space<hbm>>
      tpu.wait_indirect_dma semaphore(%arg12 : memref<!tpu.dma_semaphore, #tpu.memory_space<semaphore_mem>>) src(%dma_wait3A_257 : memref<100000x128xf32, #tpu.memory_space<hbm>>) dst(%arg7 : memref<128x128xf32, #tpu.memory_space<vmem>>)
      %parallel_loop3A_258 = arith.constant 0 : i32
      %parallel_loop3A_259 = arith.constant 128 : i32
      %parallel_loop3A_260 = arith.constant 1 : i32
      scf.for %parallel_loop3A_383 = %parallel_loop3A_258 to %parallel_loop3A_259 step %parallel_loop3A_260  : i32 {
        %parallel_loop3A_384 = arith.index_cast %parallel_loop3A_383 : i32 to index
        %parallel_loop3A_385 = arith.constant 0 : index
        %parallel_loop3A_386 = tpu.vector_load %arg6[%parallel_loop3A_384, %parallel_loop3A_385] {strides = array<i32>} : memref<128x128xf32, #tpu.memory_space<vmem>>, vector<16xf32>,
        %parallel_loop3A_387 = arith.index_cast %parallel_loop3A_383 : i32 to index
        %parallel_loop3A_388 = arith.constant 0 : index
        %parallel_loop3A_389 = tpu.vector_load %arg7[%parallel_loop3A_387, %parallel_loop3A_388] {strides = array<i32>} : memref<128x128xf32, #tpu.memory_space<vmem>>, vector<16xf32>,
        %parallel_loop3A_390 = arith.mulf %parallel_loop3A_386, %parallel_loop3A_389 : vector<16xf32>
        %parallel_loop3A_391 = arith.index_cast %parallel_loop3A_383 : i32 to index
        %parallel_loop3A_392 = arith.constant 16 : index
        %parallel_loop3A_393 = tpu.vector_load %arg6[%parallel_loop3A_391, %parallel_loop3A_392] {strides = array<i32>} : memref<128x128xf32, #tpu.memory_space<vmem>>, vector<16xf32>,
        %parallel_loop3A_394 = arith.index_cast %parallel_loop3A_383 : i32 to index
        %parallel_loop3A_395 = arith.constant 16 : index
        %parallel_loop3A_396 = tpu.vector_load %arg7[%parallel_loop3A_394, %parallel_loop3A_395] {strides = array<i32>} : memref<128x128xf32, #tpu.memory_space<vmem>>, vector<16xf32>,
        %parallel_loop3A_397 = arith.mulf %parallel_loop3A_393, %parallel_loop3A_396 : vector<16xf32>
        %parallel_loop3A_398 = arith.addf %parallel_loop3A_390, %parallel_loop3A_397 : vector<16xf32>
        %parallel_loop3A_399 = arith.index_cast %parallel_loop3A_383 : i32 to index
        %parallel_loop3A_400 = arith.constant 32 : index
        %parallel_loop3A_401 = tpu.vector_load %arg6[%parallel_loop3A_399, %parallel_loop3A_400] {strides = array<i32>} : memref<128x128xf32, #tpu.memory_space<vmem>>, vector<16xf32>,
        %parallel_loop3A_402 = arith.index_cast %parallel_loop3A_383 : i32 to index
        %parallel_loop3A_403 = arith.constant 32 : index
        %parallel_loop3A_404 = tpu.vector_load %arg7[%parallel_loop3A_402, %parallel_loop3A_403] {strides = array<i32>} : memref<128x128xf32, #tpu.memory_space<vmem>>, vector<16xf32>,
        %parallel_loop3A_405 = arith.mulf %parallel_loop3A_401, %parallel_loop3A_404 : vector<16xf32>
        %parallel_loop3A_406 = arith.addf %parallel_loop3A_398, %parallel_loop3A_405 : vector<16xf32>
        %parallel_loop3A_407 = arith.index_cast %parallel_loop3A_383 : i32 to index
        %parallel_loop3A_408 = arith.constant 48 : index
        %parallel_loop3A_409 = tpu.vector_load %arg6[%parallel_loop3A_407, %parallel_loop3A_408] {strides = array<i32>} : memref<128x128xf32, #tpu.memory_space<vmem>>, vector<16xf32>,
        %parallel_loop3A_410 = arith.index_cast %parallel_loop3A_383 : i32 to index
        %parallel_loop3A_411 = arith.constant 48 : index
        %parallel_loop3A_412 = tpu.vector_load %arg7[%parallel_loop3A_410, %parallel_loop3A_411] {strides = array<i32>} : memref<128x128xf32, #tpu.memory_space<vmem>>, vector<16xf32>,
        %parallel_loop3A_413 = arith.mulf %parallel_loop3A_409, %parallel_loop3A_412 : vector<16xf32>
        %parallel_loop3A_414 = arith.addf %parallel_loop3A_406, %parallel_loop3A_413 : vector<16xf32>
        %parallel_loop3A_415 = arith.index_cast %parallel_loop3A_383 : i32 to index
        %parallel_loop3A_416 = arith.constant 64 : index
        %parallel_loop3A_417 = tpu.vector_load %arg6[%parallel_loop3A_415, %parallel_loop3A_416] {strides = array<i32>} : memref<128x128xf32, #tpu.memory_space<vmem>>, vector<16xf32>,
        %parallel_loop3A_418 = arith.index_cast %parallel_loop3A_383 : i32 to index
        %parallel_loop3A_419 = arith.constant 64 : index
        %parallel_loop3A_420 = tpu.vector_load %arg7[%parallel_loop3A_418, %parallel_loop3A_419] {strides = array<i32>} : memref<128x128xf32, #tpu.memory_space<vmem>>, vector<16xf32>,
        %parallel_loop3A_421 = arith.mulf %parallel_loop3A_417, %parallel_loop3A_420 : vector<16xf32>
        %parallel_loop3A_422 = arith.addf %parallel_loop3A_414, %parallel_loop3A_421 : vector<16xf32>
        %parallel_loop3A_423 = arith.index_cast %parallel_loop3A_383 : i32 to index
        %parallel_loop3A_424 = arith.constant 80 : index
        %parallel_loop3A_425 = tpu.vector_load %arg6[%parallel_loop3A_423, %parallel_loop3A_424] {strides = array<i32>} : memref<128x128xf32, #tpu.memory_space<vmem>>, vector<16xf32>,
        %parallel_loop3A_426 = arith.index_cast %parallel_loop3A_383 : i32 to index
        %parallel_loop3A_427 = arith.constant 80 : index
        %parallel_loop3A_428 = tpu.vector_load %arg7[%parallel_loop3A_426, %parallel_loop3A_427] {strides = array<i32>} : memref<128x128xf32, #tpu.memory_space<vmem>>, vector<16xf32>,
        %parallel_loop3A_429 = arith.mulf %parallel_loop3A_425, %parallel_loop3A_428 : vector<16xf32>
        %parallel_loop3A_430 = arith.addf %parallel_loop3A_422, %parallel_loop3A_429 : vector<16xf32>
        %parallel_loop3A_431 = arith.index_cast %parallel_loop3A_383 : i32 to index
        %parallel_loop3A_432 = arith.constant 96 : index
        %parallel_loop3A_433 = tpu.vector_load %arg6[%parallel_loop3A_431, %parallel_loop3A_432] {strides = array<i32>} : memref<128x128xf32, #tpu.memory_space<vmem>>, vector<16xf32>,
        %parallel_loop3A_434 = arith.index_cast %parallel_loop3A_383 : i32 to index
        %parallel_loop3A_435 = arith.constant 96 : index
        %parallel_loop3A_436 = tpu.vector_load %arg7[%parallel_loop3A_434, %parallel_loop3A_435] {strides = array<i32>} : memref<128x128xf32, #tpu.memory_space<vmem>>, vector<16xf32>,
        %parallel_loop3A_437 = arith.mulf %parallel_loop3A_433, %parallel_loop3A_436 : vector<16xf32>
        %parallel_loop3A_438 = arith.addf %parallel_loop3A_430, %parallel_loop3A_437 : vector<16xf32>
        %parallel_loop3A_439 = arith.index_cast %parallel_loop3A_383 : i32 to index
        %parallel_loop3A_440 = arith.constant 112 : index
        %parallel_loop3A_441 = tpu.vector_load %arg6[%parallel_loop3A_439, %parallel_loop3A_440] {strides = array<i32>} : memref<128x128xf32, #tpu.memory_space<vmem>>, vector<16xf32>,
        %parallel_loop3A_442 = arith.index_cast %parallel_loop3A_383 : i32 to index
        %parallel_loop3A_443 = arith.constant 112 : index
        %parallel_loop3A_444 = tpu.vector_load %arg7[%parallel_loop3A_442, %parallel_loop3A_443] {strides = array<i32>} : memref<128x128xf32, #tpu.memory_space<vmem>>, vector<16xf32>,
        %parallel_loop3A_445 = arith.mulf %parallel_loop3A_441, %parallel_loop3A_444 : vector<16xf32>
        %parallel_loop3A_446 = arith.addf %parallel_loop3A_438, %parallel_loop3A_445 : vector<16xf32>
        %parallel_loop3A_447 = arith.index_cast %parallel_loop3A_383 : i32 to index
        %parallel_loop3A_448 = arith.constant 192 : index
        %parallel_loop3A_449 = tpu.vector_load %arg10[%parallel_loop3A_447, %parallel_loop3A_448] {strides = array<i32>} : memref<128x336xf32, #tpu.memory_space<vmem>>, vector<16xf32>,
        tpu.vector_store %arg10[%parallel_loop3A_447, %parallel_loop3A_448], %parallel_loop3A_446 {strides = array<i32>} : memref<128x336xf32, #tpu.memory_space<vmem>>, vector<16xf32>,
      } {sc.loop_unroll_factor = 2 : i64, sc.parallel_access}
      %dma_start3A_261 = arith.constant 16 : i32
      %dma_start3A_262 = arith.constant 0 : i32
      %dma_start3A_263 = tpu.memref_slice %arg5[%dma_start3A_261, %dma_start3A_262] : memref<22x128xi32, #tpu.memory_space<vmem>> -> memref<1x128xi32, #tpu.memory_space<vmem>>
      %dma_start3A_264 = tpu.memref_squeeze %dma_start3A_263 : memref<1x128xi32, #tpu.memory_space<vmem>> -> memref<128xi32, #tpu.memory_space<vmem>>
      %dma_start3A_265 = arith.constant 0 : i32
      %dma_start3A_266 = arith.constant 0 : i32
      %dma_start3A_267 = tpu.memref_slice %arg2[%dma_start3A_265, %dma_start3A_266] : memref<100000x128xf32, #tpu.memory_space<hbm>> -> memref<100000x128xf32, #tpu.memory_space<hbm>>
      tpu.enqueue_indirect_dma source(%dma_start3A_267 : memref<100000x128xf32, #tpu.memory_space<hbm>>) target(%arg7 : memref<128x128xf32, #tpu.memory_space<vmem>>) offsets(%dma_start3A_264 : memref<128xi32, #tpu.memory_space<vmem>>) semaphore(%arg12 : memref<!tpu.dma_semaphore, #tpu.memory_space<semaphore_mem>>)
      %dma_wait3A_268 = arith.constant 14 : i32
      %dma_wait3A_269 = arith.constant 0 : i32
      %dma_wait3A_270 = tpu.memref_slice %arg5[%dma_wait3A_268, %dma_wait3A_269] : memref<22x128xi32, #tpu.memory_space<vmem>> -> memref<1x128xi32, #tpu.memory_space<vmem>>
      %dma_wait3A_271 = tpu.memref_squeeze %dma_wait3A_270 : memref<1x128xi32, #tpu.memory_space<vmem>> -> memref<128xi32, #tpu.memory_space<vmem>>
      %dma_wait3A_272 = arith.constant 0 : i32
      %dma_wait3A_273 = arith.constant 0 : i32
      %dma_wait3A_274 = tpu.memref_slice %arg2[%dma_wait3A_272, %dma_wait3A_273] : memref<100000x128xf32, #tpu.memory_space<hbm>> -> memref<100000x128xf32, #tpu.memory_space<hbm>>
      tpu.wait_indirect_dma semaphore(%arg13 : memref<!tpu.dma_semaphore, #tpu.memory_space<semaphore_mem>>) src(%dma_wait3A_274 : memref<100000x128xf32, #tpu.memory_space<hbm>>) dst(%arg8 : memref<128x128xf32, #tpu.memory_space<vmem>>)
      %parallel_loop3A_275 = arith.constant 0 : i32
      %parallel_loop3A_276 = arith.constant 128 : i32
      %parallel_loop3A_277 = arith.constant 1 : i32
      scf.for %parallel_loop3A_383 = %parallel_loop3A_275 to %parallel_loop3A_276 step %parallel_loop3A_277  : i32 {
        %parallel_loop3A_384 = arith.index_cast %parallel_loop3A_383 : i32 to index
        %parallel_loop3A_385 = arith.constant 0 : index
        %parallel_loop3A_386 = tpu.vector_load %arg6[%parallel_loop3A_384, %parallel_loop3A_385] {strides = array<i32>} : memref<128x128xf32, #tpu.memory_space<vmem>>, vector<16xf32>,
        %parallel_loop3A_387 = arith.index_cast %parallel_loop3A_383 : i32 to index
        %parallel_loop3A_388 = arith.constant 0 : index
        %parallel_loop3A_389 = tpu.vector_load %arg8[%parallel_loop3A_387, %parallel_loop3A_388] {strides = array<i32>} : memref<128x128xf32, #tpu.memory_space<vmem>>, vector<16xf32>,
        %parallel_loop3A_390 = arith.mulf %parallel_loop3A_386, %parallel_loop3A_389 : vector<16xf32>
        %parallel_loop3A_391 = arith.index_cast %parallel_loop3A_383 : i32 to index
        %parallel_loop3A_392 = arith.constant 16 : index
        %parallel_loop3A_393 = tpu.vector_load %arg6[%parallel_loop3A_391, %parallel_loop3A_392] {strides = array<i32>} : memref<128x128xf32, #tpu.memory_space<vmem>>, vector<16xf32>,
        %parallel_loop3A_394 = arith.index_cast %parallel_loop3A_383 : i32 to index
        %parallel_loop3A_395 = arith.constant 16 : index
        %parallel_loop3A_396 = tpu.vector_load %arg8[%parallel_loop3A_394, %parallel_loop3A_395] {strides = array<i32>} : memref<128x128xf32, #tpu.memory_space<vmem>>, vector<16xf32>,
        %parallel_loop3A_397 = arith.mulf %parallel_loop3A_393, %parallel_loop3A_396 : vector<16xf32>
        %parallel_loop3A_398 = arith.addf %parallel_loop3A_390, %parallel_loop3A_397 : vector<16xf32>
        %parallel_loop3A_399 = arith.index_cast %parallel_loop3A_383 : i32 to index
        %parallel_loop3A_400 = arith.constant 32 : index
        %parallel_loop3A_401 = tpu.vector_load %arg6[%parallel_loop3A_399, %parallel_loop3A_400] {strides = array<i32>} : memref<128x128xf32, #tpu.memory_space<vmem>>, vector<16xf32>,
        %parallel_loop3A_402 = arith.index_cast %parallel_loop3A_383 : i32 to index
        %parallel_loop3A_403 = arith.constant 32 : index
        %parallel_loop3A_404 = tpu.vector_load %arg8[%parallel_loop3A_402, %parallel_loop3A_403] {strides = array<i32>} : memref<128x128xf32, #tpu.memory_space<vmem>>, vector<16xf32>,
        %parallel_loop3A_405 = arith.mulf %parallel_loop3A_401, %parallel_loop3A_404 : vector<16xf32>
        %parallel_loop3A_406 = arith.addf %parallel_loop3A_398, %parallel_loop3A_405 : vector<16xf32>
        %parallel_loop3A_407 = arith.index_cast %parallel_loop3A_383 : i32 to index
        %parallel_loop3A_408 = arith.constant 48 : index
        %parallel_loop3A_409 = tpu.vector_load %arg6[%parallel_loop3A_407, %parallel_loop3A_408] {strides = array<i32>} : memref<128x128xf32, #tpu.memory_space<vmem>>, vector<16xf32>,
        %parallel_loop3A_410 = arith.index_cast %parallel_loop3A_383 : i32 to index
        %parallel_loop3A_411 = arith.constant 48 : index
        %parallel_loop3A_412 = tpu.vector_load %arg8[%parallel_loop3A_410, %parallel_loop3A_411] {strides = array<i32>} : memref<128x128xf32, #tpu.memory_space<vmem>>, vector<16xf32>,
        %parallel_loop3A_413 = arith.mulf %parallel_loop3A_409, %parallel_loop3A_412 : vector<16xf32>
        %parallel_loop3A_414 = arith.addf %parallel_loop3A_406, %parallel_loop3A_413 : vector<16xf32>
        %parallel_loop3A_415 = arith.index_cast %parallel_loop3A_383 : i32 to index
        %parallel_loop3A_416 = arith.constant 64 : index
        %parallel_loop3A_417 = tpu.vector_load %arg6[%parallel_loop3A_415, %parallel_loop3A_416] {strides = array<i32>} : memref<128x128xf32, #tpu.memory_space<vmem>>, vector<16xf32>,
        %parallel_loop3A_418 = arith.index_cast %parallel_loop3A_383 : i32 to index
        %parallel_loop3A_419 = arith.constant 64 : index
        %parallel_loop3A_420 = tpu.vector_load %arg8[%parallel_loop3A_418, %parallel_loop3A_419] {strides = array<i32>} : memref<128x128xf32, #tpu.memory_space<vmem>>, vector<16xf32>,
        %parallel_loop3A_421 = arith.mulf %parallel_loop3A_417, %parallel_loop3A_420 : vector<16xf32>
        %parallel_loop3A_422 = arith.addf %parallel_loop3A_414, %parallel_loop3A_421 : vector<16xf32>
        %parallel_loop3A_423 = arith.index_cast %parallel_loop3A_383 : i32 to index
        %parallel_loop3A_424 = arith.constant 80 : index
        %parallel_loop3A_425 = tpu.vector_load %arg6[%parallel_loop3A_423, %parallel_loop3A_424] {strides = array<i32>} : memref<128x128xf32, #tpu.memory_space<vmem>>, vector<16xf32>,
        %parallel_loop3A_426 = arith.index_cast %parallel_loop3A_383 : i32 to index
        %parallel_loop3A_427 = arith.constant 80 : index
        %parallel_loop3A_428 = tpu.vector_load %arg8[%parallel_loop3A_426, %parallel_loop3A_427] {strides = array<i32>} : memref<128x128xf32, #tpu.memory_space<vmem>>, vector<16xf32>,
        %parallel_loop3A_429 = arith.mulf %parallel_loop3A_425, %parallel_loop3A_428 : vector<16xf32>
        %parallel_loop3A_430 = arith.addf %parallel_loop3A_422, %parallel_loop3A_429 : vector<16xf32>
        %parallel_loop3A_431 = arith.index_cast %parallel_loop3A_383 : i32 to index
        %parallel_loop3A_432 = arith.constant 96 : index
        %parallel_loop3A_433 = tpu.vector_load %arg6[%parallel_loop3A_431, %parallel_loop3A_432] {strides = array<i32>} : memref<128x128xf32, #tpu.memory_space<vmem>>, vector<16xf32>,
        %parallel_loop3A_434 = arith.index_cast %parallel_loop3A_383 : i32 to index
        %parallel_loop3A_435 = arith.constant 96 : index
        %parallel_loop3A_436 = tpu.vector_load %arg8[%parallel_loop3A_434, %parallel_loop3A_435] {strides = array<i32>} : memref<128x128xf32, #tpu.memory_space<vmem>>, vector<16xf32>,
        %parallel_loop3A_437 = arith.mulf %parallel_loop3A_433, %parallel_loop3A_436 : vector<16xf32>
        %parallel_loop3A_438 = arith.addf %parallel_loop3A_430, %parallel_loop3A_437 : vector<16xf32>
        %parallel_loop3A_439 = arith.index_cast %parallel_loop3A_383 : i32 to index
        %parallel_loop3A_440 = arith.constant 112 : index
        %parallel_loop3A_441 = tpu.vector_load %arg6[%parallel_loop3A_439, %parallel_loop3A_440] {strides = array<i32>} : memref<128x128xf32, #tpu.memory_space<vmem>>, vector<16xf32>,
        %parallel_loop3A_442 = arith.index_cast %parallel_loop3A_383 : i32 to index
        %parallel_loop3A_443 = arith.constant 112 : index
        %parallel_loop3A_444 = tpu.vector_load %arg8[%parallel_loop3A_442, %parallel_loop3A_443] {strides = array<i32>} : memref<128x128xf32, #tpu.memory_space<vmem>>, vector<16xf32>,
        %parallel_loop3A_445 = arith.mulf %parallel_loop3A_441, %parallel_loop3A_444 : vector<16xf32>
        %parallel_loop3A_446 = arith.addf %parallel_loop3A_438, %parallel_loop3A_445 : vector<16xf32>
        %parallel_loop3A_447 = arith.index_cast %parallel_loop3A_383 : i32 to index
        %parallel_loop3A_448 = arith.constant 208 : index
        %parallel_loop3A_449 = tpu.vector_load %arg10[%parallel_loop3A_447, %parallel_loop3A_448] {strides = array<i32>} : memref<128x336xf32, #tpu.memory_space<vmem>>, vector<16xf32>,
        tpu.vector_store %arg10[%parallel_loop3A_447, %parallel_loop3A_448], %parallel_loop3A_446 {strides = array<i32>} : memref<128x336xf32, #tpu.memory_space<vmem>>, vector<16xf32>,
      } {sc.loop_unroll_factor = 2 : i64, sc.parallel_access}
      %dma_start3A_278 = arith.constant 17 : i32
      %dma_start3A_279 = arith.constant 0 : i32
      %dma_start3A_280 = tpu.memref_slice %arg5[%dma_start3A_278, %dma_start3A_279] : memref<22x128xi32, #tpu.memory_space<vmem>> -> memref<1x128xi32, #tpu.memory_space<vmem>>
      %dma_start3A_281 = tpu.memref_squeeze %dma_start3A_280 : memref<1x128xi32, #tpu.memory_space<vmem>> -> memref<128xi32, #tpu.memory_space<vmem>>
      %dma_start3A_282 = arith.constant 0 : i32
      %dma_start3A_283 = arith.constant 0 : i32
      %dma_start3A_284 = tpu.memref_slice %arg2[%dma_start3A_282, %dma_start3A_283] : memref<100000x128xf32, #tpu.memory_space<hbm>> -> memref<100000x128xf32, #tpu.memory_space<hbm>>
      tpu.enqueue_indirect_dma source(%dma_start3A_284 : memref<100000x128xf32, #tpu.memory_space<hbm>>) target(%arg8 : memref<128x128xf32, #tpu.memory_space<vmem>>) offsets(%dma_start3A_281 : memref<128xi32, #tpu.memory_space<vmem>>) semaphore(%arg13 : memref<!tpu.dma_semaphore, #tpu.memory_space<semaphore_mem>>)
      %dma_wait3A_285 = arith.constant 15 : i32
      %dma_wait3A_286 = arith.constant 0 : i32
      %dma_wait3A_287 = tpu.memref_slice %arg5[%dma_wait3A_285, %dma_wait3A_286] : memref<22x128xi32, #tpu.memory_space<vmem>> -> memref<1x128xi32, #tpu.memory_space<vmem>>
      %dma_wait3A_288 = tpu.memref_squeeze %dma_wait3A_287 : memref<1x128xi32, #tpu.memory_space<vmem>> -> memref<128xi32, #tpu.memory_space<vmem>>
      %dma_wait3A_289 = arith.constant 0 : i32
      %dma_wait3A_290 = arith.constant 0 : i32
      %dma_wait3A_291 = tpu.memref_slice %arg2[%dma_wait3A_289, %dma_wait3A_290] : memref<100000x128xf32, #tpu.memory_space<hbm>> -> memref<100000x128xf32, #tpu.memory_space<hbm>>
      tpu.wait_indirect_dma semaphore(%arg14 : memref<!tpu.dma_semaphore, #tpu.memory_space<semaphore_mem>>) src(%dma_wait3A_291 : memref<100000x128xf32, #tpu.memory_space<hbm>>) dst(%arg9 : memref<128x128xf32, #tpu.memory_space<vmem>>)
      %parallel_loop3A_292 = arith.constant 0 : i32
      %parallel_loop3A_293 = arith.constant 128 : i32
      %parallel_loop3A_294 = arith.constant 1 : i32
      scf.for %parallel_loop3A_383 = %parallel_loop3A_292 to %parallel_loop3A_293 step %parallel_loop3A_294  : i32 {
        %parallel_loop3A_384 = arith.index_cast %parallel_loop3A_383 : i32 to index
        %parallel_loop3A_385 = arith.constant 0 : index
        %parallel_loop3A_386 = tpu.vector_load %arg6[%parallel_loop3A_384, %parallel_loop3A_385] {strides = array<i32>} : memref<128x128xf32, #tpu.memory_space<vmem>>, vector<16xf32>,
        %parallel_loop3A_387 = arith.index_cast %parallel_loop3A_383 : i32 to index
        %parallel_loop3A_388 = arith.constant 0 : index
        %parallel_loop3A_389 = tpu.vector_load %arg9[%parallel_loop3A_387, %parallel_loop3A_388] {strides = array<i32>} : memref<128x128xf32, #tpu.memory_space<vmem>>, vector<16xf32>,
        %parallel_loop3A_390 = arith.mulf %parallel_loop3A_386, %parallel_loop3A_389 : vector<16xf32>
        %parallel_loop3A_391 = arith.index_cast %parallel_loop3A_383 : i32 to index
        %parallel_loop3A_392 = arith.constant 16 : index
        %parallel_loop3A_393 = tpu.vector_load %arg6[%parallel_loop3A_391, %parallel_loop3A_392] {strides = array<i32>} : memref<128x128xf32, #tpu.memory_space<vmem>>, vector<16xf32>,
        %parallel_loop3A_394 = arith.index_cast %parallel_loop3A_383 : i32 to index
        %parallel_loop3A_395 = arith.constant 16 : index
        %parallel_loop3A_396 = tpu.vector_load %arg9[%parallel_loop3A_394, %parallel_loop3A_395] {strides = array<i32>} : memref<128x128xf32, #tpu.memory_space<vmem>>, vector<16xf32>,
        %parallel_loop3A_397 = arith.mulf %parallel_loop3A_393, %parallel_loop3A_396 : vector<16xf32>
        %parallel_loop3A_398 = arith.addf %parallel_loop3A_390, %parallel_loop3A_397 : vector<16xf32>
        %parallel_loop3A_399 = arith.index_cast %parallel_loop3A_383 : i32 to index
        %parallel_loop3A_400 = arith.constant 32 : index
        %parallel_loop3A_401 = tpu.vector_load %arg6[%parallel_loop3A_399, %parallel_loop3A_400] {strides = array<i32>} : memref<128x128xf32, #tpu.memory_space<vmem>>, vector<16xf32>,
        %parallel_loop3A_402 = arith.index_cast %parallel_loop3A_383 : i32 to index
        %parallel_loop3A_403 = arith.constant 32 : index
        %parallel_loop3A_404 = tpu.vector_load %arg9[%parallel_loop3A_402, %parallel_loop3A_403] {strides = array<i32>} : memref<128x128xf32, #tpu.memory_space<vmem>>, vector<16xf32>,
        %parallel_loop3A_405 = arith.mulf %parallel_loop3A_401, %parallel_loop3A_404 : vector<16xf32>
        %parallel_loop3A_406 = arith.addf %parallel_loop3A_398, %parallel_loop3A_405 : vector<16xf32>
        %parallel_loop3A_407 = arith.index_cast %parallel_loop3A_383 : i32 to index
        %parallel_loop3A_408 = arith.constant 48 : index
        %parallel_loop3A_409 = tpu.vector_load %arg6[%parallel_loop3A_407, %parallel_loop3A_408] {strides = array<i32>} : memref<128x128xf32, #tpu.memory_space<vmem>>, vector<16xf32>,
        %parallel_loop3A_410 = arith.index_cast %parallel_loop3A_383 : i32 to index
        %parallel_loop3A_411 = arith.constant 48 : index
        %parallel_loop3A_412 = tpu.vector_load %arg9[%parallel_loop3A_410, %parallel_loop3A_411] {strides = array<i32>} : memref<128x128xf32, #tpu.memory_space<vmem>>, vector<16xf32>,
        %parallel_loop3A_413 = arith.mulf %parallel_loop3A_409, %parallel_loop3A_412 : vector<16xf32>
        %parallel_loop3A_414 = arith.addf %parallel_loop3A_406, %parallel_loop3A_413 : vector<16xf32>
        %parallel_loop3A_415 = arith.index_cast %parallel_loop3A_383 : i32 to index
        %parallel_loop3A_416 = arith.constant 64 : index
        %parallel_loop3A_417 = tpu.vector_load %arg6[%parallel_loop3A_415, %parallel_loop3A_416] {strides = array<i32>} : memref<128x128xf32, #tpu.memory_space<vmem>>, vector<16xf32>,
        %parallel_loop3A_418 = arith.index_cast %parallel_loop3A_383 : i32 to index
        %parallel_loop3A_419 = arith.constant 64 : index
        %parallel_loop3A_420 = tpu.vector_load %arg9[%parallel_loop3A_418, %parallel_loop3A_419] {strides = array<i32>} : memref<128x128xf32, #tpu.memory_space<vmem>>, vector<16xf32>,
        %parallel_loop3A_421 = arith.mulf %parallel_loop3A_417, %parallel_loop3A_420 : vector<16xf32>
        %parallel_loop3A_422 = arith.addf %parallel_loop3A_414, %parallel_loop3A_421 : vector<16xf32>
        %parallel_loop3A_423 = arith.index_cast %parallel_loop3A_383 : i32 to index
        %parallel_loop3A_424 = arith.constant 80 : index
        %parallel_loop3A_425 = tpu.vector_load %arg6[%parallel_loop3A_423, %parallel_loop3A_424] {strides = array<i32>} : memref<128x128xf32, #tpu.memory_space<vmem>>, vector<16xf32>,
        %parallel_loop3A_426 = arith.index_cast %parallel_loop3A_383 : i32 to index
        %parallel_loop3A_427 = arith.constant 80 : index
        %parallel_loop3A_428 = tpu.vector_load %arg9[%parallel_loop3A_426, %parallel_loop3A_427] {strides = array<i32>} : memref<128x128xf32, #tpu.memory_space<vmem>>, vector<16xf32>,
        %parallel_loop3A_429 = arith.mulf %parallel_loop3A_425, %parallel_loop3A_428 : vector<16xf32>
        %parallel_loop3A_430 = arith.addf %parallel_loop3A_422, %parallel_loop3A_429 : vector<16xf32>
        %parallel_loop3A_431 = arith.index_cast %parallel_loop3A_383 : i32 to index
        %parallel_loop3A_432 = arith.constant 96 : index
        %parallel_loop3A_433 = tpu.vector_load %arg6[%parallel_loop3A_431, %parallel_loop3A_432] {strides = array<i32>} : memref<128x128xf32, #tpu.memory_space<vmem>>, vector<16xf32>,
        %parallel_loop3A_434 = arith.index_cast %parallel_loop3A_383 : i32 to index
        %parallel_loop3A_435 = arith.constant 96 : index
        %parallel_loop3A_436 = tpu.vector_load %arg9[%parallel_loop3A_434, %parallel_loop3A_435] {strides = array<i32>} : memref<128x128xf32, #tpu.memory_space<vmem>>, vector<16xf32>,
        %parallel_loop3A_437 = arith.mulf %parallel_loop3A_433, %parallel_loop3A_436 : vector<16xf32>
        %parallel_loop3A_438 = arith.addf %parallel_loop3A_430, %parallel_loop3A_437 : vector<16xf32>
        %parallel_loop3A_439 = arith.index_cast %parallel_loop3A_383 : i32 to index
        %parallel_loop3A_440 = arith.constant 112 : index
        %parallel_loop3A_441 = tpu.vector_load %arg6[%parallel_loop3A_439, %parallel_loop3A_440] {strides = array<i32>} : memref<128x128xf32, #tpu.memory_space<vmem>>, vector<16xf32>,
        %parallel_loop3A_442 = arith.index_cast %parallel_loop3A_383 : i32 to index
        %parallel_loop3A_443 = arith.constant 112 : index
        %parallel_loop3A_444 = tpu.vector_load %arg9[%parallel_loop3A_442, %parallel_loop3A_443] {strides = array<i32>} : memref<128x128xf32, #tpu.memory_space<vmem>>, vector<16xf32>,
        %parallel_loop3A_445 = arith.mulf %parallel_loop3A_441, %parallel_loop3A_444 : vector<16xf32>
        %parallel_loop3A_446 = arith.addf %parallel_loop3A_438, %parallel_loop3A_445 : vector<16xf32>
        %parallel_loop3A_447 = arith.index_cast %parallel_loop3A_383 : i32 to index
        %parallel_loop3A_448 = arith.constant 224 : index
        %parallel_loop3A_449 = tpu.vector_load %arg10[%parallel_loop3A_447, %parallel_loop3A_448] {strides = array<i32>} : memref<128x336xf32, #tpu.memory_space<vmem>>, vector<16xf32>,
        tpu.vector_store %arg10[%parallel_loop3A_447, %parallel_loop3A_448], %parallel_loop3A_446 {strides = array<i32>} : memref<128x336xf32, #tpu.memory_space<vmem>>, vector<16xf32>,
      } {sc.loop_unroll_factor = 2 : i64, sc.parallel_access}
      %dma_start3A_295 = arith.constant 18 : i32
      %dma_start3A_296 = arith.constant 0 : i32
      %dma_start3A_297 = tpu.memref_slice %arg5[%dma_start3A_295, %dma_start3A_296] : memref<22x128xi32, #tpu.memory_space<vmem>> -> memref<1x128xi32, #tpu.memory_space<vmem>>
      %dma_start3A_298 = tpu.memref_squeeze %dma_start3A_297 : memref<1x128xi32, #tpu.memory_space<vmem>> -> memref<128xi32, #tpu.memory_space<vmem>>
      %dma_start3A_299 = arith.constant 0 : i32
      %dma_start3A_300 = arith.constant 0 : i32
      %dma_start3A_301 = tpu.memref_slice %arg2[%dma_start3A_299, %dma_start3A_300] : memref<100000x128xf32, #tpu.memory_space<hbm>> -> memref<100000x128xf32, #tpu.memory_space<hbm>>
      tpu.enqueue_indirect_dma source(%dma_start3A_301 : memref<100000x128xf32, #tpu.memory_space<hbm>>) target(%arg9 : memref<128x128xf32, #tpu.memory_space<vmem>>) offsets(%dma_start3A_298 : memref<128xi32, #tpu.memory_space<vmem>>) semaphore(%arg14 : memref<!tpu.dma_semaphore, #tpu.memory_space<semaphore_mem>>)
      %dma_wait3A_302 = arith.constant 16 : i32
      %dma_wait3A_303 = arith.constant 0 : i32
      %dma_wait3A_304 = tpu.memref_slice %arg5[%dma_wait3A_302, %dma_wait3A_303] : memref<22x128xi32, #tpu.memory_space<vmem>> -> memref<1x128xi32, #tpu.memory_space<vmem>>
      %dma_wait3A_305 = tpu.memref_squeeze %dma_wait3A_304 : memref<1x128xi32, #tpu.memory_space<vmem>> -> memref<128xi32, #tpu.memory_space<vmem>>
      %dma_wait3A_306 = arith.constant 0 : i32
      %dma_wait3A_307 = arith.constant 0 : i32
      %dma_wait3A_308 = tpu.memref_slice %arg2[%dma_wait3A_306, %dma_wait3A_307] : memref<100000x128xf32, #tpu.memory_space<hbm>> -> memref<100000x128xf32, #tpu.memory_space<hbm>>
      tpu.wait_indirect_dma semaphore(%arg12 : memref<!tpu.dma_semaphore, #tpu.memory_space<semaphore_mem>>) src(%dma_wait3A_308 : memref<100000x128xf32, #tpu.memory_space<hbm>>) dst(%arg7 : memref<128x128xf32, #tpu.memory_space<vmem>>)
      %parallel_loop3A_309 = arith.constant 0 : i32
      %parallel_loop3A_310 = arith.constant 128 : i32
      %parallel_loop3A_311 = arith.constant 1 : i32
      scf.for %parallel_loop3A_383 = %parallel_loop3A_309 to %parallel_loop3A_310 step %parallel_loop3A_311  : i32 {
        %parallel_loop3A_384 = arith.index_cast %parallel_loop3A_383 : i32 to index
        %parallel_loop3A_385 = arith.constant 0 : index
        %parallel_loop3A_386 = tpu.vector_load %arg6[%parallel_loop3A_384, %parallel_loop3A_385] {strides = array<i32>} : memref<128x128xf32, #tpu.memory_space<vmem>>, vector<16xf32>,
        %parallel_loop3A_387 = arith.index_cast %parallel_loop3A_383 : i32 to index
        %parallel_loop3A_388 = arith.constant 0 : index
        %parallel_loop3A_389 = tpu.vector_load %arg7[%parallel_loop3A_387, %parallel_loop3A_388] {strides = array<i32>} : memref<128x128xf32, #tpu.memory_space<vmem>>, vector<16xf32>,
        %parallel_loop3A_390 = arith.mulf %parallel_loop3A_386, %parallel_loop3A_389 : vector<16xf32>
        %parallel_loop3A_391 = arith.index_cast %parallel_loop3A_383 : i32 to index
        %parallel_loop3A_392 = arith.constant 16 : index
        %parallel_loop3A_393 = tpu.vector_load %arg6[%parallel_loop3A_391, %parallel_loop3A_392] {strides = array<i32>} : memref<128x128xf32, #tpu.memory_space<vmem>>, vector<16xf32>,
        %parallel_loop3A_394 = arith.index_cast %parallel_loop3A_383 : i32 to index
        %parallel_loop3A_395 = arith.constant 16 : index
        %parallel_loop3A_396 = tpu.vector_load %arg7[%parallel_loop3A_394, %parallel_loop3A_395] {strides = array<i32>} : memref<128x128xf32, #tpu.memory_space<vmem>>, vector<16xf32>,
        %parallel_loop3A_397 = arith.mulf %parallel_loop3A_393, %parallel_loop3A_396 : vector<16xf32>
        %parallel_loop3A_398 = arith.addf %parallel_loop3A_390, %parallel_loop3A_397 : vector<16xf32>
        %parallel_loop3A_399 = arith.index_cast %parallel_loop3A_383 : i32 to index
        %parallel_loop3A_400 = arith.constant 32 : index
        %parallel_loop3A_401 = tpu.vector_load %arg6[%parallel_loop3A_399, %parallel_loop3A_400] {strides = array<i32>} : memref<128x128xf32, #tpu.memory_space<vmem>>, vector<16xf32>,
        %parallel_loop3A_402 = arith.index_cast %parallel_loop3A_383 : i32 to index
        %parallel_loop3A_403 = arith.constant 32 : index
        %parallel_loop3A_404 = tpu.vector_load %arg7[%parallel_loop3A_402, %parallel_loop3A_403] {strides = array<i32>} : memref<128x128xf32, #tpu.memory_space<vmem>>, vector<16xf32>,
        %parallel_loop3A_405 = arith.mulf %parallel_loop3A_401, %parallel_loop3A_404 : vector<16xf32>
        %parallel_loop3A_406 = arith.addf %parallel_loop3A_398, %parallel_loop3A_405 : vector<16xf32>
        %parallel_loop3A_407 = arith.index_cast %parallel_loop3A_383 : i32 to index
        %parallel_loop3A_408 = arith.constant 48 : index
        %parallel_loop3A_409 = tpu.vector_load %arg6[%parallel_loop3A_407, %parallel_loop3A_408] {strides = array<i32>} : memref<128x128xf32, #tpu.memory_space<vmem>>, vector<16xf32>,
        %parallel_loop3A_410 = arith.index_cast %parallel_loop3A_383 : i32 to index
        %parallel_loop3A_411 = arith.constant 48 : index
        %parallel_loop3A_412 = tpu.vector_load %arg7[%parallel_loop3A_410, %parallel_loop3A_411] {strides = array<i32>} : memref<128x128xf32, #tpu.memory_space<vmem>>, vector<16xf32>,
        %parallel_loop3A_413 = arith.mulf %parallel_loop3A_409, %parallel_loop3A_412 : vector<16xf32>
        %parallel_loop3A_414 = arith.addf %parallel_loop3A_406, %parallel_loop3A_413 : vector<16xf32>
        %parallel_loop3A_415 = arith.index_cast %parallel_loop3A_383 : i32 to index
        %parallel_loop3A_416 = arith.constant 64 : index
        %parallel_loop3A_417 = tpu.vector_load %arg6[%parallel_loop3A_415, %parallel_loop3A_416] {strides = array<i32>} : memref<128x128xf32, #tpu.memory_space<vmem>>, vector<16xf32>,
        %parallel_loop3A_418 = arith.index_cast %parallel_loop3A_383 : i32 to index
        %parallel_loop3A_419 = arith.constant 64 : index
        %parallel_loop3A_420 = tpu.vector_load %arg7[%parallel_loop3A_418, %parallel_loop3A_419] {strides = array<i32>} : memref<128x128xf32, #tpu.memory_space<vmem>>, vector<16xf32>,
        %parallel_loop3A_421 = arith.mulf %parallel_loop3A_417, %parallel_loop3A_420 : vector<16xf32>
        %parallel_loop3A_422 = arith.addf %parallel_loop3A_414, %parallel_loop3A_421 : vector<16xf32>
        %parallel_loop3A_423 = arith.index_cast %parallel_loop3A_383 : i32 to index
        %parallel_loop3A_424 = arith.constant 80 : index
        %parallel_loop3A_425 = tpu.vector_load %arg6[%parallel_loop3A_423, %parallel_loop3A_424] {strides = array<i32>} : memref<128x128xf32, #tpu.memory_space<vmem>>, vector<16xf32>,
        %parallel_loop3A_426 = arith.index_cast %parallel_loop3A_383 : i32 to index
        %parallel_loop3A_427 = arith.constant 80 : index
        %parallel_loop3A_428 = tpu.vector_load %arg7[%parallel_loop3A_426, %parallel_loop3A_427] {strides = array<i32>} : memref<128x128xf32, #tpu.memory_space<vmem>>, vector<16xf32>,
        %parallel_loop3A_429 = arith.mulf %parallel_loop3A_425, %parallel_loop3A_428 : vector<16xf32>
        %parallel_loop3A_430 = arith.addf %parallel_loop3A_422, %parallel_loop3A_429 : vector<16xf32>
        %parallel_loop3A_431 = arith.index_cast %parallel_loop3A_383 : i32 to index
        %parallel_loop3A_432 = arith.constant 96 : index
        %parallel_loop3A_433 = tpu.vector_load %arg6[%parallel_loop3A_431, %parallel_loop3A_432] {strides = array<i32>} : memref<128x128xf32, #tpu.memory_space<vmem>>, vector<16xf32>,
        %parallel_loop3A_434 = arith.index_cast %parallel_loop3A_383 : i32 to index
        %parallel_loop3A_435 = arith.constant 96 : index
        %parallel_loop3A_436 = tpu.vector_load %arg7[%parallel_loop3A_434, %parallel_loop3A_435] {strides = array<i32>} : memref<128x128xf32, #tpu.memory_space<vmem>>, vector<16xf32>,
        %parallel_loop3A_437 = arith.mulf %parallel_loop3A_433, %parallel_loop3A_436 : vector<16xf32>
        %parallel_loop3A_438 = arith.addf %parallel_loop3A_430, %parallel_loop3A_437 : vector<16xf32>
        %parallel_loop3A_439 = arith.index_cast %parallel_loop3A_383 : i32 to index
        %parallel_loop3A_440 = arith.constant 112 : index
        %parallel_loop3A_441 = tpu.vector_load %arg6[%parallel_loop3A_439, %parallel_loop3A_440] {strides = array<i32>} : memref<128x128xf32, #tpu.memory_space<vmem>>, vector<16xf32>,
        %parallel_loop3A_442 = arith.index_cast %parallel_loop3A_383 : i32 to index
        %parallel_loop3A_443 = arith.constant 112 : index
        %parallel_loop3A_444 = tpu.vector_load %arg7[%parallel_loop3A_442, %parallel_loop3A_443] {strides = array<i32>} : memref<128x128xf32, #tpu.memory_space<vmem>>, vector<16xf32>,
        %parallel_loop3A_445 = arith.mulf %parallel_loop3A_441, %parallel_loop3A_444 : vector<16xf32>
        %parallel_loop3A_446 = arith.addf %parallel_loop3A_438, %parallel_loop3A_445 : vector<16xf32>
        %parallel_loop3A_447 = arith.index_cast %parallel_loop3A_383 : i32 to index
        %parallel_loop3A_448 = arith.constant 240 : index
        %parallel_loop3A_449 = tpu.vector_load %arg10[%parallel_loop3A_447, %parallel_loop3A_448] {strides = array<i32>} : memref<128x336xf32, #tpu.memory_space<vmem>>, vector<16xf32>,
        tpu.vector_store %arg10[%parallel_loop3A_447, %parallel_loop3A_448], %parallel_loop3A_446 {strides = array<i32>} : memref<128x336xf32, #tpu.memory_space<vmem>>, vector<16xf32>,
      } {sc.loop_unroll_factor = 2 : i64, sc.parallel_access}
      %dma_start3A_312 = arith.constant 19 : i32
      %dma_start3A_313 = arith.constant 0 : i32
      %dma_start3A_314 = tpu.memref_slice %arg5[%dma_start3A_312, %dma_start3A_313] : memref<22x128xi32, #tpu.memory_space<vmem>> -> memref<1x128xi32, #tpu.memory_space<vmem>>
      %dma_start3A_315 = tpu.memref_squeeze %dma_start3A_314 : memref<1x128xi32, #tpu.memory_space<vmem>> -> memref<128xi32, #tpu.memory_space<vmem>>
      %dma_start3A_316 = arith.constant 0 : i32
      %dma_start3A_317 = arith.constant 0 : i32
      %dma_start3A_318 = tpu.memref_slice %arg2[%dma_start3A_316, %dma_start3A_317] : memref<100000x128xf32, #tpu.memory_space<hbm>> -> memref<100000x128xf32, #tpu.memory_space<hbm>>
      tpu.enqueue_indirect_dma source(%dma_start3A_318 : memref<100000x128xf32, #tpu.memory_space<hbm>>) target(%arg7 : memref<128x128xf32, #tpu.memory_space<vmem>>) offsets(%dma_start3A_315 : memref<128xi32, #tpu.memory_space<vmem>>) semaphore(%arg12 : memref<!tpu.dma_semaphore, #tpu.memory_space<semaphore_mem>>)
      %dma_wait3A_319 = arith.constant 17 : i32
      %dma_wait3A_320 = arith.constant 0 : i32
      %dma_wait3A_321 = tpu.memref_slice %arg5[%dma_wait3A_319, %dma_wait3A_320] : memref<22x128xi32, #tpu.memory_space<vmem>> -> memref<1x128xi32, #tpu.memory_space<vmem>>
      %dma_wait3A_322 = tpu.memref_squeeze %dma_wait3A_321 : memref<1x128xi32, #tpu.memory_space<vmem>> -> memref<128xi32, #tpu.memory_space<vmem>>
      %dma_wait3A_323 = arith.constant 0 : i32
      %dma_wait3A_324 = arith.constant 0 : i32
      %dma_wait3A_325 = tpu.memref_slice %arg2[%dma_wait3A_323, %dma_wait3A_324] : memref<100000x128xf32, #tpu.memory_space<hbm>> -> memref<100000x128xf32, #tpu.memory_space<hbm>>
      tpu.wait_indirect_dma semaphore(%arg13 : memref<!tpu.dma_semaphore, #tpu.memory_space<semaphore_mem>>) src(%dma_wait3A_325 : memref<100000x128xf32, #tpu.memory_space<hbm>>) dst(%arg8 : memref<128x128xf32, #tpu.memory_space<vmem>>)
      %parallel_loop3A_326 = arith.constant 0 : i32
      %parallel_loop3A_327 = arith.constant 128 : i32
      %parallel_loop3A_328 = arith.constant 1 : i32
      scf.for %parallel_loop3A_383 = %parallel_loop3A_326 to %parallel_loop3A_327 step %parallel_loop3A_328  : i32 {
        %parallel_loop3A_384 = arith.index_cast %parallel_loop3A_383 : i32 to index
        %parallel_loop3A_385 = arith.constant 0 : index
        %parallel_loop3A_386 = tpu.vector_load %arg6[%parallel_loop3A_384, %parallel_loop3A_385] {strides = array<i32>} : memref<128x128xf32, #tpu.memory_space<vmem>>, vector<16xf32>,
        %parallel_loop3A_387 = arith.index_cast %parallel_loop3A_383 : i32 to index
        %parallel_loop3A_388 = arith.constant 0 : index
        %parallel_loop3A_389 = tpu.vector_load %arg8[%parallel_loop3A_387, %parallel_loop3A_388] {strides = array<i32>} : memref<128x128xf32, #tpu.memory_space<vmem>>, vector<16xf32>,
        %parallel_loop3A_390 = arith.mulf %parallel_loop3A_386, %parallel_loop3A_389 : vector<16xf32>
        %parallel_loop3A_391 = arith.index_cast %parallel_loop3A_383 : i32 to index
        %parallel_loop3A_392 = arith.constant 16 : index
        %parallel_loop3A_393 = tpu.vector_load %arg6[%parallel_loop3A_391, %parallel_loop3A_392] {strides = array<i32>} : memref<128x128xf32, #tpu.memory_space<vmem>>, vector<16xf32>,
        %parallel_loop3A_394 = arith.index_cast %parallel_loop3A_383 : i32 to index
        %parallel_loop3A_395 = arith.constant 16 : index
        %parallel_loop3A_396 = tpu.vector_load %arg8[%parallel_loop3A_394, %parallel_loop3A_395] {strides = array<i32>} : memref<128x128xf32, #tpu.memory_space<vmem>>, vector<16xf32>,
        %parallel_loop3A_397 = arith.mulf %parallel_loop3A_393, %parallel_loop3A_396 : vector<16xf32>
        %parallel_loop3A_398 = arith.addf %parallel_loop3A_390, %parallel_loop3A_397 : vector<16xf32>
        %parallel_loop3A_399 = arith.index_cast %parallel_loop3A_383 : i32 to index
        %parallel_loop3A_400 = arith.constant 32 : index
        %parallel_loop3A_401 = tpu.vector_load %arg6[%parallel_loop3A_399, %parallel_loop3A_400] {strides = array<i32>} : memref<128x128xf32, #tpu.memory_space<vmem>>, vector<16xf32>,
        %parallel_loop3A_402 = arith.index_cast %parallel_loop3A_383 : i32 to index
        %parallel_loop3A_403 = arith.constant 32 : index
        %parallel_loop3A_404 = tpu.vector_load %arg8[%parallel_loop3A_402, %parallel_loop3A_403] {strides = array<i32>} : memref<128x128xf32, #tpu.memory_space<vmem>>, vector<16xf32>,
        %parallel_loop3A_405 = arith.mulf %parallel_loop3A_401, %parallel_loop3A_404 : vector<16xf32>
        %parallel_loop3A_406 = arith.addf %parallel_loop3A_398, %parallel_loop3A_405 : vector<16xf32>
        %parallel_loop3A_407 = arith.index_cast %parallel_loop3A_383 : i32 to index
        %parallel_loop3A_408 = arith.constant 48 : index
        %parallel_loop3A_409 = tpu.vector_load %arg6[%parallel_loop3A_407, %parallel_loop3A_408] {strides = array<i32>} : memref<128x128xf32, #tpu.memory_space<vmem>>, vector<16xf32>,
        %parallel_loop3A_410 = arith.index_cast %parallel_loop3A_383 : i32 to index
        %parallel_loop3A_411 = arith.constant 48 : index
        %parallel_loop3A_412 = tpu.vector_load %arg8[%parallel_loop3A_410, %parallel_loop3A_411] {strides = array<i32>} : memref<128x128xf32, #tpu.memory_space<vmem>>, vector<16xf32>,
        %parallel_loop3A_413 = arith.mulf %parallel_loop3A_409, %parallel_loop3A_412 : vector<16xf32>
        %parallel_loop3A_414 = arith.addf %parallel_loop3A_406, %parallel_loop3A_413 : vector<16xf32>
        %parallel_loop3A_415 = arith.index_cast %parallel_loop3A_383 : i32 to index
        %parallel_loop3A_416 = arith.constant 64 : index
        %parallel_loop3A_417 = tpu.vector_load %arg6[%parallel_loop3A_415, %parallel_loop3A_416] {strides = array<i32>} : memref<128x128xf32, #tpu.memory_space<vmem>>, vector<16xf32>,
        %parallel_loop3A_418 = arith.index_cast %parallel_loop3A_383 : i32 to index
        %parallel_loop3A_419 = arith.constant 64 : index
        %parallel_loop3A_420 = tpu.vector_load %arg8[%parallel_loop3A_418, %parallel_loop3A_419] {strides = array<i32>} : memref<128x128xf32, #tpu.memory_space<vmem>>, vector<16xf32>,
        %parallel_loop3A_421 = arith.mulf %parallel_loop3A_417, %parallel_loop3A_420 : vector<16xf32>
        %parallel_loop3A_422 = arith.addf %parallel_loop3A_414, %parallel_loop3A_421 : vector<16xf32>
        %parallel_loop3A_423 = arith.index_cast %parallel_loop3A_383 : i32 to index
        %parallel_loop3A_424 = arith.constant 80 : index
        %parallel_loop3A_425 = tpu.vector_load %arg6[%parallel_loop3A_423, %parallel_loop3A_424] {strides = array<i32>} : memref<128x128xf32, #tpu.memory_space<vmem>>, vector<16xf32>,
        %parallel_loop3A_426 = arith.index_cast %parallel_loop3A_383 : i32 to index
        %parallel_loop3A_427 = arith.constant 80 : index
        %parallel_loop3A_428 = tpu.vector_load %arg8[%parallel_loop3A_426, %parallel_loop3A_427] {strides = array<i32>} : memref<128x128xf32, #tpu.memory_space<vmem>>, vector<16xf32>,
        %parallel_loop3A_429 = arith.mulf %parallel_loop3A_425, %parallel_loop3A_428 : vector<16xf32>
        %parallel_loop3A_430 = arith.addf %parallel_loop3A_422, %parallel_loop3A_429 : vector<16xf32>
        %parallel_loop3A_431 = arith.index_cast %parallel_loop3A_383 : i32 to index
        %parallel_loop3A_432 = arith.constant 96 : index
        %parallel_loop3A_433 = tpu.vector_load %arg6[%parallel_loop3A_431, %parallel_loop3A_432] {strides = array<i32>} : memref<128x128xf32, #tpu.memory_space<vmem>>, vector<16xf32>,
        %parallel_loop3A_434 = arith.index_cast %parallel_loop3A_383 : i32 to index
        %parallel_loop3A_435 = arith.constant 96 : index
        %parallel_loop3A_436 = tpu.vector_load %arg8[%parallel_loop3A_434, %parallel_loop3A_435] {strides = array<i32>} : memref<128x128xf32, #tpu.memory_space<vmem>>, vector<16xf32>,
        %parallel_loop3A_437 = arith.mulf %parallel_loop3A_433, %parallel_loop3A_436 : vector<16xf32>
        %parallel_loop3A_438 = arith.addf %parallel_loop3A_430, %parallel_loop3A_437 : vector<16xf32>
        %parallel_loop3A_439 = arith.index_cast %parallel_loop3A_383 : i32 to index
        %parallel_loop3A_440 = arith.constant 112 : index
        %parallel_loop3A_441 = tpu.vector_load %arg6[%parallel_loop3A_439, %parallel_loop3A_440] {strides = array<i32>} : memref<128x128xf32, #tpu.memory_space<vmem>>, vector<16xf32>,
        %parallel_loop3A_442 = arith.index_cast %parallel_loop3A_383 : i32 to index
        %parallel_loop3A_443 = arith.constant 112 : index
        %parallel_loop3A_444 = tpu.vector_load %arg8[%parallel_loop3A_442, %parallel_loop3A_443] {strides = array<i32>} : memref<128x128xf32, #tpu.memory_space<vmem>>, vector<16xf32>,
        %parallel_loop3A_445 = arith.mulf %parallel_loop3A_441, %parallel_loop3A_444 : vector<16xf32>
        %parallel_loop3A_446 = arith.addf %parallel_loop3A_438, %parallel_loop3A_445 : vector<16xf32>
        %parallel_loop3A_447 = arith.index_cast %parallel_loop3A_383 : i32 to index
        %parallel_loop3A_448 = arith.constant 256 : index
        %parallel_loop3A_449 = tpu.vector_load %arg10[%parallel_loop3A_447, %parallel_loop3A_448] {strides = array<i32>} : memref<128x336xf32, #tpu.memory_space<vmem>>, vector<16xf32>,
        tpu.vector_store %arg10[%parallel_loop3A_447, %parallel_loop3A_448], %parallel_loop3A_446 {strides = array<i32>} : memref<128x336xf32, #tpu.memory_space<vmem>>, vector<16xf32>,
      } {sc.loop_unroll_factor = 2 : i64, sc.parallel_access}
      %dma_start3A_329 = arith.constant 20 : i32
      %dma_start3A_330 = arith.constant 0 : i32
      %dma_start3A_331 = tpu.memref_slice %arg5[%dma_start3A_329, %dma_start3A_330] : memref<22x128xi32, #tpu.memory_space<vmem>> -> memref<1x128xi32, #tpu.memory_space<vmem>>
      %dma_start3A_332 = tpu.memref_squeeze %dma_start3A_331 : memref<1x128xi32, #tpu.memory_space<vmem>> -> memref<128xi32, #tpu.memory_space<vmem>>
      %dma_start3A_333 = arith.constant 0 : i32
      %dma_start3A_334 = arith.constant 0 : i32
      %dma_start3A_335 = tpu.memref_slice %arg2[%dma_start3A_333, %dma_start3A_334] : memref<100000x128xf32, #tpu.memory_space<hbm>> -> memref<100000x128xf32, #tpu.memory_space<hbm>>
      tpu.enqueue_indirect_dma source(%dma_start3A_335 : memref<100000x128xf32, #tpu.memory_space<hbm>>) target(%arg8 : memref<128x128xf32, #tpu.memory_space<vmem>>) offsets(%dma_start3A_332 : memref<128xi32, #tpu.memory_space<vmem>>) semaphore(%arg13 : memref<!tpu.dma_semaphore, #tpu.memory_space<semaphore_mem>>)
      %dma_wait3A_336 = arith.constant 18 : i32
      %dma_wait3A_337 = arith.constant 0 : i32
      %dma_wait3A_338 = tpu.memref_slice %arg5[%dma_wait3A_336, %dma_wait3A_337] : memref<22x128xi32, #tpu.memory_space<vmem>> -> memref<1x128xi32, #tpu.memory_space<vmem>>
      %dma_wait3A_339 = tpu.memref_squeeze %dma_wait3A_338 : memref<1x128xi32, #tpu.memory_space<vmem>> -> memref<128xi32, #tpu.memory_space<vmem>>
      %dma_wait3A_340 = arith.constant 0 : i32
      %dma_wait3A_341 = arith.constant 0 : i32
      %dma_wait3A_342 = tpu.memref_slice %arg2[%dma_wait3A_340, %dma_wait3A_341] : memref<100000x128xf32, #tpu.memory_space<hbm>> -> memref<100000x128xf32, #tpu.memory_space<hbm>>
      tpu.wait_indirect_dma semaphore(%arg14 : memref<!tpu.dma_semaphore, #tpu.memory_space<semaphore_mem>>) src(%dma_wait3A_342 : memref<100000x128xf32, #tpu.memory_space<hbm>>) dst(%arg9 : memref<128x128xf32, #tpu.memory_space<vmem>>)
      %parallel_loop3A_343 = arith.constant 0 : i32
      %parallel_loop3A_344 = arith.constant 128 : i32
      %parallel_loop3A_345 = arith.constant 1 : i32
      scf.for %parallel_loop3A_383 = %parallel_loop3A_343 to %parallel_loop3A_344 step %parallel_loop3A_345  : i32 {
        %parallel_loop3A_384 = arith.index_cast %parallel_loop3A_383 : i32 to index
        %parallel_loop3A_385 = arith.constant 0 : index
        %parallel_loop3A_386 = tpu.vector_load %arg6[%parallel_loop3A_384, %parallel_loop3A_385] {strides = array<i32>} : memref<128x128xf32, #tpu.memory_space<vmem>>, vector<16xf32>,
        %parallel_loop3A_387 = arith.index_cast %parallel_loop3A_383 : i32 to index
        %parallel_loop3A_388 = arith.constant 0 : index
        %parallel_loop3A_389 = tpu.vector_load %arg9[%parallel_loop3A_387, %parallel_loop3A_388] {strides = array<i32>} : memref<128x128xf32, #tpu.memory_space<vmem>>, vector<16xf32>,
        %parallel_loop3A_390 = arith.mulf %parallel_loop3A_386, %parallel_loop3A_389 : vector<16xf32>
        %parallel_loop3A_391 = arith.index_cast %parallel_loop3A_383 : i32 to index
        %parallel_loop3A_392 = arith.constant 16 : index
        %parallel_loop3A_393 = tpu.vector_load %arg6[%parallel_loop3A_391, %parallel_loop3A_392] {strides = array<i32>} : memref<128x128xf32, #tpu.memory_space<vmem>>, vector<16xf32>,
        %parallel_loop3A_394 = arith.index_cast %parallel_loop3A_383 : i32 to index
        %parallel_loop3A_395 = arith.constant 16 : index
        %parallel_loop3A_396 = tpu.vector_load %arg9[%parallel_loop3A_394, %parallel_loop3A_395] {strides = array<i32>} : memref<128x128xf32, #tpu.memory_space<vmem>>, vector<16xf32>,
        %parallel_loop3A_397 = arith.mulf %parallel_loop3A_393, %parallel_loop3A_396 : vector<16xf32>
        %parallel_loop3A_398 = arith.addf %parallel_loop3A_390, %parallel_loop3A_397 : vector<16xf32>
        %parallel_loop3A_399 = arith.index_cast %parallel_loop3A_383 : i32 to index
        %parallel_loop3A_400 = arith.constant 32 : index
        %parallel_loop3A_401 = tpu.vector_load %arg6[%parallel_loop3A_399, %parallel_loop3A_400] {strides = array<i32>} : memref<128x128xf32, #tpu.memory_space<vmem>>, vector<16xf32>,
        %parallel_loop3A_402 = arith.index_cast %parallel_loop3A_383 : i32 to index
        %parallel_loop3A_403 = arith.constant 32 : index
        %parallel_loop3A_404 = tpu.vector_load %arg9[%parallel_loop3A_402, %parallel_loop3A_403] {strides = array<i32>} : memref<128x128xf32, #tpu.memory_space<vmem>>, vector<16xf32>,
        %parallel_loop3A_405 = arith.mulf %parallel_loop3A_401, %parallel_loop3A_404 : vector<16xf32>
        %parallel_loop3A_406 = arith.addf %parallel_loop3A_398, %parallel_loop3A_405 : vector<16xf32>
        %parallel_loop3A_407 = arith.index_cast %parallel_loop3A_383 : i32 to index
        %parallel_loop3A_408 = arith.constant 48 : index
        %parallel_loop3A_409 = tpu.vector_load %arg6[%parallel_loop3A_407, %parallel_loop3A_408] {strides = array<i32>} : memref<128x128xf32, #tpu.memory_space<vmem>>, vector<16xf32>,
        %parallel_loop3A_410 = arith.index_cast %parallel_loop3A_383 : i32 to index
        %parallel_loop3A_411 = arith.constant 48 : index
        %parallel_loop3A_412 = tpu.vector_load %arg9[%parallel_loop3A_410, %parallel_loop3A_411] {strides = array<i32>} : memref<128x128xf32, #tpu.memory_space<vmem>>, vector<16xf32>,
        %parallel_loop3A_413 = arith.mulf %parallel_loop3A_409, %parallel_loop3A_412 : vector<16xf32>
        %parallel_loop3A_414 = arith.addf %parallel_loop3A_406, %parallel_loop3A_413 : vector<16xf32>
        %parallel_loop3A_415 = arith.index_cast %parallel_loop3A_383 : i32 to index
        %parallel_loop3A_416 = arith.constant 64 : index
        %parallel_loop3A_417 = tpu.vector_load %arg6[%parallel_loop3A_415, %parallel_loop3A_416] {strides = array<i32>} : memref<128x128xf32, #tpu.memory_space<vmem>>, vector<16xf32>,
        %parallel_loop3A_418 = arith.index_cast %parallel_loop3A_383 : i32 to index
        %parallel_loop3A_419 = arith.constant 64 : index
        %parallel_loop3A_420 = tpu.vector_load %arg9[%parallel_loop3A_418, %parallel_loop3A_419] {strides = array<i32>} : memref<128x128xf32, #tpu.memory_space<vmem>>, vector<16xf32>,
        %parallel_loop3A_421 = arith.mulf %parallel_loop3A_417, %parallel_loop3A_420 : vector<16xf32>
        %parallel_loop3A_422 = arith.addf %parallel_loop3A_414, %parallel_loop3A_421 : vector<16xf32>
        %parallel_loop3A_423 = arith.index_cast %parallel_loop3A_383 : i32 to index
        %parallel_loop3A_424 = arith.constant 80 : index
        %parallel_loop3A_425 = tpu.vector_load %arg6[%parallel_loop3A_423, %parallel_loop3A_424] {strides = array<i32>} : memref<128x128xf32, #tpu.memory_space<vmem>>, vector<16xf32>,
        %parallel_loop3A_426 = arith.index_cast %parallel_loop3A_383 : i32 to index
        %parallel_loop3A_427 = arith.constant 80 : index
        %parallel_loop3A_428 = tpu.vector_load %arg9[%parallel_loop3A_426, %parallel_loop3A_427] {strides = array<i32>} : memref<128x128xf32, #tpu.memory_space<vmem>>, vector<16xf32>,
        %parallel_loop3A_429 = arith.mulf %parallel_loop3A_425, %parallel_loop3A_428 : vector<16xf32>
        %parallel_loop3A_430 = arith.addf %parallel_loop3A_422, %parallel_loop3A_429 : vector<16xf32>
        %parallel_loop3A_431 = arith.index_cast %parallel_loop3A_383 : i32 to index
        %parallel_loop3A_432 = arith.constant 96 : index
        %parallel_loop3A_433 = tpu.vector_load %arg6[%parallel_loop3A_431, %parallel_loop3A_432] {strides = array<i32>} : memref<128x128xf32, #tpu.memory_space<vmem>>, vector<16xf32>,
        %parallel_loop3A_434 = arith.index_cast %parallel_loop3A_383 : i32 to index
        %parallel_loop3A_435 = arith.constant 96 : index
        %parallel_loop3A_436 = tpu.vector_load %arg9[%parallel_loop3A_434, %parallel_loop3A_435] {strides = array<i32>} : memref<128x128xf32, #tpu.memory_space<vmem>>, vector<16xf32>,
        %parallel_loop3A_437 = arith.mulf %parallel_loop3A_433, %parallel_loop3A_436 : vector<16xf32>
        %parallel_loop3A_438 = arith.addf %parallel_loop3A_430, %parallel_loop3A_437 : vector<16xf32>
        %parallel_loop3A_439 = arith.index_cast %parallel_loop3A_383 : i32 to index
        %parallel_loop3A_440 = arith.constant 112 : index
        %parallel_loop3A_441 = tpu.vector_load %arg6[%parallel_loop3A_439, %parallel_loop3A_440] {strides = array<i32>} : memref<128x128xf32, #tpu.memory_space<vmem>>, vector<16xf32>,
        %parallel_loop3A_442 = arith.index_cast %parallel_loop3A_383 : i32 to index
        %parallel_loop3A_443 = arith.constant 112 : index
        %parallel_loop3A_444 = tpu.vector_load %arg9[%parallel_loop3A_442, %parallel_loop3A_443] {strides = array<i32>} : memref<128x128xf32, #tpu.memory_space<vmem>>, vector<16xf32>,
        %parallel_loop3A_445 = arith.mulf %parallel_loop3A_441, %parallel_loop3A_444 : vector<16xf32>
        %parallel_loop3A_446 = arith.addf %parallel_loop3A_438, %parallel_loop3A_445 : vector<16xf32>
        %parallel_loop3A_447 = arith.index_cast %parallel_loop3A_383 : i32 to index
        %parallel_loop3A_448 = arith.constant 272 : index
        %parallel_loop3A_449 = tpu.vector_load %arg10[%parallel_loop3A_447, %parallel_loop3A_448] {strides = array<i32>} : memref<128x336xf32, #tpu.memory_space<vmem>>, vector<16xf32>,
        tpu.vector_store %arg10[%parallel_loop3A_447, %parallel_loop3A_448], %parallel_loop3A_446 {strides = array<i32>} : memref<128x336xf32, #tpu.memory_space<vmem>>, vector<16xf32>,
      } {sc.loop_unroll_factor = 2 : i64, sc.parallel_access}
      %dma_start3A_346 = arith.constant 21 : i32
      %dma_start3A_347 = arith.constant 0 : i32
      %dma_start3A_348 = tpu.memref_slice %arg5[%dma_start3A_346, %dma_start3A_347] : memref<22x128xi32, #tpu.memory_space<vmem>> -> memref<1x128xi32, #tpu.memory_space<vmem>>
      %dma_start3A_349 = tpu.memref_squeeze %dma_start3A_348 : memref<1x128xi32, #tpu.memory_space<vmem>> -> memref<128xi32, #tpu.memory_space<vmem>>
      %dma_start3A_350 = arith.constant 0 : i32
      %dma_start3A_351 = arith.constant 0 : i32
      %dma_start3A_352 = tpu.memref_slice %arg2[%dma_start3A_350, %dma_start3A_351] : memref<100000x128xf32, #tpu.memory_space<hbm>> -> memref<100000x128xf32, #tpu.memory_space<hbm>>
      tpu.enqueue_indirect_dma source(%dma_start3A_352 : memref<100000x128xf32, #tpu.memory_space<hbm>>) target(%arg9 : memref<128x128xf32, #tpu.memory_space<vmem>>) offsets(%dma_start3A_349 : memref<128xi32, #tpu.memory_space<vmem>>) semaphore(%arg14 : memref<!tpu.dma_semaphore, #tpu.memory_space<semaphore_mem>>)
      %dma_wait3A_353 = arith.constant 19 : i32
      %dma_wait3A_354 = arith.constant 0 : i32
      %dma_wait3A_355 = tpu.memref_slice %arg5[%dma_wait3A_353, %dma_wait3A_354] : memref<22x128xi32, #tpu.memory_space<vmem>> -> memref<1x128xi32, #tpu.memory_space<vmem>>
      %dma_wait3A_356 = tpu.memref_squeeze %dma_wait3A_355 : memref<1x128xi32, #tpu.memory_space<vmem>> -> memref<128xi32, #tpu.memory_space<vmem>>
      %dma_wait3A_357 = arith.constant 0 : i32
      %dma_wait3A_358 = arith.constant 0 : i32
      %dma_wait3A_359 = tpu.memref_slice %arg2[%dma_wait3A_357, %dma_wait3A_358] : memref<100000x128xf32, #tpu.memory_space<hbm>> -> memref<100000x128xf32, #tpu.memory_space<hbm>>
      tpu.wait_indirect_dma semaphore(%arg12 : memref<!tpu.dma_semaphore, #tpu.memory_space<semaphore_mem>>) src(%dma_wait3A_359 : memref<100000x128xf32, #tpu.memory_space<hbm>>) dst(%arg7 : memref<128x128xf32, #tpu.memory_space<vmem>>)
      %parallel_loop3A_360 = arith.constant 0 : i32
      %parallel_loop3A_361 = arith.constant 128 : i32
      %parallel_loop3A_362 = arith.constant 1 : i32
      scf.for %parallel_loop3A_383 = %parallel_loop3A_360 to %parallel_loop3A_361 step %parallel_loop3A_362  : i32 {
        %parallel_loop3A_384 = arith.index_cast %parallel_loop3A_383 : i32 to index
        %parallel_loop3A_385 = arith.constant 0 : index
        %parallel_loop3A_386 = tpu.vector_load %arg6[%parallel_loop3A_384, %parallel_loop3A_385] {strides = array<i32>} : memref<128x128xf32, #tpu.memory_space<vmem>>, vector<16xf32>,
        %parallel_loop3A_387 = arith.index_cast %parallel_loop3A_383 : i32 to index
        %parallel_loop3A_388 = arith.constant 0 : index
        %parallel_loop3A_389 = tpu.vector_load %arg7[%parallel_loop3A_387, %parallel_loop3A_388] {strides = array<i32>} : memref<128x128xf32, #tpu.memory_space<vmem>>, vector<16xf32>,
        %parallel_loop3A_390 = arith.mulf %parallel_loop3A_386, %parallel_loop3A_389 : vector<16xf32>
        %parallel_loop3A_391 = arith.index_cast %parallel_loop3A_383 : i32 to index
        %parallel_loop3A_392 = arith.constant 16 : index
        %parallel_loop3A_393 = tpu.vector_load %arg6[%parallel_loop3A_391, %parallel_loop3A_392] {strides = array<i32>} : memref<128x128xf32, #tpu.memory_space<vmem>>, vector<16xf32>,
        %parallel_loop3A_394 = arith.index_cast %parallel_loop3A_383 : i32 to index
        %parallel_loop3A_395 = arith.constant 16 : index
        %parallel_loop3A_396 = tpu.vector_load %arg7[%parallel_loop3A_394, %parallel_loop3A_395] {strides = array<i32>} : memref<128x128xf32, #tpu.memory_space<vmem>>, vector<16xf32>,
        %parallel_loop3A_397 = arith.mulf %parallel_loop3A_393, %parallel_loop3A_396 : vector<16xf32>
        %parallel_loop3A_398 = arith.addf %parallel_loop3A_390, %parallel_loop3A_397 : vector<16xf32>
        %parallel_loop3A_399 = arith.index_cast %parallel_loop3A_383 : i32 to index
        %parallel_loop3A_400 = arith.constant 32 : index
        %parallel_loop3A_401 = tpu.vector_load %arg6[%parallel_loop3A_399, %parallel_loop3A_400] {strides = array<i32>} : memref<128x128xf32, #tpu.memory_space<vmem>>, vector<16xf32>,
        %parallel_loop3A_402 = arith.index_cast %parallel_loop3A_383 : i32 to index
        %parallel_loop3A_403 = arith.constant 32 : index
        %parallel_loop3A_404 = tpu.vector_load %arg7[%parallel_loop3A_402, %parallel_loop3A_403] {strides = array<i32>} : memref<128x128xf32, #tpu.memory_space<vmem>>, vector<16xf32>,
        %parallel_loop3A_405 = arith.mulf %parallel_loop3A_401, %parallel_loop3A_404 : vector<16xf32>
        %parallel_loop3A_406 = arith.addf %parallel_loop3A_398, %parallel_loop3A_405 : vector<16xf32>
        %parallel_loop3A_407 = arith.index_cast %parallel_loop3A_383 : i32 to index
        %parallel_loop3A_408 = arith.constant 48 : index
        %parallel_loop3A_409 = tpu.vector_load %arg6[%parallel_loop3A_407, %parallel_loop3A_408] {strides = array<i32>} : memref<128x128xf32, #tpu.memory_space<vmem>>, vector<16xf32>,
        %parallel_loop3A_410 = arith.index_cast %parallel_loop3A_383 : i32 to index
        %parallel_loop3A_411 = arith.constant 48 : index
        %parallel_loop3A_412 = tpu.vector_load %arg7[%parallel_loop3A_410, %parallel_loop3A_411] {strides = array<i32>} : memref<128x128xf32, #tpu.memory_space<vmem>>, vector<16xf32>,
        %parallel_loop3A_413 = arith.mulf %parallel_loop3A_409, %parallel_loop3A_412 : vector<16xf32>
        %parallel_loop3A_414 = arith.addf %parallel_loop3A_406, %parallel_loop3A_413 : vector<16xf32>
        %parallel_loop3A_415 = arith.index_cast %parallel_loop3A_383 : i32 to index
        %parallel_loop3A_416 = arith.constant 64 : index
        %parallel_loop3A_417 = tpu.vector_load %arg6[%parallel_loop3A_415, %parallel_loop3A_416] {strides = array<i32>} : memref<128x128xf32, #tpu.memory_space<vmem>>, vector<16xf32>,
        %parallel_loop3A_418 = arith.index_cast %parallel_loop3A_383 : i32 to index
        %parallel_loop3A_419 = arith.constant 64 : index
        %parallel_loop3A_420 = tpu.vector_load %arg7[%parallel_loop3A_418, %parallel_loop3A_419] {strides = array<i32>} : memref<128x128xf32, #tpu.memory_space<vmem>>, vector<16xf32>,
        %parallel_loop3A_421 = arith.mulf %parallel_loop3A_417, %parallel_loop3A_420 : vector<16xf32>
        %parallel_loop3A_422 = arith.addf %parallel_loop3A_414, %parallel_loop3A_421 : vector<16xf32>
        %parallel_loop3A_423 = arith.index_cast %parallel_loop3A_383 : i32 to index
        %parallel_loop3A_424 = arith.constant 80 : index
        %parallel_loop3A_425 = tpu.vector_load %arg6[%parallel_loop3A_423, %parallel_loop3A_424] {strides = array<i32>} : memref<128x128xf32, #tpu.memory_space<vmem>>, vector<16xf32>,
        %parallel_loop3A_426 = arith.index_cast %parallel_loop3A_383 : i32 to index
        %parallel_loop3A_427 = arith.constant 80 : index
        %parallel_loop3A_428 = tpu.vector_load %arg7[%parallel_loop3A_426, %parallel_loop3A_427] {strides = array<i32>} : memref<128x128xf32, #tpu.memory_space<vmem>>, vector<16xf32>,
        %parallel_loop3A_429 = arith.mulf %parallel_loop3A_425, %parallel_loop3A_428 : vector<16xf32>
        %parallel_loop3A_430 = arith.addf %parallel_loop3A_422, %parallel_loop3A_429 : vector<16xf32>
        %parallel_loop3A_431 = arith.index_cast %parallel_loop3A_383 : i32 to index
        %parallel_loop3A_432 = arith.constant 96 : index
        %parallel_loop3A_433 = tpu.vector_load %arg6[%parallel_loop3A_431, %parallel_loop3A_432] {strides = array<i32>} : memref<128x128xf32, #tpu.memory_space<vmem>>, vector<16xf32>,
        %parallel_loop3A_434 = arith.index_cast %parallel_loop3A_383 : i32 to index
        %parallel_loop3A_435 = arith.constant 96 : index
        %parallel_loop3A_436 = tpu.vector_load %arg7[%parallel_loop3A_434, %parallel_loop3A_435] {strides = array<i32>} : memref<128x128xf32, #tpu.memory_space<vmem>>, vector<16xf32>,
        %parallel_loop3A_437 = arith.mulf %parallel_loop3A_433, %parallel_loop3A_436 : vector<16xf32>
        %parallel_loop3A_438 = arith.addf %parallel_loop3A_430, %parallel_loop3A_437 : vector<16xf32>
        %parallel_loop3A_439 = arith.index_cast %parallel_loop3A_383 : i32 to index
        %parallel_loop3A_440 = arith.constant 112 : index
        %parallel_loop3A_441 = tpu.vector_load %arg6[%parallel_loop3A_439, %parallel_loop3A_440] {strides = array<i32>} : memref<128x128xf32, #tpu.memory_space<vmem>>, vector<16xf32>,
        %parallel_loop3A_442 = arith.index_cast %parallel_loop3A_383 : i32 to index
        %parallel_loop3A_443 = arith.constant 112 : index
        %parallel_loop3A_444 = tpu.vector_load %arg7[%parallel_loop3A_442, %parallel_loop3A_443] {strides = array<i32>} : memref<128x128xf32, #tpu.memory_space<vmem>>, vector<16xf32>,
        %parallel_loop3A_445 = arith.mulf %parallel_loop3A_441, %parallel_loop3A_444 : vector<16xf32>
        %parallel_loop3A_446 = arith.addf %parallel_loop3A_438, %parallel_loop3A_445 : vector<16xf32>
        %parallel_loop3A_447 = arith.index_cast %parallel_loop3A_383 : i32 to index
        %parallel_loop3A_448 = arith.constant 288 : index
        %parallel_loop3A_449 = tpu.vector_load %arg10[%parallel_loop3A_447, %parallel_loop3A_448] {strides = array<i32>} : memref<128x336xf32, #tpu.memory_space<vmem>>, vector<16xf32>,
        tpu.vector_store %arg10[%parallel_loop3A_447, %parallel_loop3A_448], %parallel_loop3A_446 {strides = array<i32>} : memref<128x336xf32, #tpu.memory_space<vmem>>, vector<16xf32>,
      } {sc.loop_unroll_factor = 2 : i64, sc.parallel_access}
      %dma_wait3A_363 = arith.constant 20 : i32
      %dma_wait3A_364 = arith.constant 0 : i32
      %dma_wait3A_365 = tpu.memref_slice %arg5[%dma_wait3A_363, %dma_wait3A_364] : memref<22x128xi32, #tpu.memory_space<vmem>> -> memref<1x128xi32, #tpu.memory_space<vmem>>
      %dma_wait3A_366 = tpu.memref_squeeze %dma_wait3A_365 : memref<1x128xi32, #tpu.memory_space<vmem>> -> memref<128xi32, #tpu.memory_space<vmem>>
      %dma_wait3A_367 = arith.constant 0 : i32
      %dma_wait3A_368 = arith.constant 0 : i32
      %dma_wait3A_369 = tpu.memref_slice %arg2[%dma_wait3A_367, %dma_wait3A_368] : memref<100000x128xf32, #tpu.memory_space<hbm>> -> memref<100000x128xf32, #tpu.memory_space<hbm>>
      tpu.wait_indirect_dma semaphore(%arg13 : memref<!tpu.dma_semaphore, #tpu.memory_space<semaphore_mem>>) src(%dma_wait3A_369 : memref<100000x128xf32, #tpu.memory_space<hbm>>) dst(%arg8 : memref<128x128xf32, #tpu.memory_space<vmem>>)
      %parallel_loop3A_370 = arith.constant 0 : i32
      %parallel_loop3A_371 = arith.constant 128 : i32
      %parallel_loop3A_372 = arith.constant 1 : i32
      scf.for %parallel_loop3A_383 = %parallel_loop3A_370 to %parallel_loop3A_371 step %parallel_loop3A_372  : i32 {
        %parallel_loop3A_384 = arith.index_cast %parallel_loop3A_383 : i32 to index
        %parallel_loop3A_385 = arith.constant 0 : index
        %parallel_loop3A_386 = tpu.vector_load %arg6[%parallel_loop3A_384, %parallel_loop3A_385] {strides = array<i32>} : memref<128x128xf32, #tpu.memory_space<vmem>>, vector<16xf32>,
        %parallel_loop3A_387 = arith.index_cast %parallel_loop3A_383 : i32 to index
        %parallel_loop3A_388 = arith.constant 0 : index
        %parallel_loop3A_389 = tpu.vector_load %arg8[%parallel_loop3A_387, %parallel_loop3A_388] {strides = array<i32>} : memref<128x128xf32, #tpu.memory_space<vmem>>, vector<16xf32>,
        %parallel_loop3A_390 = arith.mulf %parallel_loop3A_386, %parallel_loop3A_389 : vector<16xf32>
        %parallel_loop3A_391 = arith.index_cast %parallel_loop3A_383 : i32 to index
        %parallel_loop3A_392 = arith.constant 16 : index
        %parallel_loop3A_393 = tpu.vector_load %arg6[%parallel_loop3A_391, %parallel_loop3A_392] {strides = array<i32>} : memref<128x128xf32, #tpu.memory_space<vmem>>, vector<16xf32>,
        %parallel_loop3A_394 = arith.index_cast %parallel_loop3A_383 : i32 to index
        %parallel_loop3A_395 = arith.constant 16 : index
        %parallel_loop3A_396 = tpu.vector_load %arg8[%parallel_loop3A_394, %parallel_loop3A_395] {strides = array<i32>} : memref<128x128xf32, #tpu.memory_space<vmem>>, vector<16xf32>,
        %parallel_loop3A_397 = arith.mulf %parallel_loop3A_393, %parallel_loop3A_396 : vector<16xf32>
        %parallel_loop3A_398 = arith.addf %parallel_loop3A_390, %parallel_loop3A_397 : vector<16xf32>
        %parallel_loop3A_399 = arith.index_cast %parallel_loop3A_383 : i32 to index
        %parallel_loop3A_400 = arith.constant 32 : index
        %parallel_loop3A_401 = tpu.vector_load %arg6[%parallel_loop3A_399, %parallel_loop3A_400] {strides = array<i32>} : memref<128x128xf32, #tpu.memory_space<vmem>>, vector<16xf32>,
        %parallel_loop3A_402 = arith.index_cast %parallel_loop3A_383 : i32 to index
        %parallel_loop3A_403 = arith.constant 32 : index
        %parallel_loop3A_404 = tpu.vector_load %arg8[%parallel_loop3A_402, %parallel_loop3A_403] {strides = array<i32>} : memref<128x128xf32, #tpu.memory_space<vmem>>, vector<16xf32>,
        %parallel_loop3A_405 = arith.mulf %parallel_loop3A_401, %parallel_loop3A_404 : vector<16xf32>
        %parallel_loop3A_406 = arith.addf %parallel_loop3A_398, %parallel_loop3A_405 : vector<16xf32>
        %parallel_loop3A_407 = arith.index_cast %parallel_loop3A_383 : i32 to index
        %parallel_loop3A_408 = arith.constant 48 : index
        %parallel_loop3A_409 = tpu.vector_load %arg6[%parallel_loop3A_407, %parallel_loop3A_408] {strides = array<i32>} : memref<128x128xf32, #tpu.memory_space<vmem>>, vector<16xf32>,
        %parallel_loop3A_410 = arith.index_cast %parallel_loop3A_383 : i32 to index
        %parallel_loop3A_411 = arith.constant 48 : index
        %parallel_loop3A_412 = tpu.vector_load %arg8[%parallel_loop3A_410, %parallel_loop3A_411] {strides = array<i32>} : memref<128x128xf32, #tpu.memory_space<vmem>>, vector<16xf32>,
        %parallel_loop3A_413 = arith.mulf %parallel_loop3A_409, %parallel_loop3A_412 : vector<16xf32>
        %parallel_loop3A_414 = arith.addf %parallel_loop3A_406, %parallel_loop3A_413 : vector<16xf32>
        %parallel_loop3A_415 = arith.index_cast %parallel_loop3A_383 : i32 to index
        %parallel_loop3A_416 = arith.constant 64 : index
        %parallel_loop3A_417 = tpu.vector_load %arg6[%parallel_loop3A_415, %parallel_loop3A_416] {strides = array<i32>} : memref<128x128xf32, #tpu.memory_space<vmem>>, vector<16xf32>,
        %parallel_loop3A_418 = arith.index_cast %parallel_loop3A_383 : i32 to index
        %parallel_loop3A_419 = arith.constant 64 : index
        %parallel_loop3A_420 = tpu.vector_load %arg8[%parallel_loop3A_418, %parallel_loop3A_419] {strides = array<i32>} : memref<128x128xf32, #tpu.memory_space<vmem>>, vector<16xf32>,
        %parallel_loop3A_421 = arith.mulf %parallel_loop3A_417, %parallel_loop3A_420 : vector<16xf32>
        %parallel_loop3A_422 = arith.addf %parallel_loop3A_414, %parallel_loop3A_421 : vector<16xf32>
        %parallel_loop3A_423 = arith.index_cast %parallel_loop3A_383 : i32 to index
        %parallel_loop3A_424 = arith.constant 80 : index
        %parallel_loop3A_425 = tpu.vector_load %arg6[%parallel_loop3A_423, %parallel_loop3A_424] {strides = array<i32>} : memref<128x128xf32, #tpu.memory_space<vmem>>, vector<16xf32>,
        %parallel_loop3A_426 = arith.index_cast %parallel_loop3A_383 : i32 to index
        %parallel_loop3A_427 = arith.constant 80 : index
        %parallel_loop3A_428 = tpu.vector_load %arg8[%parallel_loop3A_426, %parallel_loop3A_427] {strides = array<i32>} : memref<128x128xf32, #tpu.memory_space<vmem>>, vector<16xf32>,
        %parallel_loop3A_429 = arith.mulf %parallel_loop3A_425, %parallel_loop3A_428 : vector<16xf32>
        %parallel_loop3A_430 = arith.addf %parallel_loop3A_422, %parallel_loop3A_429 : vector<16xf32>
        %parallel_loop3A_431 = arith.index_cast %parallel_loop3A_383 : i32 to index
        %parallel_loop3A_432 = arith.constant 96 : index
        %parallel_loop3A_433 = tpu.vector_load %arg6[%parallel_loop3A_431, %parallel_loop3A_432] {strides = array<i32>} : memref<128x128xf32, #tpu.memory_space<vmem>>, vector<16xf32>,
        %parallel_loop3A_434 = arith.index_cast %parallel_loop3A_383 : i32 to index
        %parallel_loop3A_435 = arith.constant 96 : index
        %parallel_loop3A_436 = tpu.vector_load %arg8[%parallel_loop3A_434, %parallel_loop3A_435] {strides = array<i32>} : memref<128x128xf32, #tpu.memory_space<vmem>>, vector<16xf32>,
        %parallel_loop3A_437 = arith.mulf %parallel_loop3A_433, %parallel_loop3A_436 : vector<16xf32>
        %parallel_loop3A_438 = arith.addf %parallel_loop3A_430, %parallel_loop3A_437 : vector<16xf32>
        %parallel_loop3A_439 = arith.index_cast %parallel_loop3A_383 : i32 to index
        %parallel_loop3A_440 = arith.constant 112 : index
        %parallel_loop3A_441 = tpu.vector_load %arg6[%parallel_loop3A_439, %parallel_loop3A_440] {strides = array<i32>} : memref<128x128xf32, #tpu.memory_space<vmem>>, vector<16xf32>,
        %parallel_loop3A_442 = arith.index_cast %parallel_loop3A_383 : i32 to index
        %parallel_loop3A_443 = arith.constant 112 : index
        %parallel_loop3A_444 = tpu.vector_load %arg8[%parallel_loop3A_442, %parallel_loop3A_443] {strides = array<i32>} : memref<128x128xf32, #tpu.memory_space<vmem>>, vector<16xf32>,
        %parallel_loop3A_445 = arith.mulf %parallel_loop3A_441, %parallel_loop3A_444 : vector<16xf32>
        %parallel_loop3A_446 = arith.addf %parallel_loop3A_438, %parallel_loop3A_445 : vector<16xf32>
        %parallel_loop3A_447 = arith.index_cast %parallel_loop3A_383 : i32 to index
        %parallel_loop3A_448 = arith.constant 304 : index
        %parallel_loop3A_449 = tpu.vector_load %arg10[%parallel_loop3A_447, %parallel_loop3A_448] {strides = array<i32>} : memref<128x336xf32, #tpu.memory_space<vmem>>, vector<16xf32>,
        tpu.vector_store %arg10[%parallel_loop3A_447, %parallel_loop3A_448], %parallel_loop3A_446 {strides = array<i32>} : memref<128x336xf32, #tpu.memory_space<vmem>>, vector<16xf32>,
      } {sc.loop_unroll_factor = 2 : i64, sc.parallel_access}
      %dma_wait3A_373 = arith.constant 21 : i32
      %dma_wait3A_374 = arith.constant 0 : i32
      %dma_wait3A_375 = tpu.memref_slice %arg5[%dma_wait3A_373, %dma_wait3A_374] : memref<22x128xi32, #tpu.memory_space<vmem>> -> memref<1x128xi32, #tpu.memory_space<vmem>>
      %dma_wait3A_376 = tpu.memref_squeeze %dma_wait3A_375 : memref<1x128xi32, #tpu.memory_space<vmem>> -> memref<128xi32, #tpu.memory_space<vmem>>
      %dma_wait3A_377 = arith.constant 0 : i32
      %dma_wait3A_378 = arith.constant 0 : i32
      %dma_wait3A_379 = tpu.memref_slice %arg2[%dma_wait3A_377, %dma_wait3A_378] : memref<100000x128xf32, #tpu.memory_space<hbm>> -> memref<100000x128xf32, #tpu.memory_space<hbm>>
      tpu.wait_indirect_dma semaphore(%arg14 : memref<!tpu.dma_semaphore, #tpu.memory_space<semaphore_mem>>) src(%dma_wait3A_379 : memref<100000x128xf32, #tpu.memory_space<hbm>>) dst(%arg9 : memref<128x128xf32, #tpu.memory_space<vmem>>)
      %parallel_loop3A_380 = arith.constant 0 : i32
      %parallel_loop3A_381 = arith.constant 128 : i32
      %parallel_loop3A_382 = arith.constant 1 : i32
      scf.for %parallel_loop3A_383 = %parallel_loop3A_380 to %parallel_loop3A_381 step %parallel_loop3A_382  : i32 {
        %parallel_loop3A_384 = arith.index_cast %parallel_loop3A_383 : i32 to index
        %parallel_loop3A_385 = arith.constant 0 : index
        %parallel_loop3A_386 = tpu.vector_load %arg6[%parallel_loop3A_384, %parallel_loop3A_385] {strides = array<i32>} : memref<128x128xf32, #tpu.memory_space<vmem>>, vector<16xf32>,
        %parallel_loop3A_387 = arith.index_cast %parallel_loop3A_383 : i32 to index
        %parallel_loop3A_388 = arith.constant 0 : index
        %parallel_loop3A_389 = tpu.vector_load %arg9[%parallel_loop3A_387, %parallel_loop3A_388] {strides = array<i32>} : memref<128x128xf32, #tpu.memory_space<vmem>>, vector<16xf32>,
        %parallel_loop3A_390 = arith.mulf %parallel_loop3A_386, %parallel_loop3A_389 : vector<16xf32>
        %parallel_loop3A_391 = arith.index_cast %parallel_loop3A_383 : i32 to index
        %parallel_loop3A_392 = arith.constant 16 : index
        %parallel_loop3A_393 = tpu.vector_load %arg6[%parallel_loop3A_391, %parallel_loop3A_392] {strides = array<i32>} : memref<128x128xf32, #tpu.memory_space<vmem>>, vector<16xf32>,
        %parallel_loop3A_394 = arith.index_cast %parallel_loop3A_383 : i32 to index
        %parallel_loop3A_395 = arith.constant 16 : index
        %parallel_loop3A_396 = tpu.vector_load %arg9[%parallel_loop3A_394, %parallel_loop3A_395] {strides = array<i32>} : memref<128x128xf32, #tpu.memory_space<vmem>>, vector<16xf32>,
        %parallel_loop3A_397 = arith.mulf %parallel_loop3A_393, %parallel_loop3A_396 : vector<16xf32>
        %parallel_loop3A_398 = arith.addf %parallel_loop3A_390, %parallel_loop3A_397 : vector<16xf32>
        %parallel_loop3A_399 = arith.index_cast %parallel_loop3A_383 : i32 to index
        %parallel_loop3A_400 = arith.constant 32 : index
        %parallel_loop3A_401 = tpu.vector_load %arg6[%parallel_loop3A_399, %parallel_loop3A_400] {strides = array<i32>} : memref<128x128xf32, #tpu.memory_space<vmem>>, vector<16xf32>,
        %parallel_loop3A_402 = arith.index_cast %parallel_loop3A_383 : i32 to index
        %parallel_loop3A_403 = arith.constant 32 : index
        %parallel_loop3A_404 = tpu.vector_load %arg9[%parallel_loop3A_402, %parallel_loop3A_403] {strides = array<i32>} : memref<128x128xf32, #tpu.memory_space<vmem>>, vector<16xf32>,
        %parallel_loop3A_405 = arith.mulf %parallel_loop3A_401, %parallel_loop3A_404 : vector<16xf32>
        %parallel_loop3A_406 = arith.addf %parallel_loop3A_398, %parallel_loop3A_405 : vector<16xf32>
        %parallel_loop3A_407 = arith.index_cast %parallel_loop3A_383 : i32 to index
        %parallel_loop3A_408 = arith.constant 48 : index
        %parallel_loop3A_409 = tpu.vector_load %arg6[%parallel_loop3A_407, %parallel_loop3A_408] {strides = array<i32>} : memref<128x128xf32, #tpu.memory_space<vmem>>, vector<16xf32>,
        %parallel_loop3A_410 = arith.index_cast %parallel_loop3A_383 : i32 to index
        %parallel_loop3A_411 = arith.constant 48 : index
        %parallel_loop3A_412 = tpu.vector_load %arg9[%parallel_loop3A_410, %parallel_loop3A_411] {strides = array<i32>} : memref<128x128xf32, #tpu.memory_space<vmem>>, vector<16xf32>,
        %parallel_loop3A_413 = arith.mulf %parallel_loop3A_409, %parallel_loop3A_412 : vector<16xf32>
        %parallel_loop3A_414 = arith.addf %parallel_loop3A_406, %parallel_loop3A_413 : vector<16xf32>
        %parallel_loop3A_415 = arith.index_cast %parallel_loop3A_383 : i32 to index
        %parallel_loop3A_416 = arith.constant 64 : index
        %parallel_loop3A_417 = tpu.vector_load %arg6[%parallel_loop3A_415, %parallel_loop3A_416] {strides = array<i32>} : memref<128x128xf32, #tpu.memory_space<vmem>>, vector<16xf32>,
        %parallel_loop3A_418 = arith.index_cast %parallel_loop3A_383 : i32 to index
        %parallel_loop3A_419 = arith.constant 64 : index
        %parallel_loop3A_420 = tpu.vector_load %arg9[%parallel_loop3A_418, %parallel_loop3A_419] {strides = array<i32>} : memref<128x128xf32, #tpu.memory_space<vmem>>, vector<16xf32>,
        %parallel_loop3A_421 = arith.mulf %parallel_loop3A_417, %parallel_loop3A_420 : vector<16xf32>
        %parallel_loop3A_422 = arith.addf %parallel_loop3A_414, %parallel_loop3A_421 : vector<16xf32>
        %parallel_loop3A_423 = arith.index_cast %parallel_loop3A_383 : i32 to index
        %parallel_loop3A_424 = arith.constant 80 : index
        %parallel_loop3A_425 = tpu.vector_load %arg6[%parallel_loop3A_423, %parallel_loop3A_424] {strides = array<i32>} : memref<128x128xf32, #tpu.memory_space<vmem>>, vector<16xf32>,
        %parallel_loop3A_426 = arith.index_cast %parallel_loop3A_383 : i32 to index
        %parallel_loop3A_427 = arith.constant 80 : index
        %parallel_loop3A_428 = tpu.vector_load %arg9[%parallel_loop3A_426, %parallel_loop3A_427] {strides = array<i32>} : memref<128x128xf32, #tpu.memory_space<vmem>>, vector<16xf32>,
        %parallel_loop3A_429 = arith.mulf %parallel_loop3A_425, %parallel_loop3A_428 : vector<16xf32>
        %parallel_loop3A_430 = arith.addf %parallel_loop3A_422, %parallel_loop3A_429 : vector<16xf32>
        %parallel_loop3A_431 = arith.index_cast %parallel_loop3A_383 : i32 to index
        %parallel_loop3A_432 = arith.constant 96 : index
        %parallel_loop3A_433 = tpu.vector_load %arg6[%parallel_loop3A_431, %parallel_loop3A_432] {strides = array<i32>} : memref<128x128xf32, #tpu.memory_space<vmem>>, vector<16xf32>,
        %parallel_loop3A_434 = arith.index_cast %parallel_loop3A_383 : i32 to index
        %parallel_loop3A_435 = arith.constant 96 : index
        %parallel_loop3A_436 = tpu.vector_load %arg9[%parallel_loop3A_434, %parallel_loop3A_435] {strides = array<i32>} : memref<128x128xf32, #tpu.memory_space<vmem>>, vector<16xf32>,
        %parallel_loop3A_437 = arith.mulf %parallel_loop3A_433, %parallel_loop3A_436 : vector<16xf32>
        %parallel_loop3A_438 = arith.addf %parallel_loop3A_430, %parallel_loop3A_437 : vector<16xf32>
        %parallel_loop3A_439 = arith.index_cast %parallel_loop3A_383 : i32 to index
        %parallel_loop3A_440 = arith.constant 112 : index
        %parallel_loop3A_441 = tpu.vector_load %arg6[%parallel_loop3A_439, %parallel_loop3A_440] {strides = array<i32>} : memref<128x128xf32, #tpu.memory_space<vmem>>, vector<16xf32>,
        %parallel_loop3A_442 = arith.index_cast %parallel_loop3A_383 : i32 to index
        %parallel_loop3A_443 = arith.constant 112 : index
        %parallel_loop3A_444 = tpu.vector_load %arg9[%parallel_loop3A_442, %parallel_loop3A_443] {strides = array<i32>} : memref<128x128xf32, #tpu.memory_space<vmem>>, vector<16xf32>,
        %parallel_loop3A_445 = arith.mulf %parallel_loop3A_441, %parallel_loop3A_444 : vector<16xf32>
        %parallel_loop3A_446 = arith.addf %parallel_loop3A_438, %parallel_loop3A_445 : vector<16xf32>
        %parallel_loop3A_447 = arith.index_cast %parallel_loop3A_383 : i32 to index
        %parallel_loop3A_448 = arith.constant 320 : index
        %parallel_loop3A_449 = tpu.vector_load %arg10[%parallel_loop3A_447, %parallel_loop3A_448] {strides = array<i32>} : memref<128x336xf32, #tpu.memory_space<vmem>>, vector<16xf32>,
        tpu.vector_store %arg10[%parallel_loop3A_447, %parallel_loop3A_448], %parallel_loop3A_446 {strides = array<i32>} : memref<128x336xf32, #tpu.memory_space<vmem>>, vector<16xf32>,
      } {sc.loop_unroll_factor = 2 : i64, sc.parallel_access}
      "tpu.region"() ({
        %run_scoped3A = tpu.sem_alloc : memref<!tpu.dma_semaphore, #tpu.memory_space<semaphore_mem>>
        %dma_start3A_383 = arith.constant 0 : i32
        %dma_start3A_384 = tpu.memref_slice %arg4[%add3A_14, %dma_start3A_383] : memref<16384x336xf32, #tpu.memory_space<hbm>> -> memref<128x336xf32, #tpu.memory_space<hbm>>
        %dma_start3A_385 = arith.constant 0 : i32
        %dma_start3A_386 = tpu.memref_slice %arg4[%add3A_14, %dma_start3A_385] : memref<16384x336xf32, #tpu.memory_space<hbm>> -> memref<128x336xf32, #tpu.memory_space<hbm>>
        tpu.enqueue_dma source(%arg10 : memref<128x336xf32, #tpu.memory_space<vmem>>) target(%dma_start3A_386 : memref<128x336xf32, #tpu.memory_space<hbm>>) target_semaphore(%run_scoped3A : memref<!tpu.dma_semaphore, #tpu.memory_space<semaphore_mem>>)
        %dma_wait3A_387 = arith.constant 0 : i32
        %dma_wait3A_388 = tpu.memref_slice %arg4[%add3A_14, %dma_wait3A_387] : memref<16384x336xf32, #tpu.memory_space<hbm>> -> memref<128x336xf32, #tpu.memory_space<hbm>>
        %dma_wait3A_389 = arith.constant 0 : i32
        %dma_wait3A_390 = tpu.memref_slice %arg4[%add3A_14, %dma_wait3A_389] : memref<16384x336xf32, #tpu.memory_space<hbm>> -> memref<128x336xf32, #tpu.memory_space<hbm>>
        tpu.wait_dma2 semaphore(%run_scoped3A : memref<!tpu.dma_semaphore, #tpu.memory_space<semaphore_mem>>) src(%arg10 : memref<128x336xf32, #tpu.memory_space<vmem>>) dst(%dma_wait3A_390 : memref<128x336xf32, #tpu.memory_space<hbm>>)
        tpu.yield
      }) : () -> ()
    }
    %scan3A_4 = arith.constant 4 : i32
    return
  }
}

module attributes {stable_mosaic.version = 14 : i64} {
  func.func @body(%arg0: i32, %arg1: memref<4096x336xf32, #tpu.memory_space<vmem>>, %arg2: memref<1x1xf32, #tpu.memory_space<smem>>) attributes {dimension_semantics = [#tpu.dimension_semantics<arbitrary>], iteration_bounds = array<i64: 4>, scalar_prefetch = 0 : i64, scratch_operands = 0 : i64, tpu.core_type = #tpu.core_type<tc>, window_params = [{transform_indices = @transform_0, window_bounds = array<i64: 4096, 336>}, {transform_indices = @transform_1, window_bounds = array<i64: 1, 1>}]} {
    %get3A = arith.constant 0 : index
    %get3A_0 = arith.constant 0 : index
    %get3A_1 = vector.load %arg1[%get3A, %get3A_0] : memref<4096x336xf32, #tpu.memory_space<vmem>>, vector<4096x336xf32>
    %iota3A = tpu.iota {dimensions = array<i32: 0>} : vector<336x21xi32>
    %iota3A_2 = tpu.iota {dimensions = array<i32: 1>} : vector<336x21xi32>
    %jit3A = arith.constant 16 : i32
    %div3A = vector.broadcast %jit3A : i32 to vector<336x21xi32>
    %div3A_3 = arith.divsi %iota3A, %div3A : vector<336x21xi32>
    %sign3A = arith.constant 0 : i32
    %sign3A_4 = vector.broadcast %sign3A : i32 to vector<336x21xi32>
    %sign3A_5 = arith.cmpi sgt, %iota3A, %sign3A_4 : vector<336x21xi32>
    %sign3A_6 = arith.extui %sign3A_5 : vector<336x21xi1> to vector<336x21xi32>
    %sign3A_7 = arith.constant 0 : i32
    %sign3A_8 = vector.broadcast %sign3A_7 : i32 to vector<336x21xi32>
    %sign3A_9 = arith.cmpi slt, %iota3A, %sign3A_8 : vector<336x21xi32>
    %sign3A_10 = arith.extui %sign3A_9 : vector<336x21xi1> to vector<336x21xi32>
    %sign3A_11 = arith.subi %sign3A_6, %sign3A_10 : vector<336x21xi32>
    %sign3A_12 = arith.constant 0 : i32
    %sign3A_13 = arith.cmpi sgt, %jit3A, %sign3A_12 : i32
    %sign3A_14 = arith.extui %sign3A_13 : i1 to i32
    %sign3A_15 = arith.constant 0 : i32
    %sign3A_16 = arith.cmpi slt, %jit3A, %sign3A_15 : i32
    %sign3A_17 = arith.extui %sign3A_16 : i1 to i32
    %sign3A_18 = arith.subi %sign3A_14, %sign3A_17 : i32
    %ne3A = vector.broadcast %sign3A_18 : i32 to vector<336x21xi32>
    %ne3A_19 = arith.cmpi ne, %sign3A_11, %ne3A : vector<336x21xi32>
    %rem3A = vector.broadcast %jit3A : i32 to vector<336x21xi32>
    %rem3A_20 = arith.remsi %iota3A, %rem3A : vector<336x21xi32>
    %ne3A_21 = arith.constant 0 : i32
    %ne3A_22 = vector.broadcast %ne3A_21 : i32 to vector<336x21xi32>
    %ne3A_23 = arith.cmpi ne, %rem3A_20, %ne3A_22 : vector<336x21xi32>
    %and3A = arith.andi %ne3A_19, %ne3A_23 : vector<336x21xi1>
    %sub3A = arith.constant 1 : i32
    %sub3A_24 = vector.broadcast %sub3A : i32 to vector<336x21xi32>
    %sub3A_25 = arith.subi %div3A_3, %sub3A_24 : vector<336x21xi32>
    %select_n3A = arith.select %and3A, %sub3A_25, %div3A_3 : vector<336x21xi1>, vector<336x21xi32>
    %eq3A = arith.cmpi eq, %select_n3A, %iota3A_2 : vector<336x21xi32>
    %convert_element_type3A = arith.extui %eq3A : vector<336x21xi1> to vector<336x21xi32>
    %convert_element_type3A_26 = arith.sitofp %convert_element_type3A : vector<336x21xi32> to vector<336x21xf32>
    %dot_general3A = arith.constant dense<0.000000e+00> : vector<4096x21xf32>
    %dot_general3A_27 = tpu.matmul %get3A_1, %convert_element_type3A_26, %dot_general3A {dimension_numbers = #tpu.dot_dimension_numbers<[1], [0], [0], [1], [0, 0, 1, 1], [], []>, transpose_lhs_hint = false} : vector<4096x336xf32>, vector<336x21xf32>, vector<4096x21xf32> -> vector<4096x21xf32>
    %mul3A = arith.constant 14.2857141 : f32
    %mul3A_28 = vector.broadcast %mul3A : f32 to vector<4096x21xf32>
    %mul3A_29 = arith.mulf %dot_general3A_27, %mul3A_28 : vector<4096x21xf32>
    %reduce_max3A = arith.constant dense<0xFF800000> : vector<4096xf32>
    %reduce_max3A_30 = vector.multi_reduction <maximumf>, %mul3A_29, %reduce_max3A [1] : vector<4096x21xf32> to vector<4096xf32>
    %broadcast_in_dim3A = vector.shape_cast %reduce_max3A_30 : vector<4096xf32> to vector<4096x1xf32>
    %sub3A_31 = vector.broadcast %broadcast_in_dim3A : vector<4096x1xf32> to vector<4096x21xf32>
    %sub3A_32 = arith.subf %mul3A_29, %sub3A_31 : vector<4096x21xf32>
    %exp3A = math.exp %sub3A_32 : vector<4096x21xf32>
    %reduce_sum3A = arith.constant dense<0.000000e+00> : vector<4096xf32>
    %reduce_sum3A_33 = vector.multi_reduction <add>, %exp3A, %reduce_sum3A [1] : vector<4096x21xf32> to vector<4096xf32>
    %log3A = math.log %reduce_sum3A_33 : vector<4096xf32>
    %add3A = arith.addf %log3A, %reduce_max3A_30 : vector<4096xf32>
    %slice3A = vector.extract_strided_slice %mul3A_29 {offsets = [0, 0], sizes = [4096, 1], strides = [1, 1]} : vector<4096x21xf32> to vector<4096x1xf32>
    %squeeze3A = vector.shape_cast %slice3A : vector<4096x1xf32> to vector<4096xf32>
    %sub3A_34 = arith.subf %add3A, %squeeze3A : vector<4096xf32>
    %reduce_sum3A_35 = vector.shape_cast %sub3A_34 : vector<4096xf32> to vector<1x4096xf32>
    %reduce_sum3A_36 = arith.constant dense<0.000000e+00> : vector<1xf32>
    %reduce_sum3A_37 = vector.multi_reduction <add>, %reduce_sum3A_35, %reduce_sum3A_36 [1] : vector<1x4096xf32> to vector<1xf32>
    %reduce_sum3A_38 = vector.shape_cast %reduce_sum3A_37 : vector<1xf32> to vector<1x1xf32>
    %reduce_sum3A_39 = vector.extract %reduce_sum3A_38[0, 0] : f32 from vector<1x1xf32>
    %eq3A_40 = arith.constant 0 : i32
    %eq3A_41 = arith.cmpi eq, %arg0, %eq3A_40 : i32
    %convert_element_type3A_42 = arith.extui %eq3A_41 : i1 to i32
    %cond3A = arith.constant 0 : i32
    %cond3A_43 = arith.cmpi ne, %convert_element_type3A_42, %cond3A : i32
    scf.if %cond3A_43 {
      %swap3A_55 = arith.constant 0.000000e+00 : f32
      %swap3A_56 = arith.constant 0 : index
      %swap3A_57 = arith.constant 0 : index
      %swap3A_58 = memref.load %arg2[%swap3A_56, %swap3A_57] : memref<1x1xf32, #tpu.memory_space<smem>>
      memref.store %swap3A_55, %arg2[%swap3A_56, %swap3A_57] : memref<1x1xf32, #tpu.memory_space<smem>>
    } else {
    }
    %get3A_44 = arith.constant 0 : index
    %get3A_45 = arith.constant 0 : index
    %get3A_46 = memref.load %arg2[%get3A_44, %get3A_45] : memref<1x1xf32, #tpu.memory_space<smem>>
    %add3A_47 = arith.addf %get3A_46, %reduce_sum3A_39 : f32
    %eq3A_48 = arith.constant 3 : i32
    %eq3A_49 = arith.cmpi eq, %arg0, %eq3A_48 : i32
    %div3A_50 = arith.constant 1.638400e+04 : f32
    %div3A_51 = arith.divf %add3A_47, %div3A_50 : f32
    %select_n3A_52 = arith.select %eq3A_49, %div3A_51, %add3A_47 : f32
    %swap3A = arith.constant 0 : index
    %swap3A_53 = arith.constant 0 : index
    %swap3A_54 = memref.load %arg2[%swap3A, %swap3A_53] : memref<1x1xf32, #tpu.memory_space<smem>>
    memref.store %select_n3A_52, %arg2[%swap3A, %swap3A_53] : memref<1x1xf32, #tpu.memory_space<smem>>
    return
  }
  func.func @transform_0(%arg0: i32) -> (i32, i32) {
    %c0_i32 = arith.constant 0 : i32
    %c0_i32_0 = arith.constant 0 : i32
    return %arg0, %c0_i32 : i32, i32
  }
  func.func @transform_1(%arg0: i32) -> (i32, i32) {
    %c0_i32 = arith.constant 0 : i32
    %c0_i32_0 = arith.constant 0 : i32
    %c0_i32_1 = arith.constant 0 : i32
    return %c0_i32, %c0_i32_0 : i32, i32
  }
}

</mosaic_0001>

<sc_bundles>
// kernel: kernel.4.cloned.1.call-start
scs
__scs_entry_jumppad:
0x0: {  	(pc) =	sbr.rel $0x88, $3  }
0x1: {  	(tag) =	ssettag $0x0;
	lr =	simm.s32 $0x1  }
0x2: {  	[smem:$0x3F9D] =	sst lr;
	_ =	strace $0xD0000000  }
0x3: {  	_ = 	snop  }
0x4: {  	_ = 	snop  }
0x5: {  	_ = 	snop  }
0x6: {  	_ = 	snop  }
0x7: {  	_ = 	snop  }
__scs_overlays_trampoline_lowered:
0x8: {  	[smem:$0x3FAC] =	sst s0  }
0x9: {  	[smem:$0x3FAD] =	sst s1  }
0xa: {  	[smem:$0x3FAE] =	sst s2  }
0xb: {  	[smem:$0x3FAF] =	sst s3  }
0xc: {  	[smem:$0x3FB0] =	sst s4  }
0xd: {  	[smem:$0x3FB1] =	sst s5  }
0xe: {  	[smem:$0x3FB2] =	sst s6  }
0xf: {  	[smem:$0x3FB3] =	sst s7  }
0x10: {  	[smem:$0x3FB4] =	sst s8  }
0x11: {  	[smem:$0x3FB5] =	sst s9;
	s0 =	simm.s32 @!p0 $0x0  }
0x12: {  	s1 =	sld [smem:$0x3F9B];
	s0 =	simm.s32 @p0 $0x1  }
0x13: {  	[smem:$0x3FB6] =	sst s0;
	s0 =	simm.s32 @!p1 $0x0  }
0x14: {  	s2 =	sld [smem:$0x3F9A];
	s0 =	simm.s32 @p1 $0x1  }
0x15: {  	[smem:$0x3FB7] =	sst s0;
	s0 =	simm.s32 @!p2 $0x0  }
0x16: {  	s3 =	sld [smem:$0x3FDB];
	s0 =	simm.s32 @p2 $0x1  }
0x17: {  	s4 =	simm.s32 $0x1BF5;
	[smem:$0x3FB9] =	sst s0  }
0x18: {  	s0 =	sld [smem:$0x3F9C];
	_ =	swait.ge [sflag:s4], $0x0  }
0x19: {  	s7 =	sld [smem:$0x3F9D]  }
0x1a: {  	s8 =	sadd.s32 $0xFFFFE003, lr  }
0x1b: {  	s9 =	sadd.s32 $0xFFFFFEF7, lr;
	s5 =	simm.s32 $0xFFFFFFFF;
	p2 =	slt.u32 s8, $0xFFFFF086  }
0x1c: {  	p1 =	slt.u32 s9, $0xF7A;
	s5 =	simm.s32 @!p2 $0x0  }
0x1d: {  	s5 =	simm.s32 @p1 $0x1;
	p0 =	seq.s32 s7, s2  }
0x1e: {  	s7 =	smul.u32 @!p0 $0xF7A, s2;
	p2 =	seq.s32 @!p0 s5, $0x0  }
0x1f: {  	s9 =	smul.u32 $0xF7A, s1;
	s8 =	simm.s32 @!p0 $0x1BF5;
	p2 =	por !p2, p0  }
0x20: {  	[sflag:s8] =	ssyncset.s32 @!p0 $0xFFFFF086;
	s6 =	sadd.s32 @!p0 s3, s7;
	s7 =	simm.s32 @!p0 $0x108  }
0x21: {  	s3 =	sadd.s32 s3, s9;
	s6 =	sadd.s32 @!p0 $0x88, s6;
	s7 =	simm.s32 @p2 $0x1082  }
0x22: {  	[simem:s7], [sflag:s8] =	dma.local @!p0 [hbm:s6], $0xF7A  }
0x23: {  	s9 =	sor.u32 $0xD0000000, s2;
	s6 =	simm.s32 $0x108;
	_ =	swait.ge @!p0 [sflag:s8], $0x0  }
0x24: {  	s3 =	sadd.s32 $0x88, s3;
	s6 =	simm.s32 @!p1 $0x1082;
	[sflag:s4] =	ssyncset.s32 $0xFFFFF086  }
0x25: {  	[simem:s6], [sflag:s4] =	dma.local [hbm:s3], $0xF7A  }
0x26: {  	[smem:$0x3F9D] =	sst s1;
	(tag) =	ssettag s2;
	_ =	strace s9  }
0x27: {  	s1 =	sld [smem:$0x3FAD]  }
0x28: {  	s2 =	sld [smem:$0x3FAE]  }
0x29: {  	s4 =	sld [smem:$0x3FB0]  }
0x2a: {  	p0 =	seq.s32 s5, $0x0;
	s5 =	sld [smem:$0x3FB1]  }
0x2b: {  	s6 =	sld [smem:$0x3FB2]  }
0x2c: {  	s7 =	sld [smem:$0x3FB3]  }
0x2d: {  	s3 =	simm.s32 $0x108;
	s8 =	sld [smem:$0x3FB4]  }
0x2e: {  	s3 =	simm.s32 @!p0 $0x1082;
	s9 =	sld [smem:$0x3FB5]  }
0x2f: {  	lr =	sadd.s32 s0, s3;
	s0 =	sld [smem:$0x3FAC]  }
0x30: {  	s3 =	sld [smem:$0x3FAF]  }
0x31: {  	[smem:$0x3FB8] =	sst s10  }
0x32: {  	s10 =	sld [smem:$0x3FB6];
	_ =	sdelay $0x3  }
0x33: {  	p0 =	seq.s32 s10, $0x1;
	s10 =	sld [smem:$0x3FB8];
	_ =	sdelay $0x3  }
0x34: {  	[smem:$0x3FB8] =	sst s10  }
0x35: {  	s10 =	sld [smem:$0x3FB7];
	_ =	sdelay $0x3  }
0x36: {  	p1 =	seq.s32 s10, $0x1;
	s10 =	sld [smem:$0x3FB8];
	_ =	sdelay $0x3  }
0x37: {  	[smem:$0x3FB8] =	sst s10  }
0x38: {  	s10 =	sld [smem:$0x3FB9]  }
0x39: {  	_ = 	snop;
	(pc) =	sbr.ind lr, $3  }
0x3a: {  	_ = 	snop  }
0x3b: {  	_ = 	snop  }
0x3c: {  	p2 =	seq.s32 s10, $0x1;
	s10 =	sld [smem:$0x3FB8]  }
0x3d: {  	_ =	shalt  }
0x3e: {  	_ =	shalt  }
0x3f: {  	_ =	shalt  }
0x40: {  	_ =	shalt  }
0x41: {  	_ =	shalt  }
0x42: {  	_ =	shalt  }
0x43: {  	_ =	shalt  }
0x44: {  	_ =	shalt  }
0x45: {  	_ =	shalt  }
0x46: {  	_ =	shalt  }
0x47: {  	_ =	shalt  }
0x48: {  	_ =	shalt  }
0x49: {  	_ =	shalt  }
0x4a: {  	_ =	shalt  }
0x4b: {  	_ =	shalt  }
0x4c: {  	_ =	shalt  }
0x4d: {  	_ =	shalt  }
0x4e: {  	_ =	shalt  }
0x4f: {  	_ =	shalt  }
0x50: {  	_ =	shalt  }
0x51: {  	_ =	shalt  }
0x52: {  	_ =	shalt  }
0x53: {  	_ =	shalt  }
0x54: {  	_ =	shalt  }
0x55: {  	_ =	shalt  }
0x56: {  	_ =	shalt  }
0x57: {  	_ =	shalt  }
0x58: {  	_ =	shalt  }
0x59: {  	_ =	shalt  }
0x5a: {  	_ =	shalt  }
0x5b: {  	_ =	shalt  }
0x5c: {  	_ =	shalt  }
0x5d: {  	_ =	shalt  }
0x5e: {  	_ =	shalt  }
0x5f: {  	_ =	shalt  }
0x60: {  	_ =	shalt  }
0x61: {  	_ =	shalt  }
0x62: {  	_ =	shalt  }
0x63: {  	_ =	shalt  }
0x64: {  	_ =	shalt  }
0x65: {  	_ =	shalt  }
0x66: {  	_ =	shalt  }
0x67: {  	_ =	shalt  }
0x68: {  	_ =	shalt  }
0x69: {  	_ =	shalt  }
0x6a: {  	_ =	shalt  }
0x6b: {  	_ =	shalt  }
0x6c: {  	_ =	shalt  }
0x6d: {  	_ =	shalt  }
0x6e: {  	_ =	shalt  }
0x6f: {  	_ =	shalt  }
0x70: {  	_ =	shalt  }
0x71: {  	_ =	shalt  }
0x72: {  	_ =	shalt  }
0x73: {  	_ =	shalt  }
0x74: {  	_ =	shalt  }
0x75: {  	_ =	shalt  }
0x76: {  	_ =	shalt  }
0x77: {  	_ =	shalt  }
0x78: {  	_ =	shalt  }
0x79: {  	_ =	shalt  }
0x7a: {  	_ =	shalt  }
0x7b: {  	_ =	shalt  }
0x7c: {  	_ =	shalt  }
0x7d: {  	_ =	shalt  }
0x7e: {  	_ =	shalt  }
0x7f: {  	_ =	shalt  }
0x80: {  	_ =	shalt  }
0x81: {  	_ =	shalt  }
0x82: {  	_ =	shalt  }
0x83: {  	_ =	shalt  }
0x84: {  	_ =	shalt  }
0x85: {  	_ =	shalt  }
0x86: {  	_ =	shalt  }
0x87: {  	_ =	shalt  }
.Lfunc_end0:
.L_simem_size_0:
called_computation_lowered:
.L_overlay_start_0:
0x88: {  	s2 =	sld [smem:$0x3FD9]  }
0x89: {  	s3 =	sld [smem:$0x3FFE];
	_ =	sdelay $0x1  }
0x8a: {  	s1 =	srdreg.scid  }
0x8b: {  	s0 =	sand.u32 $0x1, s1  }
0x8c: {  	s17 =	sshll.u32 s0, $0xA;
	s2 =	sadd.s32 s3, s2  }
0x8d: {  	s2 =	sadd.s32 s2, s17  }
0x8e: {  	[smem:$0x3FC4] =	sst s2  }
0x8f: {  	_ = 	snop  }
0x90: {  	s2 =	sld [smem:$0x3FC9];
	(tm) =	ssettm $0x1  }
0x91: {  	s18 =	sld [smem:$0x3FFB];
	_ =	sdelay $0x3  }
0x92: {  	_ =	strace s18  }
0x93: {  	s3 =	sld [smem:$0x3FFC];
	_ =	sdelay $0x3  }
0x94: {  	_ =	strace s3  }
0x95: {  	s3 =	sld [smem:$0x3FFD];
	_ =	sdelay $0x3  }
0x96: {  	_ =	strace s3  }
0x97: {  	_ =	strace $0x8FFFFFFF  }
0x98: {  	s19 =	sld [smem:$0x3FDB];
	_ =	sdelay $0x1  }
0x99: {  	s4 =	simm.s32 $_scs_section_size  }
0x9a: {  	s5 =	simm.s32 $_size__tile_overlayer_lowered;
	s6 =	simm.s32 $_tile_overlayer_lowered  }
0x9b: {  	s22 =	simm.s32 $0x1BFF;
	s21 =	sshll.u32 s6, $0x1;
	s3 =	sadd.s32 s4, s19  }
0x9c: {  	s7 =	simm.s32 $0x0;
	s20 =	sshll.u32 s5, $0x1;
	s5 =	sadd.s32 s21, s3  }
0x9d: {  	[timem:s7], [sflag:s22] =	dma.local [hbm:s5], s20  }
0x9e: {  	_ =	swait.ge [sflag:s22], s20  }
0x9f: {  	s4 =	ssub.s32 $0x0, s20;
	[sflag:s22] =	ssyncset.done $0x0  }
0xa0: {  	[sflag:s22] =	ssyncadd.s32 s4;
	_ =	sdelay $0x1  }
0xa1: {  	s23 =	simm.s32 $0x1B8B  }
0xa2: {  	_ =	swait.ge [sflag:s23], $0x1  }
0xa3: {  	[sflag:s23] =	ssyncset.done $0x0  }
0xa4: {  	s25 =	simm.s32 $0x1B8E;
	s24 =	sld [smem:$0x3FFE];
	[sflag:s23] =	ssyncadd.s32 $0xFFFFFFFF  }
0xa5: {  	s26 =	simm.s32 $execute0_lowered;
	[smem:$0x3FD2] =	sst s25  }
0xa6: {  	s5 =	sshll.u32 s26, $0x1;
	_ =	strace $0x80000046;
	[dreg:$0x1] =	wrdreg $0xFFFFFFFF  }
0xa7: {  	s28 =	simm.s32 $_size_execute0_lowered;
	s3 =	sadd.s32 s3, s5;
	[dreg:$0x0] =	wrdreg $0x0  }
0xa8: {  	s5 =	sshll.u32 s28, $0x1;
	[dreg:$0x2] =	wrdreg s3  }
0xa9: {  	[dreg:$0x3] =	wrdreg s5  }
0xaa: {  	[dreg:$0x4] =	wrdreg $0xC0  }
0xab: {  	_ =	task [dreg:s7], $0x5FFFF  }
0xac: {  	[dreg:$0x1] =	wrdreg $0xFFFFFFFF  }
0xad: {  	[dreg:$0x0] =	wrdreg $0x60  }
0xae: {  	[dreg:$0x2] =	wrdreg s2  }
0xaf: {  	[dreg:$0x3] =	wrdreg s24  }
0xb0: {  	[dreg:$0x4] =	wrdreg $0x9  }
0xb1: {  	_ =	task.clear_ibuf [dreg:s7], $0x5FFFF;
	_ =	strace $0x90000046  }
0xb2: {  	s29 =	simm.s32 $0x9;
	_ =	strace $0x80000048  }
0xb3: {  	_ =	swait.ge [sflag:s29], $0x1  }
0xb4: {  	[sflag:s29] =	ssyncadd.s32 $0xFFFFFFFF  }
0xb5: {  	_ =	strace $0x90000048  }
0xb6: {  	_ =	sfence  }
0xb7: {  	s30 =	sld [smem:$0x0];
	_ =	sdelay $0x2  }
0xb8: {  	s31 =	sshll.u32 s1, $0xD;
	s1 =	sshrl.u32 s1, $0x2  }
0xb9: {  	s3 =	sand.u32 $0x4000, s31;
	s1 =	sadd.s32 s1, s30  }
0xba: {  	s0 =	sor.u32 s3, s0;
	s1 =	sshll.u32 s1, $0x11  }
0xbb: {  	s0 =	sor.u32 s1, s0  }
0xbc: {  	s0 =	sadd.s32 $0x8F2B, s0  }
0xbd: {  	[sflag:s0] =	ssyncadd.remote.s32 $0x1  }
0xbe: {  	_ =	sfence.sel $0xFFFF  }
0xbf: {  	[dreg:$0x0] =	wrdreg $0xFFFFFFFF;
	(pc) =	sbr.abs _section_cstart, $3  }
0xc0: {  	[dreg:$0x1] =	wrdreg $0xFFFFFFFF  }
0xc1: {  	_ =	task.clear_ibuf [dreg:s7], $0x2FFFF;
	_ =	strace $0x9FFFFFFF  }
0xc2: {  	(tm) =	ssettm $0x7FFFFFFF  }
0xc3: {  	_ =	shalt  }
tec
execute0_lowered:
.L_overlay_start_1:
0x0: {  	(tag) =	ssettag $0x1  }
0x1: {  	s1 =	rddreg [dreg:$0x0]  }
0x2: {  	s0 =	rddreg [dreg:$0x1];
	s2 =	simm.s32 $0x0;
	s30 =	srdreg.scid  }
0x3: {  	s5 =	stileid.u32;
	s9 =	simm.s32 $0x5;
	s10 =	simm.s32 $0x80  }
0x4: {  	s12 =	simm.s32 $0x4C00;
	s14 =	simm.s32 $0x8C00;
	s16 =	simm.s32 $0xCC00  }
0x5: {  	s17 =	simm.s32 $0x1;
	s18 =	simm.s32 $0x2;
	s20 =	simm.s32 $0x3  }
0x6: {  	s22 =	simm.s32 $0x4;
	s8 =	simm.s32 $0x800;
	s11 =	simm.s32 $0x900  }
0x7: {  	s13 =	simm.s32 $0x980;
	s15 =	simm.s32 $0xA00;
	s19 =	simm.s32 $0xA80  }
0x8: {  	s21 =	simm.s32 $0x10C00;
	[smem:$0x7FF] =	sst s2;
	s2 =	sand.u32 $0x1, s30  }
0x9: {  	s23 =	simm.s32 $0x0;
	s4 =	sadd.s32 $0x800, s0;
	s3 =	ssub.s32 $0x2, s2  }
0xa: {  	s6 =	sshll.u32 s5, $0x1;
	s5 =	sadd.s32 $0xC800, s0;
	s31 =	sshrl.u32 s3, $0x1  }
0xb: {  	_ =	strace $0x80000047;
	s2 =	sor.u32 s2, s6;
	s0 =	ssub.s32 s3, s31  }
0xc: {  	s6 =	sshll.u32 s2, $0x6;
	s7 =	smul.u32 $0x3000, s2;
	s0 =	smax.u32 s0, $0x1  }
0xd: {  	s2 =	simm.s32 $0x780;
	s3 =	simm.s32 $0x880;
	[dreg:$0x3] =	wrdreg s0  }
.LBB2_1:
0xe: {  	[dreg:$0x4] =	wrdreg s23;
	s23 =	simm.s32 $0x0  }
.LBB2_2:
0xf: {  	s24 =	smul.u32 $0xC00, s23;
	_ =	sdelay $0x1  }
0x10: {  	s24 =	sadd.s32 s7, s24  }
0x11: {  	s24 =	sshrl.u32 s24, $0x3  }
0x12: {  	s25 =	sadd.s32 s4, s24;
	s24 =	simm.s32 $0x0  }
0x13: {  	[tilespmem:s24], [sflag:$0x5] =	stream.linear.gather [hbm4b:s25+s24], $0xB00, $0x38;
	[tilespmem:$0x1CC00] =	vst v63  }
0x14: {  	_ =	swait.ge [sflag:s9], $0xB00  }
0x15: {  	[sflag:s9] =	ssyncset.done $0x0  }
0x16: {  	s0 =	simm.s32 $0xC00;
	[sflag:s9] =	ssyncadd.s32 $0xFFFFF500  }
0x17: {  	[tilespmem:s0], [sflag:$0x1] =	stream.indirect.gather [hbm4b:s1+s10], $0x80, s24, s10, $0xb8;
	[tilespmem:$0x1CC00] =	vst v63  }
0x18: {  	_ = 	snop  }
0x19: {  	[tilespmem:s12], [sflag:$0x2] =	stream.indirect.gather [hbm4b:s1+s10], $0x80, s10, s10, $0xb8;
	[tilespmem:$0x1CC00] =	vst v63  }
0x1a: {  	s30 =	simm.s32 $0x100  }
0x1b: {  	[tilespmem:s14], [sflag:$0x3] =	stream.indirect.gather [hbm4b:s1+s10], $0x80, s30, s10, $0xb8;
	[tilespmem:$0x1CC00] =	vst v63  }
0x1c: {  	s31 =	simm.s32 $0x180  }
0x1d: {  	[tilespmem:s16], [sflag:$0x4] =	stream.indirect.gather [hbm4b:s1+s10], $0x80, s31, s10, $0xb8;
	[tilespmem:$0x1CC00] =	vst v63  }
0x1e: {  	_ =	swait.ge [sflag:s17], $0x4000  }
0x1f: {  	[sflag:s17] =	ssyncset.done $0x0  }
0x20: {  	[sflag:s17] =	ssyncadd.s32 $0xFFFFC000  }
0x21: {  	_ =	swait.ge [sflag:s18], $0x4000  }
0x22: {  	[sflag:s18] =	ssyncset.done $0x0  }
0x23: {  	s26 =	simm.s32 $0xC80;
	[sflag:s18] =	ssyncadd.s32 $0xFFFFC000  }
0x24: {  	s25 =	simm.s32 $0x4C80;
	v0 =	vld [tilespmem:s26+$0x0]  }
0x25: {  	v1 =	vld [tilespmem:s25+$0x0]  }
0x26: {  	v2 =	vld [tilespmem:s26+$0x10]  }
0x27: {  	v3 =	vld [tilespmem:s25+$0x10]  }
0x28: {  	v4 =	vld [tilespmem:s26+$0x20]  }
0x29: {  	v5 =	vld [tilespmem:s25+$0x20]  }
0x2a: {  	v6 =	vld [tilespmem:s26+$0x30]  }
0x2b: {  	v7 =	vld [tilespmem:s25+$0x30]  }
0x2c: {  	v8 =	vld [tilespmem:s26+$0x40]  }
0x2d: {  	v9 =	vld [tilespmem:s25+$0x40]  }
0x2e: {  	v10 =	vld [tilespmem:s26+$0x50]  }
0x2f: {  	v11 =	vld [tilespmem:s25+$0x50]  }
0x30: {  	v12 =	vld [tilespmem:s26+$0x60]  }
0x31: {  	v13 =	vld [tilespmem:s25+$0x60]  }
0x32: {  	v60 =	vld [tilespmem:s25+$0xFFFFFFA0];
	v0 =	vmul.f32 v1, v0;
	v1 =	vmul.f32 v3, v2  }
0x33: {  	v2 =	vld [tilespmem:s26+$0x70]  }
0x34: {  	v0 =	vadd.f32 v1, v0;
	v1 =	vmul.f32 v5, v4;
	v4 =	vld [tilespmem:s26+$0xFFFFFF80]  }
0x35: {  	v5 =	vld [tilespmem:s25+$0xFFFFFF80]  }
0x36: {  	v0 =	vadd.f32 v1, v0;
	v1 =	vmul.f32 v7, v6;
	v6 =	vld [tilespmem:s26+$0xFFFFFF90]  }
0x37: {  	v7 =	vld [tilespmem:s25+$0xFFFFFF90]  }
0x38: {  	v3 =	vld [tilespmem:s25+$0x70];
	v0 =	vadd.f32 v1, v0;
	v1 =	vmul.f32 v9, v8  }
0x39: {  	v8 =	vld [tilespmem:s26+$0xFFFFFFA0]  }
0x3a: {  	v61 =	vld [tilespmem:s26+$0xFFFFFFB0];
	v0 =	vadd.f32 v1, v0;
	v1 =	vmul.f32 v11, v10  }
0x3b: {  	v62 =	vld [tilespmem:s25+$0xFFFFFFB0];
	v4 =	vmul.f32 v5, v4  }
0x3c: {  	s28 =	simm.s32 $0x0;
	v63 =	vld [tilespmem:s26+$0xFFFFFFC0];
	v5 =	vmul.f32 v7, v6;
	v0 =	vadd.f32 v1, v0;
	v1 =	vmul.f32 v13, v12  }
0x3d: {  	s28 =	smul.u32 $0x3000, s28;
	v3 =	vmul.f32 v3, v2;
	v7 =	vld [tilespmem:s25+$0xFFFFFFC0]  }
0x3e: {  	v2 =	vld [tilespmem:s25+$0xFFFFFFD0];
	v4 =	vadd.f32 v5, v4;
	v5 =	vmul.f32 v60, v8;
	v6 =	vadd.f32 v1, v0  }
0x3f: {  	s29 =	simm.s32 $0x80;
	s28 =	sshra.s32 s28, $0x2;
	v0 =	vld [tilespmem:s26+$0xFFFFFFD0]  }
0x40: {  	s29 =	sand.u32 $0x380, s29;
	s28 =	sadd.s32 $0x10C00, s28;
	v8 =	vmul.f32 v62, v61;
	v1 =	vld [tilespmem:s26+$0xFFFFFFE0];
	v5 =	vadd.f32 v5, v4;
	v6 =	vadd.f32 v3, v6  }
0x41: {  	s29 =	sor.u32 s29, s28;
	v4 =	vld [tilespmem:s25+$0xFFFFFFE0]  }
0x42: {  	s30 =	sand.u32 $0x300, s24;
	v3 =	vld [tilespmem:s26+$0xFFFFFFF0];
	v7 =	vmul.f32 v7, v63;
	[tilespmem:s29+$0x0] =	vst v6;
	v6 =	vadd.f32 v8, v5  }
0x43: {  	s26 =	simm.s32 $0x0;
	s29 =	sor.u32 s30, s28;
	v5 =	vld [tilespmem:s25+$0xFFFFFFF0];
	s28 =	simm.s32 $0xD80  }
.LBB2_3:
0x44: {  	v8 =	vld [tilespmem:s28+$0x0];
	v6 =	vadd.f32 v7, v6;
	v0 =	vmul.f32 v2, v0;
	s25 =	sadd.s32 $0x100, s25  }
0x45: {  	v2 =	vld [tilespmem:s25+$0x0]  }
0x46: {  	v7 =	vld [tilespmem:s28+$0x10];
	v0 =	vadd.f32 v0, v6;
	v1 =	vmul.f32 v4, v1  }
0x47: {  	v4 =	vld [tilespmem:s25+$0x10]  }
0x48: {  	v6 =	vld [tilespmem:s28+$0x20];
	v0 =	vadd.f32 v1, v0;
	v1 =	vmul.f32 v5, v3  }
0x49: {  	v3 =	vld [tilespmem:s25+$0x20]  }
0x4a: {  	v5 =	vld [tilespmem:s28+$0x30];
	v0 =	vadd.f32 v1, v0  }
0x4b: {  	v1 =	vld [tilespmem:s25+$0x30]  }
0x4c: {  	v2 =	vmul.f32 v2, v8;
	v4 =	vmul.f32 v4, v7;
	v7 =	vld [tilespmem:s28+$0x40];
	[tilespmem:s29+$0x0] =	vst v0  }
0x4d: {  	v0 =	vld [tilespmem:s25+$0x40]  }
0x4e: {  	v2 =	vadd.f32 v4, v2;
	v3 =	vmul.f32 v3, v6;
	v4 =	vld [tilespmem:s28+$0x50]  }
0x4f: {  	v6 =	vld [tilespmem:s25+$0x50]  }
0x50: {  	v2 =	vadd.f32 v3, v2;
	v1 =	vmul.f32 v1, v5;
	v3 =	vld [tilespmem:s28+$0x60]  }
0x51: {  	v5 =	vld [tilespmem:s25+$0x60]  }
0x52: {  	v1 =	vadd.f32 v1, v2;
	v0 =	vmul.f32 v0, v7;
	v2 =	vld [tilespmem:s28+$0x70]  }
0x53: {  	v7 =	vld [tilespmem:s25+$0x70]  }
0x54: {  	v8 =	vld [tilespmem:s28+$0xFFFFFF80];
	v0 =	vadd.f32 v0, v1;
	v1 =	vmul.f32 v6, v4  }
0x55: {  	s26 =	sadd.s32 $0x2, s26;
	v4 =	vld [tilespmem:s25+$0xFFFFFF80]  }
0x56: {  	p0 =	slt.u32 s26, $0x7E;
	s29 =	sshrl.u32 s26, $0x3;
	v6 =	vld [tilespmem:s28+$0xFFFFFF90];
	v0 =	vadd.f32 v1, v0;
	v1 =	vmul.f32 v5, v3  }
0x57: {  	s29 =	smul.u32 $0x3000, s29;
	v3 =	vld [tilespmem:s25+$0xFFFFFF90]  }
0x58: {  	s24 =	sadd.s32 $0x100, s24;
	v5 =	vld [tilespmem:s28+$0xFFFFFFA0];
	v0 =	vadd.f32 v1, v0;
	v1 =	vmul.f32 v7, v2  }
0x59: {  	s30 =	sand.u32 $0x300, s24;
	s31 =	sadd.s32 $0x80, s24;
	s29 =	sshra.s32 s29, $0x2;
	v2 =	vld [tilespmem:s25+$0xFFFFFFA0]  }
0x5a: {  	s31 =	sand.u32 $0x380, s31;
	s0 =	sadd.s32 $0x10C00, s29;
	v4 =	vmul.f32 v4, v8;
	v7 =	vld [tilespmem:s28+$0xFFFFFFB0];
	v0 =	vadd.f32 v1, v0  }
0x5b: {  	s29 =	sor.u32 s30, s0;
	s0 =	sor.u32 s31, s0;
	v1 =	vld [tilespmem:s25+$0xFFFFFFB0]  }
0x5c: {  	v3 =	vmul.f32 v3, v6;
	v8 =	vld [tilespmem:s28+$0xFFFFFFC0];
	[tilespmem:s0+$0x0] =	vst v0  }
0x5d: {  	v9 =	vld [tilespmem:s25+$0xFFFFFFC0]  }
0x5e: {  	v3 =	vadd.f32 v3, v4;
	v4 =	vmul.f32 v2, v5;
	v0 =	vld [tilespmem:s28+$0xFFFFFFD0]  }
.Ltmp0:
0x5f: {  	v2 =	vld [tilespmem:s25+$0xFFFFFFD0];
	(pc) =	sbr.rel @p0 .LBB2_3-.Ltmp0, $4  }
0x60: {  	v3 =	vadd.f32 v4, v3;
	v5 =	vmul.f32 v1, v7;
	v1 =	vld [tilespmem:s28+$0xFFFFFFE0]  }
0x61: {  	v4 =	vld [tilespmem:s25+$0xFFFFFFE0]  }
0x62: {  	v6 =	vadd.f32 v5, v3;
	v7 =	vmul.f32 v9, v8;
	v3 =	vld [tilespmem:s28+$0xFFFFFFF0]  }
0x63: {  	s28 =	sadd.s32 $0x100, s28;
	v5 =	vld [tilespmem:s25+$0xFFFFFFF0]  }
0x64: {  	v6 =	vadd.f32 v7, v6;
	v0 =	vmul.f32 v2, v0;
	_ =	sdelay $0x1  }
0x65: {  	v0 =	vadd.f32 v0, v6;
	v1 =	vmul.f32 v4, v1;
	_ =	sdelay $0x1  }
0x66: {  	v0 =	vadd.f32 v1, v0;
	v1 =	vmul.f32 v5, v3;
	_ =	sdelay $0x1  }
0x67: {  	v0 =	vadd.f32 v1, v0;
	_ =	sdelay $0x1  }
0x68: {  	s0 =	simm.s32 $0x200;
	[tilespmem:s29+$0x0] =	vst v0  }
0x69: {  	[tilespmem:s12], [sflag:$0x2] =	stream.indirect.gather [hbm4b:s1+s10], $0x80, s0, s10, $0xb8;
	[tilespmem:$0x1CC00] =	vst v63  }
0x6a: {  	_ =	swait.ge [sflag:s20], $0x4000  }
0x6b: {  	[sflag:s20] =	ssyncset.done $0x0  }
0x6c: {  	s30 =	simm.s32 $0xC80;
	[sflag:s20] =	ssyncadd.s32 $0xFFFFC000  }
0x6d: {  	s24 =	simm.s32 $0x8C80;
	v0 =	vld [tilespmem:s30+$0x0]  }
0x6e: {  	v1 =	vld [tilespmem:s24+$0x0]  }
0x6f: {  	v2 =	vld [tilespmem:s30+$0x10]  }
0x70: {  	v3 =	vld [tilespmem:s24+$0x10]  }
0x71: {  	v4 =	vld [tilespmem:s30+$0x20]  }
0x72: {  	v5 =	vld [tilespmem:s24+$0x20]  }
0x73: {  	v6 =	vld [tilespmem:s30+$0x30]  }
0x74: {  	v7 =	vld [tilespmem:s24+$0x30]  }
0x75: {  	v8 =	vld [tilespmem:s30+$0x40]  }
0x76: {  	v9 =	vld [tilespmem:s24+$0x40]  }
0x77: {  	v10 =	vld [tilespmem:s30+$0x50]  }
0x78: {  	v11 =	vld [tilespmem:s24+$0x50]  }
0x79: {  	v12 =	vld [tilespmem:s30+$0x60]  }
0x7a: {  	v13 =	vld [tilespmem:s24+$0x60]  }
0x7b: {  	v60 =	vld [tilespmem:s24+$0xFFFFFFA0];
	v0 =	vmul.f32 v1, v0;
	v1 =	vmul.f32 v3, v2  }
0x7c: {  	v2 =	vld [tilespmem:s30+$0x70]  }
0x7d: {  	v0 =	vadd.f32 v1, v0;
	v1 =	vmul.f32 v5, v4;
	v4 =	vld [tilespmem:s30+$0xFFFFFF80]  }
0x7e: {  	v5 =	vld [tilespmem:s24+$0xFFFFFF80]  }
0x7f: {  	v0 =	vadd.f32 v1, v0;
	v1 =	vmul.f32 v7, v6;
	v6 =	vld [tilespmem:s30+$0xFFFFFF90]  }
0x80: {  	v7 =	vld [tilespmem:s24+$0xFFFFFF90]  }
0x81: {  	v3 =	vld [tilespmem:s24+$0x70];
	v0 =	vadd.f32 v1, v0;
	v1 =	vmul.f32 v9, v8  }
0x82: {  	v8 =	vld [tilespmem:s30+$0xFFFFFFA0]  }
0x83: {  	v61 =	vld [tilespmem:s30+$0xFFFFFFB0];
	v0 =	vadd.f32 v1, v0;
	v1 =	vmul.f32 v11, v10  }
0x84: {  	v62 =	vld [tilespmem:s24+$0xFFFFFFB0];
	v4 =	vmul.f32 v5, v4  }
0x85: {  	s25 =	simm.s32 $0x0;
	v63 =	vld [tilespmem:s30+$0xFFFFFFC0];
	v5 =	vmul.f32 v7, v6;
	v0 =	vadd.f32 v1, v0;
	v1 =	vmul.f32 v13, v12  }
0x86: {  	s25 =	smul.u32 $0x3000, s25;
	v3 =	vmul.f32 v3, v2;
	v7 =	vld [tilespmem:s24+$0xFFFFFFC0]  }
0x87: {  	v2 =	vld [tilespmem:s24+$0xFFFFFFD0];
	v4 =	vadd.f32 v5, v4;
	v5 =	vmul.f32 v60, v8;
	v6 =	vadd.f32 v1, v0  }
0x88: {  	s28 =	simm.s32 $0x80;
	s26 =	sshra.s32 s25, $0x2;
	v0 =	vld [tilespmem:s30+$0xFFFFFFD0]  }
0x89: {  	s31 =	sand.u32 $0x380, s28;
	s29 =	sadd.s32 $0x10C00, s26;
	v8 =	vmul.f32 v62, v61;
	v1 =	vld [tilespmem:s30+$0xFFFFFFE0];
	v5 =	vadd.f32 v5, v4;
	v6 =	vadd.f32 v3, v6  }
0x8a: {  	s25 =	simm.s32 $0x0;
	s26 =	sor.u32 s31, s29;
	v4 =	vld [tilespmem:s24+$0xFFFFFFE0]  }
0x8b: {  	s28 =	sand.u32 $0x300, s25;
	v3 =	vld [tilespmem:s30+$0xFFFFFFF0];
	v7 =	vmul.f32 v7, v63;
	[tilespmem:s26+$0x10] =	vst v6;
	v6 =	vadd.f32 v8, v5  }
0x8c: {  	s29 =	sor.u32 s28, s29;
	s28 =	simm.s32 $0xD80;
	s26 =	simm.s32 $0x0;
	v5 =	vld [tilespmem:s24+$0xFFFFFFF0]  }
.LBB2_5:
0x8d: {  	v8 =	vld [tilespmem:s28+$0x0];
	v6 =	vadd.f32 v7, v6;
	v0 =	vmul.f32 v2, v0;
	s24 =	sadd.s32 $0x100, s24  }
0x8e: {  	v2 =	vld [tilespmem:s24+$0x0]  }
0x8f: {  	v7 =	vld [tilespmem:s28+$0x10];
	v0 =	vadd.f32 v0, v6;
	v1 =	vmul.f32 v4, v1  }
0x90: {  	v4 =	vld [tilespmem:s24+$0x10]  }
0x91: {  	v6 =	vld [tilespmem:s28+$0x20];
	v0 =	vadd.f32 v1, v0;
	v1 =	vmul.f32 v5, v3  }
0x92: {  	v3 =	vld [tilespmem:s24+$0x20]  }
0x93: {  	v5 =	vld [tilespmem:s28+$0x30];
	v0 =	vadd.f32 v1, v0  }
0x94: {  	v1 =	vld [tilespmem:s24+$0x30]  }
0x95: {  	v2 =	vmul.f32 v2, v8;
	v4 =	vmul.f32 v4, v7;
	v7 =	vld [tilespmem:s28+$0x40];
	[tilespmem:s29+$0x10] =	vst v0  }
0x96: {  	v0 =	vld [tilespmem:s24+$0x40]  }
0x97: {  	v2 =	vadd.f32 v4, v2;
	v3 =	vmul.f32 v3, v6;
	v4 =	vld [tilespmem:s28+$0x50]  }
0x98: {  	v6 =	vld [tilespmem:s24+$0x50]  }
0x99: {  	v2 =	vadd.f32 v3, v2;
	v1 =	vmul.f32 v1, v5;
	v3 =	vld [tilespmem:s28+$0x60]  }
0x9a: {  	v5 =	vld [tilespmem:s24+$0x60]  }
0x9b: {  	v1 =	vadd.f32 v1, v2;
	v0 =	vmul.f32 v0, v7;
	v2 =	vld [tilespmem:s28+$0x70]  }
0x9c: {  	v7 =	vld [tilespmem:s24+$0x70]  }
0x9d: {  	v8 =	vld [tilespmem:s28+$0xFFFFFF80];
	v0 =	vadd.f32 v0, v1;
	v1 =	vmul.f32 v6, v4  }
0x9e: {  	s26 =	sadd.s32 $0x2, s26;
	v4 =	vld [tilespmem:s24+$0xFFFFFF80]  }
0x9f: {  	s0 =	sshrl.u32 s26, $0x3;
	p0 =	slt.u32 s26, $0x7E;
	v6 =	vld [tilespmem:s28+$0xFFFFFF90];
	v0 =	vadd.f32 v1, v0;
	v1 =	vmul.f32 v5, v3  }
0xa0: {  	s0 =	smul.u32 $0x3000, s0;
	v3 =	vld [tilespmem:s24+$0xFFFFFF90]  }
0xa1: {  	s25 =	sadd.s32 $0x100, s25;
	v5 =	vld [tilespmem:s28+$0xFFFFFFA0];
	v0 =	vadd.f32 v1, v0;
	v1 =	vmul.f32 v7, v2  }
0xa2: {  	s30 =	sadd.s32 $0x80, s25;
	s0 =	sshra.s32 s0, $0x2;
	s29 =	sand.u32 $0x300, s25;
	v2 =	vld [tilespmem:s24+$0xFFFFFFA0]  }
0xa3: {  	s30 =	sand.u32 $0x380, s30;
	s0 =	sadd.s32 $0x10C00, s0;
	v4 =	vmul.f32 v4, v8;
	v7 =	vld [tilespmem:s28+$0xFFFFFFB0];
	v0 =	vadd.f32 v1, v0  }
0xa4: {  	s29 =	sor.u32 s29, s0;
	s0 =	sor.u32 s30, s0;
	v1 =	vld [tilespmem:s24+$0xFFFFFFB0]  }
0xa5: {  	v3 =	vmul.f32 v3, v6;
	v8 =	vld [tilespmem:s28+$0xFFFFFFC0];
	[tilespmem:s0+$0x10] =	vst v0  }
0xa6: {  	v9 =	vld [tilespmem:s24+$0xFFFFFFC0]  }
0xa7: {  	v3 =	vadd.f32 v3, v4;
	v4 =	vmul.f32 v2, v5;
	v0 =	vld [tilespmem:s28+$0xFFFFFFD0]  }
.Ltmp1:
0xa8: {  	v2 =	vld [tilespmem:s24+$0xFFFFFFD0];
	(pc) =	sbr.rel @p0 .LBB2_5-.Ltmp1, $4  }
0xa9: {  	v3 =	vadd.f32 v4, v3;
	v5 =	vmul.f32 v1, v7;
	v1 =	vld [tilespmem:s28+$0xFFFFFFE0]  }
0xaa: {  	v4 =	vld [tilespmem:s24+$0xFFFFFFE0]  }
0xab: {  	v6 =	vadd.f32 v5, v3;
	v7 =	vmul.f32 v9, v8;
	v3 =	vld [tilespmem:s28+$0xFFFFFFF0]  }
0xac: {  	s28 =	sadd.s32 $0x100, s28;
	v5 =	vld [tilespmem:s24+$0xFFFFFFF0]  }
0xad: {  	v6 =	vadd.f32 v7, v6;
	v0 =	vmul.f32 v2, v0;
	_ =	sdelay $0x1  }
0xae: {  	v0 =	vadd.f32 v0, v6;
	v1 =	vmul.f32 v4, v1;
	_ =	sdelay $0x1  }
0xaf: {  	v0 =	vadd.f32 v1, v0;
	v1 =	vmul.f32 v5, v3;
	_ =	sdelay $0x1  }
0xb0: {  	v0 =	vadd.f32 v1, v0;
	_ =	sdelay $0x1  }
0xb1: {  	s0 =	simm.s32 $0x280;
	[tilespmem:s29+$0x10] =	vst v0  }
0xb2: {  	[tilespmem:s14], [sflag:$0x3] =	stream.indirect.gather [hbm4b:s1+s10], $0x80, s0, s10, $0xb8;
	[tilespmem:$0x1CC00] =	vst v63  }
0xb3: {  	_ =	swait.ge [sflag:s22], $0x4000  }
0xb4: {  	[sflag:s22] =	ssyncset.done $0x0  }
0xb5: {  	s30 =	simm.s32 $0xC80;
	[sflag:s22] =	ssyncadd.s32 $0xFFFFC000  }
0xb6: {  	s24 =	simm.s32 $0xCC80;
	v0 =	vld [tilespmem:s30+$0x0]  }
0xb7: {  	v1 =	vld [tilespmem:s24+$0x0]  }
0xb8: {  	v2 =	vld [tilespmem:s30+$0x10]  }
0xb9: {  	v3 =	vld [tilespmem:s24+$0x10]  }
0xba: {  	v4 =	vld [tilespmem:s30+$0x20]  }
0xbb: {  	v5 =	vld [tilespmem:s24+$0x20]  }
0xbc: {  	v6 =	vld [tilespmem:s30+$0x30]  }
0xbd: {  	v7 =	vld [tilespmem:s24+$0x30]  }
0xbe: {  	v8 =	vld [tilespmem:s30+$0x40]  }
0xbf: {  	v9 =	vld [tilespmem:s24+$0x40]  }
0xc0: {  	v10 =	vld [tilespmem:s30+$0x50]  }
0xc1: {  	v11 =	vld [tilespmem:s24+$0x50]  }
0xc2: {  	v12 =	vld [tilespmem:s30+$0x60]  }
0xc3: {  	v13 =	vld [tilespmem:s24+$0x60]  }
0xc4: {  	v60 =	vld [tilespmem:s24+$0xFFFFFFA0];
	v0 =	vmul.f32 v1, v0;
	v1 =	vmul.f32 v3, v2  }
0xc5: {  	v2 =	vld [tilespmem:s30+$0x70]  }
0xc6: {  	v0 =	vadd.f32 v1, v0;
	v1 =	vmul.f32 v5, v4;
	v4 =	vld [tilespmem:s30+$0xFFFFFF80]  }
0xc7: {  	v5 =	vld [tilespmem:s24+$0xFFFFFF80]  }
0xc8: {  	v0 =	vadd.f32 v1, v0;
	v1 =	vmul.f32 v7, v6;
	v6 =	vld [tilespmem:s30+$0xFFFFFF90]  }
0xc9: {  	v7 =	vld [tilespmem:s24+$0xFFFFFF90]  }
0xca: {  	v3 =	vld [tilespmem:s24+$0x70];
	v0 =	vadd.f32 v1, v0;
	v1 =	vmul.f32 v9, v8  }
0xcb: {  	v8 =	vld [tilespmem:s30+$0xFFFFFFA0]  }
0xcc: {  	v61 =	vld [tilespmem:s30+$0xFFFFFFB0];
	v0 =	vadd.f32 v1, v0;
	v1 =	vmul.f32 v11, v10  }
0xcd: {  	v62 =	vld [tilespmem:s24+$0xFFFFFFB0];
	v4 =	vmul.f32 v5, v4  }
0xce: {  	s25 =	simm.s32 $0x0;
	v63 =	vld [tilespmem:s30+$0xFFFFFFC0];
	v5 =	vmul.f32 v7, v6;
	v0 =	vadd.f32 v1, v0;
	v1 =	vmul.f32 v13, v12  }
0xcf: {  	s25 =	smul.u32 $0x3000, s25;
	v3 =	vmul.f32 v3, v2;
	v7 =	vld [tilespmem:s24+$0xFFFFFFC0]  }
0xd0: {  	v2 =	vld [tilespmem:s24+$0xFFFFFFD0];
	v4 =	vadd.f32 v5, v4;
	v5 =	vmul.f32 v60, v8;
	v6 =	vadd.f32 v1, v0  }
0xd1: {  	s28 =	simm.s32 $0x80;
	s26 =	sshra.s32 s25, $0x2;
	v0 =	vld [tilespmem:s30+$0xFFFFFFD0]  }
0xd2: {  	s31 =	sand.u32 $0x380, s28;
	s29 =	sadd.s32 $0x10C00, s26;
	v8 =	vmul.f32 v62, v61;
	v1 =	vld [tilespmem:s30+$0xFFFFFFE0];
	v5 =	vadd.f32 v5, v4;
	v6 =	vadd.f32 v3, v6  }
0xd3: {  	s25 =	simm.s32 $0x0;
	s26 =	sor.u32 s31, s29;
	v4 =	vld [tilespmem:s24+$0xFFFFFFE0]  }
0xd4: {  	s28 =	sand.u32 $0x300, s25;
	v3 =	vld [tilespmem:s30+$0xFFFFFFF0];
	v7 =	vmul.f32 v7, v63;
	[tilespmem:s26+$0x20] =	vst v6;
	v6 =	vadd.f32 v8, v5  }
0xd5: {  	s29 =	sor.u32 s28, s29;
	s28 =	simm.s32 $0xD80;
	s26 =	simm.s32 $0x0;
	v5 =	vld [tilespmem:s24+$0xFFFFFFF0]  }
.LBB2_7:
0xd6: {  	v8 =	vld [tilespmem:s28+$0x0];
	v6 =	vadd.f32 v7, v6;
	v0 =	vmul.f32 v2, v0;
	s24 =	sadd.s32 $0x100, s24  }
0xd7: {  	v2 =	vld [tilespmem:s24+$0x0]  }
0xd8: {  	v7 =	vld [tilespmem:s28+$0x10];
	v0 =	vadd.f32 v0, v6;
	v1 =	vmul.f32 v4, v1  }
0xd9: {  	v4 =	vld [tilespmem:s24+$0x10]  }
0xda: {  	v6 =	vld [tilespmem:s28+$0x20];
	v0 =	vadd.f32 v1, v0;
	v1 =	vmul.f32 v5, v3  }
0xdb: {  	v3 =	vld [tilespmem:s24+$0x20]  }
0xdc: {  	v5 =	vld [tilespmem:s28+$0x30];
	v0 =	vadd.f32 v1, v0  }
0xdd: {  	v1 =	vld [tilespmem:s24+$0x30]  }
0xde: {  	v2 =	vmul.f32 v2, v8;
	v4 =	vmul.f32 v4, v7;
	v7 =	vld [tilespmem:s28+$0x40];
	[tilespmem:s29+$0x20] =	vst v0  }
0xdf: {  	v0 =	vld [tilespmem:s24+$0x40]  }
0xe0: {  	v2 =	vadd.f32 v4, v2;
	v3 =	vmul.f32 v3, v6;
	v4 =	vld [tilespmem:s28+$0x50]  }
0xe1: {  	v6 =	vld [tilespmem:s24+$0x50]  }
0xe2: {  	v2 =	vadd.f32 v3, v2;
	v1 =	vmul.f32 v1, v5;
	v3 =	vld [tilespmem:s28+$0x60]  }
0xe3: {  	v5 =	vld [tilespmem:s24+$0x60]  }
0xe4: {  	v1 =	vadd.f32 v1, v2;
	v0 =	vmul.f32 v0, v7;
	v2 =	vld [tilespmem:s28+$0x70]  }
0xe5: {  	v7 =	vld [tilespmem:s24+$0x70]  }
0xe6: {  	v8 =	vld [tilespmem:s28+$0xFFFFFF80];
	v0 =	vadd.f32 v0, v1;
	v1 =	vmul.f32 v6, v4  }
0xe7: {  	s26 =	sadd.s32 $0x2, s26;
	v4 =	vld [tilespmem:s24+$0xFFFFFF80]  }
0xe8: {  	s0 =	sshrl.u32 s26, $0x3;
	p0 =	slt.u32 s26, $0x7E;
	v6 =	vld [tilespmem:s28+$0xFFFFFF90];
	v0 =	vadd.f32 v1, v0;
	v1 =	vmul.f32 v5, v3  }
0xe9: {  	s0 =	smul.u32 $0x3000, s0;
	v3 =	vld [tilespmem:s24+$0xFFFFFF90]  }
0xea: {  	s25 =	sadd.s32 $0x100, s25;
	v5 =	vld [tilespmem:s28+$0xFFFFFFA0];
	v0 =	vadd.f32 v1, v0;
	v1 =	vmul.f32 v7, v2  }
0xeb: {  	s30 =	sadd.s32 $0x80, s25;
	s0 =	sshra.s32 s0, $0x2;
	s29 =	sand.u32 $0x300, s25;
	v2 =	vld [tilespmem:s24+$0xFFFFFFA0]  }
0xec: {  	s30 =	sand.u32 $0x380, s30;
	s0 =	sadd.s32 $0x10C00, s0;
	v4 =	vmul.f32 v4, v8;
	v7 =	vld [tilespmem:s28+$0xFFFFFFB0];
	v0 =	vadd.f32 v1, v0  }
0xed: {  	s29 =	sor.u32 s29, s0;
	s0 =	sor.u32 s30, s0;
	v1 =	vld [tilespmem:s24+$0xFFFFFFB0]  }
0xee: {  	v3 =	vmul.f32 v3, v6;
	v8 =	vld [tilespmem:s28+$0xFFFFFFC0];
	[tilespmem:s0+$0x20] =	vst v0  }
0xef: {  	v9 =	vld [tilespmem:s24+$0xFFFFFFC0]  }
0xf0: {  	v3 =	vadd.f32 v3, v4;
	v4 =	vmul.f32 v2, v5;
	v0 =	vld [tilespmem:s28+$0xFFFFFFD0]  }
.Ltmp2:
0xf1: {  	v2 =	vld [tilespmem:s24+$0xFFFFFFD0];
	(pc) =	sbr.rel @p0 .LBB2_7-.Ltmp2, $4  }
0xf2: {  	v3 =	vadd.f32 v4, v3;
	v5 =	vmul.f32 v1, v7;
	v1 =	vld [tilespmem:s28+$0xFFFFFFE0]  }
0xf3: {  	v4 =	vld [tilespmem:s24+$0xFFFFFFE0]  }
0xf4: {  	v6 =	vadd.f32 v5, v3;
	v7 =	vmul.f32 v9, v8;
	v3 =	vld [tilespmem:s28+$0xFFFFFFF0]  }
0xf5: {  	s28 =	sadd.s32 $0x100, s28;
	v5 =	vld [tilespmem:s24+$0xFFFFFFF0]  }
0xf6: {  	v6 =	vadd.f32 v7, v6;
	v0 =	vmul.f32 v2, v0;
	_ =	sdelay $0x1  }
0xf7: {  	v0 =	vadd.f32 v0, v6;
	v1 =	vmul.f32 v4, v1;
	_ =	sdelay $0x1  }
0xf8: {  	v0 =	vadd.f32 v1, v0;
	v1 =	vmul.f32 v5, v3;
	_ =	sdelay $0x1  }
0xf9: {  	v0 =	vadd.f32 v1, v0;
	_ =	sdelay $0x1  }
0xfa: {  	s0 =	simm.s32 $0x300;
	[tilespmem:s29+$0x20] =	vst v0  }
0xfb: {  	[tilespmem:s16], [sflag:$0x4] =	stream.indirect.gather [hbm4b:s1+s10], $0x80, s0, s10, $0xb8;
	[tilespmem:$0x1CC00] =	vst v63  }
0xfc: {  	_ =	swait.ge [sflag:s18], $0x4000  }
0xfd: {  	[sflag:s18] =	ssyncset.done $0x0  }
0xfe: {  	s30 =	simm.s32 $0xC80;
	[sflag:s18] =	ssyncadd.s32 $0xFFFFC000  }
0xff: {  	s24 =	simm.s32 $0x4C80;
	v0 =	vld [tilespmem:s30+$0x0]  }
0x100: {  	v1 =	vld [tilespmem:s24+$0x0]  }
0x101: {  	v2 =	vld [tilespmem:s30+$0x10]  }
0x102: {  	v3 =	vld [tilespmem:s24+$0x10]  }
0x103: {  	v4 =	vld [tilespmem:s30+$0x20]  }
0x104: {  	v5 =	vld [tilespmem:s24+$0x20]  }
0x105: {  	v6 =	vld [tilespmem:s30+$0x30]  }
0x106: {  	v7 =	vld [tilespmem:s24+$0x30]  }
0x107: {  	v8 =	vld [tilespmem:s30+$0x40]  }
0x108: {  	v9 =	vld [tilespmem:s24+$0x40]  }
0x109: {  	v10 =	vld [tilespmem:s30+$0x50]  }
0x10a: {  	v11 =	vld [tilespmem:s24+$0x50]  }
0x10b: {  	v12 =	vld [tilespmem:s30+$0x60]  }
0x10c: {  	v13 =	vld [tilespmem:s24+$0x60]  }
0x10d: {  	v60 =	vld [tilespmem:s24+$0xFFFFFFA0];
	v0 =	vmul.f32 v1, v0;
	v1 =	vmul.f32 v3, v2  }
0x10e: {  	v2 =	vld [tilespmem:s30+$0x70]  }
0x10f: {  	v0 =	vadd.f32 v1, v0;
	v1 =	vmul.f32 v5, v4;
	v4 =	vld [tilespmem:s30+$0xFFFFFF80]  }
0x110: {  	v5 =	vld [tilespmem:s24+$0xFFFFFF80]  }
0x111: {  	v0 =	vadd.f32 v1, v0;
	v1 =	vmul.f32 v7, v6;
	v6 =	vld [tilespmem:s30+$0xFFFFFF90]  }
0x112: {  	v7 =	vld [tilespmem:s24+$0xFFFFFF90]  }
0x113: {  	v3 =	vld [tilespmem:s24+$0x70];
	v0 =	vadd.f32 v1, v0;
	v1 =	vmul.f32 v9, v8  }
0x114: {  	v8 =	vld [tilespmem:s30+$0xFFFFFFA0]  }
0x115: {  	v61 =	vld [tilespmem:s30+$0xFFFFFFB0];
	v0 =	vadd.f32 v1, v0;
	v1 =	vmul.f32 v11, v10  }
0x116: {  	v62 =	vld [tilespmem:s24+$0xFFFFFFB0];
	v4 =	vmul.f32 v5, v4  }
0x117: {  	s25 =	simm.s32 $0x0;
	v63 =	vld [tilespmem:s30+$0xFFFFFFC0];
	v5 =	vmul.f32 v7, v6;
	v0 =	vadd.f32 v1, v0;
	v1 =	vmul.f32 v13, v12  }
0x118: {  	s25 =	smul.u32 $0x3000, s25;
	v3 =	vmul.f32 v3, v2;
	v7 =	vld [tilespmem:s24+$0xFFFFFFC0]  }
0x119: {  	v2 =	vld [tilespmem:s24+$0xFFFFFFD0];
	v4 =	vadd.f32 v5, v4;
	v5 =	vmul.f32 v60, v8;
	v6 =	vadd.f32 v1, v0  }
0x11a: {  	s28 =	simm.s32 $0x80;
	s26 =	sshra.s32 s25, $0x2;
	v0 =	vld [tilespmem:s30+$0xFFFFFFD0]  }
0x11b: {  	s31 =	sand.u32 $0x380, s28;
	s29 =	sadd.s32 $0x10C00, s26;
	v8 =	vmul.f32 v62, v61;
	v1 =	vld [tilespmem:s30+$0xFFFFFFE0];
	v5 =	vadd.f32 v5, v4;
	v6 =	vadd.f32 v3, v6  }
0x11c: {  	s25 =	simm.s32 $0x0;
	s26 =	sor.u32 s31, s29;
	v4 =	vld [tilespmem:s24+$0xFFFFFFE0]  }
0x11d: {  	s28 =	sand.u32 $0x300, s25;
	v3 =	vld [tilespmem:s30+$0xFFFFFFF0];
	v7 =	vmul.f32 v7, v63;
	[tilespmem:s26+$0x30] =	vst v6;
	v6 =	vadd.f32 v8, v5  }
0x11e: {  	s29 =	sor.u32 s28, s29;
	s28 =	simm.s32 $0xD80;
	s26 =	simm.s32 $0x0;
	v5 =	vld [tilespmem:s24+$0xFFFFFFF0]  }
.LBB2_9:
0x11f: {  	v8 =	vld [tilespmem:s28+$0x0];
	v6 =	vadd.f32 v7, v6;
	v0 =	vmul.f32 v2, v0;
	s24 =	sadd.s32 $0x100, s24  }
0x120: {  	v2 =	vld [tilespmem:s24+$0x0]  }
0x121: {  	v7 =	vld [tilespmem:s28+$0x10];
	v0 =	vadd.f32 v0, v6;
	v1 =	vmul.f32 v4, v1  }
0x122: {  	v4 =	vld [tilespmem:s24+$0x10]  }
0x123: {  	v6 =	vld [tilespmem:s28+$0x20];
	v0 =	vadd.f32 v1, v0;
	v1 =	vmul.f32 v5, v3  }
0x124: {  	v3 =	vld [tilespmem:s24+$0x20]  }
0x125: {  	v5 =	vld [tilespmem:s28+$0x30];
	v0 =	vadd.f32 v1, v0  }
0x126: {  	v1 =	vld [tilespmem:s24+$0x30]  }
0x127: {  	v2 =	vmul.f32 v2, v8;
	v4 =	vmul.f32 v4, v7;
	v7 =	vld [tilespmem:s28+$0x40];
	[tilespmem:s29+$0x30] =	vst v0  }
0x128: {  	v0 =	vld [tilespmem:s24+$0x40]  }
0x129: {  	v2 =	vadd.f32 v4, v2;
	v3 =	vmul.f32 v3, v6;
	v4 =	vld [tilespmem:s28+$0x50]  }
0x12a: {  	v6 =	vld [tilespmem:s24+$0x50]  }
0x12b: {  	v2 =	vadd.f32 v3, v2;
	v1 =	vmul.f32 v1, v5;
	v3 =	vld [tilespmem:s28+$0x60]  }
0x12c: {  	v5 =	vld [tilespmem:s24+$0x60]  }
0x12d: {  	v1 =	vadd.f32 v1, v2;
	v0 =	vmul.f32 v0, v7;
	v2 =	vld [tilespmem:s28+$0x70]  }
0x12e: {  	v7 =	vld [tilespmem:s24+$0x70]  }
0x12f: {  	v8 =	vld [tilespmem:s28+$0xFFFFFF80];
	v0 =	vadd.f32 v0, v1;
	v1 =	vmul.f32 v6, v4  }
0x130: {  	s26 =	sadd.s32 $0x2, s26;
	v4 =	vld [tilespmem:s24+$0xFFFFFF80]  }
0x131: {  	s0 =	sshrl.u32 s26, $0x3;
	p0 =	slt.u32 s26, $0x7E;
	v6 =	vld [tilespmem:s28+$0xFFFFFF90];
	v0 =	vadd.f32 v1, v0;
	v1 =	vmul.f32 v5, v3  }
0x132: {  	s0 =	smul.u32 $0x3000, s0;
	v3 =	vld [tilespmem:s24+$0xFFFFFF90]  }
0x133: {  	s25 =	sadd.s32 $0x100, s25;
	v5 =	vld [tilespmem:s28+$0xFFFFFFA0];
	v0 =	vadd.f32 v1, v0;
	v1 =	vmul.f32 v7, v2  }
0x134: {  	s30 =	sadd.s32 $0x80, s25;
	s0 =	sshra.s32 s0, $0x2;
	s29 =	sand.u32 $0x300, s25;
	v2 =	vld [tilespmem:s24+$0xFFFFFFA0]  }
0x135: {  	s30 =	sand.u32 $0x380, s30;
	s0 =	sadd.s32 $0x10C00, s0;
	v4 =	vmul.f32 v4, v8;
	v7 =	vld [tilespmem:s28+$0xFFFFFFB0];
	v0 =	vadd.f32 v1, v0  }
0x136: {  	s29 =	sor.u32 s29, s0;
	s0 =	sor.u32 s30, s0;
	v1 =	vld [tilespmem:s24+$0xFFFFFFB0]  }
0x137: {  	v3 =	vmul.f32 v3, v6;
	v8 =	vld [tilespmem:s28+$0xFFFFFFC0];
	[tilespmem:s0+$0x30] =	vst v0  }
0x138: {  	v9 =	vld [tilespmem:s24+$0xFFFFFFC0]  }
0x139: {  	v3 =	vadd.f32 v3, v4;
	v4 =	vmul.f32 v2, v5;
	v0 =	vld [tilespmem:s28+$0xFFFFFFD0]  }
.Ltmp3:
0x13a: {  	v2 =	vld [tilespmem:s24+$0xFFFFFFD0];
	(pc) =	sbr.rel @p0 .LBB2_9-.Ltmp3, $4  }
0x13b: {  	v3 =	vadd.f32 v4, v3;
	v5 =	vmul.f32 v1, v7;
	v1 =	vld [tilespmem:s28+$0xFFFFFFE0]  }
0x13c: {  	v4 =	vld [tilespmem:s24+$0xFFFFFFE0]  }
0x13d: {  	v6 =	vadd.f32 v5, v3;
	v7 =	vmul.f32 v9, v8;
	v3 =	vld [tilespmem:s28+$0xFFFFFFF0]  }
0x13e: {  	s28 =	sadd.s32 $0x100, s28;
	v5 =	vld [tilespmem:s24+$0xFFFFFFF0]  }
0x13f: {  	v6 =	vadd.f32 v7, v6;
	v0 =	vmul.f32 v2, v0;
	_ =	sdelay $0x1  }
0x140: {  	v0 =	vadd.f32 v0, v6;
	v1 =	vmul.f32 v4, v1;
	_ =	sdelay $0x1  }
0x141: {  	v0 =	vadd.f32 v1, v0;
	v1 =	vmul.f32 v5, v3;
	_ =	sdelay $0x1  }
0x142: {  	v0 =	vadd.f32 v1, v0;
	_ =	sdelay $0x1  }
0x143: {  	s0 =	simm.s32 $0x380;
	[tilespmem:s29+$0x30] =	vst v0  }
0x144: {  	[tilespmem:s12], [sflag:$0x2] =	stream.indirect.gather [hbm4b:s1+s10], $0x80, s0, s10, $0xb8;
	[tilespmem:$0x1CC00] =	vst v63  }
0x145: {  	_ =	swait.ge [sflag:s20], $0x4000  }
0x146: {  	[sflag:s20] =	ssyncset.done $0x0  }
0x147: {  	s30 =	simm.s32 $0xC80;
	[sflag:s20] =	ssyncadd.s32 $0xFFFFC000  }
0x148: {  	s24 =	simm.s32 $0x8C80;
	v0 =	vld [tilespmem:s30+$0x0]  }
0x149: {  	v1 =	vld [tilespmem:s24+$0x0]  }
0x14a: {  	v2 =	vld [tilespmem:s30+$0x10]  }
0x14b: {  	v3 =	vld [tilespmem:s24+$0x10]  }
0x14c: {  	v4 =	vld [tilespmem:s30+$0x20]  }
0x14d: {  	v5 =	vld [tilespmem:s24+$0x20]  }
0x14e: {  	v6 =	vld [tilespmem:s30+$0x30]  }
0x14f: {  	v7 =	vld [tilespmem:s24+$0x30]  }
0x150: {  	v8 =	vld [tilespmem:s30+$0x40]  }
0x151: {  	v9 =	vld [tilespmem:s24+$0x40]  }
0x152: {  	v10 =	vld [tilespmem:s30+$0x50]  }
0x153: {  	v11 =	vld [tilespmem:s24+$0x50]  }
0x154: {  	v12 =	vld [tilespmem:s30+$0x60]  }
0x155: {  	v13 =	vld [tilespmem:s24+$0x60]  }
0x156: {  	v60 =	vld [tilespmem:s24+$0xFFFFFFA0];
	v0 =	vmul.f32 v1, v0;
	v1 =	vmul.f32 v3, v2  }
0x157: {  	v2 =	vld [tilespmem:s30+$0x70]  }
0x158: {  	v0 =	vadd.f32 v1, v0;
	v1 =	vmul.f32 v5, v4;
	v4 =	vld [tilespmem:s30+$0xFFFFFF80]  }
0x159: {  	v5 =	vld [tilespmem:s24+$0xFFFFFF80]  }
0x15a: {  	v0 =	vadd.f32 v1, v0;
	v1 =	vmul.f32 v7, v6;
	v6 =	vld [tilespmem:s30+$0xFFFFFF90]  }
0x15b: {  	v7 =	vld [tilespmem:s24+$0xFFFFFF90]  }
0x15c: {  	v3 =	vld [tilespmem:s24+$0x70];
	v0 =	vadd.f32 v1, v0;
	v1 =	vmul.f32 v9, v8  }
0x15d: {  	v8 =	vld [tilespmem:s30+$0xFFFFFFA0]  }
0x15e: {  	v61 =	vld [tilespmem:s30+$0xFFFFFFB0];
	v0 =	vadd.f32 v1, v0;
	v1 =	vmul.f32 v11, v10  }
0x15f: {  	v62 =	vld [tilespmem:s24+$0xFFFFFFB0];
	v4 =	vmul.f32 v5, v4  }
0x160: {  	s25 =	simm.s32 $0x0;
	v63 =	vld [tilespmem:s30+$0xFFFFFFC0];
	v5 =	vmul.f32 v7, v6;
	v0 =	vadd.f32 v1, v0;
	v1 =	vmul.f32 v13, v12  }
0x161: {  	s25 =	smul.u32 $0x3000, s25;
	v3 =	vmul.f32 v3, v2;
	v7 =	vld [tilespmem:s24+$0xFFFFFFC0]  }
0x162: {  	v2 =	vld [tilespmem:s24+$0xFFFFFFD0];
	v4 =	vadd.f32 v5, v4;
	v5 =	vmul.f32 v60, v8;
	v6 =	vadd.f32 v1, v0  }
0x163: {  	s28 =	simm.s32 $0x80;
	s26 =	sshra.s32 s25, $0x2;
	v0 =	vld [tilespmem:s30+$0xFFFFFFD0]  }
0x164: {  	s31 =	sand.u32 $0x380, s28;
	s29 =	sadd.s32 $0x10C00, s26;
	v8 =	vmul.f32 v62, v61;
	v1 =	vld [tilespmem:s30+$0xFFFFFFE0];
	v5 =	vadd.f32 v5, v4;
	v6 =	vadd.f32 v3, v6  }
0x165: {  	s25 =	simm.s32 $0x0;
	s26 =	sor.u32 s31, s29;
	v4 =	vld [tilespmem:s24+$0xFFFFFFE0]  }
0x166: {  	s28 =	sand.u32 $0x300, s25;
	v3 =	vld [tilespmem:s30+$0xFFFFFFF0];
	v7 =	vmul.f32 v7, v63;
	[tilespmem:s26+$0x40] =	vst v6;
	v6 =	vadd.f32 v8, v5  }
0x167: {  	s29 =	sor.u32 s28, s29;
	s28 =	simm.s32 $0xD80;
	s26 =	simm.s32 $0x0;
	v5 =	vld [tilespmem:s24+$0xFFFFFFF0]  }
.LBB2_11:
0x168: {  	v8 =	vld [tilespmem:s28+$0x0];
	v6 =	vadd.f32 v7, v6;
	v0 =	vmul.f32 v2, v0;
	s24 =	sadd.s32 $0x100, s24  }
0x169: {  	v2 =	vld [tilespmem:s24+$0x0]  }
0x16a: {  	v7 =	vld [tilespmem:s28+$0x10];
	v0 =	vadd.f32 v0, v6;
	v1 =	vmul.f32 v4, v1  }
0x16b: {  	v4 =	vld [tilespmem:s24+$0x10]  }
0x16c: {  	v6 =	vld [tilespmem:s28+$0x20];
	v0 =	vadd.f32 v1, v0;
	v1 =	vmul.f32 v5, v3  }
0x16d: {  	v3 =	vld [tilespmem:s24+$0x20]  }
0x16e: {  	v5 =	vld [tilespmem:s28+$0x30];
	v0 =	vadd.f32 v1, v0  }
0x16f: {  	v1 =	vld [tilespmem:s24+$0x30]  }
0x170: {  	v2 =	vmul.f32 v2, v8;
	v4 =	vmul.f32 v4, v7;
	v7 =	vld [tilespmem:s28+$0x40];
	[tilespmem:s29+$0x40] =	vst v0  }
0x171: {  	v0 =	vld [tilespmem:s24+$0x40]  }
0x172: {  	v2 =	vadd.f32 v4, v2;
	v3 =	vmul.f32 v3, v6;
	v4 =	vld [tilespmem:s28+$0x50]  }
0x173: {  	v6 =	vld [tilespmem:s24+$0x50]  }
0x174: {  	v2 =	vadd.f32 v3, v2;
	v1 =	vmul.f32 v1, v5;
	v3 =	vld [tilespmem:s28+$0x60]  }
0x175: {  	v5 =	vld [tilespmem:s24+$0x60]  }
0x176: {  	v1 =	vadd.f32 v1, v2;
	v0 =	vmul.f32 v0, v7;
	v2 =	vld [tilespmem:s28+$0x70]  }
0x177: {  	v7 =	vld [tilespmem:s24+$0x70]  }
0x178: {  	v8 =	vld [tilespmem:s28+$0xFFFFFF80];
	v0 =	vadd.f32 v0, v1;
	v1 =	vmul.f32 v6, v4  }
0x179: {  	s26 =	sadd.s32 $0x2, s26;
	v4 =	vld [tilespmem:s24+$0xFFFFFF80]  }
0x17a: {  	s0 =	sshrl.u32 s26, $0x3;
	p0 =	slt.u32 s26, $0x7E;
	v6 =	vld [tilespmem:s28+$0xFFFFFF90];
	v0 =	vadd.f32 v1, v0;
	v1 =	vmul.f32 v5, v3  }
0x17b: {  	s0 =	smul.u32 $0x3000, s0;
	v3 =	vld [tilespmem:s24+$0xFFFFFF90]  }
0x17c: {  	s25 =	sadd.s32 $0x100, s25;
	v5 =	vld [tilespmem:s28+$0xFFFFFFA0];
	v0 =	vadd.f32 v1, v0;
	v1 =	vmul.f32 v7, v2  }
0x17d: {  	s30 =	sadd.s32 $0x80, s25;
	s0 =	sshra.s32 s0, $0x2;
	s29 =	sand.u32 $0x300, s25;
	v2 =	vld [tilespmem:s24+$0xFFFFFFA0]  }
0x17e: {  	s30 =	sand.u32 $0x380, s30;
	s0 =	sadd.s32 $0x10C00, s0;
	v4 =	vmul.f32 v4, v8;
	v7 =	vld [tilespmem:s28+$0xFFFFFFB0];
	v0 =	vadd.f32 v1, v0  }
0x17f: {  	s29 =	sor.u32 s29, s0;
	s0 =	sor.u32 s30, s0;
	v1 =	vld [tilespmem:s24+$0xFFFFFFB0]  }
0x180: {  	v3 =	vmul.f32 v3, v6;
	v8 =	vld [tilespmem:s28+$0xFFFFFFC0];
	[tilespmem:s0+$0x40] =	vst v0  }
0x181: {  	v9 =	vld [tilespmem:s24+$0xFFFFFFC0]  }
0x182: {  	v3 =	vadd.f32 v3, v4;
	v4 =	vmul.f32 v2, v5;
	v0 =	vld [tilespmem:s28+$0xFFFFFFD0]  }
.Ltmp4:
0x183: {  	v2 =	vld [tilespmem:s24+$0xFFFFFFD0];
	(pc) =	sbr.rel @p0 .LBB2_11-.Ltmp4, $4  }
0x184: {  	v3 =	vadd.f32 v4, v3;
	v5 =	vmul.f32 v1, v7;
	v1 =	vld [tilespmem:s28+$0xFFFFFFE0]  }
0x185: {  	v4 =	vld [tilespmem:s24+$0xFFFFFFE0]  }
0x186: {  	v6 =	vadd.f32 v5, v3;
	v7 =	vmul.f32 v9, v8;
	v3 =	vld [tilespmem:s28+$0xFFFFFFF0]  }
0x187: {  	s28 =	sadd.s32 $0x100, s28;
	v5 =	vld [tilespmem:s24+$0xFFFFFFF0]  }
0x188: {  	v6 =	vadd.f32 v7, v6;
	v0 =	vmul.f32 v2, v0;
	_ =	sdelay $0x1  }
0x189: {  	v0 =	vadd.f32 v0, v6;
	v1 =	vmul.f32 v4, v1;
	_ =	sdelay $0x1  }
0x18a: {  	v0 =	vadd.f32 v1, v0;
	v1 =	vmul.f32 v5, v3;
	_ =	sdelay $0x1  }
0x18b: {  	v0 =	vadd.f32 v1, v0;
	_ =	sdelay $0x1  }
0x18c: {  	s0 =	simm.s32 $0x400;
	[tilespmem:s29+$0x40] =	vst v0  }
0x18d: {  	[tilespmem:s14], [sflag:$0x3] =	stream.indirect.gather [hbm4b:s1+s10], $0x80, s0, s10, $0xb8;
	[tilespmem:$0x1CC00] =	vst v63  }
0x18e: {  	_ =	swait.ge [sflag:s22], $0x4000  }
0x18f: {  	[sflag:s22] =	ssyncset.done $0x0  }
0x190: {  	s30 =	simm.s32 $0xC80;
	[sflag:s22] =	ssyncadd.s32 $0xFFFFC000  }
0x191: {  	s24 =	simm.s32 $0xCC80;
	v0 =	vld [tilespmem:s30+$0x0]  }
0x192: {  	v1 =	vld [tilespmem:s24+$0x0]  }
0x193: {  	v2 =	vld [tilespmem:s30+$0x10]  }
0x194: {  	v3 =	vld [tilespmem:s24+$0x10]  }
0x195: {  	v4 =	vld [tilespmem:s30+$0x20]  }
0x196: {  	v5 =	vld [tilespmem:s24+$0x20]  }
0x197: {  	v6 =	vld [tilespmem:s30+$0x30]  }
0x198: {  	v7 =	vld [tilespmem:s24+$0x30]  }
0x199: {  	v8 =	vld [tilespmem:s30+$0x40]  }
0x19a: {  	v9 =	vld [tilespmem:s24+$0x40]  }
0x19b: {  	v10 =	vld [tilespmem:s30+$0x50]  }
0x19c: {  	v11 =	vld [tilespmem:s24+$0x50]  }
0x19d: {  	v12 =	vld [tilespmem:s30+$0x60]  }
0x19e: {  	v13 =	vld [tilespmem:s24+$0x60]  }
0x19f: {  	v60 =	vld [tilespmem:s24+$0xFFFFFFA0];
	v0 =	vmul.f32 v1, v0;
	v1 =	vmul.f32 v3, v2  }
0x1a0: {  	v2 =	vld [tilespmem:s30+$0x70]  }
0x1a1: {  	v0 =	vadd.f32 v1, v0;
	v1 =	vmul.f32 v5, v4;
	v4 =	vld [tilespmem:s30+$0xFFFFFF80]  }
0x1a2: {  	v5 =	vld [tilespmem:s24+$0xFFFFFF80]  }
0x1a3: {  	v0 =	vadd.f32 v1, v0;
	v1 =	vmul.f32 v7, v6;
	v6 =	vld [tilespmem:s30+$0xFFFFFF90]  }
0x1a4: {  	v7 =	vld [tilespmem:s24+$0xFFFFFF90]  }
0x1a5: {  	v3 =	vld [tilespmem:s24+$0x70];
	v0 =	vadd.f32 v1, v0;
	v1 =	vmul.f32 v9, v8  }
0x1a6: {  	v8 =	vld [tilespmem:s30+$0xFFFFFFA0]  }
0x1a7: {  	v61 =	vld [tilespmem:s30+$0xFFFFFFB0];
	v0 =	vadd.f32 v1, v0;
	v1 =	vmul.f32 v11, v10  }
0x1a8: {  	v62 =	vld [tilespmem:s24+$0xFFFFFFB0];
	v4 =	vmul.f32 v5, v4  }
0x1a9: {  	s25 =	simm.s32 $0x0;
	v63 =	vld [tilespmem:s30+$0xFFFFFFC0];
	v5 =	vmul.f32 v7, v6;
	v0 =	vadd.f32 v1, v0;
	v1 =	vmul.f32 v13, v12  }
0x1aa: {  	s25 =	smul.u32 $0x3000, s25;
	v3 =	vmul.f32 v3, v2;
	v7 =	vld [tilespmem:s24+$0xFFFFFFC0]  }
0x1ab: {  	v2 =	vld [tilespmem:s24+$0xFFFFFFD0];
	v4 =	vadd.f32 v5, v4;
	v5 =	vmul.f32 v60, v8;
	v6 =	vadd.f32 v1, v0  }
0x1ac: {  	s28 =	simm.s32 $0x80;
	s26 =	sshra.s32 s25, $0x2;
	v0 =	vld [tilespmem:s30+$0xFFFFFFD0]  }
0x1ad: {  	s31 =	sand.u32 $0x380, s28;
	s29 =	sadd.s32 $0x10C00, s26;
	v8 =	vmul.f32 v62, v61;
	v1 =	vld [tilespmem:s30+$0xFFFFFFE0];
	v5 =	vadd.f32 v5, v4;
	v6 =	vadd.f32 v3, v6  }
0x1ae: {  	s25 =	simm.s32 $0x0;
	s26 =	sor.u32 s31, s29;
	v4 =	vld [tilespmem:s24+$0xFFFFFFE0]  }
0x1af: {  	s28 =	sand.u32 $0x300, s25;
	v3 =	vld [tilespmem:s30+$0xFFFFFFF0];
	v7 =	vmul.f32 v7, v63;
	[tilespmem:s26+$0x50] =	vst v6;
	v6 =	vadd.f32 v8, v5  }
0x1b0: {  	s29 =	sor.u32 s28, s29;
	s28 =	simm.s32 $0xD80;
	s26 =	simm.s32 $0x0;
	v5 =	vld [tilespmem:s24+$0xFFFFFFF0]  }
.LBB2_13:
0x1b1: {  	v8 =	vld [tilespmem:s28+$0x0];
	v6 =	vadd.f32 v7, v6;
	v0 =	vmul.f32 v2, v0;
	s24 =	sadd.s32 $0x100, s24  }
0x1b2: {  	v2 =	vld [tilespmem:s24+$0x0]  }
0x1b3: {  	v7 =	vld [tilespmem:s28+$0x10];
	v0 =	vadd.f32 v0, v6;
	v1 =	vmul.f32 v4, v1  }
0x1b4: {  	v4 =	vld [tilespmem:s24+$0x10]  }
0x1b5: {  	v6 =	vld [tilespmem:s28+$0x20];
	v0 =	vadd.f32 v1, v0;
	v1 =	vmul.f32 v5, v3  }
0x1b6: {  	v3 =	vld [tilespmem:s24+$0x20]  }
0x1b7: {  	v5 =	vld [tilespmem:s28+$0x30];
	v0 =	vadd.f32 v1, v0  }
0x1b8: {  	v1 =	vld [tilespmem:s24+$0x30]  }
0x1b9: {  	v2 =	vmul.f32 v2, v8;
	v4 =	vmul.f32 v4, v7;
	v7 =	vld [tilespmem:s28+$0x40];
	[tilespmem:s29+$0x50] =	vst v0  }
0x1ba: {  	v0 =	vld [tilespmem:s24+$0x40]  }
0x1bb: {  	v2 =	vadd.f32 v4, v2;
	v3 =	vmul.f32 v3, v6;
	v4 =	vld [tilespmem:s28+$0x50]  }
0x1bc: {  	v6 =	vld [tilespmem:s24+$0x50]  }
0x1bd: {  	v2 =	vadd.f32 v3, v2;
	v1 =	vmul.f32 v1, v5;
	v3 =	vld [tilespmem:s28+$0x60]  }
0x1be: {  	v5 =	vld [tilespmem:s24+$0x60]  }
0x1bf: {  	v1 =	vadd.f32 v1, v2;
	v0 =	vmul.f32 v0, v7;
	v2 =	vld [tilespmem:s28+$0x70]  }
0x1c0: {  	v7 =	vld [tilespmem:s24+$0x70]  }
0x1c1: {  	v8 =	vld [tilespmem:s28+$0xFFFFFF80];
	v0 =	vadd.f32 v0, v1;
	v1 =	vmul.f32 v6, v4  }
0x1c2: {  	s26 =	sadd.s32 $0x2, s26;
	v4 =	vld [tilespmem:s24+$0xFFFFFF80]  }
0x1c3: {  	s0 =	sshrl.u32 s26, $0x3;
	p0 =	slt.u32 s26, $0x7E;
	v6 =	vld [tilespmem:s28+$0xFFFFFF90];
	v0 =	vadd.f32 v1, v0;
	v1 =	vmul.f32 v5, v3  }
0x1c4: {  	s0 =	smul.u32 $0x3000, s0;
	v3 =	vld [tilespmem:s24+$0xFFFFFF90]  }
0x1c5: {  	s25 =	sadd.s32 $0x100, s25;
	v5 =	vld [tilespmem:s28+$0xFFFFFFA0];
	v0 =	vadd.f32 v1, v0;
	v1 =	vmul.f32 v7, v2  }
0x1c6: {  	s30 =	sadd.s32 $0x80, s25;
	s0 =	sshra.s32 s0, $0x2;
	s29 =	sand.u32 $0x300, s25;
	v2 =	vld [tilespmem:s24+$0xFFFFFFA0]  }
0x1c7: {  	s30 =	sand.u32 $0x380, s30;
	s0 =	sadd.s32 $0x10C00, s0;
	v4 =	vmul.f32 v4, v8;
	v7 =	vld [tilespmem:s28+$0xFFFFFFB0];
	v0 =	vadd.f32 v1, v0  }
0x1c8: {  	s29 =	sor.u32 s29, s0;
	s0 =	sor.u32 s30, s0;
	v1 =	vld [tilespmem:s24+$0xFFFFFFB0]  }
0x1c9: {  	v3 =	vmul.f32 v3, v6;
	v8 =	vld [tilespmem:s28+$0xFFFFFFC0];
	[tilespmem:s0+$0x50] =	vst v0  }
0x1ca: {  	v9 =	vld [tilespmem:s24+$0xFFFFFFC0]  }
0x1cb: {  	v3 =	vadd.f32 v3, v4;
	v4 =	vmul.f32 v2, v5;
	v0 =	vld [tilespmem:s28+$0xFFFFFFD0]  }
.Ltmp5:
0x1cc: {  	v2 =	vld [tilespmem:s24+$0xFFFFFFD0];
	(pc) =	sbr.rel @p0 .LBB2_13-.Ltmp5, $4  }
0x1cd: {  	v3 =	vadd.f32 v4, v3;
	v5 =	vmul.f32 v1, v7;
	v1 =	vld [tilespmem:s28+$0xFFFFFFE0]  }
0x1ce: {  	v4 =	vld [tilespmem:s24+$0xFFFFFFE0]  }
0x1cf: {  	v6 =	vadd.f32 v5, v3;
	v7 =	vmul.f32 v9, v8;
	v3 =	vld [tilespmem:s28+$0xFFFFFFF0]  }
0x1d0: {  	s28 =	sadd.s32 $0x100, s28;
	v5 =	vld [tilespmem:s24+$0xFFFFFFF0]  }
0x1d1: {  	v6 =	vadd.f32 v7, v6;
	v0 =	vmul.f32 v2, v0;
	_ =	sdelay $0x1  }
0x1d2: {  	v0 =	vadd.f32 v0, v6;
	v1 =	vmul.f32 v4, v1;
	_ =	sdelay $0x1  }
0x1d3: {  	v0 =	vadd.f32 v1, v0;
	v1 =	vmul.f32 v5, v3;
	_ =	sdelay $0x1  }
0x1d4: {  	v0 =	vadd.f32 v1, v0;
	_ =	sdelay $0x1  }
0x1d5: {  	s0 =	simm.s32 $0x480;
	[tilespmem:s29+$0x50] =	vst v0  }
0x1d6: {  	[tilespmem:s16], [sflag:$0x4] =	stream.indirect.gather [hbm4b:s1+s10], $0x80, s0, s10, $0xb8;
	[tilespmem:$0x1CC00] =	vst v63  }
0x1d7: {  	_ =	swait.ge [sflag:s18], $0x4000  }
0x1d8: {  	[sflag:s18] =	ssyncset.done $0x0  }
0x1d9: {  	s30 =	simm.s32 $0xC80;
	[sflag:s18] =	ssyncadd.s32 $0xFFFFC000  }
0x1da: {  	s24 =	simm.s32 $0x4C80;
	v0 =	vld [tilespmem:s30+$0x0]  }
0x1db: {  	v1 =	vld [tilespmem:s24+$0x0]  }
0x1dc: {  	v2 =	vld [tilespmem:s30+$0x10]  }
0x1dd: {  	v3 =	vld [tilespmem:s24+$0x10]  }
0x1de: {  	v4 =	vld [tilespmem:s30+$0x20]  }
0x1df: {  	v5 =	vld [tilespmem:s24+$0x20]  }
0x1e0: {  	v6 =	vld [tilespmem:s30+$0x30]  }
0x1e1: {  	v7 =	vld [tilespmem:s24+$0x30]  }
0x1e2: {  	v8 =	vld [tilespmem:s30+$0x40]  }
0x1e3: {  	v9 =	vld [tilespmem:s24+$0x40]  }
0x1e4: {  	v10 =	vld [tilespmem:s30+$0x50]  }
0x1e5: {  	v11 =	vld [tilespmem:s24+$0x50]  }
0x1e6: {  	v12 =	vld [tilespmem:s30+$0x60]  }
0x1e7: {  	v13 =	vld [tilespmem:s24+$0x60]  }
0x1e8: {  	v60 =	vld [tilespmem:s24+$0xFFFFFFA0];
	v0 =	vmul.f32 v1, v0;
	v1 =	vmul.f32 v3, v2  }
0x1e9: {  	v2 =	vld [tilespmem:s30+$0x70]  }
0x1ea: {  	v0 =	vadd.f32 v1, v0;
	v1 =	vmul.f32 v5, v4;
	v4 =	vld [tilespmem:s30+$0xFFFFFF80]  }
0x1eb: {  	v5 =	vld [tilespmem:s24+$0xFFFFFF80]  }
0x1ec: {  	v0 =	vadd.f32 v1, v0;
	v1 =	vmul.f32 v7, v6;
	v6 =	vld [tilespmem:s30+$0xFFFFFF90]  }
0x1ed: {  	v7 =	vld [tilespmem:s24+$0xFFFFFF90]  }
0x1ee: {  	v3 =	vld [tilespmem:s24+$0x70];
	v0 =	vadd.f32 v1, v0;
	v1 =	vmul.f32 v9, v8  }
0x1ef: {  	v8 =	vld [tilespmem:s30+$0xFFFFFFA0]  }
0x1f0: {  	v61 =	vld [tilespmem:s30+$0xFFFFFFB0];
	v0 =	vadd.f32 v1, v0;
	v1 =	vmul.f32 v11, v10  }
0x1f1: {  	v62 =	vld [tilespmem:s24+$0xFFFFFFB0];
	v4 =	vmul.f32 v5, v4  }
0x1f2: {  	s25 =	simm.s32 $0x0;
	v63 =	vld [tilespmem:s30+$0xFFFFFFC0];
	v5 =	vmul.f32 v7, v6;
	v0 =	vadd.f32 v1, v0;
	v1 =	vmul.f32 v13, v12  }
0x1f3: {  	s25 =	smul.u32 $0x3000, s25;
	v3 =	vmul.f32 v3, v2;
	v7 =	vld [tilespmem:s24+$0xFFFFFFC0]  }
0x1f4: {  	v2 =	vld [tilespmem:s24+$0xFFFFFFD0];
	v4 =	vadd.f32 v5, v4;
	v5 =	vmul.f32 v60, v8;
	v6 =	vadd.f32 v1, v0  }
0x1f5: {  	s28 =	simm.s32 $0x80;
	s26 =	sshra.s32 s25, $0x2;
	v0 =	vld [tilespmem:s30+$0xFFFFFFD0]  }
0x1f6: {  	s31 =	sand.u32 $0x380, s28;
	s29 =	sadd.s32 $0x10C00, s26;
	v8 =	vmul.f32 v62, v61;
	v1 =	vld [tilespmem:s30+$0xFFFFFFE0];
	v5 =	vadd.f32 v5, v4;
	v6 =	vadd.f32 v3, v6  }
0x1f7: {  	s25 =	simm.s32 $0x0;
	s26 =	sor.u32 s31, s29;
	v4 =	vld [tilespmem:s24+$0xFFFFFFE0]  }
0x1f8: {  	s28 =	sand.u32 $0x300, s25;
	v3 =	vld [tilespmem:s30+$0xFFFFFFF0];
	v7 =	vmul.f32 v7, v63;
	[tilespmem:s26+$0x60] =	vst v6;
	v6 =	vadd.f32 v8, v5  }
0x1f9: {  	s29 =	sor.u32 s28, s29;
	s28 =	simm.s32 $0xD80;
	s26 =	simm.s32 $0x0;
	v5 =	vld [tilespmem:s24+$0xFFFFFFF0]  }
.LBB2_15:
0x1fa: {  	v8 =	vld [tilespmem:s28+$0x0];
	v6 =	vadd.f32 v7, v6;
	v0 =	vmul.f32 v2, v0;
	s24 =	sadd.s32 $0x100, s24  }
0x1fb: {  	v2 =	vld [tilespmem:s24+$0x0]  }
0x1fc: {  	v7 =	vld [tilespmem:s28+$0x10];
	v0 =	vadd.f32 v0, v6;
	v1 =	vmul.f32 v4, v1  }
0x1fd: {  	v4 =	vld [tilespmem:s24+$0x10]  }
0x1fe: {  	v6 =	vld [tilespmem:s28+$0x20];
	v0 =	vadd.f32 v1, v0;
	v1 =	vmul.f32 v5, v3  }
0x1ff: {  	v3 =	vld [tilespmem:s24+$0x20]  }
0x200: {  	v5 =	vld [tilespmem:s28+$0x30];
	v0 =	vadd.f32 v1, v0  }
0x201: {  	v1 =	vld [tilespmem:s24+$0x30]  }
0x202: {  	v2 =	vmul.f32 v2, v8;
	v4 =	vmul.f32 v4, v7;
	v7 =	vld [tilespmem:s28+$0x40];
	[tilespmem:s29+$0x60] =	vst v0  }
0x203: {  	v0 =	vld [tilespmem:s24+$0x40]  }
0x204: {  	v2 =	vadd.f32 v4, v2;
	v3 =	vmul.f32 v3, v6;
	v4 =	vld [tilespmem:s28+$0x50]  }
0x205: {  	v6 =	vld [tilespmem:s24+$0x50]  }
0x206: {  	v2 =	vadd.f32 v3, v2;
	v1 =	vmul.f32 v1, v5;
	v3 =	vld [tilespmem:s28+$0x60]  }
0x207: {  	v5 =	vld [tilespmem:s24+$0x60]  }
0x208: {  	v1 =	vadd.f32 v1, v2;
	v0 =	vmul.f32 v0, v7;
	v2 =	vld [tilespmem:s28+$0x70]  }
0x209: {  	v7 =	vld [tilespmem:s24+$0x70]  }
0x20a: {  	v8 =	vld [tilespmem:s28+$0xFFFFFF80];
	v0 =	vadd.f32 v0, v1;
	v1 =	vmul.f32 v6, v4  }
0x20b: {  	s26 =	sadd.s32 $0x2, s26;
	v4 =	vld [tilespmem:s24+$0xFFFFFF80]  }
0x20c: {  	s0 =	sshrl.u32 s26, $0x3;
	p0 =	slt.u32 s26, $0x7E;
	v6 =	vld [tilespmem:s28+$0xFFFFFF90];
	v0 =	vadd.f32 v1, v0;
	v1 =	vmul.f32 v5, v3  }
0x20d: {  	s0 =	smul.u32 $0x3000, s0;
	v3 =	vld [tilespmem:s24+$0xFFFFFF90]  }
0x20e: {  	s25 =	sadd.s32 $0x100, s25;
	v5 =	vld [tilespmem:s28+$0xFFFFFFA0];
	v0 =	vadd.f32 v1, v0;
	v1 =	vmul.f32 v7, v2  }
0x20f: {  	s30 =	sadd.s32 $0x80, s25;
	s0 =	sshra.s32 s0, $0x2;
	s29 =	sand.u32 $0x300, s25;
	v2 =	vld [tilespmem:s24+$0xFFFFFFA0]  }
0x210: {  	s30 =	sand.u32 $0x380, s30;
	s0 =	sadd.s32 $0x10C00, s0;
	v4 =	vmul.f32 v4, v8;
	v7 =	vld [tilespmem:s28+$0xFFFFFFB0];
	v0 =	vadd.f32 v1, v0  }
0x211: {  	s29 =	sor.u32 s29, s0;
	s0 =	sor.u32 s30, s0;
	v1 =	vld [tilespmem:s24+$0xFFFFFFB0]  }
0x212: {  	v3 =	vmul.f32 v3, v6;
	v8 =	vld [tilespmem:s28+$0xFFFFFFC0];
	[tilespmem:s0+$0x60] =	vst v0  }
0x213: {  	v9 =	vld [tilespmem:s24+$0xFFFFFFC0]  }
0x214: {  	v3 =	vadd.f32 v3, v4;
	v4 =	vmul.f32 v2, v5;
	v0 =	vld [tilespmem:s28+$0xFFFFFFD0]  }
.Ltmp6:
0x215: {  	v2 =	vld [tilespmem:s24+$0xFFFFFFD0];
	(pc) =	sbr.rel @p0 .LBB2_15-.Ltmp6, $4  }
0x216: {  	v3 =	vadd.f32 v4, v3;
	v5 =	vmul.f32 v1, v7;
	v1 =	vld [tilespmem:s28+$0xFFFFFFE0]  }
0x217: {  	v4 =	vld [tilespmem:s24+$0xFFFFFFE0]  }
0x218: {  	v6 =	vadd.f32 v5, v3;
	v7 =	vmul.f32 v9, v8;
	v3 =	vld [tilespmem:s28+$0xFFFFFFF0]  }
0x219: {  	s28 =	sadd.s32 $0x100, s28;
	v5 =	vld [tilespmem:s24+$0xFFFFFFF0]  }
0x21a: {  	v6 =	vadd.f32 v7, v6;
	v0 =	vmul.f32 v2, v0;
	_ =	sdelay $0x1  }
0x21b: {  	v0 =	vadd.f32 v0, v6;
	v1 =	vmul.f32 v4, v1;
	_ =	sdelay $0x1  }
0x21c: {  	v0 =	vadd.f32 v1, v0;
	v1 =	vmul.f32 v5, v3;
	_ =	sdelay $0x1  }
0x21d: {  	v0 =	vadd.f32 v1, v0;
	_ =	sdelay $0x1  }
0x21e: {  	s0 =	simm.s32 $0x500;
	[tilespmem:s29+$0x60] =	vst v0  }
0x21f: {  	[tilespmem:s12], [sflag:$0x2] =	stream.indirect.gather [hbm4b:s1+s10], $0x80, s0, s10, $0xb8;
	[tilespmem:$0x1CC00] =	vst v63  }
0x220: {  	_ =	swait.ge [sflag:s20], $0x4000  }
0x221: {  	[sflag:s20] =	ssyncset.done $0x0  }
0x222: {  	s30 =	simm.s32 $0xC80;
	[sflag:s20] =	ssyncadd.s32 $0xFFFFC000  }
0x223: {  	s24 =	simm.s32 $0x8C80;
	v0 =	vld [tilespmem:s30+$0x0]  }
0x224: {  	v1 =	vld [tilespmem:s24+$0x0]  }
0x225: {  	v2 =	vld [tilespmem:s30+$0x10]  }
0x226: {  	v3 =	vld [tilespmem:s24+$0x10]  }
0x227: {  	v4 =	vld [tilespmem:s30+$0x20]  }
0x228: {  	v5 =	vld [tilespmem:s24+$0x20]  }
0x229: {  	v6 =	vld [tilespmem:s30+$0x30]  }
0x22a: {  	v7 =	vld [tilespmem:s24+$0x30]  }
0x22b: {  	v8 =	vld [tilespmem:s30+$0x40]  }
0x22c: {  	v9 =	vld [tilespmem:s24+$0x40]  }
0x22d: {  	v10 =	vld [tilespmem:s30+$0x50]  }
0x22e: {  	v11 =	vld [tilespmem:s24+$0x50]  }
0x22f: {  	v12 =	vld [tilespmem:s30+$0x60]  }
0x230: {  	v13 =	vld [tilespmem:s24+$0x60]  }
0x231: {  	v60 =	vld [tilespmem:s24+$0xFFFFFFA0];
	v0 =	vmul.f32 v1, v0;
	v1 =	vmul.f32 v3, v2  }
0x232: {  	v2 =	vld [tilespmem:s30+$0x70]  }
0x233: {  	v0 =	vadd.f32 v1, v0;
	v1 =	vmul.f32 v5, v4;
	v4 =	vld [tilespmem:s30+$0xFFFFFF80]  }
0x234: {  	v5 =	vld [tilespmem:s24+$0xFFFFFF80]  }
0x235: {  	v0 =	vadd.f32 v1, v0;
	v1 =	vmul.f32 v7, v6;
	v6 =	vld [tilespmem:s30+$0xFFFFFF90]  }
0x236: {  	v7 =	vld [tilespmem:s24+$0xFFFFFF90]  }
0x237: {  	v3 =	vld [tilespmem:s24+$0x70];
	v0 =	vadd.f32 v1, v0;
	v1 =	vmul.f32 v9, v8  }
0x238: {  	v8 =	vld [tilespmem:s30+$0xFFFFFFA0]  }
0x239: {  	v61 =	vld [tilespmem:s30+$0xFFFFFFB0];
	v0 =	vadd.f32 v1, v0;
	v1 =	vmul.f32 v11, v10  }
0x23a: {  	v62 =	vld [tilespmem:s24+$0xFFFFFFB0];
	v4 =	vmul.f32 v5, v4  }
0x23b: {  	s25 =	simm.s32 $0x0;
	v63 =	vld [tilespmem:s30+$0xFFFFFFC0];
	v5 =	vmul.f32 v7, v6;
	v0 =	vadd.f32 v1, v0;
	v1 =	vmul.f32 v13, v12  }
0x23c: {  	s25 =	smul.u32 $0x3000, s25;
	v3 =	vmul.f32 v3, v2;
	v7 =	vld [tilespmem:s24+$0xFFFFFFC0]  }
0x23d: {  	v2 =	vld [tilespmem:s24+$0xFFFFFFD0];
	v4 =	vadd.f32 v5, v4;
	v5 =	vmul.f32 v60, v8;
	v6 =	vadd.f32 v1, v0  }
0x23e: {  	s28 =	simm.s32 $0x80;
	s26 =	sshra.s32 s25, $0x2;
	v0 =	vld [tilespmem:s30+$0xFFFFFFD0]  }
0x23f: {  	s31 =	sand.u32 $0x380, s28;
	s29 =	sadd.s32 $0x10C00, s26;
	v8 =	vmul.f32 v62, v61;
	v1 =	vld [tilespmem:s30+$0xFFFFFFE0];
	v5 =	vadd.f32 v5, v4;
	v6 =	vadd.f32 v3, v6  }
0x240: {  	s25 =	simm.s32 $0x0;
	s26 =	sor.u32 s31, s29;
	v4 =	vld [tilespmem:s24+$0xFFFFFFE0]  }
0x241: {  	s28 =	sand.u32 $0x300, s25;
	v3 =	vld [tilespmem:s30+$0xFFFFFFF0];
	v7 =	vmul.f32 v7, v63;
	[tilespmem:s26+$0x70] =	vst v6;
	v6 =	vadd.f32 v8, v5  }
0x242: {  	s29 =	sor.u32 s28, s29;
	s28 =	simm.s32 $0xD80;
	s26 =	simm.s32 $0x0;
	v5 =	vld [tilespmem:s24+$0xFFFFFFF0]  }
.LBB2_17:
0x243: {  	v8 =	vld [tilespmem:s28+$0x0];
	v6 =	vadd.f32 v7, v6;
	v0 =	vmul.f32 v2, v0;
	s24 =	sadd.s32 $0x100, s24  }
0x244: {  	v2 =	vld [tilespmem:s24+$0x0]  }
0x245: {  	v7 =	vld [tilespmem:s28+$0x10];
	v0 =	vadd.f32 v0, v6;
	v1 =	vmul.f32 v4, v1  }
0x246: {  	v4 =	vld [tilespmem:s24+$0x10]  }
0x247: {  	v6 =	vld [tilespmem:s28+$0x20];
	v0 =	vadd.f32 v1, v0;
	v1 =	vmul.f32 v5, v3  }
0x248: {  	v3 =	vld [tilespmem:s24+$0x20]  }
0x249: {  	v5 =	vld [tilespmem:s28+$0x30];
	v0 =	vadd.f32 v1, v0  }
0x24a: {  	v1 =	vld [tilespmem:s24+$0x30]  }
0x24b: {  	v2 =	vmul.f32 v2, v8;
	v4 =	vmul.f32 v4, v7;
	v7 =	vld [tilespmem:s28+$0x40];
	[tilespmem:s29+$0x70] =	vst v0  }
0x24c: {  	v0 =	vld [tilespmem:s24+$0x40]  }
0x24d: {  	v2 =	vadd.f32 v4, v2;
	v3 =	vmul.f32 v3, v6;
	v4 =	vld [tilespmem:s28+$0x50]  }
0x24e: {  	v6 =	vld [tilespmem:s24+$0x50]  }
0x24f: {  	v2 =	vadd.f32 v3, v2;
	v1 =	vmul.f32 v1, v5;
	v3 =	vld [tilespmem:s28+$0x60]  }
0x250: {  	v5 =	vld [tilespmem:s24+$0x60]  }
0x251: {  	v1 =	vadd.f32 v1, v2;
	v0 =	vmul.f32 v0, v7;
	v2 =	vld [tilespmem:s28+$0x70]  }
0x252: {  	v7 =	vld [tilespmem:s24+$0x70]  }
0x253: {  	v8 =	vld [tilespmem:s28+$0xFFFFFF80];
	v0 =	vadd.f32 v0, v1;
	v1 =	vmul.f32 v6, v4  }
0x254: {  	s26 =	sadd.s32 $0x2, s26;
	v4 =	vld [tilespmem:s24+$0xFFFFFF80]  }
0x255: {  	s0 =	sshrl.u32 s26, $0x3;
	p0 =	slt.u32 s26, $0x7E;
	v6 =	vld [tilespmem:s28+$0xFFFFFF90];
	v0 =	vadd.f32 v1, v0;
	v1 =	vmul.f32 v5, v3  }
0x256: {  	s0 =	smul.u32 $0x3000, s0;
	v3 =	vld [tilespmem:s24+$0xFFFFFF90]  }
0x257: {  	s25 =	sadd.s32 $0x100, s25;
	v5 =	vld [tilespmem:s28+$0xFFFFFFA0];
	v0 =	vadd.f32 v1, v0;
	v1 =	vmul.f32 v7, v2  }
0x258: {  	s30 =	sadd.s32 $0x80, s25;
	s0 =	sshra.s32 s0, $0x2;
	s29 =	sand.u32 $0x300, s25;
	v2 =	vld [tilespmem:s24+$0xFFFFFFA0]  }
0x259: {  	s30 =	sand.u32 $0x380, s30;
	s0 =	sadd.s32 $0x10C00, s0;
	v4 =	vmul.f32 v4, v8;
	v7 =	vld [tilespmem:s28+$0xFFFFFFB0];
	v0 =	vadd.f32 v1, v0  }
0x25a: {  	s29 =	sor.u32 s29, s0;
	s0 =	sor.u32 s30, s0;
	v1 =	vld [tilespmem:s24+$0xFFFFFFB0]  }
0x25b: {  	v3 =	vmul.f32 v3, v6;
	v8 =	vld [tilespmem:s28+$0xFFFFFFC0];
	[tilespmem:s0+$0x70] =	vst v0  }
0x25c: {  	v9 =	vld [tilespmem:s24+$0xFFFFFFC0]  }
0x25d: {  	v3 =	vadd.f32 v3, v4;
	v4 =	vmul.f32 v2, v5;
	v0 =	vld [tilespmem:s28+$0xFFFFFFD0]  }
.Ltmp7:
0x25e: {  	v2 =	vld [tilespmem:s24+$0xFFFFFFD0];
	(pc) =	sbr.rel @p0 .LBB2_17-.Ltmp7, $4  }
0x25f: {  	v3 =	vadd.f32 v4, v3;
	v5 =	vmul.f32 v1, v7;
	v1 =	vld [tilespmem:s28+$0xFFFFFFE0]  }
0x260: {  	v4 =	vld [tilespmem:s24+$0xFFFFFFE0]  }
0x261: {  	v6 =	vadd.f32 v5, v3;
	v7 =	vmul.f32 v9, v8;
	v3 =	vld [tilespmem:s28+$0xFFFFFFF0]  }
0x262: {  	s28 =	sadd.s32 $0x100, s28;
	v5 =	vld [tilespmem:s24+$0xFFFFFFF0]  }
0x263: {  	v6 =	vadd.f32 v7, v6;
	v0 =	vmul.f32 v2, v0;
	_ =	sdelay $0x1  }
0x264: {  	v0 =	vadd.f32 v0, v6;
	v1 =	vmul.f32 v4, v1;
	_ =	sdelay $0x1  }
0x265: {  	v0 =	vadd.f32 v1, v0;
	v1 =	vmul.f32 v5, v3;
	_ =	sdelay $0x1  }
0x266: {  	v0 =	vadd.f32 v1, v0;
	_ =	sdelay $0x1  }
0x267: {  	s0 =	simm.s32 $0x580;
	[tilespmem:s29+$0x70] =	vst v0  }
0x268: {  	[tilespmem:s14], [sflag:$0x3] =	stream.indirect.gather [hbm4b:s1+s10], $0x80, s0, s10, $0xb8;
	[tilespmem:$0x1CC00] =	vst v63  }
0x269: {  	_ =	swait.ge [sflag:s22], $0x4000  }
0x26a: {  	[sflag:s22] =	ssyncset.done $0x0  }
0x26b: {  	s30 =	simm.s32 $0xC80;
	[sflag:s22] =	ssyncadd.s32 $0xFFFFC000  }
0x26c: {  	s24 =	simm.s32 $0xCC80;
	v0 =	vld [tilespmem:s30+$0x0]  }
0x26d: {  	v1 =	vld [tilespmem:s24+$0x0]  }
0x26e: {  	v2 =	vld [tilespmem:s30+$0x10]  }
0x26f: {  	v3 =	vld [tilespmem:s24+$0x10]  }
0x270: {  	v4 =	vld [tilespmem:s30+$0x20]  }
0x271: {  	v5 =	vld [tilespmem:s24+$0x20]  }
0x272: {  	v6 =	vld [tilespmem:s30+$0x30]  }
0x273: {  	v7 =	vld [tilespmem:s24+$0x30]  }
0x274: {  	v8 =	vld [tilespmem:s30+$0x40]  }
0x275: {  	v9 =	vld [tilespmem:s24+$0x40]  }
0x276: {  	v10 =	vld [tilespmem:s30+$0x50]  }
0x277: {  	v11 =	vld [tilespmem:s24+$0x50]  }
0x278: {  	v12 =	vld [tilespmem:s30+$0x60]  }
0x279: {  	v13 =	vld [tilespmem:s24+$0x60]  }
0x27a: {  	v60 =	vld [tilespmem:s24+$0xFFFFFFA0];
	v0 =	vmul.f32 v1, v0;
	v1 =	vmul.f32 v3, v2  }
0x27b: {  	v2 =	vld [tilespmem:s30+$0x70]  }
0x27c: {  	v0 =	vadd.f32 v1, v0;
	v1 =	vmul.f32 v5, v4;
	v4 =	vld [tilespmem:s30+$0xFFFFFF80]  }
0x27d: {  	v5 =	vld [tilespmem:s24+$0xFFFFFF80]  }
0x27e: {  	v0 =	vadd.f32 v1, v0;
	v1 =	vmul.f32 v7, v6;
	v6 =	vld [tilespmem:s30+$0xFFFFFF90]  }
0x27f: {  	v7 =	vld [tilespmem:s24+$0xFFFFFF90]  }
0x280: {  	v3 =	vld [tilespmem:s24+$0x70];
	v0 =	vadd.f32 v1, v0;
	v1 =	vmul.f32 v9, v8  }
0x281: {  	v8 =	vld [tilespmem:s30+$0xFFFFFFA0]  }
0x282: {  	v61 =	vld [tilespmem:s30+$0xFFFFFFB0];
	v0 =	vadd.f32 v1, v0;
	v1 =	vmul.f32 v11, v10  }
0x283: {  	v62 =	vld [tilespmem:s24+$0xFFFFFFB0];
	v4 =	vmul.f32 v5, v4  }
0x284: {  	s25 =	simm.s32 $0x0;
	v63 =	vld [tilespmem:s30+$0xFFFFFFC0];
	v5 =	vmul.f32 v7, v6;
	v0 =	vadd.f32 v1, v0;
	v1 =	vmul.f32 v13, v12  }
0x285: {  	s25 =	smul.u32 $0x3000, s25;
	v3 =	vmul.f32 v3, v2;
	v7 =	vld [tilespmem:s24+$0xFFFFFFC0]  }
0x286: {  	v2 =	vld [tilespmem:s24+$0xFFFFFFD0];
	v4 =	vadd.f32 v5, v4;
	v5 =	vmul.f32 v60, v8;
	v6 =	vadd.f32 v1, v0  }
0x287: {  	s28 =	simm.s32 $0x80;
	s26 =	sshra.s32 s25, $0x2;
	v0 =	vld [tilespmem:s30+$0xFFFFFFD0]  }
0x288: {  	s31 =	sand.u32 $0x380, s28;
	s29 =	sadd.s32 $0x11000, s26;
	v8 =	vmul.f32 v62, v61;
	v1 =	vld [tilespmem:s30+$0xFFFFFFE0];
	v5 =	vadd.f32 v5, v4;
	v6 =	vadd.f32 v3, v6  }
0x289: {  	s25 =	simm.s32 $0x0;
	s26 =	sor.u32 s31, s29;
	v4 =	vld [tilespmem:s24+$0xFFFFFFE0]  }
0x28a: {  	s28 =	sand.u32 $0x300, s25;
	v3 =	vld [tilespmem:s30+$0xFFFFFFF0];
	v7 =	vmul.f32 v7, v63;
	[tilespmem:s26+$0x0] =	vst v6;
	v6 =	vadd.f32 v8, v5  }
0x28b: {  	s29 =	sor.u32 s28, s29;
	s28 =	simm.s32 $0xD80;
	s26 =	simm.s32 $0x0;
	v5 =	vld [tilespmem:s24+$0xFFFFFFF0]  }
.LBB2_19:
0x28c: {  	v8 =	vld [tilespmem:s28+$0x0];
	v6 =	vadd.f32 v7, v6;
	v0 =	vmul.f32 v2, v0;
	s24 =	sadd.s32 $0x100, s24  }
0x28d: {  	v2 =	vld [tilespmem:s24+$0x0]  }
0x28e: {  	v7 =	vld [tilespmem:s28+$0x10];
	v0 =	vadd.f32 v0, v6;
	v1 =	vmul.f32 v4, v1  }
0x28f: {  	v4 =	vld [tilespmem:s24+$0x10]  }
0x290: {  	v6 =	vld [tilespmem:s28+$0x20];
	v0 =	vadd.f32 v1, v0;
	v1 =	vmul.f32 v5, v3  }
0x291: {  	v3 =	vld [tilespmem:s24+$0x20]  }
0x292: {  	v5 =	vld [tilespmem:s28+$0x30];
	v0 =	vadd.f32 v1, v0  }
0x293: {  	v1 =	vld [tilespmem:s24+$0x30]  }
0x294: {  	v2 =	vmul.f32 v2, v8;
	v4 =	vmul.f32 v4, v7;
	v7 =	vld [tilespmem:s28+$0x40];
	[tilespmem:s29+$0x0] =	vst v0  }
0x295: {  	v0 =	vld [tilespmem:s24+$0x40]  }
0x296: {  	v2 =	vadd.f32 v4, v2;
	v3 =	vmul.f32 v3, v6;
	v4 =	vld [tilespmem:s28+$0x50]  }
0x297: {  	v6 =	vld [tilespmem:s24+$0x50]  }
0x298: {  	v2 =	vadd.f32 v3, v2;
	v1 =	vmul.f32 v1, v5;
	v3 =	vld [tilespmem:s28+$0x60]  }
0x299: {  	v5 =	vld [tilespmem:s24+$0x60]  }
0x29a: {  	v1 =	vadd.f32 v1, v2;
	v0 =	vmul.f32 v0, v7;
	v2 =	vld [tilespmem:s28+$0x70]  }
0x29b: {  	v7 =	vld [tilespmem:s24+$0x70]  }
0x29c: {  	v8 =	vld [tilespmem:s28+$0xFFFFFF80];
	v0 =	vadd.f32 v0, v1;
	v1 =	vmul.f32 v6, v4  }
0x29d: {  	s26 =	sadd.s32 $0x2, s26;
	v4 =	vld [tilespmem:s24+$0xFFFFFF80]  }
0x29e: {  	s0 =	sshrl.u32 s26, $0x3;
	p0 =	slt.u32 s26, $0x7E;
	v6 =	vld [tilespmem:s28+$0xFFFFFF90];
	v0 =	vadd.f32 v1, v0;
	v1 =	vmul.f32 v5, v3  }
0x29f: {  	s0 =	smul.u32 $0x3000, s0;
	v3 =	vld [tilespmem:s24+$0xFFFFFF90]  }
0x2a0: {  	s25 =	sadd.s32 $0x100, s25;
	v5 =	vld [tilespmem:s28+$0xFFFFFFA0];
	v0 =	vadd.f32 v1, v0;
	v1 =	vmul.f32 v7, v2  }
0x2a1: {  	s30 =	sadd.s32 $0x80, s25;
	s0 =	sshra.s32 s0, $0x2;
	s29 =	sand.u32 $0x300, s25;
	v2 =	vld [tilespmem:s24+$0xFFFFFFA0]  }
0x2a2: {  	s30 =	sand.u32 $0x380, s30;
	s0 =	sadd.s32 $0x11000, s0;
	v4 =	vmul.f32 v4, v8;
	v7 =	vld [tilespmem:s28+$0xFFFFFFB0];
	v0 =	vadd.f32 v1, v0  }
0x2a3: {  	s29 =	sor.u32 s29, s0;
	s0 =	sor.u32 s30, s0;
	v1 =	vld [tilespmem:s24+$0xFFFFFFB0]  }
0x2a4: {  	v3 =	vmul.f32 v3, v6;
	v8 =	vld [tilespmem:s28+$0xFFFFFFC0];
	[tilespmem:s0+$0x0] =	vst v0  }
0x2a5: {  	v9 =	vld [tilespmem:s24+$0xFFFFFFC0]  }
0x2a6: {  	v3 =	vadd.f32 v3, v4;
	v4 =	vmul.f32 v2, v5;
	v0 =	vld [tilespmem:s28+$0xFFFFFFD0]  }
.Ltmp8:
0x2a7: {  	v2 =	vld [tilespmem:s24+$0xFFFFFFD0];
	(pc) =	sbr.rel @p0 .LBB2_19-.Ltmp8, $4  }
0x2a8: {  	v3 =	vadd.f32 v4, v3;
	v5 =	vmul.f32 v1, v7;
	v1 =	vld [tilespmem:s28+$0xFFFFFFE0]  }
0x2a9: {  	v4 =	vld [tilespmem:s24+$0xFFFFFFE0]  }
0x2aa: {  	v6 =	vadd.f32 v5, v3;
	v7 =	vmul.f32 v9, v8;
	v3 =	vld [tilespmem:s28+$0xFFFFFFF0]  }
0x2ab: {  	s28 =	sadd.s32 $0x100, s28;
	v5 =	vld [tilespmem:s24+$0xFFFFFFF0]  }
0x2ac: {  	v6 =	vadd.f32 v7, v6;
	v0 =	vmul.f32 v2, v0;
	_ =	sdelay $0x1  }
0x2ad: {  	v0 =	vadd.f32 v0, v6;
	v1 =	vmul.f32 v4, v1;
	_ =	sdelay $0x1  }
0x2ae: {  	v0 =	vadd.f32 v1, v0;
	v1 =	vmul.f32 v5, v3;
	_ =	sdelay $0x1  }
0x2af: {  	v0 =	vadd.f32 v1, v0;
	_ =	sdelay $0x1  }
0x2b0: {  	s0 =	simm.s32 $0x600;
	[tilespmem:s29+$0x0] =	vst v0  }
0x2b1: {  	[tilespmem:s16], [sflag:$0x4] =	stream.indirect.gather [hbm4b:s1+s10], $0x80, s0, s10, $0xb8;
	[tilespmem:$0x1CC00] =	vst v63  }
0x2b2: {  	_ =	swait.ge [sflag:s18], $0x4000  }
0x2b3: {  	[sflag:s18] =	ssyncset.done $0x0  }
0x2b4: {  	s30 =	simm.s32 $0xC80;
	[sflag:s18] =	ssyncadd.s32 $0xFFFFC000  }
0x2b5: {  	s24 =	simm.s32 $0x4C80;
	v0 =	vld [tilespmem:s30+$0x0]  }
0x2b6: {  	v1 =	vld [tilespmem:s24+$0x0]  }
0x2b7: {  	v2 =	vld [tilespmem:s30+$0x10]  }
0x2b8: {  	v3 =	vld [tilespmem:s24+$0x10]  }
0x2b9: {  	v4 =	vld [tilespmem:s30+$0x20]  }
0x2ba: {  	v5 =	vld [tilespmem:s24+$0x20]  }
0x2bb: {  	v6 =	vld [tilespmem:s30+$0x30]  }
0x2bc: {  	v7 =	vld [tilespmem:s24+$0x30]  }
0x2bd: {  	v8 =	vld [tilespmem:s30+$0x40]  }
0x2be: {  	v9 =	vld [tilespmem:s24+$0x40]  }
0x2bf: {  	v10 =	vld [tilespmem:s30+$0x50]  }
0x2c0: {  	v11 =	vld [tilespmem:s24+$0x50]  }
0x2c1: {  	v12 =	vld [tilespmem:s30+$0x60]  }
0x2c2: {  	v13 =	vld [tilespmem:s24+$0x60]  }
0x2c3: {  	v60 =	vld [tilespmem:s24+$0xFFFFFFA0];
	v0 =	vmul.f32 v1, v0;
	v1 =	vmul.f32 v3, v2  }
0x2c4: {  	v2 =	vld [tilespmem:s30+$0x70]  }
0x2c5: {  	v0 =	vadd.f32 v1, v0;
	v1 =	vmul.f32 v5, v4;
	v4 =	vld [tilespmem:s30+$0xFFFFFF80]  }
0x2c6: {  	v5 =	vld [tilespmem:s24+$0xFFFFFF80]  }
0x2c7: {  	v0 =	vadd.f32 v1, v0;
	v1 =	vmul.f32 v7, v6;
	v6 =	vld [tilespmem:s30+$0xFFFFFF90]  }
0x2c8: {  	v7 =	vld [tilespmem:s24+$0xFFFFFF90]  }
0x2c9: {  	v3 =	vld [tilespmem:s24+$0x70];
	v0 =	vadd.f32 v1, v0;
	v1 =	vmul.f32 v9, v8  }
0x2ca: {  	v8 =	vld [tilespmem:s30+$0xFFFFFFA0]  }
0x2cb: {  	v61 =	vld [tilespmem:s30+$0xFFFFFFB0];
	v0 =	vadd.f32 v1, v0;
	v1 =	vmul.f32 v11, v10  }
0x2cc: {  	v62 =	vld [tilespmem:s24+$0xFFFFFFB0];
	v4 =	vmul.f32 v5, v4  }
0x2cd: {  	s25 =	simm.s32 $0x0;
	v63 =	vld [tilespmem:s30+$0xFFFFFFC0];
	v5 =	vmul.f32 v7, v6;
	v0 =	vadd.f32 v1, v0;
	v1 =	vmul.f32 v13, v12  }
0x2ce: {  	s25 =	smul.u32 $0x3000, s25;
	v3 =	vmul.f32 v3, v2;
	v7 =	vld [tilespmem:s24+$0xFFFFFFC0]  }
0x2cf: {  	v2 =	vld [tilespmem:s24+$0xFFFFFFD0];
	v4 =	vadd.f32 v5, v4;
	v5 =	vmul.f32 v60, v8;
	v6 =	vadd.f32 v1, v0  }
0x2d0: {  	s28 =	simm.s32 $0x80;
	s26 =	sshra.s32 s25, $0x2;
	v0 =	vld [tilespmem:s30+$0xFFFFFFD0]  }
0x2d1: {  	s31 =	sand.u32 $0x380, s28;
	s29 =	sadd.s32 $0x10C00, s26;
	v8 =	vmul.f32 v62, v61;
	v1 =	vld [tilespmem:s30+$0xFFFFFFE0];
	v5 =	vadd.f32 v5, v4;
	v6 =	vadd.f32 v3, v6  }
0x2d2: {  	s25 =	simm.s32 $0x0;
	s26 =	sor.u32 s31, s29;
	v4 =	vld [tilespmem:s24+$0xFFFFFFE0]  }
0x2d3: {  	s28 =	sand.u32 $0x300, s25;
	v3 =	vld [tilespmem:s30+$0xFFFFFFF0];
	v7 =	vmul.f32 v7, v63;
	[tilespmem:s26+$0x410] =	vst v6;
	v6 =	vadd.f32 v8, v5  }
0x2d4: {  	s29 =	sor.u32 s28, s29;
	s28 =	simm.s32 $0xD80;
	s26 =	simm.s32 $0x0;
	v5 =	vld [tilespmem:s24+$0xFFFFFFF0]  }
.LBB2_21:
0x2d5: {  	v8 =	vld [tilespmem:s28+$0x0];
	v6 =	vadd.f32 v7, v6;
	v0 =	vmul.f32 v2, v0;
	s24 =	sadd.s32 $0x100, s24  }
0x2d6: {  	v2 =	vld [tilespmem:s24+$0x0]  }
0x2d7: {  	v7 =	vld [tilespmem:s28+$0x10];
	v0 =	vadd.f32 v0, v6;
	v1 =	vmul.f32 v4, v1  }
0x2d8: {  	v4 =	vld [tilespmem:s24+$0x10]  }
0x2d9: {  	v6 =	vld [tilespmem:s28+$0x20];
	v0 =	vadd.f32 v1, v0;
	v1 =	vmul.f32 v5, v3  }
0x2da: {  	v3 =	vld [tilespmem:s24+$0x20]  }
0x2db: {  	v5 =	vld [tilespmem:s28+$0x30];
	v0 =	vadd.f32 v1, v0  }
0x2dc: {  	v1 =	vld [tilespmem:s24+$0x30]  }
0x2dd: {  	v2 =	vmul.f32 v2, v8;
	v4 =	vmul.f32 v4, v7;
	v7 =	vld [tilespmem:s28+$0x40];
	[tilespmem:s29+$0x410] =	vst v0  }
0x2de: {  	v0 =	vld [tilespmem:s24+$0x40]  }
0x2df: {  	v2 =	vadd.f32 v4, v2;
	v3 =	vmul.f32 v3, v6;
	v4 =	vld [tilespmem:s28+$0x50]  }
0x2e0: {  	v6 =	vld [tilespmem:s24+$0x50]  }
0x2e1: {  	v2 =	vadd.f32 v3, v2;
	v1 =	vmul.f32 v1, v5;
	v3 =	vld [tilespmem:s28+$0x60]  }
0x2e2: {  	v5 =	vld [tilespmem:s24+$0x60]  }
0x2e3: {  	v1 =	vadd.f32 v1, v2;
	v0 =	vmul.f32 v0, v7;
	v2 =	vld [tilespmem:s28+$0x70]  }
0x2e4: {  	v7 =	vld [tilespmem:s24+$0x70]  }
0x2e5: {  	v8 =	vld [tilespmem:s28+$0xFFFFFF80];
	v0 =	vadd.f32 v0, v1;
	v1 =	vmul.f32 v6, v4  }
0x2e6: {  	s26 =	sadd.s32 $0x2, s26;
	v4 =	vld [tilespmem:s24+$0xFFFFFF80]  }
0x2e7: {  	s0 =	sshrl.u32 s26, $0x3;
	p0 =	slt.u32 s26, $0x7E;
	v6 =	vld [tilespmem:s28+$0xFFFFFF90];
	v0 =	vadd.f32 v1, v0;
	v1 =	vmul.f32 v5, v3  }
0x2e8: {  	s0 =	smul.u32 $0x3000, s0;
	v3 =	vld [tilespmem:s24+$0xFFFFFF90]  }
0x2e9: {  	s25 =	sadd.s32 $0x100, s25;
	v5 =	vld [tilespmem:s28+$0xFFFFFFA0];
	v0 =	vadd.f32 v1, v0;
	v1 =	vmul.f32 v7, v2  }
0x2ea: {  	s30 =	sadd.s32 $0x80, s25;
	s0 =	sshra.s32 s0, $0x2;
	s29 =	sand.u32 $0x300, s25;
	v2 =	vld [tilespmem:s24+$0xFFFFFFA0]  }
0x2eb: {  	s30 =	sand.u32 $0x380, s30;
	s0 =	sadd.s32 $0x10C00, s0;
	v4 =	vmul.f32 v4, v8;
	v7 =	vld [tilespmem:s28+$0xFFFFFFB0];
	v0 =	vadd.f32 v1, v0  }
0x2ec: {  	s29 =	sor.u32 s29, s0;
	s0 =	sor.u32 s30, s0;
	v1 =	vld [tilespmem:s24+$0xFFFFFFB0]  }
0x2ed: {  	v3 =	vmul.f32 v3, v6;
	v8 =	vld [tilespmem:s28+$0xFFFFFFC0];
	[tilespmem:s0+$0x410] =	vst v0  }
0x2ee: {  	v9 =	vld [tilespmem:s24+$0xFFFFFFC0]  }
0x2ef: {  	v3 =	vadd.f32 v3, v4;
	v4 =	vmul.f32 v2, v5;
	v0 =	vld [tilespmem:s28+$0xFFFFFFD0]  }
.Ltmp9:
0x2f0: {  	v2 =	vld [tilespmem:s24+$0xFFFFFFD0];
	(pc) =	sbr.rel @p0 .LBB2_21-.Ltmp9, $4  }
0x2f1: {  	v3 =	vadd.f32 v4, v3;
	v5 =	vmul.f32 v1, v7;
	v1 =	vld [tilespmem:s28+$0xFFFFFFE0]  }
0x2f2: {  	v4 =	vld [tilespmem:s24+$0xFFFFFFE0]  }
0x2f3: {  	v6 =	vadd.f32 v5, v3;
	v7 =	vmul.f32 v9, v8;
	v3 =	vld [tilespmem:s28+$0xFFFFFFF0]  }
0x2f4: {  	s28 =	sadd.s32 $0x100, s28;
	v5 =	vld [tilespmem:s24+$0xFFFFFFF0]  }
0x2f5: {  	v6 =	vadd.f32 v7, v6;
	v0 =	vmul.f32 v2, v0;
	_ =	sdelay $0x1  }
0x2f6: {  	v0 =	vadd.f32 v0, v6;
	v1 =	vmul.f32 v4, v1;
	_ =	sdelay $0x1  }
0x2f7: {  	v0 =	vadd.f32 v1, v0;
	v1 =	vmul.f32 v5, v3;
	_ =	sdelay $0x1  }
0x2f8: {  	v0 =	vadd.f32 v1, v0;
	_ =	sdelay $0x1  }
0x2f9: {  	s0 =	simm.s32 $0x680;
	[tilespmem:s29+$0x410] =	vst v0  }
0x2fa: {  	[tilespmem:s12], [sflag:$0x2] =	stream.indirect.gather [hbm4b:s1+s10], $0x80, s0, s10, $0xb8;
	[tilespmem:$0x1CC00] =	vst v63  }
0x2fb: {  	_ =	swait.ge [sflag:s20], $0x4000  }
0x2fc: {  	[sflag:s20] =	ssyncset.done $0x0  }
0x2fd: {  	s30 =	simm.s32 $0xC80;
	[sflag:s20] =	ssyncadd.s32 $0xFFFFC000  }
0x2fe: {  	s24 =	simm.s32 $0x8C80;
	v0 =	vld [tilespmem:s30+$0x0]  }
0x2ff: {  	v1 =	vld [tilespmem:s24+$0x0]  }
0x300: {  	v2 =	vld [tilespmem:s30+$0x10]  }
0x301: {  	v3 =	vld [tilespmem:s24+$0x10]  }
0x302: {  	v4 =	vld [tilespmem:s30+$0x20]  }
0x303: {  	v5 =	vld [tilespmem:s24+$0x20]  }
0x304: {  	v6 =	vld [tilespmem:s30+$0x30]  }
0x305: {  	v7 =	vld [tilespmem:s24+$0x30]  }
0x306: {  	v8 =	vld [tilespmem:s30+$0x40]  }
0x307: {  	v9 =	vld [tilespmem:s24+$0x40]  }
0x308: {  	v10 =	vld [tilespmem:s30+$0x50]  }
0x309: {  	v11 =	vld [tilespmem:s24+$0x50]  }
0x30a: {  	v12 =	vld [tilespmem:s30+$0x60]  }
0x30b: {  	v13 =	vld [tilespmem:s24+$0x60]  }
0x30c: {  	v60 =	vld [tilespmem:s24+$0xFFFFFFA0];
	v0 =	vmul.f32 v1, v0;
	v1 =	vmul.f32 v3, v2  }
0x30d: {  	v2 =	vld [tilespmem:s30+$0x70]  }
0x30e: {  	v0 =	vadd.f32 v1, v0;
	v1 =	vmul.f32 v5, v4;
	v4 =	vld [tilespmem:s30+$0xFFFFFF80]  }
0x30f: {  	v5 =	vld [tilespmem:s24+$0xFFFFFF80]  }
0x310: {  	v0 =	vadd.f32 v1, v0;
	v1 =	vmul.f32 v7, v6;
	v6 =	vld [tilespmem:s30+$0xFFFFFF90]  }
0x311: {  	v7 =	vld [tilespmem:s24+$0xFFFFFF90]  }
0x312: {  	v3 =	vld [tilespmem:s24+$0x70];
	v0 =	vadd.f32 v1, v0;
	v1 =	vmul.f32 v9, v8  }
0x313: {  	v8 =	vld [tilespmem:s30+$0xFFFFFFA0]  }
0x314: {  	v61 =	vld [tilespmem:s30+$0xFFFFFFB0];
	v0 =	vadd.f32 v1, v0;
	v1 =	vmul.f32 v11, v10  }
0x315: {  	v62 =	vld [tilespmem:s24+$0xFFFFFFB0];
	v4 =	vmul.f32 v5, v4  }
0x316: {  	s25 =	simm.s32 $0x0;
	v63 =	vld [tilespmem:s30+$0xFFFFFFC0];
	v5 =	vmul.f32 v7, v6;
	v0 =	vadd.f32 v1, v0;
	v1 =	vmul.f32 v13, v12  }
0x317: {  	s25 =	smul.u32 $0x3000, s25;
	v3 =	vmul.f32 v3, v2;
	v7 =	vld [tilespmem:s24+$0xFFFFFFC0]  }
0x318: {  	v2 =	vld [tilespmem:s24+$0xFFFFFFD0];
	v4 =	vadd.f32 v5, v4;
	v5 =	vmul.f32 v60, v8;
	v6 =	vadd.f32 v1, v0  }
0x319: {  	s28 =	simm.s32 $0x80;
	s26 =	sshra.s32 s25, $0x2;
	v0 =	vld [tilespmem:s30+$0xFFFFFFD0]  }
0x31a: {  	s31 =	sand.u32 $0x380, s28;
	s29 =	sadd.s32 $0x10C00, s26;
	v8 =	vmul.f32 v62, v61;
	v1 =	vld [tilespmem:s30+$0xFFFFFFE0];
	v5 =	vadd.f32 v5, v4;
	v6 =	vadd.f32 v3, v6  }
0x31b: {  	s25 =	simm.s32 $0x0;
	s26 =	sor.u32 s31, s29;
	v4 =	vld [tilespmem:s24+$0xFFFFFFE0]  }
0x31c: {  	s28 =	sand.u32 $0x300, s25;
	v3 =	vld [tilespmem:s30+$0xFFFFFFF0];
	v7 =	vmul.f32 v7, v63;
	[tilespmem:s26+$0x420] =	vst v6;
	v6 =	vadd.f32 v8, v5  }
0x31d: {  	s29 =	sor.u32 s28, s29;
	s28 =	simm.s32 $0xD80;
	s26 =	simm.s32 $0x0;
	v5 =	vld [tilespmem:s24+$0xFFFFFFF0]  }
.LBB2_23:
0x31e: {  	v8 =	vld [tilespmem:s28+$0x0];
	v6 =	vadd.f32 v7, v6;
	v0 =	vmul.f32 v2, v0;
	s24 =	sadd.s32 $0x100, s24  }
0x31f: {  	v2 =	vld [tilespmem:s24+$0x0]  }
0x320: {  	v7 =	vld [tilespmem:s28+$0x10];
	v0 =	vadd.f32 v0, v6;
	v1 =	vmul.f32 v4, v1  }
0x321: {  	v4 =	vld [tilespmem:s24+$0x10]  }
0x322: {  	v6 =	vld [tilespmem:s28+$0x20];
	v0 =	vadd.f32 v1, v0;
	v1 =	vmul.f32 v5, v3  }
0x323: {  	v3 =	vld [tilespmem:s24+$0x20]  }
0x324: {  	v5 =	vld [tilespmem:s28+$0x30];
	v0 =	vadd.f32 v1, v0  }
0x325: {  	v1 =	vld [tilespmem:s24+$0x30]  }
0x326: {  	v2 =	vmul.f32 v2, v8;
	v4 =	vmul.f32 v4, v7;
	v7 =	vld [tilespmem:s28+$0x40];
	[tilespmem:s29+$0x420] =	vst v0  }
0x327: {  	v0 =	vld [tilespmem:s24+$0x40]  }
0x328: {  	v2 =	vadd.f32 v4, v2;
	v3 =	vmul.f32 v3, v6;
	v4 =	vld [tilespmem:s28+$0x50]  }
0x329: {  	v6 =	vld [tilespmem:s24+$0x50]  }
0x32a: {  	v2 =	vadd.f32 v3, v2;
	v1 =	vmul.f32 v1, v5;
	v3 =	vld [tilespmem:s28+$0x60]  }
0x32b: {  	v5 =	vld [tilespmem:s24+$0x60]  }
0x32c: {  	v1 =	vadd.f32 v1, v2;
	v0 =	vmul.f32 v0, v7;
	v2 =	vld [tilespmem:s28+$0x70]  }
0x32d: {  	v7 =	vld [tilespmem:s24+$0x70]  }
0x32e: {  	v8 =	vld [tilespmem:s28+$0xFFFFFF80];
	v0 =	vadd.f32 v0, v1;
	v1 =	vmul.f32 v6, v4  }
0x32f: {  	s26 =	sadd.s32 $0x2, s26;
	v4 =	vld [tilespmem:s24+$0xFFFFFF80]  }
0x330: {  	s0 =	sshrl.u32 s26, $0x3;
	p0 =	slt.u32 s26, $0x7E;
	v6 =	vld [tilespmem:s28+$0xFFFFFF90];
	v0 =	vadd.f32 v1, v0;
	v1 =	vmul.f32 v5, v3  }
0x331: {  	s0 =	smul.u32 $0x3000, s0;
	v3 =	vld [tilespmem:s24+$0xFFFFFF90]  }
0x332: {  	s25 =	sadd.s32 $0x100, s25;
	v5 =	vld [tilespmem:s28+$0xFFFFFFA0];
	v0 =	vadd.f32 v1, v0;
	v1 =	vmul.f32 v7, v2  }
0x333: {  	s30 =	sadd.s32 $0x80, s25;
	s0 =	sshra.s32 s0, $0x2;
	s29 =	sand.u32 $0x300, s25;
	v2 =	vld [tilespmem:s24+$0xFFFFFFA0]  }
0x334: {  	s30 =	sand.u32 $0x380, s30;
	s0 =	sadd.s32 $0x10C00, s0;
	v4 =	vmul.f32 v4, v8;
	v7 =	vld [tilespmem:s28+$0xFFFFFFB0];
	v0 =	vadd.f32 v1, v0  }
0x335: {  	s29 =	sor.u32 s29, s0;
	s0 =	sor.u32 s30, s0;
	v1 =	vld [tilespmem:s24+$0xFFFFFFB0]  }
0x336: {  	v3 =	vmul.f32 v3, v6;
	v8 =	vld [tilespmem:s28+$0xFFFFFFC0];
	[tilespmem:s0+$0x420] =	vst v0  }
0x337: {  	v9 =	vld [tilespmem:s24+$0xFFFFFFC0]  }
0x338: {  	v3 =	vadd.f32 v3, v4;
	v4 =	vmul.f32 v2, v5;
	v0 =	vld [tilespmem:s28+$0xFFFFFFD0]  }
.Ltmp10:
0x339: {  	v2 =	vld [tilespmem:s24+$0xFFFFFFD0];
	(pc) =	sbr.rel @p0 .LBB2_23-.Ltmp10, $4  }
0x33a: {  	v3 =	vadd.f32 v4, v3;
	v5 =	vmul.f32 v1, v7;
	v1 =	vld [tilespmem:s28+$0xFFFFFFE0]  }
0x33b: {  	v4 =	vld [tilespmem:s24+$0xFFFFFFE0]  }
0x33c: {  	v6 =	vadd.f32 v5, v3;
	v7 =	vmul.f32 v9, v8;
	v3 =	vld [tilespmem:s28+$0xFFFFFFF0]  }
0x33d: {  	s28 =	sadd.s32 $0x100, s28;
	v5 =	vld [tilespmem:s24+$0xFFFFFFF0]  }
0x33e: {  	v6 =	vadd.f32 v7, v6;
	v0 =	vmul.f32 v2, v0;
	_ =	sdelay $0x1  }
0x33f: {  	v0 =	vadd.f32 v0, v6;
	v1 =	vmul.f32 v4, v1;
	_ =	sdelay $0x1  }
0x340: {  	v0 =	vadd.f32 v1, v0;
	v1 =	vmul.f32 v5, v3;
	_ =	sdelay $0x1  }
0x341: {  	v0 =	vadd.f32 v1, v0;
	_ =	sdelay $0x1  }
0x342: {  	s0 =	simm.s32 $0x700;
	[tilespmem:s29+$0x420] =	vst v0  }
0x343: {  	[tilespmem:s14], [sflag:$0x3] =	stream.indirect.gather [hbm4b:s1+s10], $0x80, s0, s10, $0xb8;
	[tilespmem:$0x1CC00] =	vst v63  }
0x344: {  	_ =	swait.ge [sflag:s22], $0x4000  }
0x345: {  	[sflag:s22] =	ssyncset.done $0x0  }
0x346: {  	s30 =	simm.s32 $0xC80;
	[sflag:s22] =	ssyncadd.s32 $0xFFFFC000  }
0x347: {  	s24 =	simm.s32 $0xCC80;
	v0 =	vld [tilespmem:s30+$0x0]  }
0x348: {  	v1 =	vld [tilespmem:s24+$0x0]  }
0x349: {  	v2 =	vld [tilespmem:s30+$0x10]  }
0x34a: {  	v3 =	vld [tilespmem:s24+$0x10]  }
0x34b: {  	v4 =	vld [tilespmem:s30+$0x20]  }
0x34c: {  	v5 =	vld [tilespmem:s24+$0x20]  }
0x34d: {  	v6 =	vld [tilespmem:s30+$0x30]  }
0x34e: {  	v7 =	vld [tilespmem:s24+$0x30]  }
0x34f: {  	v8 =	vld [tilespmem:s30+$0x40]  }
0x350: {  	v9 =	vld [tilespmem:s24+$0x40]  }
0x351: {  	v10 =	vld [tilespmem:s30+$0x50]  }
0x352: {  	v11 =	vld [tilespmem:s24+$0x50]  }
0x353: {  	v12 =	vld [tilespmem:s30+$0x60]  }
0x354: {  	v13 =	vld [tilespmem:s24+$0x60]  }
0x355: {  	v60 =	vld [tilespmem:s24+$0xFFFFFFA0];
	v0 =	vmul.f32 v1, v0;
	v1 =	vmul.f32 v3, v2  }
0x356: {  	v2 =	vld [tilespmem:s30+$0x70]  }
0x357: {  	v0 =	vadd.f32 v1, v0;
	v1 =	vmul.f32 v5, v4;
	v4 =	vld [tilespmem:s30+$0xFFFFFF80]  }
0x358: {  	v5 =	vld [tilespmem:s24+$0xFFFFFF80]  }
0x359: {  	v0 =	vadd.f32 v1, v0;
	v1 =	vmul.f32 v7, v6;
	v6 =	vld [tilespmem:s30+$0xFFFFFF90]  }
0x35a: {  	v7 =	vld [tilespmem:s24+$0xFFFFFF90]  }
0x35b: {  	v3 =	vld [tilespmem:s24+$0x70];
	v0 =	vadd.f32 v1, v0;
	v1 =	vmul.f32 v9, v8  }
0x35c: {  	v8 =	vld [tilespmem:s30+$0xFFFFFFA0]  }
0x35d: {  	v61 =	vld [tilespmem:s30+$0xFFFFFFB0];
	v0 =	vadd.f32 v1, v0;
	v1 =	vmul.f32 v11, v10  }
0x35e: {  	v62 =	vld [tilespmem:s24+$0xFFFFFFB0];
	v4 =	vmul.f32 v5, v4  }
0x35f: {  	s25 =	simm.s32 $0x0;
	v63 =	vld [tilespmem:s30+$0xFFFFFFC0];
	v5 =	vmul.f32 v7, v6;
	v0 =	vadd.f32 v1, v0;
	v1 =	vmul.f32 v13, v12  }
0x360: {  	s25 =	smul.u32 $0x3000, s25;
	v3 =	vmul.f32 v3, v2;
	v7 =	vld [tilespmem:s24+$0xFFFFFFC0]  }
0x361: {  	v2 =	vld [tilespmem:s24+$0xFFFFFFD0];
	v4 =	vadd.f32 v5, v4;
	v5 =	vmul.f32 v60, v8;
	v6 =	vadd.f32 v1, v0  }
0x362: {  	s28 =	simm.s32 $0x80;
	s26 =	sshra.s32 s25, $0x2;
	v0 =	vld [tilespmem:s30+$0xFFFFFFD0]  }
0x363: {  	s31 =	sand.u32 $0x380, s28;
	s29 =	sadd.s32 $0x10C00, s26;
	v8 =	vmul.f32 v62, v61;
	v1 =	vld [tilespmem:s30+$0xFFFFFFE0];
	v5 =	vadd.f32 v5, v4;
	v6 =	vadd.f32 v3, v6  }
0x364: {  	s25 =	simm.s32 $0x0;
	s26 =	sor.u32 s31, s29;
	v4 =	vld [tilespmem:s24+$0xFFFFFFE0]  }
0x365: {  	s28 =	sand.u32 $0x300, s25;
	v3 =	vld [tilespmem:s30+$0xFFFFFFF0];
	v7 =	vmul.f32 v7, v63;
	[tilespmem:s26+$0x430] =	vst v6;
	v6 =	vadd.f32 v8, v5  }
0x366: {  	s29 =	sor.u32 s28, s29;
	s28 =	simm.s32 $0xD80;
	s26 =	simm.s32 $0x0;
	v5 =	vld [tilespmem:s24+$0xFFFFFFF0]  }
.LBB2_25:
0x367: {  	v8 =	vld [tilespmem:s28+$0x0];
	v6 =	vadd.f32 v7, v6;
	v0 =	vmul.f32 v2, v0;
	s24 =	sadd.s32 $0x100, s24  }
0x368: {  	v2 =	vld [tilespmem:s24+$0x0]  }
0x369: {  	v7 =	vld [tilespmem:s28+$0x10];
	v0 =	vadd.f32 v0, v6;
	v1 =	vmul.f32 v4, v1  }
0x36a: {  	v4 =	vld [tilespmem:s24+$0x10]  }
0x36b: {  	v6 =	vld [tilespmem:s28+$0x20];
	v0 =	vadd.f32 v1, v0;
	v1 =	vmul.f32 v5, v3  }
0x36c: {  	v3 =	vld [tilespmem:s24+$0x20]  }
0x36d: {  	v5 =	vld [tilespmem:s28+$0x30];
	v0 =	vadd.f32 v1, v0  }
0x36e: {  	v1 =	vld [tilespmem:s24+$0x30]  }
0x36f: {  	v2 =	vmul.f32 v2, v8;
	v4 =	vmul.f32 v4, v7;
	v7 =	vld [tilespmem:s28+$0x40];
	[tilespmem:s29+$0x430] =	vst v0  }
0x370: {  	v0 =	vld [tilespmem:s24+$0x40]  }
0x371: {  	v2 =	vadd.f32 v4, v2;
	v3 =	vmul.f32 v3, v6;
	v4 =	vld [tilespmem:s28+$0x50]  }
0x372: {  	v6 =	vld [tilespmem:s24+$0x50]  }
0x373: {  	v2 =	vadd.f32 v3, v2;
	v1 =	vmul.f32 v1, v5;
	v3 =	vld [tilespmem:s28+$0x60]  }
0x374: {  	v5 =	vld [tilespmem:s24+$0x60]  }
0x375: {  	v1 =	vadd.f32 v1, v2;
	v0 =	vmul.f32 v0, v7;
	v2 =	vld [tilespmem:s28+$0x70]  }
0x376: {  	v7 =	vld [tilespmem:s24+$0x70]  }
0x377: {  	v8 =	vld [tilespmem:s28+$0xFFFFFF80];
	v0 =	vadd.f32 v0, v1;
	v1 =	vmul.f32 v6, v4  }
0x378: {  	s26 =	sadd.s32 $0x2, s26;
	v4 =	vld [tilespmem:s24+$0xFFFFFF80]  }
0x379: {  	s0 =	sshrl.u32 s26, $0x3;
	p0 =	slt.u32 s26, $0x7E;
	v6 =	vld [tilespmem:s28+$0xFFFFFF90];
	v0 =	vadd.f32 v1, v0;
	v1 =	vmul.f32 v5, v3  }
0x37a: {  	s0 =	smul.u32 $0x3000, s0;
	v3 =	vld [tilespmem:s24+$0xFFFFFF90]  }
0x37b: {  	s25 =	sadd.s32 $0x100, s25;
	v5 =	vld [tilespmem:s28+$0xFFFFFFA0];
	v0 =	vadd.f32 v1, v0;
	v1 =	vmul.f32 v7, v2  }
0x37c: {  	s30 =	sadd.s32 $0x80, s25;
	s0 =	sshra.s32 s0, $0x2;
	s29 =	sand.u32 $0x300, s25;
	v2 =	vld [tilespmem:s24+$0xFFFFFFA0]  }
0x37d: {  	s30 =	sand.u32 $0x380, s30;
	s0 =	sadd.s32 $0x10C00, s0;
	v4 =	vmul.f32 v4, v8;
	v7 =	vld [tilespmem:s28+$0xFFFFFFB0];
	v0 =	vadd.f32 v1, v0  }
0x37e: {  	s29 =	sor.u32 s29, s0;
	s0 =	sor.u32 s30, s0;
	v1 =	vld [tilespmem:s24+$0xFFFFFFB0]  }
0x37f: {  	v3 =	vmul.f32 v3, v6;
	v8 =	vld [tilespmem:s28+$0xFFFFFFC0];
	[tilespmem:s0+$0x430] =	vst v0  }
0x380: {  	v9 =	vld [tilespmem:s24+$0xFFFFFFC0]  }
0x381: {  	v3 =	vadd.f32 v3, v4;
	v4 =	vmul.f32 v2, v5;
	v0 =	vld [tilespmem:s28+$0xFFFFFFD0]  }
.Ltmp11:
0x382: {  	v2 =	vld [tilespmem:s24+$0xFFFFFFD0];
	(pc) =	sbr.rel @p0 .LBB2_25-.Ltmp11, $4  }
0x383: {  	v3 =	vadd.f32 v4, v3;
	v5 =	vmul.f32 v1, v7;
	v1 =	vld [tilespmem:s28+$0xFFFFFFE0]  }
0x384: {  	v4 =	vld [tilespmem:s24+$0xFFFFFFE0]  }
0x385: {  	v6 =	vadd.f32 v5, v3;
	v7 =	vmul.f32 v9, v8;
	v3 =	vld [tilespmem:s28+$0xFFFFFFF0]  }
0x386: {  	s28 =	sadd.s32 $0x100, s28;
	v5 =	vld [tilespmem:s24+$0xFFFFFFF0]  }
0x387: {  	v6 =	vadd.f32 v7, v6;
	v0 =	vmul.f32 v2, v0;
	_ =	sdelay $0x1  }
0x388: {  	v0 =	vadd.f32 v0, v6;
	v1 =	vmul.f32 v4, v1;
	_ =	sdelay $0x1  }
0x389: {  	v0 =	vadd.f32 v1, v0;
	v1 =	vmul.f32 v5, v3;
	_ =	sdelay $0x1  }
0x38a: {  	v0 =	vadd.f32 v1, v0;
	_ =	sdelay $0x1  }
0x38b: {  	[tilespmem:s29+$0x430] =	vst v0  }
0x38c: {  	[tilespmem:s16], [sflag:$0x4] =	stream.indirect.gather [hbm4b:s1+s10], $0x80, s2, s10, $0xb8;
	[tilespmem:$0x1CC00] =	vst v63  }
0x38d: {  	_ =	swait.ge [sflag:s18], $0x4000  }
0x38e: {  	[sflag:s18] =	ssyncset.done $0x0  }
0x38f: {  	s0 =	simm.s32 $0xC80;
	[sflag:s18] =	ssyncadd.s32 $0xFFFFC000  }
0x390: {  	s24 =	simm.s32 $0x4C80;
	v0 =	vld [tilespmem:s0+$0x0]  }
0x391: {  	v1 =	vld [tilespmem:s24+$0x0]  }
0x392: {  	v2 =	vld [tilespmem:s0+$0x10]  }
0x393: {  	v3 =	vld [tilespmem:s24+$0x10]  }
0x394: {  	v4 =	vld [tilespmem:s0+$0x20]  }
0x395: {  	v5 =	vld [tilespmem:s24+$0x20]  }
0x396: {  	v6 =	vld [tilespmem:s0+$0x30]  }
0x397: {  	v7 =	vld [tilespmem:s24+$0x30]  }
0x398: {  	v8 =	vld [tilespmem:s0+$0x40]  }
0x399: {  	v9 =	vld [tilespmem:s24+$0x40]  }
0x39a: {  	v10 =	vld [tilespmem:s0+$0x50]  }
0x39b: {  	v11 =	vld [tilespmem:s24+$0x50]  }
0x39c: {  	v12 =	vld [tilespmem:s0+$0x60]  }
0x39d: {  	v13 =	vld [tilespmem:s24+$0x60]  }
0x39e: {  	v60 =	vld [tilespmem:s24+$0xFFFFFFA0];
	v0 =	vmul.f32 v1, v0;
	v1 =	vmul.f32 v3, v2  }
0x39f: {  	v2 =	vld [tilespmem:s0+$0x70]  }
0x3a0: {  	v0 =	vadd.f32 v1, v0;
	v1 =	vmul.f32 v5, v4;
	v4 =	vld [tilespmem:s0+$0xFFFFFF80]  }
0x3a1: {  	v5 =	vld [tilespmem:s24+$0xFFFFFF80]  }
0x3a2: {  	v0 =	vadd.f32 v1, v0;
	v1 =	vmul.f32 v7, v6;
	v6 =	vld [tilespmem:s0+$0xFFFFFF90]  }
0x3a3: {  	v7 =	vld [tilespmem:s24+$0xFFFFFF90]  }
0x3a4: {  	v3 =	vld [tilespmem:s24+$0x70];
	v0 =	vadd.f32 v1, v0;
	v1 =	vmul.f32 v9, v8  }
0x3a5: {  	v8 =	vld [tilespmem:s0+$0xFFFFFFA0]  }
0x3a6: {  	v61 =	vld [tilespmem:s0+$0xFFFFFFB0];
	v0 =	vadd.f32 v1, v0;
	v1 =	vmul.f32 v11, v10  }
0x3a7: {  	v62 =	vld [tilespmem:s24+$0xFFFFFFB0];
	v4 =	vmul.f32 v5, v4  }
0x3a8: {  	s25 =	simm.s32 $0x0;
	v63 =	vld [tilespmem:s0+$0xFFFFFFC0];
	v5 =	vmul.f32 v7, v6;
	v0 =	vadd.f32 v1, v0;
	v1 =	vmul.f32 v13, v12  }
0x3a9: {  	s25 =	smul.u32 $0x3000, s25;
	v3 =	vmul.f32 v3, v2;
	v7 =	vld [tilespmem:s24+$0xFFFFFFC0]  }
0x3aa: {  	v2 =	vld [tilespmem:s24+$0xFFFFFFD0];
	v4 =	vadd.f32 v5, v4;
	v5 =	vmul.f32 v60, v8;
	v6 =	vadd.f32 v1, v0  }
0x3ab: {  	s28 =	simm.s32 $0x80;
	s26 =	sshra.s32 s25, $0x2;
	v0 =	vld [tilespmem:s0+$0xFFFFFFD0]  }
0x3ac: {  	s31 =	sand.u32 $0x380, s28;
	s29 =	sadd.s32 $0x10C00, s26;
	v8 =	vmul.f32 v62, v61;
	v1 =	vld [tilespmem:s0+$0xFFFFFFE0];
	v5 =	vadd.f32 v5, v4;
	v6 =	vadd.f32 v3, v6  }
0x3ad: {  	s25 =	simm.s32 $0x0;
	s26 =	sor.u32 s31, s29;
	v4 =	vld [tilespmem:s24+$0xFFFFFFE0]  }
0x3ae: {  	s28 =	sand.u32 $0x300, s25;
	v3 =	vld [tilespmem:s0+$0xFFFFFFF0];
	v7 =	vmul.f32 v7, v63;
	[tilespmem:s26+$0x440] =	vst v6;
	v6 =	vadd.f32 v8, v5  }
0x3af: {  	s29 =	sor.u32 s28, s29;
	s28 =	simm.s32 $0xD80;
	s26 =	simm.s32 $0x0;
	v5 =	vld [tilespmem:s24+$0xFFFFFFF0]  }
.LBB2_27:
0x3b0: {  	v8 =	vld [tilespmem:s28+$0x0];
	v6 =	vadd.f32 v7, v6;
	v0 =	vmul.f32 v2, v0;
	s24 =	sadd.s32 $0x100, s24  }
0x3b1: {  	v2 =	vld [tilespmem:s24+$0x0]  }
0x3b2: {  	v7 =	vld [tilespmem:s28+$0x10];
	v0 =	vadd.f32 v0, v6;
	v1 =	vmul.f32 v4, v1  }
0x3b3: {  	v4 =	vld [tilespmem:s24+$0x10]  }
0x3b4: {  	v6 =	vld [tilespmem:s28+$0x20];
	v0 =	vadd.f32 v1, v0;
	v1 =	vmul.f32 v5, v3  }
0x3b5: {  	v3 =	vld [tilespmem:s24+$0x20]  }
0x3b6: {  	v5 =	vld [tilespmem:s28+$0x30];
	v0 =	vadd.f32 v1, v0  }
0x3b7: {  	v1 =	vld [tilespmem:s24+$0x30]  }
0x3b8: {  	v2 =	vmul.f32 v2, v8;
	v4 =	vmul.f32 v4, v7;
	v7 =	vld [tilespmem:s28+$0x40];
	[tilespmem:s29+$0x440] =	vst v0  }
0x3b9: {  	v0 =	vld [tilespmem:s24+$0x40]  }
0x3ba: {  	v2 =	vadd.f32 v4, v2;
	v3 =	vmul.f32 v3, v6;
	v4 =	vld [tilespmem:s28+$0x50]  }
0x3bb: {  	v6 =	vld [tilespmem:s24+$0x50]  }
0x3bc: {  	v2 =	vadd.f32 v3, v2;
	v1 =	vmul.f32 v1, v5;
	v3 =	vld [tilespmem:s28+$0x60]  }
0x3bd: {  	v5 =	vld [tilespmem:s24+$0x60]  }
0x3be: {  	v1 =	vadd.f32 v1, v2;
	v0 =	vmul.f32 v0, v7;
	v2 =	vld [tilespmem:s28+$0x70]  }
0x3bf: {  	v7 =	vld [tilespmem:s24+$0x70]  }
0x3c0: {  	v8 =	vld [tilespmem:s28+$0xFFFFFF80];
	v0 =	vadd.f32 v0, v1;
	v1 =	vmul.f32 v6, v4  }
0x3c1: {  	s26 =	sadd.s32 $0x2, s26;
	v4 =	vld [tilespmem:s24+$0xFFFFFF80]  }
0x3c2: {  	s0 =	sshrl.u32 s26, $0x3;
	p0 =	slt.u32 s26, $0x7E;
	v6 =	vld [tilespmem:s28+$0xFFFFFF90];
	v0 =	vadd.f32 v1, v0;
	v1 =	vmul.f32 v5, v3  }
0x3c3: {  	s0 =	smul.u32 $0x3000, s0;
	v3 =	vld [tilespmem:s24+$0xFFFFFF90]  }
0x3c4: {  	s25 =	sadd.s32 $0x100, s25;
	v5 =	vld [tilespmem:s28+$0xFFFFFFA0];
	v0 =	vadd.f32 v1, v0;
	v1 =	vmul.f32 v7, v2  }
0x3c5: {  	s30 =	sadd.s32 $0x80, s25;
	s0 =	sshra.s32 s0, $0x2;
	s29 =	sand.u32 $0x300, s25;
	v2 =	vld [tilespmem:s24+$0xFFFFFFA0]  }
0x3c6: {  	s30 =	sand.u32 $0x380, s30;
	s0 =	sadd.s32 $0x10C00, s0;
	v4 =	vmul.f32 v4, v8;
	v7 =	vld [tilespmem:s28+$0xFFFFFFB0];
	v0 =	vadd.f32 v1, v0  }
0x3c7: {  	s29 =	sor.u32 s29, s0;
	s0 =	sor.u32 s30, s0;
	v1 =	vld [tilespmem:s24+$0xFFFFFFB0]  }
0x3c8: {  	v3 =	vmul.f32 v3, v6;
	v8 =	vld [tilespmem:s28+$0xFFFFFFC0];
	[tilespmem:s0+$0x440] =	vst v0  }
0x3c9: {  	v9 =	vld [tilespmem:s24+$0xFFFFFFC0]  }
0x3ca: {  	v3 =	vadd.f32 v3, v4;
	v4 =	vmul.f32 v2, v5;
	v0 =	vld [tilespmem:s28+$0xFFFFFFD0]  }
.Ltmp12:
0x3cb: {  	v2 =	vld [tilespmem:s24+$0xFFFFFFD0];
	(pc) =	sbr.rel @p0 .LBB2_27-.Ltmp12, $4  }
0x3cc: {  	v3 =	vadd.f32 v4, v3;
	v5 =	vmul.f32 v1, v7;
	v1 =	vld [tilespmem:s28+$0xFFFFFFE0]  }
0x3cd: {  	v4 =	vld [tilespmem:s24+$0xFFFFFFE0]  }
0x3ce: {  	v6 =	vadd.f32 v5, v3;
	v7 =	vmul.f32 v9, v8;
	v3 =	vld [tilespmem:s28+$0xFFFFFFF0]  }
0x3cf: {  	s28 =	sadd.s32 $0x100, s28;
	v5 =	vld [tilespmem:s24+$0xFFFFFFF0]  }
0x3d0: {  	v6 =	vadd.f32 v7, v6;
	v0 =	vmul.f32 v2, v0;
	_ =	sdelay $0x1  }
0x3d1: {  	v0 =	vadd.f32 v0, v6;
	v1 =	vmul.f32 v4, v1;
	_ =	sdelay $0x1  }
0x3d2: {  	v0 =	vadd.f32 v1, v0;
	v1 =	vmul.f32 v5, v3;
	_ =	sdelay $0x1  }
0x3d3: {  	v0 =	vadd.f32 v1, v0;
	_ =	sdelay $0x1  }
0x3d4: {  	[tilespmem:s29+$0x440] =	vst v0  }
0x3d5: {  	[tilespmem:s12], [sflag:$0x2] =	stream.indirect.gather [hbm4b:s1+s10], $0x80, s8, s10, $0xb8;
	[tilespmem:$0x1CC00] =	vst v63  }
0x3d6: {  	_ =	swait.ge [sflag:s20], $0x4000  }
0x3d7: {  	[sflag:s20] =	ssyncset.done $0x0  }
0x3d8: {  	s0 =	simm.s32 $0xC80;
	[sflag:s20] =	ssyncadd.s32 $0xFFFFC000  }
0x3d9: {  	s24 =	simm.s32 $0x8C80;
	v0 =	vld [tilespmem:s0+$0x0]  }
0x3da: {  	v1 =	vld [tilespmem:s24+$0x0]  }
0x3db: {  	v2 =	vld [tilespmem:s0+$0x10]  }
0x3dc: {  	v3 =	vld [tilespmem:s24+$0x10]  }
0x3dd: {  	v4 =	vld [tilespmem:s0+$0x20]  }
0x3de: {  	v5 =	vld [tilespmem:s24+$0x20]  }
0x3df: {  	v6 =	vld [tilespmem:s0+$0x30]  }
0x3e0: {  	v7 =	vld [tilespmem:s24+$0x30]  }
0x3e1: {  	v8 =	vld [tilespmem:s0+$0x40]  }
0x3e2: {  	v9 =	vld [tilespmem:s24+$0x40]  }
0x3e3: {  	v10 =	vld [tilespmem:s0+$0x50]  }
0x3e4: {  	v11 =	vld [tilespmem:s24+$0x50]  }
0x3e5: {  	v12 =	vld [tilespmem:s0+$0x60]  }
0x3e6: {  	v13 =	vld [tilespmem:s24+$0x60]  }
0x3e7: {  	v60 =	vld [tilespmem:s24+$0xFFFFFFA0];
	v0 =	vmul.f32 v1, v0;
	v1 =	vmul.f32 v3, v2  }
0x3e8: {  	v2 =	vld [tilespmem:s0+$0x70]  }
0x3e9: {  	v0 =	vadd.f32 v1, v0;
	v1 =	vmul.f32 v5, v4;
	v4 =	vld [tilespmem:s0+$0xFFFFFF80]  }
0x3ea: {  	v5 =	vld [tilespmem:s24+$0xFFFFFF80]  }
0x3eb: {  	v0 =	vadd.f32 v1, v0;
	v1 =	vmul.f32 v7, v6;
	v6 =	vld [tilespmem:s0+$0xFFFFFF90]  }
0x3ec: {  	v7 =	vld [tilespmem:s24+$0xFFFFFF90]  }
0x3ed: {  	v3 =	vld [tilespmem:s24+$0x70];
	v0 =	vadd.f32 v1, v0;
	v1 =	vmul.f32 v9, v8  }
0x3ee: {  	v8 =	vld [tilespmem:s0+$0xFFFFFFA0]  }
0x3ef: {  	v61 =	vld [tilespmem:s0+$0xFFFFFFB0];
	v0 =	vadd.f32 v1, v0;
	v1 =	vmul.f32 v11, v10  }
0x3f0: {  	v62 =	vld [tilespmem:s24+$0xFFFFFFB0];
	v4 =	vmul.f32 v5, v4  }
0x3f1: {  	s25 =	simm.s32 $0x0;
	v63 =	vld [tilespmem:s0+$0xFFFFFFC0];
	v5 =	vmul.f32 v7, v6;
	v0 =	vadd.f32 v1, v0;
	v1 =	vmul.f32 v13, v12  }
0x3f2: {  	s25 =	smul.u32 $0x3000, s25;
	v3 =	vmul.f32 v3, v2;
	v7 =	vld [tilespmem:s24+$0xFFFFFFC0]  }
0x3f3: {  	v2 =	vld [tilespmem:s24+$0xFFFFFFD0];
	v4 =	vadd.f32 v5, v4;
	v5 =	vmul.f32 v60, v8;
	v6 =	vadd.f32 v1, v0  }
0x3f4: {  	s28 =	simm.s32 $0x80;
	s26 =	sshra.s32 s25, $0x2;
	v0 =	vld [tilespmem:s0+$0xFFFFFFD0]  }
0x3f5: {  	s31 =	sand.u32 $0x380, s28;
	s29 =	sadd.s32 $0x10C00, s26;
	v8 =	vmul.f32 v62, v61;
	v1 =	vld [tilespmem:s0+$0xFFFFFFE0];
	v5 =	vadd.f32 v5, v4;
	v6 =	vadd.f32 v3, v6  }
0x3f6: {  	s25 =	simm.s32 $0x0;
	s26 =	sor.u32 s31, s29;
	v4 =	vld [tilespmem:s24+$0xFFFFFFE0]  }
0x3f7: {  	s28 =	sand.u32 $0x300, s25;
	v3 =	vld [tilespmem:s0+$0xFFFFFFF0];
	v7 =	vmul.f32 v7, v63;
	[tilespmem:s26+$0x450] =	vst v6;
	v6 =	vadd.f32 v8, v5  }
0x3f8: {  	s29 =	sor.u32 s28, s29;
	s28 =	simm.s32 $0xD80;
	s26 =	simm.s32 $0x0;
	v5 =	vld [tilespmem:s24+$0xFFFFFFF0]  }
.LBB2_29:
0x3f9: {  	v8 =	vld [tilespmem:s28+$0x0];
	v6 =	vadd.f32 v7, v6;
	v0 =	vmul.f32 v2, v0;
	s24 =	sadd.s32 $0x100, s24  }
0x3fa: {  	v2 =	vld [tilespmem:s24+$0x0]  }
0x3fb: {  	v7 =	vld [tilespmem:s28+$0x10];
	v0 =	vadd.f32 v0, v6;
	v1 =	vmul.f32 v4, v1  }
0x3fc: {  	v4 =	vld [tilespmem:s24+$0x10]  }
0x3fd: {  	v6 =	vld [tilespmem:s28+$0x20];
	v0 =	vadd.f32 v1, v0;
	v1 =	vmul.f32 v5, v3  }
0x3fe: {  	v3 =	vld [tilespmem:s24+$0x20]  }
0x3ff: {  	v5 =	vld [tilespmem:s28+$0x30];
	v0 =	vadd.f32 v1, v0  }
0x400: {  	v1 =	vld [tilespmem:s24+$0x30]  }
0x401: {  	v2 =	vmul.f32 v2, v8;
	v4 =	vmul.f32 v4, v7;
	v7 =	vld [tilespmem:s28+$0x40];
	[tilespmem:s29+$0x450] =	vst v0  }
0x402: {  	v0 =	vld [tilespmem:s24+$0x40]  }
0x403: {  	v2 =	vadd.f32 v4, v2;
	v3 =	vmul.f32 v3, v6;
	v4 =	vld [tilespmem:s28+$0x50]  }
0x404: {  	v6 =	vld [tilespmem:s24+$0x50]  }
0x405: {  	v2 =	vadd.f32 v3, v2;
	v1 =	vmul.f32 v1, v5;
	v3 =	vld [tilespmem:s28+$0x60]  }
0x406: {  	v5 =	vld [tilespmem:s24+$0x60]  }
0x407: {  	v1 =	vadd.f32 v1, v2;
	v0 =	vmul.f32 v0, v7;
	v2 =	vld [tilespmem:s28+$0x70]  }
0x408: {  	v7 =	vld [tilespmem:s24+$0x70]  }
0x409: {  	v8 =	vld [tilespmem:s28+$0xFFFFFF80];
	v0 =	vadd.f32 v0, v1;
	v1 =	vmul.f32 v6, v4  }
0x40a: {  	s26 =	sadd.s32 $0x2, s26;
	v4 =	vld [tilespmem:s24+$0xFFFFFF80]  }
0x40b: {  	s0 =	sshrl.u32 s26, $0x3;
	p0 =	slt.u32 s26, $0x7E;
	v6 =	vld [tilespmem:s28+$0xFFFFFF90];
	v0 =	vadd.f32 v1, v0;
	v1 =	vmul.f32 v5, v3  }
0x40c: {  	s0 =	smul.u32 $0x3000, s0;
	v3 =	vld [tilespmem:s24+$0xFFFFFF90]  }
0x40d: {  	s25 =	sadd.s32 $0x100, s25;
	v5 =	vld [tilespmem:s28+$0xFFFFFFA0];
	v0 =	vadd.f32 v1, v0;
	v1 =	vmul.f32 v7, v2  }
0x40e: {  	s30 =	sadd.s32 $0x80, s25;
	s0 =	sshra.s32 s0, $0x2;
	s29 =	sand.u32 $0x300, s25;
	v2 =	vld [tilespmem:s24+$0xFFFFFFA0]  }
0x40f: {  	s30 =	sand.u32 $0x380, s30;
	s0 =	sadd.s32 $0x10C00, s0;
	v4 =	vmul.f32 v4, v8;
	v7 =	vld [tilespmem:s28+$0xFFFFFFB0];
	v0 =	vadd.f32 v1, v0  }
0x410: {  	s29 =	sor.u32 s29, s0;
	s0 =	sor.u32 s30, s0;
	v1 =	vld [tilespmem:s24+$0xFFFFFFB0]  }
0x411: {  	v3 =	vmul.f32 v3, v6;
	v8 =	vld [tilespmem:s28+$0xFFFFFFC0];
	[tilespmem:s0+$0x450] =	vst v0  }
0x412: {  	v9 =	vld [tilespmem:s24+$0xFFFFFFC0]  }
0x413: {  	v3 =	vadd.f32 v3, v4;
	v4 =	vmul.f32 v2, v5;
	v0 =	vld [tilespmem:s28+$0xFFFFFFD0]  }
.Ltmp13:
0x414: {  	v2 =	vld [tilespmem:s24+$0xFFFFFFD0];
	(pc) =	sbr.rel @p0 .LBB2_29-.Ltmp13, $4  }
0x415: {  	v3 =	vadd.f32 v4, v3;
	v5 =	vmul.f32 v1, v7;
	v1 =	vld [tilespmem:s28+$0xFFFFFFE0]  }
0x416: {  	v4 =	vld [tilespmem:s24+$0xFFFFFFE0]  }
0x417: {  	v6 =	vadd.f32 v5, v3;
	v7 =	vmul.f32 v9, v8;
	v3 =	vld [tilespmem:s28+$0xFFFFFFF0]  }
0x418: {  	s28 =	sadd.s32 $0x100, s28;
	v5 =	vld [tilespmem:s24+$0xFFFFFFF0]  }
0x419: {  	v6 =	vadd.f32 v7, v6;
	v0 =	vmul.f32 v2, v0;
	_ =	sdelay $0x1  }
0x41a: {  	v0 =	vadd.f32 v0, v6;
	v1 =	vmul.f32 v4, v1;
	_ =	sdelay $0x1  }
0x41b: {  	v0 =	vadd.f32 v1, v0;
	v1 =	vmul.f32 v5, v3;
	_ =	sdelay $0x1  }
0x41c: {  	v0 =	vadd.f32 v1, v0;
	_ =	sdelay $0x1  }
0x41d: {  	[tilespmem:s29+$0x450] =	vst v0  }
0x41e: {  	[tilespmem:s14], [sflag:$0x3] =	stream.indirect.gather [hbm4b:s1+s10], $0x80, s3, s10, $0xb8;
	[tilespmem:$0x1CC00] =	vst v63  }
0x41f: {  	_ =	swait.ge [sflag:s22], $0x4000  }
0x420: {  	[sflag:s22] =	ssyncset.done $0x0  }
0x421: {  	s0 =	simm.s32 $0xC80;
	[sflag:s22] =	ssyncadd.s32 $0xFFFFC000  }
0x422: {  	s24 =	simm.s32 $0xCC80;
	v0 =	vld [tilespmem:s0+$0x0]  }
0x423: {  	v1 =	vld [tilespmem:s24+$0x0]  }
0x424: {  	v2 =	vld [tilespmem:s0+$0x10]  }
0x425: {  	v3 =	vld [tilespmem:s24+$0x10]  }
0x426: {  	v4 =	vld [tilespmem:s0+$0x20]  }
0x427: {  	v5 =	vld [tilespmem:s24+$0x20]  }
0x428: {  	v6 =	vld [tilespmem:s0+$0x30]  }
0x429: {  	v7 =	vld [tilespmem:s24+$0x30]  }
0x42a: {  	v8 =	vld [tilespmem:s0+$0x40]  }
0x42b: {  	v9 =	vld [tilespmem:s24+$0x40]  }
0x42c: {  	v10 =	vld [tilespmem:s0+$0x50]  }
0x42d: {  	v11 =	vld [tilespmem:s24+$0x50]  }
0x42e: {  	v12 =	vld [tilespmem:s0+$0x60]  }
0x42f: {  	v13 =	vld [tilespmem:s24+$0x60]  }
0x430: {  	v60 =	vld [tilespmem:s24+$0xFFFFFFA0];
	v0 =	vmul.f32 v1, v0;
	v1 =	vmul.f32 v3, v2  }
0x431: {  	v2 =	vld [tilespmem:s0+$0x70]  }
0x432: {  	v0 =	vadd.f32 v1, v0;
	v1 =	vmul.f32 v5, v4;
	v4 =	vld [tilespmem:s0+$0xFFFFFF80]  }
0x433: {  	v5 =	vld [tilespmem:s24+$0xFFFFFF80]  }
0x434: {  	v0 =	vadd.f32 v1, v0;
	v1 =	vmul.f32 v7, v6;
	v6 =	vld [tilespmem:s0+$0xFFFFFF90]  }
0x435: {  	v7 =	vld [tilespmem:s24+$0xFFFFFF90]  }
0x436: {  	v3 =	vld [tilespmem:s24+$0x70];
	v0 =	vadd.f32 v1, v0;
	v1 =	vmul.f32 v9, v8  }
0x437: {  	v8 =	vld [tilespmem:s0+$0xFFFFFFA0]  }
0x438: {  	v61 =	vld [tilespmem:s0+$0xFFFFFFB0];
	v0 =	vadd.f32 v1, v0;
	v1 =	vmul.f32 v11, v10  }
0x439: {  	v62 =	vld [tilespmem:s24+$0xFFFFFFB0];
	v4 =	vmul.f32 v5, v4  }
0x43a: {  	s25 =	simm.s32 $0x0;
	v63 =	vld [tilespmem:s0+$0xFFFFFFC0];
	v5 =	vmul.f32 v7, v6;
	v0 =	vadd.f32 v1, v0;
	v1 =	vmul.f32 v13, v12  }
0x43b: {  	s25 =	smul.u32 $0x3000, s25;
	v3 =	vmul.f32 v3, v2;
	v7 =	vld [tilespmem:s24+$0xFFFFFFC0]  }
0x43c: {  	v2 =	vld [tilespmem:s24+$0xFFFFFFD0];
	v4 =	vadd.f32 v5, v4;
	v5 =	vmul.f32 v60, v8;
	v6 =	vadd.f32 v1, v0  }
0x43d: {  	s28 =	simm.s32 $0x80;
	s26 =	sshra.s32 s25, $0x2;
	v0 =	vld [tilespmem:s0+$0xFFFFFFD0]  }
0x43e: {  	s31 =	sand.u32 $0x380, s28;
	s29 =	sadd.s32 $0x10C00, s26;
	v8 =	vmul.f32 v62, v61;
	v1 =	vld [tilespmem:s0+$0xFFFFFFE0];
	v5 =	vadd.f32 v5, v4;
	v6 =	vadd.f32 v3, v6  }
0x43f: {  	s25 =	simm.s32 $0x0;
	s26 =	sor.u32 s31, s29;
	v4 =	vld [tilespmem:s24+$0xFFFFFFE0]  }
0x440: {  	s28 =	sand.u32 $0x300, s25;
	v3 =	vld [tilespmem:s0+$0xFFFFFFF0];
	v7 =	vmul.f32 v7, v63;
	[tilespmem:s26+$0x460] =	vst v6;
	v6 =	vadd.f32 v8, v5  }
0x441: {  	s29 =	sor.u32 s28, s29;
	s28 =	simm.s32 $0xD80;
	s26 =	simm.s32 $0x0;
	v5 =	vld [tilespmem:s24+$0xFFFFFFF0]  }
.LBB2_31:
0x442: {  	v8 =	vld [tilespmem:s28+$0x0];
	v6 =	vadd.f32 v7, v6;
	v0 =	vmul.f32 v2, v0;
	s24 =	sadd.s32 $0x100, s24  }
0x443: {  	v2 =	vld [tilespmem:s24+$0x0]  }
0x444: {  	v7 =	vld [tilespmem:s28+$0x10];
	v0 =	vadd.f32 v0, v6;
	v1 =	vmul.f32 v4, v1  }
0x445: {  	v4 =	vld [tilespmem:s24+$0x10]  }
0x446: {  	v6 =	vld [tilespmem:s28+$0x20];
	v0 =	vadd.f32 v1, v0;
	v1 =	vmul.f32 v5, v3  }
0x447: {  	v3 =	vld [tilespmem:s24+$0x20]  }
0x448: {  	v5 =	vld [tilespmem:s28+$0x30];
	v0 =	vadd.f32 v1, v0  }
0x449: {  	v1 =	vld [tilespmem:s24+$0x30]  }
0x44a: {  	v2 =	vmul.f32 v2, v8;
	v4 =	vmul.f32 v4, v7;
	v7 =	vld [tilespmem:s28+$0x40];
	[tilespmem:s29+$0x460] =	vst v0  }
0x44b: {  	v0 =	vld [tilespmem:s24+$0x40]  }
0x44c: {  	v2 =	vadd.f32 v4, v2;
	v3 =	vmul.f32 v3, v6;
	v4 =	vld [tilespmem:s28+$0x50]  }
0x44d: {  	v6 =	vld [tilespmem:s24+$0x50]  }
0x44e: {  	v2 =	vadd.f32 v3, v2;
	v1 =	vmul.f32 v1, v5;
	v3 =	vld [tilespmem:s28+$0x60]  }
0x44f: {  	v5 =	vld [tilespmem:s24+$0x60]  }
0x450: {  	v1 =	vadd.f32 v1, v2;
	v0 =	vmul.f32 v0, v7;
	v2 =	vld [tilespmem:s28+$0x70]  }
0x451: {  	v7 =	vld [tilespmem:s24+$0x70]  }
0x452: {  	v8 =	vld [tilespmem:s28+$0xFFFFFF80];
	v0 =	vadd.f32 v0, v1;
	v1 =	vmul.f32 v6, v4  }
0x453: {  	s26 =	sadd.s32 $0x2, s26;
	v4 =	vld [tilespmem:s24+$0xFFFFFF80]  }
0x454: {  	s0 =	sshrl.u32 s26, $0x3;
	p0 =	slt.u32 s26, $0x7E;
	v6 =	vld [tilespmem:s28+$0xFFFFFF90];
	v0 =	vadd.f32 v1, v0;
	v1 =	vmul.f32 v5, v3  }
0x455: {  	s0 =	smul.u32 $0x3000, s0;
	v3 =	vld [tilespmem:s24+$0xFFFFFF90]  }
0x456: {  	s25 =	sadd.s32 $0x100, s25;
	v5 =	vld [tilespmem:s28+$0xFFFFFFA0];
	v0 =	vadd.f32 v1, v0;
	v1 =	vmul.f32 v7, v2  }
0x457: {  	s30 =	sadd.s32 $0x80, s25;
	s0 =	sshra.s32 s0, $0x2;
	s29 =	sand.u32 $0x300, s25;
	v2 =	vld [tilespmem:s24+$0xFFFFFFA0]  }
0x458: {  	s30 =	sand.u32 $0x380, s30;
	s0 =	sadd.s32 $0x10C00, s0;
	v4 =	vmul.f32 v4, v8;
	v7 =	vld [tilespmem:s28+$0xFFFFFFB0];
	v0 =	vadd.f32 v1, v0  }
0x459: {  	s29 =	sor.u32 s29, s0;
	s0 =	sor.u32 s30, s0;
	v1 =	vld [tilespmem:s24+$0xFFFFFFB0]  }
0x45a: {  	v3 =	vmul.f32 v3, v6;
	v8 =	vld [tilespmem:s28+$0xFFFFFFC0];
	[tilespmem:s0+$0x460] =	vst v0  }
0x45b: {  	v9 =	vld [tilespmem:s24+$0xFFFFFFC0]  }
0x45c: {  	v3 =	vadd.f32 v3, v4;
	v4 =	vmul.f32 v2, v5;
	v0 =	vld [tilespmem:s28+$0xFFFFFFD0]  }
.Ltmp14:
0x45d: {  	v2 =	vld [tilespmem:s24+$0xFFFFFFD0];
	(pc) =	sbr.rel @p0 .LBB2_31-.Ltmp14, $4  }
0x45e: {  	v3 =	vadd.f32 v4, v3;
	v5 =	vmul.f32 v1, v7;
	v1 =	vld [tilespmem:s28+$0xFFFFFFE0]  }
0x45f: {  	v4 =	vld [tilespmem:s24+$0xFFFFFFE0]  }
0x460: {  	v6 =	vadd.f32 v5, v3;
	v7 =	vmul.f32 v9, v8;
	v3 =	vld [tilespmem:s28+$0xFFFFFFF0]  }
0x461: {  	s28 =	sadd.s32 $0x100, s28;
	v5 =	vld [tilespmem:s24+$0xFFFFFFF0]  }
0x462: {  	v6 =	vadd.f32 v7, v6;
	v0 =	vmul.f32 v2, v0;
	_ =	sdelay $0x1  }
0x463: {  	v0 =	vadd.f32 v0, v6;
	v1 =	vmul.f32 v4, v1;
	_ =	sdelay $0x1  }
0x464: {  	v0 =	vadd.f32 v1, v0;
	v1 =	vmul.f32 v5, v3;
	_ =	sdelay $0x1  }
0x465: {  	v0 =	vadd.f32 v1, v0;
	_ =	sdelay $0x1  }
0x466: {  	[tilespmem:s29+$0x460] =	vst v0  }
0x467: {  	[tilespmem:s16], [sflag:$0x4] =	stream.indirect.gather [hbm4b:s1+s10], $0x80, s11, s10, $0xb8;
	[tilespmem:$0x1CC00] =	vst v63  }
0x468: {  	_ =	swait.ge [sflag:s18], $0x4000  }
0x469: {  	[sflag:s18] =	ssyncset.done $0x0  }
0x46a: {  	s0 =	simm.s32 $0xC80;
	[sflag:s18] =	ssyncadd.s32 $0xFFFFC000  }
0x46b: {  	s24 =	simm.s32 $0x4C80;
	v0 =	vld [tilespmem:s0+$0x0]  }
0x46c: {  	v1 =	vld [tilespmem:s24+$0x0]  }
0x46d: {  	v2 =	vld [tilespmem:s0+$0x10]  }
0x46e: {  	v3 =	vld [tilespmem:s24+$0x10]  }
0x46f: {  	v4 =	vld [tilespmem:s0+$0x20]  }
0x470: {  	v5 =	vld [tilespmem:s24+$0x20]  }
0x471: {  	v6 =	vld [tilespmem:s0+$0x30]  }
0x472: {  	v7 =	vld [tilespmem:s24+$0x30]  }
0x473: {  	v8 =	vld [tilespmem:s0+$0x40]  }
0x474: {  	v9 =	vld [tilespmem:s24+$0x40]  }
0x475: {  	v10 =	vld [tilespmem:s0+$0x50]  }
0x476: {  	v11 =	vld [tilespmem:s24+$0x50]  }
0x477: {  	v12 =	vld [tilespmem:s0+$0x60]  }
0x478: {  	v13 =	vld [tilespmem:s24+$0x60]  }
0x479: {  	v60 =	vld [tilespmem:s24+$0xFFFFFFA0];
	v0 =	vmul.f32 v1, v0;
	v1 =	vmul.f32 v3, v2  }
0x47a: {  	v2 =	vld [tilespmem:s0+$0x70]  }
0x47b: {  	v0 =	vadd.f32 v1, v0;
	v1 =	vmul.f32 v5, v4;
	v4 =	vld [tilespmem:s0+$0xFFFFFF80]  }
0x47c: {  	v5 =	vld [tilespmem:s24+$0xFFFFFF80]  }
0x47d: {  	v0 =	vadd.f32 v1, v0;
	v1 =	vmul.f32 v7, v6;
	v6 =	vld [tilespmem:s0+$0xFFFFFF90]  }
0x47e: {  	v7 =	vld [tilespmem:s24+$0xFFFFFF90]  }
0x47f: {  	v3 =	vld [tilespmem:s24+$0x70];
	v0 =	vadd.f32 v1, v0;
	v1 =	vmul.f32 v9, v8  }
0x480: {  	v8 =	vld [tilespmem:s0+$0xFFFFFFA0]  }
0x481: {  	v61 =	vld [tilespmem:s0+$0xFFFFFFB0];
	v0 =	vadd.f32 v1, v0;
	v1 =	vmul.f32 v11, v10  }
0x482: {  	v62 =	vld [tilespmem:s24+$0xFFFFFFB0];
	v4 =	vmul.f32 v5, v4  }
0x483: {  	s25 =	simm.s32 $0x0;
	v63 =	vld [tilespmem:s0+$0xFFFFFFC0];
	v5 =	vmul.f32 v7, v6;
	v0 =	vadd.f32 v1, v0;
	v1 =	vmul.f32 v13, v12  }
0x484: {  	s25 =	smul.u32 $0x3000, s25;
	v3 =	vmul.f32 v3, v2;
	v7 =	vld [tilespmem:s24+$0xFFFFFFC0]  }
0x485: {  	v2 =	vld [tilespmem:s24+$0xFFFFFFD0];
	v4 =	vadd.f32 v5, v4;
	v5 =	vmul.f32 v60, v8;
	v6 =	vadd.f32 v1, v0  }
0x486: {  	s28 =	simm.s32 $0x80;
	s26 =	sshra.s32 s25, $0x2;
	v0 =	vld [tilespmem:s0+$0xFFFFFFD0]  }
0x487: {  	s31 =	sand.u32 $0x380, s28;
	s29 =	sadd.s32 $0x10C00, s26;
	v8 =	vmul.f32 v62, v61;
	v1 =	vld [tilespmem:s0+$0xFFFFFFE0];
	v5 =	vadd.f32 v5, v4;
	v6 =	vadd.f32 v3, v6  }
0x488: {  	s25 =	simm.s32 $0x0;
	s26 =	sor.u32 s31, s29;
	v4 =	vld [tilespmem:s24+$0xFFFFFFE0]  }
0x489: {  	s28 =	sand.u32 $0x300, s25;
	v3 =	vld [tilespmem:s0+$0xFFFFFFF0];
	v7 =	vmul.f32 v7, v63;
	[tilespmem:s26+$0x470] =	vst v6;
	v6 =	vadd.f32 v8, v5  }
0x48a: {  	s29 =	sor.u32 s28, s29;
	s28 =	simm.s32 $0xD80;
	s26 =	simm.s32 $0x0;
	v5 =	vld [tilespmem:s24+$0xFFFFFFF0]  }
.LBB2_33:
0x48b: {  	v8 =	vld [tilespmem:s28+$0x0];
	v6 =	vadd.f32 v7, v6;
	v0 =	vmul.f32 v2, v0;
	s24 =	sadd.s32 $0x100, s24  }
0x48c: {  	v2 =	vld [tilespmem:s24+$0x0]  }
0x48d: {  	v7 =	vld [tilespmem:s28+$0x10];
	v0 =	vadd.f32 v0, v6;
	v1 =	vmul.f32 v4, v1  }
0x48e: {  	v4 =	vld [tilespmem:s24+$0x10]  }
0x48f: {  	v6 =	vld [tilespmem:s28+$0x20];
	v0 =	vadd.f32 v1, v0;
	v1 =	vmul.f32 v5, v3  }
0x490: {  	v3 =	vld [tilespmem:s24+$0x20]  }
0x491: {  	v5 =	vld [tilespmem:s28+$0x30];
	v0 =	vadd.f32 v1, v0  }
0x492: {  	v1 =	vld [tilespmem:s24+$0x30]  }
0x493: {  	v2 =	vmul.f32 v2, v8;
	v4 =	vmul.f32 v4, v7;
	v7 =	vld [tilespmem:s28+$0x40];
	[tilespmem:s29+$0x470] =	vst v0  }
0x494: {  	v0 =	vld [tilespmem:s24+$0x40]  }
0x495: {  	v2 =	vadd.f32 v4, v2;
	v3 =	vmul.f32 v3, v6;
	v4 =	vld [tilespmem:s28+$0x50]  }
0x496: {  	v6 =	vld [tilespmem:s24+$0x50]  }
0x497: {  	v2 =	vadd.f32 v3, v2;
	v1 =	vmul.f32 v1, v5;
	v3 =	vld [tilespmem:s28+$0x60]  }
0x498: {  	v5 =	vld [tilespmem:s24+$0x60]  }
0x499: {  	v1 =	vadd.f32 v1, v2;
	v0 =	vmul.f32 v0, v7;
	v2 =	vld [tilespmem:s28+$0x70]  }
0x49a: {  	v7 =	vld [tilespmem:s24+$0x70]  }
0x49b: {  	v8 =	vld [tilespmem:s28+$0xFFFFFF80];
	v0 =	vadd.f32 v0, v1;
	v1 =	vmul.f32 v6, v4  }
0x49c: {  	s26 =	sadd.s32 $0x2, s26;
	v4 =	vld [tilespmem:s24+$0xFFFFFF80]  }
0x49d: {  	s0 =	sshrl.u32 s26, $0x3;
	p0 =	slt.u32 s26, $0x7E;
	v6 =	vld [tilespmem:s28+$0xFFFFFF90];
	v0 =	vadd.f32 v1, v0;
	v1 =	vmul.f32 v5, v3  }
0x49e: {  	s0 =	smul.u32 $0x3000, s0;
	v3 =	vld [tilespmem:s24+$0xFFFFFF90]  }
0x49f: {  	s25 =	sadd.s32 $0x100, s25;
	v5 =	vld [tilespmem:s28+$0xFFFFFFA0];
	v0 =	vadd.f32 v1, v0;
	v1 =	vmul.f32 v7, v2  }
0x4a0: {  	s30 =	sadd.s32 $0x80, s25;
	s0 =	sshra.s32 s0, $0x2;
	s29 =	sand.u32 $0x300, s25;
	v2 =	vld [tilespmem:s24+$0xFFFFFFA0]  }
0x4a1: {  	s30 =	sand.u32 $0x380, s30;
	s0 =	sadd.s32 $0x10C00, s0;
	v4 =	vmul.f32 v4, v8;
	v7 =	vld [tilespmem:s28+$0xFFFFFFB0];
	v0 =	vadd.f32 v1, v0  }
0x4a2: {  	s29 =	sor.u32 s29, s0;
	s0 =	sor.u32 s30, s0;
	v1 =	vld [tilespmem:s24+$0xFFFFFFB0]  }
0x4a3: {  	v3 =	vmul.f32 v3, v6;
	v8 =	vld [tilespmem:s28+$0xFFFFFFC0];
	[tilespmem:s0+$0x470] =	vst v0  }
0x4a4: {  	v9 =	vld [tilespmem:s24+$0xFFFFFFC0]  }
0x4a5: {  	v3 =	vadd.f32 v3, v4;
	v4 =	vmul.f32 v2, v5;
	v0 =	vld [tilespmem:s28+$0xFFFFFFD0]  }
.Ltmp15:
0x4a6: {  	v2 =	vld [tilespmem:s24+$0xFFFFFFD0];
	(pc) =	sbr.rel @p0 .LBB2_33-.Ltmp15, $4  }
0x4a7: {  	v3 =	vadd.f32 v4, v3;
	v5 =	vmul.f32 v1, v7;
	v1 =	vld [tilespmem:s28+$0xFFFFFFE0]  }
0x4a8: {  	v4 =	vld [tilespmem:s24+$0xFFFFFFE0]  }
0x4a9: {  	v6 =	vadd.f32 v5, v3;
	v7 =	vmul.f32 v9, v8;
	v3 =	vld [tilespmem:s28+$0xFFFFFFF0]  }
0x4aa: {  	s28 =	sadd.s32 $0x100, s28;
	v5 =	vld [tilespmem:s24+$0xFFFFFFF0]  }
0x4ab: {  	v6 =	vadd.f32 v7, v6;
	v0 =	vmul.f32 v2, v0;
	_ =	sdelay $0x1  }
0x4ac: {  	v0 =	vadd.f32 v0, v6;
	v1 =	vmul.f32 v4, v1;
	_ =	sdelay $0x1  }
0x4ad: {  	v0 =	vadd.f32 v1, v0;
	v1 =	vmul.f32 v5, v3;
	_ =	sdelay $0x1  }
0x4ae: {  	v0 =	vadd.f32 v1, v0;
	_ =	sdelay $0x1  }
0x4af: {  	[tilespmem:s29+$0x470] =	vst v0  }
0x4b0: {  	[tilespmem:s12], [sflag:$0x2] =	stream.indirect.gather [hbm4b:s1+s10], $0x80, s13, s10, $0xb8;
	[tilespmem:$0x1CC00] =	vst v63  }
0x4b1: {  	_ =	swait.ge [sflag:s20], $0x4000  }
0x4b2: {  	[sflag:s20] =	ssyncset.done $0x0  }
0x4b3: {  	s0 =	simm.s32 $0xC80;
	[sflag:s20] =	ssyncadd.s32 $0xFFFFC000  }
0x4b4: {  	s24 =	simm.s32 $0x8C80;
	v0 =	vld [tilespmem:s0+$0x0]  }
0x4b5: {  	v1 =	vld [tilespmem:s24+$0x0]  }
0x4b6: {  	v2 =	vld [tilespmem:s0+$0x10]  }
0x4b7: {  	v3 =	vld [tilespmem:s24+$0x10]  }
0x4b8: {  	v4 =	vld [tilespmem:s0+$0x20]  }
0x4b9: {  	v5 =	vld [tilespmem:s24+$0x20]  }
0x4ba: {  	v6 =	vld [tilespmem:s0+$0x30]  }
0x4bb: {  	v7 =	vld [tilespmem:s24+$0x30]  }
0x4bc: {  	v8 =	vld [tilespmem:s0+$0x40]  }
0x4bd: {  	v9 =	vld [tilespmem:s24+$0x40]  }
0x4be: {  	v10 =	vld [tilespmem:s0+$0x50]  }
0x4bf: {  	v11 =	vld [tilespmem:s24+$0x50]  }
0x4c0: {  	v12 =	vld [tilespmem:s0+$0x60]  }
0x4c1: {  	v13 =	vld [tilespmem:s24+$0x60]  }
0x4c2: {  	v60 =	vld [tilespmem:s24+$0xFFFFFFA0];
	v0 =	vmul.f32 v1, v0;
	v1 =	vmul.f32 v3, v2  }
0x4c3: {  	v2 =	vld [tilespmem:s0+$0x70]  }
0x4c4: {  	v0 =	vadd.f32 v1, v0;
	v1 =	vmul.f32 v5, v4;
	v4 =	vld [tilespmem:s0+$0xFFFFFF80]  }
0x4c5: {  	v5 =	vld [tilespmem:s24+$0xFFFFFF80]  }
0x4c6: {  	v0 =	vadd.f32 v1, v0;
	v1 =	vmul.f32 v7, v6;
	v6 =	vld [tilespmem:s0+$0xFFFFFF90]  }
0x4c7: {  	v7 =	vld [tilespmem:s24+$0xFFFFFF90]  }
0x4c8: {  	v3 =	vld [tilespmem:s24+$0x70];
	v0 =	vadd.f32 v1, v0;
	v1 =	vmul.f32 v9, v8  }
0x4c9: {  	v8 =	vld [tilespmem:s0+$0xFFFFFFA0]  }
0x4ca: {  	v61 =	vld [tilespmem:s0+$0xFFFFFFB0];
	v0 =	vadd.f32 v1, v0;
	v1 =	vmul.f32 v11, v10  }
0x4cb: {  	v62 =	vld [tilespmem:s24+$0xFFFFFFB0];
	v4 =	vmul.f32 v5, v4  }
0x4cc: {  	s25 =	simm.s32 $0x0;
	v63 =	vld [tilespmem:s0+$0xFFFFFFC0];
	v5 =	vmul.f32 v7, v6;
	v0 =	vadd.f32 v1, v0;
	v1 =	vmul.f32 v13, v12  }
0x4cd: {  	s25 =	smul.u32 $0x3000, s25;
	v3 =	vmul.f32 v3, v2;
	v7 =	vld [tilespmem:s24+$0xFFFFFFC0]  }
0x4ce: {  	v2 =	vld [tilespmem:s24+$0xFFFFFFD0];
	v4 =	vadd.f32 v5, v4;
	v5 =	vmul.f32 v60, v8;
	v6 =	vadd.f32 v1, v0  }
0x4cf: {  	s28 =	simm.s32 $0x80;
	s26 =	sshra.s32 s25, $0x2;
	v0 =	vld [tilespmem:s0+$0xFFFFFFD0]  }
0x4d0: {  	s31 =	sand.u32 $0x380, s28;
	s29 =	sadd.s32 $0x11400, s26;
	v8 =	vmul.f32 v62, v61;
	v1 =	vld [tilespmem:s0+$0xFFFFFFE0];
	v5 =	vadd.f32 v5, v4;
	v6 =	vadd.f32 v3, v6  }
0x4d1: {  	s25 =	simm.s32 $0x0;
	s26 =	sor.u32 s31, s29;
	v4 =	vld [tilespmem:s24+$0xFFFFFFE0]  }
0x4d2: {  	s28 =	sand.u32 $0x300, s25;
	v3 =	vld [tilespmem:s0+$0xFFFFFFF0];
	v7 =	vmul.f32 v7, v63;
	[tilespmem:s26+$0x0] =	vst v6;
	v6 =	vadd.f32 v8, v5  }
0x4d3: {  	s29 =	sor.u32 s28, s29;
	s28 =	simm.s32 $0xD80;
	s26 =	simm.s32 $0x0;
	v5 =	vld [tilespmem:s24+$0xFFFFFFF0]  }
.LBB2_35:
0x4d4: {  	v8 =	vld [tilespmem:s28+$0x0];
	v6 =	vadd.f32 v7, v6;
	v0 =	vmul.f32 v2, v0;
	s24 =	sadd.s32 $0x100, s24  }
0x4d5: {  	v2 =	vld [tilespmem:s24+$0x0]  }
0x4d6: {  	v7 =	vld [tilespmem:s28+$0x10];
	v0 =	vadd.f32 v0, v6;
	v1 =	vmul.f32 v4, v1  }
0x4d7: {  	v4 =	vld [tilespmem:s24+$0x10]  }
0x4d8: {  	v6 =	vld [tilespmem:s28+$0x20];
	v0 =	vadd.f32 v1, v0;
	v1 =	vmul.f32 v5, v3  }
0x4d9: {  	v3 =	vld [tilespmem:s24+$0x20]  }
0x4da: {  	v5 =	vld [tilespmem:s28+$0x30];
	v0 =	vadd.f32 v1, v0  }
0x4db: {  	v1 =	vld [tilespmem:s24+$0x30]  }
0x4dc: {  	v2 =	vmul.f32 v2, v8;
	v4 =	vmul.f32 v4, v7;
	v7 =	vld [tilespmem:s28+$0x40];
	[tilespmem:s29+$0x0] =	vst v0  }
0x4dd: {  	v0 =	vld [tilespmem:s24+$0x40]  }
0x4de: {  	v2 =	vadd.f32 v4, v2;
	v3 =	vmul.f32 v3, v6;
	v4 =	vld [tilespmem:s28+$0x50]  }
0x4df: {  	v6 =	vld [tilespmem:s24+$0x50]  }
0x4e0: {  	v2 =	vadd.f32 v3, v2;
	v1 =	vmul.f32 v1, v5;
	v3 =	vld [tilespmem:s28+$0x60]  }
0x4e1: {  	v5 =	vld [tilespmem:s24+$0x60]  }
0x4e2: {  	v1 =	vadd.f32 v1, v2;
	v0 =	vmul.f32 v0, v7;
	v2 =	vld [tilespmem:s28+$0x70]  }
0x4e3: {  	v7 =	vld [tilespmem:s24+$0x70]  }
0x4e4: {  	v8 =	vld [tilespmem:s28+$0xFFFFFF80];
	v0 =	vadd.f32 v0, v1;
	v1 =	vmul.f32 v6, v4  }
0x4e5: {  	s26 =	sadd.s32 $0x2, s26;
	v4 =	vld [tilespmem:s24+$0xFFFFFF80]  }
0x4e6: {  	s0 =	sshrl.u32 s26, $0x3;
	p0 =	slt.u32 s26, $0x7E;
	v6 =	vld [tilespmem:s28+$0xFFFFFF90];
	v0 =	vadd.f32 v1, v0;
	v1 =	vmul.f32 v5, v3  }
0x4e7: {  	s0 =	smul.u32 $0x3000, s0;
	v3 =	vld [tilespmem:s24+$0xFFFFFF90]  }
0x4e8: {  	s25 =	sadd.s32 $0x100, s25;
	v5 =	vld [tilespmem:s28+$0xFFFFFFA0];
	v0 =	vadd.f32 v1, v0;
	v1 =	vmul.f32 v7, v2  }
0x4e9: {  	s30 =	sadd.s32 $0x80, s25;
	s0 =	sshra.s32 s0, $0x2;
	s29 =	sand.u32 $0x300, s25;
	v2 =	vld [tilespmem:s24+$0xFFFFFFA0]  }
0x4ea: {  	s30 =	sand.u32 $0x380, s30;
	s0 =	sadd.s32 $0x11400, s0;
	v4 =	vmul.f32 v4, v8;
	v7 =	vld [tilespmem:s28+$0xFFFFFFB0];
	v0 =	vadd.f32 v1, v0  }
0x4eb: {  	s29 =	sor.u32 s29, s0;
	s0 =	sor.u32 s30, s0;
	v1 =	vld [tilespmem:s24+$0xFFFFFFB0]  }
0x4ec: {  	v3 =	vmul.f32 v3, v6;
	v8 =	vld [tilespmem:s28+$0xFFFFFFC0];
	[tilespmem:s0+$0x0] =	vst v0  }
0x4ed: {  	v9 =	vld [tilespmem:s24+$0xFFFFFFC0]  }
0x4ee: {  	v3 =	vadd.f32 v3, v4;
	v4 =	vmul.f32 v2, v5;
	v0 =	vld [tilespmem:s28+$0xFFFFFFD0]  }
.Ltmp16:
0x4ef: {  	v2 =	vld [tilespmem:s24+$0xFFFFFFD0];
	(pc) =	sbr.rel @p0 .LBB2_35-.Ltmp16, $4  }
0x4f0: {  	v3 =	vadd.f32 v4, v3;
	v5 =	vmul.f32 v1, v7;
	v1 =	vld [tilespmem:s28+$0xFFFFFFE0]  }
0x4f1: {  	v4 =	vld [tilespmem:s24+$0xFFFFFFE0]  }
0x4f2: {  	v6 =	vadd.f32 v5, v3;
	v7 =	vmul.f32 v9, v8;
	v3 =	vld [tilespmem:s28+$0xFFFFFFF0]  }
0x4f3: {  	s28 =	sadd.s32 $0x100, s28;
	v5 =	vld [tilespmem:s24+$0xFFFFFFF0]  }
0x4f4: {  	v6 =	vadd.f32 v7, v6;
	v0 =	vmul.f32 v2, v0;
	_ =	sdelay $0x1  }
0x4f5: {  	v0 =	vadd.f32 v0, v6;
	v1 =	vmul.f32 v4, v1;
	_ =	sdelay $0x1  }
0x4f6: {  	v0 =	vadd.f32 v1, v0;
	v1 =	vmul.f32 v5, v3;
	_ =	sdelay $0x1  }
0x4f7: {  	v0 =	vadd.f32 v1, v0;
	_ =	sdelay $0x1  }
0x4f8: {  	[tilespmem:s29+$0x0] =	vst v0  }
0x4f9: {  	[tilespmem:s14], [sflag:$0x3] =	stream.indirect.gather [hbm4b:s1+s10], $0x80, s15, s10, $0xb8;
	[tilespmem:$0x1CC00] =	vst v63  }
0x4fa: {  	_ =	swait.ge [sflag:s22], $0x4000  }
0x4fb: {  	[sflag:s22] =	ssyncset.done $0x0  }
0x4fc: {  	s0 =	simm.s32 $0xC80;
	[sflag:s22] =	ssyncadd.s32 $0xFFFFC000  }
0x4fd: {  	s24 =	simm.s32 $0xCC80;
	v0 =	vld [tilespmem:s0+$0x0]  }
0x4fe: {  	v1 =	vld [tilespmem:s24+$0x0]  }
0x4ff: {  	v2 =	vld [tilespmem:s0+$0x10]  }
0x500: {  	v3 =	vld [tilespmem:s24+$0x10]  }
0x501: {  	v4 =	vld [tilespmem:s0+$0x20]  }
0x502: {  	v5 =	vld [tilespmem:s24+$0x20]  }
0x503: {  	v6 =	vld [tilespmem:s0+$0x30]  }
0x504: {  	v7 =	vld [tilespmem:s24+$0x30]  }
0x505: {  	v8 =	vld [tilespmem:s0+$0x40]  }
0x506: {  	v9 =	vld [tilespmem:s24+$0x40]  }
0x507: {  	v10 =	vld [tilespmem:s0+$0x50]  }
0x508: {  	v11 =	vld [tilespmem:s24+$0x50]  }
0x509: {  	v12 =	vld [tilespmem:s0+$0x60]  }
0x50a: {  	v13 =	vld [tilespmem:s24+$0x60]  }
0x50b: {  	v60 =	vld [tilespmem:s24+$0xFFFFFFA0];
	v0 =	vmul.f32 v1, v0;
	v1 =	vmul.f32 v3, v2  }
0x50c: {  	v2 =	vld [tilespmem:s0+$0x70]  }
0x50d: {  	v0 =	vadd.f32 v1, v0;
	v1 =	vmul.f32 v5, v4;
	v4 =	vld [tilespmem:s0+$0xFFFFFF80]  }
0x50e: {  	v5 =	vld [tilespmem:s24+$0xFFFFFF80]  }
0x50f: {  	v0 =	vadd.f32 v1, v0;
	v1 =	vmul.f32 v7, v6;
	v6 =	vld [tilespmem:s0+$0xFFFFFF90]  }
0x510: {  	v7 =	vld [tilespmem:s24+$0xFFFFFF90]  }
0x511: {  	v3 =	vld [tilespmem:s24+$0x70];
	v0 =	vadd.f32 v1, v0;
	v1 =	vmul.f32 v9, v8  }
0x512: {  	v8 =	vld [tilespmem:s0+$0xFFFFFFA0]  }
0x513: {  	v61 =	vld [tilespmem:s0+$0xFFFFFFB0];
	v0 =	vadd.f32 v1, v0;
	v1 =	vmul.f32 v11, v10  }
0x514: {  	v62 =	vld [tilespmem:s24+$0xFFFFFFB0];
	v4 =	vmul.f32 v5, v4  }
0x515: {  	s25 =	simm.s32 $0x0;
	v63 =	vld [tilespmem:s0+$0xFFFFFFC0];
	v5 =	vmul.f32 v7, v6;
	v0 =	vadd.f32 v1, v0;
	v1 =	vmul.f32 v13, v12  }
0x516: {  	s25 =	smul.u32 $0x3000, s25;
	v3 =	vmul.f32 v3, v2;
	v7 =	vld [tilespmem:s24+$0xFFFFFFC0]  }
0x517: {  	v2 =	vld [tilespmem:s24+$0xFFFFFFD0];
	v4 =	vadd.f32 v5, v4;
	v5 =	vmul.f32 v60, v8;
	v6 =	vadd.f32 v1, v0  }
0x518: {  	s28 =	simm.s32 $0x80;
	s26 =	sshra.s32 s25, $0x2;
	v0 =	vld [tilespmem:s0+$0xFFFFFFD0]  }
0x519: {  	s31 =	sand.u32 $0x380, s28;
	s29 =	sadd.s32 $0x10C00, s26;
	v8 =	vmul.f32 v62, v61;
	v1 =	vld [tilespmem:s0+$0xFFFFFFE0];
	v5 =	vadd.f32 v5, v4;
	v6 =	vadd.f32 v3, v6  }
0x51a: {  	s25 =	simm.s32 $0x0;
	s26 =	sor.u32 s31, s29;
	v4 =	vld [tilespmem:s24+$0xFFFFFFE0]  }
0x51b: {  	s28 =	sand.u32 $0x300, s25;
	v3 =	vld [tilespmem:s0+$0xFFFFFFF0];
	v7 =	vmul.f32 v7, v63;
	[tilespmem:s26+$0x810] =	vst v6;
	v6 =	vadd.f32 v8, v5  }
0x51c: {  	s29 =	sor.u32 s28, s29;
	s28 =	simm.s32 $0xD80;
	s26 =	simm.s32 $0x0;
	v5 =	vld [tilespmem:s24+$0xFFFFFFF0]  }
.LBB2_37:
0x51d: {  	v8 =	vld [tilespmem:s28+$0x0];
	v6 =	vadd.f32 v7, v6;
	v0 =	vmul.f32 v2, v0;
	s24 =	sadd.s32 $0x100, s24  }
0x51e: {  	v2 =	vld [tilespmem:s24+$0x0]  }
0x51f: {  	v7 =	vld [tilespmem:s28+$0x10];
	v0 =	vadd.f32 v0, v6;
	v1 =	vmul.f32 v4, v1  }
0x520: {  	v4 =	vld [tilespmem:s24+$0x10]  }
0x521: {  	v6 =	vld [tilespmem:s28+$0x20];
	v0 =	vadd.f32 v1, v0;
	v1 =	vmul.f32 v5, v3  }
0x522: {  	v3 =	vld [tilespmem:s24+$0x20]  }
0x523: {  	v5 =	vld [tilespmem:s28+$0x30];
	v0 =	vadd.f32 v1, v0  }
0x524: {  	v1 =	vld [tilespmem:s24+$0x30]  }
0x525: {  	v2 =	vmul.f32 v2, v8;
	v4 =	vmul.f32 v4, v7;
	v7 =	vld [tilespmem:s28+$0x40];
	[tilespmem:s29+$0x810] =	vst v0  }
0x526: {  	v0 =	vld [tilespmem:s24+$0x40]  }
0x527: {  	v2 =	vadd.f32 v4, v2;
	v3 =	vmul.f32 v3, v6;
	v4 =	vld [tilespmem:s28+$0x50]  }
0x528: {  	v6 =	vld [tilespmem:s24+$0x50]  }
0x529: {  	v2 =	vadd.f32 v3, v2;
	v1 =	vmul.f32 v1, v5;
	v3 =	vld [tilespmem:s28+$0x60]  }
0x52a: {  	v5 =	vld [tilespmem:s24+$0x60]  }
0x52b: {  	v1 =	vadd.f32 v1, v2;
	v0 =	vmul.f32 v0, v7;
	v2 =	vld [tilespmem:s28+$0x70]  }
0x52c: {  	v7 =	vld [tilespmem:s24+$0x70]  }
0x52d: {  	v8 =	vld [tilespmem:s28+$0xFFFFFF80];
	v0 =	vadd.f32 v0, v1;
	v1 =	vmul.f32 v6, v4  }
0x52e: {  	s26 =	sadd.s32 $0x2, s26;
	v4 =	vld [tilespmem:s24+$0xFFFFFF80]  }
0x52f: {  	s0 =	sshrl.u32 s26, $0x3;
	p0 =	slt.u32 s26, $0x7E;
	v6 =	vld [tilespmem:s28+$0xFFFFFF90];
	v0 =	vadd.f32 v1, v0;
	v1 =	vmul.f32 v5, v3  }
0x530: {  	s0 =	smul.u32 $0x3000, s0;
	v3 =	vld [tilespmem:s24+$0xFFFFFF90]  }
0x531: {  	s25 =	sadd.s32 $0x100, s25;
	v5 =	vld [tilespmem:s28+$0xFFFFFFA0];
	v0 =	vadd.f32 v1, v0;
	v1 =	vmul.f32 v7, v2  }
0x532: {  	s30 =	sadd.s32 $0x80, s25;
	s0 =	sshra.s32 s0, $0x2;
	s29 =	sand.u32 $0x300, s25;
	v2 =	vld [tilespmem:s24+$0xFFFFFFA0]  }
0x533: {  	s30 =	sand.u32 $0x380, s30;
	s0 =	sadd.s32 $0x10C00, s0;
	v4 =	vmul.f32 v4, v8;
	v7 =	vld [tilespmem:s28+$0xFFFFFFB0];
	v0 =	vadd.f32 v1, v0  }
0x534: {  	s29 =	sor.u32 s29, s0;
	s0 =	sor.u32 s30, s0;
	v1 =	vld [tilespmem:s24+$0xFFFFFFB0]  }
0x535: {  	v3 =	vmul.f32 v3, v6;
	v8 =	vld [tilespmem:s28+$0xFFFFFFC0];
	[tilespmem:s0+$0x810] =	vst v0  }
0x536: {  	v9 =	vld [tilespmem:s24+$0xFFFFFFC0]  }
0x537: {  	v3 =	vadd.f32 v3, v4;
	v4 =	vmul.f32 v2, v5;
	v0 =	vld [tilespmem:s28+$0xFFFFFFD0]  }
.Ltmp17:
0x538: {  	v2 =	vld [tilespmem:s24+$0xFFFFFFD0];
	(pc) =	sbr.rel @p0 .LBB2_37-.Ltmp17, $4  }
0x539: {  	v3 =	vadd.f32 v4, v3;
	v5 =	vmul.f32 v1, v7;
	v1 =	vld [tilespmem:s28+$0xFFFFFFE0]  }
0x53a: {  	v4 =	vld [tilespmem:s24+$0xFFFFFFE0]  }
0x53b: {  	v6 =	vadd.f32 v5, v3;
	v7 =	vmul.f32 v9, v8;
	v3 =	vld [tilespmem:s28+$0xFFFFFFF0]  }
0x53c: {  	s28 =	sadd.s32 $0x100, s28;
	v5 =	vld [tilespmem:s24+$0xFFFFFFF0]  }
0x53d: {  	v6 =	vadd.f32 v7, v6;
	v0 =	vmul.f32 v2, v0;
	_ =	sdelay $0x1  }
0x53e: {  	v0 =	vadd.f32 v0, v6;
	v1 =	vmul.f32 v4, v1;
	_ =	sdelay $0x1  }
0x53f: {  	v0 =	vadd.f32 v1, v0;
	v1 =	vmul.f32 v5, v3;
	_ =	sdelay $0x1  }
0x540: {  	v0 =	vadd.f32 v1, v0;
	_ =	sdelay $0x1  }
0x541: {  	[tilespmem:s29+$0x810] =	vst v0  }
0x542: {  	[tilespmem:s16], [sflag:$0x4] =	stream.indirect.gather [hbm4b:s1+s10], $0x80, s19, s10, $0xb8;
	[tilespmem:$0x1CC00] =	vst v63  }
0x543: {  	_ =	swait.ge [sflag:s18], $0x4000  }
0x544: {  	[sflag:s18] =	ssyncset.done $0x0  }
0x545: {  	s0 =	simm.s32 $0xC80;
	[sflag:s18] =	ssyncadd.s32 $0xFFFFC000  }
0x546: {  	s24 =	simm.s32 $0x4C80;
	v0 =	vld [tilespmem:s0+$0x0]  }
0x547: {  	v1 =	vld [tilespmem:s24+$0x0]  }
0x548: {  	v2 =	vld [tilespmem:s0+$0x10]  }
0x549: {  	v3 =	vld [tilespmem:s24+$0x10]  }
0x54a: {  	v4 =	vld [tilespmem:s0+$0x20]  }
0x54b: {  	v5 =	vld [tilespmem:s24+$0x20]  }
0x54c: {  	v6 =	vld [tilespmem:s0+$0x30]  }
0x54d: {  	v7 =	vld [tilespmem:s24+$0x30]  }
0x54e: {  	v8 =	vld [tilespmem:s0+$0x40]  }
0x54f: {  	v9 =	vld [tilespmem:s24+$0x40]  }
0x550: {  	v10 =	vld [tilespmem:s0+$0x50]  }
0x551: {  	v11 =	vld [tilespmem:s24+$0x50]  }
0x552: {  	v12 =	vld [tilespmem:s0+$0x60]  }
0x553: {  	v13 =	vld [tilespmem:s24+$0x60]  }
0x554: {  	v60 =	vld [tilespmem:s24+$0xFFFFFFA0];
	v0 =	vmul.f32 v1, v0;
	v1 =	vmul.f32 v3, v2  }
0x555: {  	v2 =	vld [tilespmem:s0+$0x70]  }
0x556: {  	v0 =	vadd.f32 v1, v0;
	v1 =	vmul.f32 v5, v4;
	v4 =	vld [tilespmem:s0+$0xFFFFFF80]  }
0x557: {  	v5 =	vld [tilespmem:s24+$0xFFFFFF80]  }
0x558: {  	v0 =	vadd.f32 v1, v0;
	v1 =	vmul.f32 v7, v6;
	v6 =	vld [tilespmem:s0+$0xFFFFFF90]  }
0x559: {  	v7 =	vld [tilespmem:s24+$0xFFFFFF90]  }
0x55a: {  	v3 =	vld [tilespmem:s24+$0x70];
	v0 =	vadd.f32 v1, v0;
	v1 =	vmul.f32 v9, v8  }
0x55b: {  	v8 =	vld [tilespmem:s0+$0xFFFFFFA0]  }
0x55c: {  	v61 =	vld [tilespmem:s0+$0xFFFFFFB0];
	v0 =	vadd.f32 v1, v0;
	v1 =	vmul.f32 v11, v10  }
0x55d: {  	v62 =	vld [tilespmem:s24+$0xFFFFFFB0];
	v4 =	vmul.f32 v5, v4  }
0x55e: {  	s25 =	simm.s32 $0x0;
	v63 =	vld [tilespmem:s0+$0xFFFFFFC0];
	v5 =	vmul.f32 v7, v6;
	v0 =	vadd.f32 v1, v0;
	v1 =	vmul.f32 v13, v12  }
0x55f: {  	s25 =	smul.u32 $0x3000, s25;
	v3 =	vmul.f32 v3, v2;
	v7 =	vld [tilespmem:s24+$0xFFFFFFC0]  }
0x560: {  	v2 =	vld [tilespmem:s24+$0xFFFFFFD0];
	v4 =	vadd.f32 v5, v4;
	v5 =	vmul.f32 v60, v8;
	v6 =	vadd.f32 v1, v0  }
0x561: {  	s28 =	simm.s32 $0x80;
	s26 =	sshra.s32 s25, $0x2;
	v0 =	vld [tilespmem:s0+$0xFFFFFFD0]  }
0x562: {  	s31 =	sand.u32 $0x380, s28;
	s29 =	sadd.s32 $0x10C00, s26;
	v8 =	vmul.f32 v62, v61;
	v1 =	vld [tilespmem:s0+$0xFFFFFFE0];
	v5 =	vadd.f32 v5, v4;
	v6 =	vadd.f32 v3, v6  }
0x563: {  	s25 =	simm.s32 $0x0;
	s26 =	sor.u32 s31, s29;
	v4 =	vld [tilespmem:s24+$0xFFFFFFE0]  }
0x564: {  	s28 =	sand.u32 $0x300, s25;
	v3 =	vld [tilespmem:s0+$0xFFFFFFF0];
	v7 =	vmul.f32 v7, v63;
	[tilespmem:s26+$0x820] =	vst v6;
	v6 =	vadd.f32 v8, v5  }
0x565: {  	s29 =	sor.u32 s28, s29;
	s28 =	simm.s32 $0xD80;
	s26 =	simm.s32 $0x0;
	v5 =	vld [tilespmem:s24+$0xFFFFFFF0]  }
.LBB2_39:
0x566: {  	v8 =	vld [tilespmem:s28+$0x0];
	v6 =	vadd.f32 v7, v6;
	v0 =	vmul.f32 v2, v0;
	s24 =	sadd.s32 $0x100, s24  }
0x567: {  	v2 =	vld [tilespmem:s24+$0x0]  }
0x568: {  	v7 =	vld [tilespmem:s28+$0x10];
	v0 =	vadd.f32 v0, v6;
	v1 =	vmul.f32 v4, v1  }
0x569: {  	v4 =	vld [tilespmem:s24+$0x10]  }
0x56a: {  	v6 =	vld [tilespmem:s28+$0x20];
	v0 =	vadd.f32 v1, v0;
	v1 =	vmul.f32 v5, v3  }
0x56b: {  	v3 =	vld [tilespmem:s24+$0x20]  }
0x56c: {  	v5 =	vld [tilespmem:s28+$0x30];
	v0 =	vadd.f32 v1, v0  }
0x56d: {  	v1 =	vld [tilespmem:s24+$0x30]  }
0x56e: {  	v2 =	vmul.f32 v2, v8;
	v4 =	vmul.f32 v4, v7;
	v7 =	vld [tilespmem:s28+$0x40];
	[tilespmem:s29+$0x820] =	vst v0  }
0x56f: {  	v0 =	vld [tilespmem:s24+$0x40]  }
0x570: {  	v2 =	vadd.f32 v4, v2;
	v3 =	vmul.f32 v3, v6;
	v4 =	vld [tilespmem:s28+$0x50]  }
0x571: {  	v6 =	vld [tilespmem:s24+$0x50]  }
0x572: {  	v2 =	vadd.f32 v3, v2;
	v1 =	vmul.f32 v1, v5;
	v3 =	vld [tilespmem:s28+$0x60]  }
0x573: {  	v5 =	vld [tilespmem:s24+$0x60]  }
0x574: {  	v1 =	vadd.f32 v1, v2;
	v0 =	vmul.f32 v0, v7;
	v2 =	vld [tilespmem:s28+$0x70]  }
0x575: {  	v7 =	vld [tilespmem:s24+$0x70]  }
0x576: {  	v8 =	vld [tilespmem:s28+$0xFFFFFF80];
	v0 =	vadd.f32 v0, v1;
	v1 =	vmul.f32 v6, v4  }
0x577: {  	s26 =	sadd.s32 $0x2, s26;
	v4 =	vld [tilespmem:s24+$0xFFFFFF80]  }
0x578: {  	s0 =	sshrl.u32 s26, $0x3;
	p0 =	slt.u32 s26, $0x7E;
	v6 =	vld [tilespmem:s28+$0xFFFFFF90];
	v0 =	vadd.f32 v1, v0;
	v1 =	vmul.f32 v5, v3  }
0x579: {  	s0 =	smul.u32 $0x3000, s0;
	v3 =	vld [tilespmem:s24+$0xFFFFFF90]  }
0x57a: {  	s25 =	sadd.s32 $0x100, s25;
	v5 =	vld [tilespmem:s28+$0xFFFFFFA0];
	v0 =	vadd.f32 v1, v0;
	v1 =	vmul.f32 v7, v2  }
0x57b: {  	s30 =	sadd.s32 $0x80, s25;
	s0 =	sshra.s32 s0, $0x2;
	s29 =	sand.u32 $0x300, s25;
	v2 =	vld [tilespmem:s24+$0xFFFFFFA0]  }
0x57c: {  	s30 =	sand.u32 $0x380, s30;
	s0 =	sadd.s32 $0x10C00, s0;
	v4 =	vmul.f32 v4, v8;
	v7 =	vld [tilespmem:s28+$0xFFFFFFB0];
	v0 =	vadd.f32 v1, v0  }
0x57d: {  	s29 =	sor.u32 s29, s0;
	s0 =	sor.u32 s30, s0;
	v1 =	vld [tilespmem:s24+$0xFFFFFFB0]  }
0x57e: {  	v3 =	vmul.f32 v3, v6;
	v8 =	vld [tilespmem:s28+$0xFFFFFFC0];
	[tilespmem:s0+$0x820] =	vst v0  }
0x57f: {  	v9 =	vld [tilespmem:s24+$0xFFFFFFC0]  }
0x580: {  	v3 =	vadd.f32 v3, v4;
	v4 =	vmul.f32 v2, v5;
	v0 =	vld [tilespmem:s28+$0xFFFFFFD0]  }
.Ltmp18:
0x581: {  	v2 =	vld [tilespmem:s24+$0xFFFFFFD0];
	(pc) =	sbr.rel @p0 .LBB2_39-.Ltmp18, $4  }
0x582: {  	v3 =	vadd.f32 v4, v3;
	v5 =	vmul.f32 v1, v7;
	v1 =	vld [tilespmem:s28+$0xFFFFFFE0]  }
0x583: {  	v4 =	vld [tilespmem:s24+$0xFFFFFFE0]  }
0x584: {  	v6 =	vadd.f32 v5, v3;
	v7 =	vmul.f32 v9, v8;
	v3 =	vld [tilespmem:s28+$0xFFFFFFF0]  }
0x585: {  	s28 =	sadd.s32 $0x100, s28;
	v5 =	vld [tilespmem:s24+$0xFFFFFFF0]  }
0x586: {  	v6 =	vadd.f32 v7, v6;
	v0 =	vmul.f32 v2, v0;
	_ =	sdelay $0x1  }
0x587: {  	v0 =	vadd.f32 v0, v6;
	v1 =	vmul.f32 v4, v1;
	_ =	sdelay $0x1  }
0x588: {  	v0 =	vadd.f32 v1, v0;
	v1 =	vmul.f32 v5, v3;
	_ =	sdelay $0x1  }
0x589: {  	v0 =	vadd.f32 v1, v0;
	_ =	sdelay $0x1  }
0x58a: {  	[tilespmem:s29+$0x820] =	vst v0  }
0x58b: {  	_ =	swait.ge [sflag:s20], $0x4000  }
0x58c: {  	[sflag:s20] =	ssyncset.done $0x0  }
0x58d: {  	s0 =	simm.s32 $0xC80;
	[sflag:s20] =	ssyncadd.s32 $0xFFFFC000  }
0x58e: {  	s24 =	simm.s32 $0x8C80;
	v0 =	vld [tilespmem:s0+$0x0]  }
0x58f: {  	v1 =	vld [tilespmem:s24+$0x0]  }
0x590: {  	v2 =	vld [tilespmem:s0+$0x10]  }
0x591: {  	v3 =	vld [tilespmem:s24+$0x10]  }
0x592: {  	v4 =	vld [tilespmem:s0+$0x20]  }
0x593: {  	v5 =	vld [tilespmem:s24+$0x20]  }
0x594: {  	v6 =	vld [tilespmem:s0+$0x30]  }
0x595: {  	v7 =	vld [tilespmem:s24+$0x30]  }
0x596: {  	v8 =	vld [tilespmem:s0+$0x40]  }
0x597: {  	v9 =	vld [tilespmem:s24+$0x40]  }
0x598: {  	v10 =	vld [tilespmem:s0+$0x50]  }
0x599: {  	v11 =	vld [tilespmem:s24+$0x50]  }
0x59a: {  	v12 =	vld [tilespmem:s0+$0x60]  }
0x59b: {  	v13 =	vld [tilespmem:s24+$0x60]  }
0x59c: {  	v60 =	vld [tilespmem:s24+$0xFFFFFFA0];
	v0 =	vmul.f32 v1, v0;
	v1 =	vmul.f32 v3, v2  }
0x59d: {  	v2 =	vld [tilespmem:s0+$0x70]  }
0x59e: {  	v0 =	vadd.f32 v1, v0;
	v1 =	vmul.f32 v5, v4;
	v4 =	vld [tilespmem:s0+$0xFFFFFF80]  }
0x59f: {  	v5 =	vld [tilespmem:s24+$0xFFFFFF80]  }
0x5a0: {  	v0 =	vadd.f32 v1, v0;
	v1 =	vmul.f32 v7, v6;
	v6 =	vld [tilespmem:s0+$0xFFFFFF90]  }
0x5a1: {  	v7 =	vld [tilespmem:s24+$0xFFFFFF90]  }
0x5a2: {  	v3 =	vld [tilespmem:s24+$0x70];
	v0 =	vadd.f32 v1, v0;
	v1 =	vmul.f32 v9, v8  }
0x5a3: {  	v8 =	vld [tilespmem:s0+$0xFFFFFFA0]  }
0x5a4: {  	v61 =	vld [tilespmem:s0+$0xFFFFFFB0];
	v0 =	vadd.f32 v1, v0;
	v1 =	vmul.f32 v11, v10  }
0x5a5: {  	v62 =	vld [tilespmem:s24+$0xFFFFFFB0];
	v4 =	vmul.f32 v5, v4  }
0x5a6: {  	s25 =	simm.s32 $0x0;
	v63 =	vld [tilespmem:s0+$0xFFFFFFC0];
	v5 =	vmul.f32 v7, v6;
	v0 =	vadd.f32 v1, v0;
	v1 =	vmul.f32 v13, v12  }
0x5a7: {  	s25 =	smul.u32 $0x3000, s25;
	v3 =	vmul.f32 v3, v2;
	v7 =	vld [tilespmem:s24+$0xFFFFFFC0]  }
0x5a8: {  	v2 =	vld [tilespmem:s24+$0xFFFFFFD0];
	v4 =	vadd.f32 v5, v4;
	v5 =	vmul.f32 v60, v8;
	v6 =	vadd.f32 v1, v0  }
0x5a9: {  	s28 =	simm.s32 $0x80;
	s26 =	sshra.s32 s25, $0x2;
	v0 =	vld [tilespmem:s0+$0xFFFFFFD0]  }
0x5aa: {  	s31 =	sand.u32 $0x380, s28;
	s29 =	sadd.s32 $0x10C00, s26;
	v8 =	vmul.f32 v62, v61;
	v1 =	vld [tilespmem:s0+$0xFFFFFFE0];
	v5 =	vadd.f32 v5, v4;
	v6 =	vadd.f32 v3, v6  }
0x5ab: {  	s25 =	simm.s32 $0x0;
	s26 =	sor.u32 s31, s29;
	v4 =	vld [tilespmem:s24+$0xFFFFFFE0]  }
0x5ac: {  	s28 =	sand.u32 $0x300, s25;
	v3 =	vld [tilespmem:s0+$0xFFFFFFF0];
	v7 =	vmul.f32 v7, v63;
	[tilespmem:s26+$0x830] =	vst v6;
	v6 =	vadd.f32 v8, v5  }
0x5ad: {  	s29 =	sor.u32 s28, s29;
	s28 =	simm.s32 $0xD80;
	s26 =	simm.s32 $0x0;
	v5 =	vld [tilespmem:s24+$0xFFFFFFF0]  }
.LBB2_41:
0x5ae: {  	v8 =	vld [tilespmem:s28+$0x0];
	v6 =	vadd.f32 v7, v6;
	v0 =	vmul.f32 v2, v0;
	s24 =	sadd.s32 $0x100, s24  }
0x5af: {  	v2 =	vld [tilespmem:s24+$0x0]  }
0x5b0: {  	v7 =	vld [tilespmem:s28+$0x10];
	v0 =	vadd.f32 v0, v6;
	v1 =	vmul.f32 v4, v1  }
0x5b1: {  	v4 =	vld [tilespmem:s24+$0x10]  }
0x5b2: {  	v6 =	vld [tilespmem:s28+$0x20];
	v0 =	vadd.f32 v1, v0;
	v1 =	vmul.f32 v5, v3  }
0x5b3: {  	v3 =	vld [tilespmem:s24+$0x20]  }
0x5b4: {  	v5 =	vld [tilespmem:s28+$0x30];
	v0 =	vadd.f32 v1, v0  }
0x5b5: {  	v1 =	vld [tilespmem:s24+$0x30]  }
0x5b6: {  	v2 =	vmul.f32 v2, v8;
	v4 =	vmul.f32 v4, v7;
	v7 =	vld [tilespmem:s28+$0x40];
	[tilespmem:s29+$0x830] =	vst v0  }
0x5b7: {  	v0 =	vld [tilespmem:s24+$0x40]  }
0x5b8: {  	v2 =	vadd.f32 v4, v2;
	v3 =	vmul.f32 v3, v6;
	v4 =	vld [tilespmem:s28+$0x50]  }
0x5b9: {  	v6 =	vld [tilespmem:s24+$0x50]  }
0x5ba: {  	v2 =	vadd.f32 v3, v2;
	v1 =	vmul.f32 v1, v5;
	v3 =	vld [tilespmem:s28+$0x60]  }
0x5bb: {  	v5 =	vld [tilespmem:s24+$0x60]  }
0x5bc: {  	v1 =	vadd.f32 v1, v2;
	v0 =	vmul.f32 v0, v7;
	v2 =	vld [tilespmem:s28+$0x70]  }
0x5bd: {  	v7 =	vld [tilespmem:s24+$0x70]  }
0x5be: {  	v8 =	vld [tilespmem:s28+$0xFFFFFF80];
	v0 =	vadd.f32 v0, v1;
	v1 =	vmul.f32 v6, v4  }
0x5bf: {  	s26 =	sadd.s32 $0x2, s26;
	v4 =	vld [tilespmem:s24+$0xFFFFFF80]  }
0x5c0: {  	s0 =	sshrl.u32 s26, $0x3;
	p0 =	slt.u32 s26, $0x7E;
	v6 =	vld [tilespmem:s28+$0xFFFFFF90];
	v0 =	vadd.f32 v1, v0;
	v1 =	vmul.f32 v5, v3  }
0x5c1: {  	s0 =	smul.u32 $0x3000, s0;
	v3 =	vld [tilespmem:s24+$0xFFFFFF90]  }
0x5c2: {  	s25 =	sadd.s32 $0x100, s25;
	v5 =	vld [tilespmem:s28+$0xFFFFFFA0];
	v0 =	vadd.f32 v1, v0;
	v1 =	vmul.f32 v7, v2  }
0x5c3: {  	s30 =	sadd.s32 $0x80, s25;
	s0 =	sshra.s32 s0, $0x2;
	s29 =	sand.u32 $0x300, s25;
	v2 =	vld [tilespmem:s24+$0xFFFFFFA0]  }
0x5c4: {  	s30 =	sand.u32 $0x380, s30;
	s0 =	sadd.s32 $0x10C00, s0;
	v4 =	vmul.f32 v4, v8;
	v7 =	vld [tilespmem:s28+$0xFFFFFFB0];
	v0 =	vadd.f32 v1, v0  }
0x5c5: {  	s29 =	sor.u32 s29, s0;
	s0 =	sor.u32 s30, s0;
	v1 =	vld [tilespmem:s24+$0xFFFFFFB0]  }
0x5c6: {  	v3 =	vmul.f32 v3, v6;
	v8 =	vld [tilespmem:s28+$0xFFFFFFC0];
	[tilespmem:s0+$0x830] =	vst v0  }
0x5c7: {  	v9 =	vld [tilespmem:s24+$0xFFFFFFC0]  }
0x5c8: {  	v3 =	vadd.f32 v3, v4;
	v4 =	vmul.f32 v2, v5;
	v0 =	vld [tilespmem:s28+$0xFFFFFFD0]  }
.Ltmp19:
0x5c9: {  	v2 =	vld [tilespmem:s24+$0xFFFFFFD0];
	(pc) =	sbr.rel @p0 .LBB2_41-.Ltmp19, $4  }
0x5ca: {  	v3 =	vadd.f32 v4, v3;
	v5 =	vmul.f32 v1, v7;
	v1 =	vld [tilespmem:s28+$0xFFFFFFE0]  }
0x5cb: {  	v4 =	vld [tilespmem:s24+$0xFFFFFFE0]  }
0x5cc: {  	v6 =	vadd.f32 v5, v3;
	v7 =	vmul.f32 v9, v8;
	v3 =	vld [tilespmem:s28+$0xFFFFFFF0]  }
0x5cd: {  	s28 =	sadd.s32 $0x100, s28;
	v5 =	vld [tilespmem:s24+$0xFFFFFFF0]  }
0x5ce: {  	v6 =	vadd.f32 v7, v6;
	v0 =	vmul.f32 v2, v0;
	_ =	sdelay $0x1  }
0x5cf: {  	v0 =	vadd.f32 v0, v6;
	v1 =	vmul.f32 v4, v1;
	_ =	sdelay $0x1  }
0x5d0: {  	v0 =	vadd.f32 v1, v0;
	v1 =	vmul.f32 v5, v3;
	_ =	sdelay $0x1  }
0x5d1: {  	v0 =	vadd.f32 v1, v0;
	_ =	sdelay $0x1  }
0x5d2: {  	[tilespmem:s29+$0x830] =	vst v0  }
0x5d3: {  	_ =	swait.ge [sflag:s22], $0x4000  }
0x5d4: {  	[sflag:s22] =	ssyncset.done $0x0  }
0x5d5: {  	s0 =	simm.s32 $0xC80;
	[sflag:s22] =	ssyncadd.s32 $0xFFFFC000  }
0x5d6: {  	s24 =	simm.s32 $0xCC80;
	v0 =	vld [tilespmem:s0+$0x0]  }
0x5d7: {  	v1 =	vld [tilespmem:s24+$0x0]  }
0x5d8: {  	v2 =	vld [tilespmem:s0+$0x10]  }
0x5d9: {  	v3 =	vld [tilespmem:s24+$0x10]  }
0x5da: {  	v4 =	vld [tilespmem:s0+$0x20]  }
0x5db: {  	v5 =	vld [tilespmem:s24+$0x20]  }
0x5dc: {  	v6 =	vld [tilespmem:s0+$0x30]  }
0x5dd: {  	v7 =	vld [tilespmem:s24+$0x30]  }
0x5de: {  	v8 =	vld [tilespmem:s0+$0x40]  }
0x5df: {  	v9 =	vld [tilespmem:s24+$0x40]  }
0x5e0: {  	v10 =	vld [tilespmem:s0+$0x50]  }
0x5e1: {  	v11 =	vld [tilespmem:s24+$0x50]  }
0x5e2: {  	v12 =	vld [tilespmem:s0+$0x60]  }
0x5e3: {  	v13 =	vld [tilespmem:s24+$0x60]  }
0x5e4: {  	v60 =	vld [tilespmem:s24+$0xFFFFFFA0];
	v0 =	vmul.f32 v1, v0;
	v1 =	vmul.f32 v3, v2  }
0x5e5: {  	v2 =	vld [tilespmem:s0+$0x70]  }
0x5e6: {  	v0 =	vadd.f32 v1, v0;
	v1 =	vmul.f32 v5, v4;
	v4 =	vld [tilespmem:s0+$0xFFFFFF80]  }
0x5e7: {  	v5 =	vld [tilespmem:s24+$0xFFFFFF80]  }
0x5e8: {  	v0 =	vadd.f32 v1, v0;
	v1 =	vmul.f32 v7, v6;
	v6 =	vld [tilespmem:s0+$0xFFFFFF90]  }
0x5e9: {  	v7 =	vld [tilespmem:s24+$0xFFFFFF90]  }
0x5ea: {  	v3 =	vld [tilespmem:s24+$0x70];
	v0 =	vadd.f32 v1, v0;
	v1 =	vmul.f32 v9, v8  }
0x5eb: {  	v8 =	vld [tilespmem:s0+$0xFFFFFFA0]  }
0x5ec: {  	v61 =	vld [tilespmem:s0+$0xFFFFFFB0];
	v0 =	vadd.f32 v1, v0;
	v1 =	vmul.f32 v11, v10  }
0x5ed: {  	v62 =	vld [tilespmem:s24+$0xFFFFFFB0];
	v4 =	vmul.f32 v5, v4  }
0x5ee: {  	s25 =	simm.s32 $0x0;
	v63 =	vld [tilespmem:s0+$0xFFFFFFC0];
	v5 =	vmul.f32 v7, v6;
	v0 =	vadd.f32 v1, v0;
	v1 =	vmul.f32 v13, v12  }
0x5ef: {  	s25 =	smul.u32 $0x3000, s25;
	v3 =	vmul.f32 v3, v2;
	v7 =	vld [tilespmem:s24+$0xFFFFFFC0]  }
0x5f0: {  	v2 =	vld [tilespmem:s24+$0xFFFFFFD0];
	v4 =	vadd.f32 v5, v4;
	v5 =	vmul.f32 v60, v8;
	v6 =	vadd.f32 v1, v0  }
0x5f1: {  	s28 =	simm.s32 $0x80;
	s26 =	sshra.s32 s25, $0x2;
	v0 =	vld [tilespmem:s0+$0xFFFFFFD0]  }
0x5f2: {  	s31 =	sand.u32 $0x380, s28;
	s29 =	sadd.s32 $0x10C00, s26;
	v8 =	vmul.f32 v62, v61;
	v1 =	vld [tilespmem:s0+$0xFFFFFFE0];
	v5 =	vadd.f32 v5, v4;
	v6 =	vadd.f32 v3, v6  }
0x5f3: {  	s25 =	simm.s32 $0x0;
	s26 =	sor.u32 s31, s29;
	v4 =	vld [tilespmem:s24+$0xFFFFFFE0]  }
0x5f4: {  	s28 =	sand.u32 $0x300, s25;
	v3 =	vld [tilespmem:s0+$0xFFFFFFF0];
	v7 =	vmul.f32 v7, v63;
	[tilespmem:s26+$0x840] =	vst v6;
	v6 =	vadd.f32 v8, v5  }
0x5f5: {  	s29 =	sor.u32 s28, s29;
	s28 =	simm.s32 $0xD80;
	s26 =	simm.s32 $0x0;
	v5 =	vld [tilespmem:s24+$0xFFFFFFF0]  }
.LBB2_43:
0x5f6: {  	v8 =	vld [tilespmem:s28+$0x0];
	v6 =	vadd.f32 v7, v6;
	v0 =	vmul.f32 v2, v0;
	s24 =	sadd.s32 $0x100, s24  }
0x5f7: {  	v2 =	vld [tilespmem:s24+$0x0]  }
0x5f8: {  	v7 =	vld [tilespmem:s28+$0x10];
	v0 =	vadd.f32 v0, v6;
	v1 =	vmul.f32 v4, v1  }
0x5f9: {  	v4 =	vld [tilespmem:s24+$0x10]  }
0x5fa: {  	v6 =	vld [tilespmem:s28+$0x20];
	v0 =	vadd.f32 v1, v0;
	v1 =	vmul.f32 v5, v3  }
0x5fb: {  	v3 =	vld [tilespmem:s24+$0x20]  }
0x5fc: {  	v5 =	vld [tilespmem:s28+$0x30];
	v0 =	vadd.f32 v1, v0  }
0x5fd: {  	v1 =	vld [tilespmem:s24+$0x30]  }
0x5fe: {  	v2 =	vmul.f32 v2, v8;
	v4 =	vmul.f32 v4, v7;
	v7 =	vld [tilespmem:s28+$0x40];
	[tilespmem:s29+$0x840] =	vst v0  }
0x5ff: {  	v0 =	vld [tilespmem:s24+$0x40]  }
0x600: {  	v2 =	vadd.f32 v4, v2;
	v3 =	vmul.f32 v3, v6;
	v4 =	vld [tilespmem:s28+$0x50]  }
0x601: {  	v6 =	vld [tilespmem:s24+$0x50]  }
0x602: {  	v2 =	vadd.f32 v3, v2;
	v1 =	vmul.f32 v1, v5;
	v3 =	vld [tilespmem:s28+$0x60]  }
0x603: {  	v5 =	vld [tilespmem:s24+$0x60]  }
0x604: {  	v1 =	vadd.f32 v1, v2;
	v0 =	vmul.f32 v0, v7;
	v2 =	vld [tilespmem:s28+$0x70]  }
0x605: {  	v7 =	vld [tilespmem:s24+$0x70]  }
0x606: {  	v8 =	vld [tilespmem:s28+$0xFFFFFF80];
	v0 =	vadd.f32 v0, v1;
	v1 =	vmul.f32 v6, v4  }
0x607: {  	s26 =	sadd.s32 $0x2, s26;
	v4 =	vld [tilespmem:s24+$0xFFFFFF80]  }
0x608: {  	s0 =	sshrl.u32 s26, $0x3;
	p0 =	slt.u32 s26, $0x7E;
	v6 =	vld [tilespmem:s28+$0xFFFFFF90];
	v0 =	vadd.f32 v1, v0;
	v1 =	vmul.f32 v5, v3  }
0x609: {  	s0 =	smul.u32 $0x3000, s0;
	v3 =	vld [tilespmem:s24+$0xFFFFFF90]  }
0x60a: {  	s25 =	sadd.s32 $0x100, s25;
	v5 =	vld [tilespmem:s28+$0xFFFFFFA0];
	v0 =	vadd.f32 v1, v0;
	v1 =	vmul.f32 v7, v2  }
0x60b: {  	s30 =	sadd.s32 $0x80, s25;
	s0 =	sshra.s32 s0, $0x2;
	s29 =	sand.u32 $0x300, s25;
	v2 =	vld [tilespmem:s24+$0xFFFFFFA0]  }
0x60c: {  	s30 =	sand.u32 $0x380, s30;
	s0 =	sadd.s32 $0x10C00, s0;
	v4 =	vmul.f32 v4, v8;
	v7 =	vld [tilespmem:s28+$0xFFFFFFB0];
	v0 =	vadd.f32 v1, v0  }
0x60d: {  	s29 =	sor.u32 s29, s0;
	s0 =	sor.u32 s30, s0;
	v1 =	vld [tilespmem:s24+$0xFFFFFFB0]  }
0x60e: {  	v3 =	vmul.f32 v3, v6;
	v8 =	vld [tilespmem:s28+$0xFFFFFFC0];
	[tilespmem:s0+$0x840] =	vst v0  }
0x60f: {  	v9 =	vld [tilespmem:s24+$0xFFFFFFC0]  }
0x610: {  	v3 =	vadd.f32 v3, v4;
	v4 =	vmul.f32 v2, v5;
	v0 =	vld [tilespmem:s28+$0xFFFFFFD0]  }
.Ltmp20:
0x611: {  	v2 =	vld [tilespmem:s24+$0xFFFFFFD0];
	(pc) =	sbr.rel @p0 .LBB2_43-.Ltmp20, $4  }
0x612: {  	v3 =	vadd.f32 v4, v3;
	v5 =	vmul.f32 v1, v7;
	v1 =	vld [tilespmem:s28+$0xFFFFFFE0]  }
0x613: {  	v4 =	vld [tilespmem:s24+$0xFFFFFFE0]  }
0x614: {  	v6 =	vadd.f32 v5, v3;
	v7 =	vmul.f32 v9, v8;
	v3 =	vld [tilespmem:s28+$0xFFFFFFF0]  }
0x615: {  	s28 =	sadd.s32 $0x100, s28;
	v5 =	vld [tilespmem:s24+$0xFFFFFFF0]  }
0x616: {  	v6 =	vadd.f32 v7, v6;
	v0 =	vmul.f32 v2, v0;
	_ =	sdelay $0x1  }
0x617: {  	v0 =	vadd.f32 v0, v6;
	v1 =	vmul.f32 v4, v1;
	_ =	sdelay $0x1  }
0x618: {  	s0 =	sshll.u32 s23, $0x4;
	v0 =	vadd.f32 v1, v0;
	v63 =	vmul.f32 v5, v3  }
0x619: {  	s0 =	sadd.s32 s6, s0  }
0x61a: {  	s23 =	sadd.s32 $0x1, s23;
	s0 =	smul.u32 $0x180, s0;
	v0 =	vadd.f32 v63, v0  }
0x61b: {  	p0 =	sne.s32 s23, $0x4  }
.Ltmp21:
0x61c: {  	s24 =	simm.s32 $0x0;
	s0 =	sadd.s32 s5, s0;
	[tilespmem:s29+$0x840] =	vst v0;
	(pc) =	sbr.rel @p0 .LBB2_2-.Ltmp21, $4  }
0x61d: {  	[hbm4b:s0+s24] =	stream.linear.scatter [tilespmem:s21], [sflag:$0x5], $0xC000, $0x38;
	[tilespmem:$0x1CC00] =	vst v63  }
0x61e: {  	_ =	swait.ge [sflag:s9], $0xC000  }
0x61f: {  	[sflag:s9] =	ssyncset.done $0x0  }
0x620: {  	[sflag:s9] =	ssyncadd.s32 $0xFFFF4000  }
0x621: {  	s23 =	rddreg [dreg:$0x4]  }
0x622: {  	s0 =	rddreg [dreg:$0x3];
	s23 =	sadd.s32 $0x1, s23  }
0x623: {  	p0 =	sne.s32 s23, s0  }
.Ltmp22:
0x624: {  	_ = 	snop;
	(pc) =	sbr.rel @p0 .LBB2_1-.Ltmp22, $1  }
0x625: {  	_ =	sdelay $0x3  }
0x626: {  	_ =	sfence.sel $0x180000  }
0x627: {  	[bflag:$0x0] =	sbarrier.arrive $0xFFFF  }
0x628: {  	_ =	strace $0x90000047  }
0x629: {  	s0 =	stileid.u32;
	[bflag:$0x2] =	sbarrier.arrive $0xFFFF  }
0x62a: {  	p0 =	sne.s32 s0, $0x0;
	s0 =	rddreg [dreg:$0x2]  }
0x62b: {  	s0 =	sadd.s32 @!p0 $0x100000, s0  }
0x62c: {  	[sflag:s0] =	ssyncadd.tile.s32 @!p0 $0x1;
	_ =	shalt  }
.Lfunc_end2:
_tile_overlayer_lowered:
.L_overlay_start_2:
0x62d: {  	(tag) =	ssettag $0x2  }
0x62e: {  	s0 =	rddreg [dreg:$0x0];
	s2 =	stileid.u32  }
0x62f: {  	s1 =	rddreg [dreg:$0x1];
	p0 =	sne.s32 s2, $0x0  }
0x630: {  	s3 =	rddreg [dreg:$0x2];
	[bflag:$0x3] =	sbarrier.arrive $0xFFFF;
	s2 =	simm.s32 @!p0 $0x1C05  }
0x631: {  	[timem:s3], [sflag:s2] =	dma.local @!p0 [hbm:s0], s1  }
0x632: {  	s0 =	simm.s32 @!p0 $0x5  }
0x633: {  	_ =	swait.ge @!p0 [sflag:s0], s1  }
0x634: {  	s1 =	ssub.s32 @!p0 $0x0, s1;
	[sflag:s0] =	ssyncset.done @!p0 $0x0  }
0x635: {  	[sflag:s0] =	ssyncadd.s32 @!p0 s1  }
0x636: {  	[bflag:$0x3] =	sbarrier.arrive $0xFFFF  }
0x637: {  	_ =	shalt  }

</sc_bundles>
